<compile_context>
chip_gen: v7x
topology: tpu7x:2x2x1
jax: 0.10.2.dev20260603
libtpu: 0.0.44.dev20260713+nightly
codegen_flags: <defaults>
</compile_context>

<pallas_src>
import functools

import jax
import jax.numpy as jnp
from jax import lax
from jax.experimental import pallas as pl
from jax.experimental.pallas import tpu as pltpu
from jax.experimental.pallas import tpu_sc as plsc

_B, _C = 4, 384
_HALF = _C // 2
_NVREG = _C // 16
_ROT = _C * 16


def _select_kernel(yrot_hbm, sidx_hbm, idx_hbm, yh_hbm, yv, sv, li, lg, mi, mg, shi, shg):
    cid = lax.axis_index("c")
    sid = lax.axis_index("s")
    wid = cid * 16 + sid
    bb = wid // 8
    row = bb % 2
    chunk = wid % 8

    pltpu.sync_copy(yrot_hbm.at[bb], yv)
    pltpu.sync_copy(sidx_hbm, sv)

    iota = lax.iota(jnp.int32, 16)
    ones = jnp.ones((16,), jnp.int32)
    zi = jnp.zeros((16,), jnp.int32)
    zf = jnp.zeros((16,), jnp.float32)

    t_val = [yv[pl.ds((chunk * 3 + i) * 16, 16)] for i in range(3)]
    t_idx = [iota + (chunk * 48 + i * 16) for i in range(3)]

    def body(it, cnts):
        off = it * 16
        srot = yv[pl.ds(off, 16)]
        si = sv[pl.ds(off, 16)]
        out = []
        for i in range(3):
            beats = (srot > t_val[i]) | ((srot == t_val[i]) & (si < t_idx[i]))
            out.append(cnts[i] + jnp.where(beats, ones, zi))
        return tuple(out)

    ranks = lax.fori_loop(0, _ROT // 16, body, (zi, zi, zi))

    for q in range(_NVREG):
        li[pl.ds(q * 16, 16)] = zi
        lg[pl.ds(q * 16, 16)] = zf

    for i in range(3):
        plsc.store_scatter(li, [ranks[i]], t_idx[i])
        plsc.store_scatter(lg, [ranks[i]], t_val[i])

    pltpu.sync_copy(li, shi.at[pl.ds(sid * _C, _C)])
    pltpu.sync_copy(lg, shg.at[pl.ds(sid * _C, _C)])

    plsc.subcore_barrier()

    @pl.when(chunk == 0)
    def _writeback():
        for q in range(_NVREG):
            li[pl.ds(q * 16, 16)] = zi
            lg[pl.ds(q * 16, 16)] = zf
        for t in range(8):
            slot = (row * 8 + t) * _C
            pltpu.sync_copy(shi.at[pl.ds(slot, _C)], mi)
            pltpu.sync_copy(shg.at[pl.ds(slot, _C)], mg)
            for q in range(_NVREG):
                sl = pl.ds(q * 16, 16)
                li[sl] = li[sl] + mi[sl]
                lg[sl] = lg[sl] + mg[sl]
        pltpu.sync_copy(li.at[pl.ds(0, _HALF)], idx_hbm.at[bb])
        pltpu.sync_copy(lg.at[pl.ds(0, _HALF)], yh_hbm.at[bb])


@functools.lru_cache(maxsize=1)
def _select():
    return functools.partial(
        pl.kernel,
        out_type=(
            jax.ShapeDtypeStruct((_B, _HALF), jnp.int32),
            jax.ShapeDtypeStruct((_B, _HALF), jnp.float32),
        ),
        mesh=plsc.VectorSubcoreMesh(
            core_axis_name="c", subcore_axis_name="s", num_cores=2, num_subcores=16
        ),
        compiler_params=pltpu.CompilerParams(
            needs_layout_passes=False, use_tc_tiling_on_sc=False
        ),
        scratch_types=[
            pltpu.VMEM((_ROT,), jnp.float32),
            pltpu.VMEM((_ROT,), jnp.int32),
            pltpu.VMEM((_C,), jnp.int32),
            pltpu.VMEM((_C,), jnp.float32),
            pltpu.VMEM((_C,), jnp.int32),
            pltpu.VMEM((_C,), jnp.float32),
            pltpu.VMEM_SHARED((16 * _C,), jnp.int32),
            pltpu.VMEM_SHARED((16 * _C,), jnp.float32),
        ],
    )(_select_kernel)


_NP = 32


def _gather_scale_body(idx_ref, yh_ref, *refs):
    b = pl.program_id(0)
    k = pl.program_id(1)
    xs, o_ref = refs[:_NP], refs[_NP]
    for j in range(_NP):
        o_ref[0, j] = xs[j][0, 0] * yh_ref[b, k * _NP + j]


def _gather_scale(x, idx, y_half):
    B, C, H, W = x.shape

    def mk(j):
        return lambda b, k, idx, yh: (b, idx[b, k * _NP + j], 0, 0)

    grid_spec = pltpu.PrefetchScalarGridSpec(
        num_scalar_prefetch=2,
        grid=(B, _HALF // _NP),
        in_specs=[pl.BlockSpec((1, 1, H, W), mk(j)) for j in range(_NP)],
        out_specs=pl.BlockSpec(
            (1, _NP, H, W), lambda b, k, idx, yh: (b, k, 0, 0)
        ),
    )
    return pl.pallas_call(
        _gather_scale_body,
        grid_spec=grid_spec,
        out_shape=jax.ShapeDtypeStruct((B, _HALF, H, W), jnp.float32),
        compiler_params=pltpu.CompilerParams(
            dimension_semantics=("arbitrary", "arbitrary"),
        ),
    )(idx, y_half, *([x] * _NP))


def kernel(x, w1, w2):
    b, c, h, w = x.shape
    y = jnp.mean(x, axis=(2, 3))
    y = y @ w1.T
    y = jax.nn.relu(y)
    y = y @ w2.T
    y = jax.nn.sigmoid(y)
    y = lax.optimization_barrier(y)

    yv4 = y.reshape(b, _NVREG, 16)
    yrot = jnp.concatenate(
        [jnp.roll(yv4, -r, axis=2).reshape(b, 1, c) for r in range(16)], axis=1
    ).reshape(b, 16 * c)
    l16 = jnp.arange(16, dtype=jnp.int32)
    sidx = (
        jnp.arange(_NVREG, dtype=jnp.int32)[None, :, None] * 16
        + (l16[None, None, :] + l16[:, None, None]) % 16
    ).reshape(16 * c)

    idx, y_half = _select()(yrot, sidx)

    return _gather_scale(x, idx, y_half)

# --- scband reference (transcript-rebuilt; emitter-appended) ---
"""Pipeline reference for scband-se-half-6408091205884 (READ-ONLY COPY).

The authoritative reference and input builder live on the scoring server;
editing this copy changes nothing except your own understanding.
"""

import jax, jax.numpy as jnp
import numpy as np

B, C, H, W = 4, 384, 224, 224
RATIO = 16

def setup_inputs(seed: int = 0) -> dict:
    key = jax.random.key(seed)
    k1, k2, k3 = jax.random.split(key, 3)
    x = jax.random.normal(k1, (B, C, H, W), dtype=jnp.float32)
    # torch nn.Linear weights: l1 [C//ratio, C], l2 [C, C//ratio]
    w1 = jax.random.normal(k2, (C // RATIO, C), dtype=jnp.float32) * (1.0 / np.sqrt(C))
    w2 = jax.random.normal(k3, (C, C // RATIO), dtype=jnp.float32) * (1.0 / np.sqrt(C // RATIO))
    return {"x": x, "w1": w1, "w2": w2}

def reference(x, w1, w2):
    b, c, h, w = x.shape
    # AdaptiveAvgPool2d(1) -> global average pool over spatial dims
    y = jnp.mean(x, axis=(2, 3))            # [b, c]
    y = y @ w1.T                            # Linear l1 (no bias)
    y = jax.nn.relu(y)
    y = y @ w2.T                            # Linear l2 (no bias)
    y = jax.nn.sigmoid(y)                   # [b, c]
    half_ch = c // 2
    # torch.sort(y, descending=True) -> indices of descending order
    order = jnp.argsort(-y, axis=1)         # [b, c]
    idx = order[:, :half_ch]                # [b, half_ch]
    # per-batch channel gather: x[b_idx, indices[b_idx]]
    x_sorted_half = jnp.take_along_axis(x, idx[:, :, None, None], axis=1)  # [b, half_ch, h, w]
    y_half = jnp.take_along_axis(y, idx, axis=1)[:, :, None, None]         # [b, half_ch, 1, 1]
    return x_sorted_half * y_half

if __name__ == "__main__":
    import jax
    _d = setup_inputs()
    print(jax.jit(kernel)(*tuple(_d.values())))

</pallas_src>

<mosaic_0001>
#map = affine_map<(d0, d1) -> (0, 0)>
#map1 = affine_map<(d0, d1) -> (0)>
module attributes {stable_mosaic.version = 14 : i64} {
  func.func @_select_kernel(%arg0: i32, %arg1: i32, %arg2: memref<4x6144xf32, #tpu.memory_space<hbm>>, %arg3: memref<6144xi32, #tpu.memory_space<hbm>>, %arg4: memref<4x192xi32, #tpu.memory_space<hbm>>, %arg5: memref<4x192xf32, #tpu.memory_space<hbm>>, %arg6: memref<6144xf32, #tpu.memory_space<vmem>>, %arg7: memref<6144xi32, #tpu.memory_space<vmem>>, %arg8: memref<384xi32, #tpu.memory_space<vmem>>, %arg9: memref<384xf32, #tpu.memory_space<vmem>>, %arg10: memref<384xi32, #tpu.memory_space<vmem>>, %arg11: memref<384xf32, #tpu.memory_space<vmem>>, %arg12: memref<6144xi32, #tpu.memory_space<vmem_shared>>, %arg13: memref<6144xf32, #tpu.memory_space<vmem_shared>>) attributes {dimension_semantics = [#tpu.dimension_semantics<core_parallel>, #tpu.dimension_semantics<subcore_parallel>], iteration_bounds = array<i64: 2, 16>, scalar_prefetch = 0 : i64, scratch_operands = 8 : i64, tpu.core_type = #tpu.core_type<sc_vector_subcore>, window_params = [{transform_indices = #map}, {transform_indices = #map1}, {transform_indices = #map}, {transform_indices = #map}]} {
    %mul3A = arith.constant 16 : i32
    %mul3A_0 = arith.muli %arg0, %mul3A : i32
    %add3A = arith.addi %mul3A_0, %arg1 : i32
    %jit3A = arith.constant 8 : i32
    %div3A = arith.divsi %add3A, %jit3A : i32
    %sign3A = arith.constant 0 : i32
    %sign3A_1 = arith.cmpi sgt, %add3A, %sign3A : i32
    %sign3A_2 = arith.extui %sign3A_1 : i1 to i32
    %sign3A_3 = arith.constant 0 : i32
    %sign3A_4 = arith.cmpi slt, %add3A, %sign3A_3 : i32
    %sign3A_5 = arith.extui %sign3A_4 : i1 to i32
    %sign3A_6 = arith.subi %sign3A_2, %sign3A_5 : i32
    %sign3A_7 = arith.constant 0 : i32
    %sign3A_8 = arith.cmpi sgt, %jit3A, %sign3A_7 : i32
    %sign3A_9 = arith.extui %sign3A_8 : i1 to i32
    %sign3A_10 = arith.constant 0 : i32
    %sign3A_11 = arith.cmpi slt, %jit3A, %sign3A_10 : i32
    %sign3A_12 = arith.extui %sign3A_11 : i1 to i32
    %sign3A_13 = arith.subi %sign3A_9, %sign3A_12 : i32
    %ne3A = arith.cmpi ne, %sign3A_6, %sign3A_13 : i32
    %rem3A = arith.remsi %add3A, %jit3A : i32
    %ne3A_14 = arith.constant 0 : i32
    %ne3A_15 = arith.cmpi ne, %rem3A, %ne3A_14 : i32
    %and3A = arith.andi %ne3A, %ne3A_15 : i1
    %sub3A = arith.constant 1 : i32
    %sub3A_16 = arith.subi %div3A, %sub3A : i32
    %select_n3A = arith.select %and3A, %sub3A_16, %div3A : i32
    %jit3A_17 = arith.constant 2 : i32
    %eq3A = arith.constant 0 : i32
    %eq3A_18 = arith.cmpi eq, %jit3A_17, %eq3A : i32
    %jit3A_19 = arith.constant 1 : i32
    %select_n3A_20 = arith.select %eq3A_18, %jit3A_19, %jit3A_17 : i32
    %rem3A_21 = arith.remsi %select_n3A, %select_n3A_20 : i32
    %ne3A_22 = arith.constant 0 : i32
    %ne3A_23 = arith.cmpi ne, %rem3A_21, %ne3A_22 : i32
    %lt3A = arith.constant 0 : i32
    %lt3A_24 = arith.cmpi slt, %rem3A_21, %lt3A : i32
    %lt3A_25 = arith.constant 0 : i32
    %lt3A_26 = arith.cmpi slt, %select_n3A_20, %lt3A_25 : i32
    %ne3A_27 = arith.xori %lt3A_24, %lt3A_26 : i1
    %and3A_28 = arith.andi %ne3A_27, %ne3A_23 : i1
    %add3A_29 = arith.addi %rem3A_21, %select_n3A_20 : i32
    %select_n3A_30 = arith.select %and3A_28, %add3A_29, %rem3A_21 : i32
    %jit3A_31 = arith.constant 8 : i32
    %eq3A_32 = arith.constant 0 : i32
    %eq3A_33 = arith.cmpi eq, %jit3A_31, %eq3A_32 : i32
    %jit3A_34 = arith.constant 1 : i32
    %select_n3A_35 = arith.select %eq3A_33, %jit3A_34, %jit3A_31 : i32
    %rem3A_36 = arith.remsi %add3A, %select_n3A_35 : i32
    %ne3A_37 = arith.constant 0 : i32
    %ne3A_38 = arith.cmpi ne, %rem3A_36, %ne3A_37 : i32
    %lt3A_39 = arith.constant 0 : i32
    %lt3A_40 = arith.cmpi slt, %rem3A_36, %lt3A_39 : i32
    %lt3A_41 = arith.constant 0 : i32
    %lt3A_42 = arith.cmpi slt, %select_n3A_35, %lt3A_41 : i32
    %ne3A_43 = arith.xori %lt3A_40, %lt3A_42 : i1
    %and3A_44 = arith.andi %ne3A_43, %ne3A_38 : i1
    %add3A_45 = arith.addi %rem3A_36, %select_n3A_35 : i32
    %select_n3A_46 = arith.select %and3A_44, %add3A_45, %rem3A_36 : i32
    "tpu.region"() ({
      %run_scoped3A = tpu.sem_alloc : memref<!tpu.dma_semaphore, #tpu.memory_space<semaphore_mem>>
      %dma_start3A = arith.constant 0 : i32
      %dma_start3A_200 = tpu.memref_slice %arg2[%select_n3A, %dma_start3A] : memref<4x6144xf32, #tpu.memory_space<hbm>> -> memref<1x6144xf32, #tpu.memory_space<hbm>>
      %dma_start3A_201 = tpu.memref_squeeze %dma_start3A_200 : memref<1x6144xf32, #tpu.memory_space<hbm>> -> memref<6144xf32, #tpu.memory_space<hbm>>
      %dma_start3A_202 = arith.constant 0 : i32
      %dma_start3A_203 = tpu.memref_slice %arg2[%select_n3A, %dma_start3A_202] : memref<4x6144xf32, #tpu.memory_space<hbm>> -> memref<1x6144xf32, #tpu.memory_space<hbm>>
      %dma_start3A_204 = tpu.memref_squeeze %dma_start3A_203 : memref<1x6144xf32, #tpu.memory_space<hbm>> -> memref<6144xf32, #tpu.memory_space<hbm>>
      tpu.enqueue_dma source(%dma_start3A_204 : memref<6144xf32, #tpu.memory_space<hbm>>) target(%arg6 : memref<6144xf32, #tpu.memory_space<vmem>>) target_semaphore(%run_scoped3A : memref<!tpu.dma_semaphore, #tpu.memory_space<semaphore_mem>>)
      %dma_wait3A = arith.constant 0 : i32
      %dma_wait3A_205 = tpu.memref_slice %arg2[%select_n3A, %dma_wait3A] : memref<4x6144xf32, #tpu.memory_space<hbm>> -> memref<1x6144xf32, #tpu.memory_space<hbm>>
      %dma_wait3A_206 = tpu.memref_squeeze %dma_wait3A_205 : memref<1x6144xf32, #tpu.memory_space<hbm>> -> memref<6144xf32, #tpu.memory_space<hbm>>
      %dma_wait3A_207 = arith.constant 0 : i32
      %dma_wait3A_208 = tpu.memref_slice %arg2[%select_n3A, %dma_wait3A_207] : memref<4x6144xf32, #tpu.memory_space<hbm>> -> memref<1x6144xf32, #tpu.memory_space<hbm>>
      %dma_wait3A_209 = tpu.memref_squeeze %dma_wait3A_208 : memref<1x6144xf32, #tpu.memory_space<hbm>> -> memref<6144xf32, #tpu.memory_space<hbm>>
      tpu.wait_dma2 semaphore(%run_scoped3A : memref<!tpu.dma_semaphore, #tpu.memory_space<semaphore_mem>>) src(%dma_wait3A_209 : memref<6144xf32, #tpu.memory_space<hbm>>) dst(%arg6 : memref<6144xf32, #tpu.memory_space<vmem>>)
      tpu.yield
    }) : () -> ()
    "tpu.region"() ({
      %run_scoped3A = tpu.sem_alloc : memref<!tpu.dma_semaphore, #tpu.memory_space<semaphore_mem>>
      tpu.enqueue_dma source(%arg3 : memref<6144xi32, #tpu.memory_space<hbm>>) target(%arg7 : memref<6144xi32, #tpu.memory_space<vmem>>) target_semaphore(%run_scoped3A : memref<!tpu.dma_semaphore, #tpu.memory_space<semaphore_mem>>)
      tpu.wait_dma2 semaphore(%run_scoped3A : memref<!tpu.dma_semaphore, #tpu.memory_space<semaphore_mem>>) src(%arg3 : memref<6144xi32, #tpu.memory_space<hbm>>) dst(%arg7 : memref<6144xi32, #tpu.memory_space<vmem>>)
      tpu.yield
    }) : () -> ()
    %iota3A = tpu.iota {dimensions = array<i32: 0>} : vector<16xi32>
    %broadcast_in_dim3A = arith.constant 1 : i32
    %broadcast_in_dim3A_47 = vector.broadcast %broadcast_in_dim3A : i32 to vector<16xi32>
    %broadcast_in_dim3A_48 = arith.constant 0 : i32
    %broadcast_in_dim3A_49 = vector.broadcast %broadcast_in_dim3A_48 : i32 to vector<16xi32>
    %broadcast_in_dim3A_50 = arith.constant 0.000000e+00 : f32
    %broadcast_in_dim3A_51 = vector.broadcast %broadcast_in_dim3A_50 : f32 to vector<16xf32>
    %mul3A_52 = arith.constant 3 : i32
    %mul3A_53 = arith.muli %select_n3A_46, %mul3A_52 : i32
    %add3A_54 = arith.constant 0 : i32
    %add3A_55 = arith.addi %mul3A_53, %add3A_54 : i32
    %mul3A_56 = arith.constant 16 : i32
    %mul3A_57 = arith.muli %add3A_55, %mul3A_56 : i32
    %get3A = arith.index_cast %mul3A_57 : i32 to index
    %get3A_58 = tpu.vector_load %arg6[%get3A] {strides = array<i32>} : memref<6144xf32, #tpu.memory_space<vmem>>, vector<16xf32>,
    %mul3A_59 = arith.constant 3 : i32
    %mul3A_60 = arith.muli %select_n3A_46, %mul3A_59 : i32
    %add3A_61 = arith.constant 1 : i32
    %add3A_62 = arith.addi %mul3A_60, %add3A_61 : i32
    %mul3A_63 = arith.constant 16 : i32
    %mul3A_64 = arith.muli %add3A_62, %mul3A_63 : i32
    %get3A_65 = arith.index_cast %mul3A_64 : i32 to index
    %get3A_66 = tpu.vector_load %arg6[%get3A_65] {strides = array<i32>} : memref<6144xf32, #tpu.memory_space<vmem>>, vector<16xf32>,
    %mul3A_67 = arith.constant 3 : i32
    %mul3A_68 = arith.muli %select_n3A_46, %mul3A_67 : i32
    %add3A_69 = arith.constant 2 : i32
    %add3A_70 = arith.addi %mul3A_68, %add3A_69 : i32
    %mul3A_71 = arith.constant 16 : i32
    %mul3A_72 = arith.muli %add3A_70, %mul3A_71 : i32
    %get3A_73 = arith.index_cast %mul3A_72 : i32 to index
    %get3A_74 = tpu.vector_load %arg6[%get3A_73] {strides = array<i32>} : memref<6144xf32, #tpu.memory_space<vmem>>, vector<16xf32>,
    %mul3A_75 = arith.constant 48 : i32
    %mul3A_76 = arith.muli %select_n3A_46, %mul3A_75 : i32
    %add3A_77 = arith.constant 0 : i32
    %add3A_78 = arith.addi %mul3A_76, %add3A_77 : i32
    %add3A_79 = vector.broadcast %add3A_78 : i32 to vector<16xi32>
    %add3A_80 = arith.addi %iota3A, %add3A_79 : vector<16xi32>
    %mul3A_81 = arith.constant 48 : i32
    %mul3A_82 = arith.muli %select_n3A_46, %mul3A_81 : i32
    %add3A_83 = arith.constant 16 : i32
    %add3A_84 = arith.addi %mul3A_82, %add3A_83 : i32
    %add3A_85 = vector.broadcast %add3A_84 : i32 to vector<16xi32>
    %add3A_86 = arith.addi %iota3A, %add3A_85 : vector<16xi32>
    %mul3A_87 = arith.constant 48 : i32
    %mul3A_88 = arith.muli %select_n3A_46, %mul3A_87 : i32
    %add3A_89 = arith.constant 32 : i32
    %add3A_90 = arith.addi %mul3A_88, %add3A_89 : i32
    %add3A_91 = vector.broadcast %add3A_90 : i32 to vector<16xi32>
    %add3A_92 = arith.addi %iota3A, %add3A_91 : vector<16xi32>
    %scan3A = arith.constant 0 : i32
    %scan3A_93 = arith.constant 384 : i32
    %scan3A_94 = arith.addi %scan3A, %scan3A_93 : i32
    %scan3A_95 = arith.constant 1 : i32
    %scan3A_96:3 = scf.for %scan3A_200 = %scan3A to %scan3A_94 step %scan3A_95 iter_args(%scan3A_201 = %broadcast_in_dim3A_49, %scan3A_202 = %broadcast_in_dim3A_49, %scan3A_203 = %broadcast_in_dim3A_49) -> (vector<16xi32>, vector<16xi32>, vector<16xi32>)  : i32 {
      %mul3A_204 = arith.constant 16 : i32
      %mul3A_205 = arith.muli %scan3A_200, %mul3A_204 : i32
      %get3A_206 = arith.index_cast %mul3A_205 : i32 to index
      %get3A_207 = tpu.vector_load %arg6[%get3A_206] {strides = array<i32>} : memref<6144xf32, #tpu.memory_space<vmem>>, vector<16xf32>,
      %get3A_208 = arith.index_cast %mul3A_205 : i32 to index
      %get3A_209 = tpu.vector_load %arg7[%get3A_208] {strides = array<i32>} : memref<6144xi32, #tpu.memory_space<vmem>>, vector<16xi32>,
      %gt3A = arith.cmpf ogt, %get3A_207, %get3A_58 : vector<16xf32>
      %eq3A_210 = arith.cmpf oeq, %get3A_207, %get3A_58 : vector<16xf32>
      %lt3A_211 = arith.cmpi slt, %get3A_209, %add3A_80 : vector<16xi32>
      %and3A_212 = arith.andi %eq3A_210, %lt3A_211 : vector<16xi1>
      %or3A = arith.ori %gt3A, %and3A_212 : vector<16xi1>
      %select_n3A_213 = arith.select %or3A, %broadcast_in_dim3A_47, %broadcast_in_dim3A_49 : vector<16xi1>, vector<16xi32>
      %add3A_214 = arith.addi %scan3A_201, %select_n3A_213 : vector<16xi32>
      %gt3A_215 = arith.cmpf ogt, %get3A_207, %get3A_66 : vector<16xf32>
      %eq3A_216 = arith.cmpf oeq, %get3A_207, %get3A_66 : vector<16xf32>
      %lt3A_217 = arith.cmpi slt, %get3A_209, %add3A_86 : vector<16xi32>
      %and3A_218 = arith.andi %eq3A_216, %lt3A_217 : vector<16xi1>
      %or3A_219 = arith.ori %gt3A_215, %and3A_218 : vector<16xi1>
      %select_n3A_220 = arith.select %or3A_219, %broadcast_in_dim3A_47, %broadcast_in_dim3A_49 : vector<16xi1>, vector<16xi32>
      %add3A_221 = arith.addi %scan3A_202, %select_n3A_220 : vector<16xi32>
      %gt3A_222 = arith.cmpf ogt, %get3A_207, %get3A_74 : vector<16xf32>
      %eq3A_223 = arith.cmpf oeq, %get3A_207, %get3A_74 : vector<16xf32>
      %lt3A_224 = arith.cmpi slt, %get3A_209, %add3A_92 : vector<16xi32>
      %and3A_225 = arith.andi %eq3A_223, %lt3A_224 : vector<16xi1>
      %or3A_226 = arith.ori %gt3A_222, %and3A_225 : vector<16xi1>
      %select_n3A_227 = arith.select %or3A_226, %broadcast_in_dim3A_47, %broadcast_in_dim3A_49 : vector<16xi1>, vector<16xi32>
      %add3A_228 = arith.addi %scan3A_203, %select_n3A_227 : vector<16xi32>
      scf.yield %add3A_214, %add3A_221, %add3A_228 : vector<16xi32>, vector<16xi32>, vector<16xi32>
    }
    %scan3A_97 = arith.constant 384 : i32
    %swap3A = arith.constant 0 : index
    %swap3A_98 = tpu.vector_load %arg8[%swap3A] {strides = array<i32>} : memref<384xi32, #tpu.memory_space<vmem>>, vector<16xi32>,
    tpu.vector_store %arg8[%swap3A], %broadcast_in_dim3A_49 {strides = array<i32>} : memref<384xi32, #tpu.memory_space<vmem>>, vector<16xi32>,
    %swap3A_99 = arith.constant 0 : index
    %swap3A_100 = tpu.vector_load %arg9[%swap3A_99] {strides = array<i32>} : memref<384xf32, #tpu.memory_space<vmem>>, vector<16xf32>,
    tpu.vector_store %arg9[%swap3A_99], %broadcast_in_dim3A_51 {strides = array<i32>} : memref<384xf32, #tpu.memory_space<vmem>>, vector<16xf32>,
    %swap3A_101 = arith.constant 16 : index
    %swap3A_102 = tpu.vector_load %arg8[%swap3A_101] {strides = array<i32>} : memref<384xi32, #tpu.memory_space<vmem>>, vector<16xi32>,
    tpu.vector_store %arg8[%swap3A_101], %broadcast_in_dim3A_49 {strides = array<i32>} : memref<384xi32, #tpu.memory_space<vmem>>, vector<16xi32>,
    %swap3A_103 = arith.constant 16 : index
    %swap3A_104 = tpu.vector_load %arg9[%swap3A_103] {strides = array<i32>} : memref<384xf32, #tpu.memory_space<vmem>>, vector<16xf32>,
    tpu.vector_store %arg9[%swap3A_103], %broadcast_in_dim3A_51 {strides = array<i32>} : memref<384xf32, #tpu.memory_space<vmem>>, vector<16xf32>,
    %swap3A_105 = arith.constant 32 : index
    %swap3A_106 = tpu.vector_load %arg8[%swap3A_105] {strides = array<i32>} : memref<384xi32, #tpu.memory_space<vmem>>, vector<16xi32>,
    tpu.vector_store %arg8[%swap3A_105], %broadcast_in_dim3A_49 {strides = array<i32>} : memref<384xi32, #tpu.memory_space<vmem>>, vector<16xi32>,
    %swap3A_107 = arith.constant 32 : index
    %swap3A_108 = tpu.vector_load %arg9[%swap3A_107] {strides = array<i32>} : memref<384xf32, #tpu.memory_space<vmem>>, vector<16xf32>,
    tpu.vector_store %arg9[%swap3A_107], %broadcast_in_dim3A_51 {strides = array<i32>} : memref<384xf32, #tpu.memory_space<vmem>>, vector<16xf32>,
    %swap3A_109 = arith.constant 48 : index
    %swap3A_110 = tpu.vector_load %arg8[%swap3A_109] {strides = array<i32>} : memref<384xi32, #tpu.memory_space<vmem>>, vector<16xi32>,
    tpu.vector_store %arg8[%swap3A_109], %broadcast_in_dim3A_49 {strides = array<i32>} : memref<384xi32, #tpu.memory_space<vmem>>, vector<16xi32>,
    %swap3A_111 = arith.constant 48 : index
    %swap3A_112 = tpu.vector_load %arg9[%swap3A_111] {strides = array<i32>} : memref<384xf32, #tpu.memory_space<vmem>>, vector<16xf32>,
    tpu.vector_store %arg9[%swap3A_111], %broadcast_in_dim3A_51 {strides = array<i32>} : memref<384xf32, #tpu.memory_space<vmem>>, vector<16xf32>,
    %swap3A_113 = arith.constant 64 : index
    %swap3A_114 = tpu.vector_load %arg8[%swap3A_113] {strides = array<i32>} : memref<384xi32, #tpu.memory_space<vmem>>, vector<16xi32>,
    tpu.vector_store %arg8[%swap3A_113], %broadcast_in_dim3A_49 {strides = array<i32>} : memref<384xi32, #tpu.memory_space<vmem>>, vector<16xi32>,
    %swap3A_115 = arith.constant 64 : index
    %swap3A_116 = tpu.vector_load %arg9[%swap3A_115] {strides = array<i32>} : memref<384xf32, #tpu.memory_space<vmem>>, vector<16xf32>,
    tpu.vector_store %arg9[%swap3A_115], %broadcast_in_dim3A_51 {strides = array<i32>} : memref<384xf32, #tpu.memory_space<vmem>>, vector<16xf32>,
    %swap3A_117 = arith.constant 80 : index
    %swap3A_118 = tpu.vector_load %arg8[%swap3A_117] {strides = array<i32>} : memref<384xi32, #tpu.memory_space<vmem>>, vector<16xi32>,
    tpu.vector_store %arg8[%swap3A_117], %broadcast_in_dim3A_49 {strides = array<i32>} : memref<384xi32, #tpu.memory_space<vmem>>, vector<16xi32>,
    %swap3A_119 = arith.constant 80 : index
    %swap3A_120 = tpu.vector_load %arg9[%swap3A_119] {strides = array<i32>} : memref<384xf32, #tpu.memory_space<vmem>>, vector<16xf32>,
    tpu.vector_store %arg9[%swap3A_119], %broadcast_in_dim3A_51 {strides = array<i32>} : memref<384xf32, #tpu.memory_space<vmem>>, vector<16xf32>,
    %swap3A_121 = arith.constant 96 : index
    %swap3A_122 = tpu.vector_load %arg8[%swap3A_121] {strides = array<i32>} : memref<384xi32, #tpu.memory_space<vmem>>, vector<16xi32>,
    tpu.vector_store %arg8[%swap3A_121], %broadcast_in_dim3A_49 {strides = array<i32>} : memref<384xi32, #tpu.memory_space<vmem>>, vector<16xi32>,
    %swap3A_123 = arith.constant 96 : index
    %swap3A_124 = tpu.vector_load %arg9[%swap3A_123] {strides = array<i32>} : memref<384xf32, #tpu.memory_space<vmem>>, vector<16xf32>,
    tpu.vector_store %arg9[%swap3A_123], %broadcast_in_dim3A_51 {strides = array<i32>} : memref<384xf32, #tpu.memory_space<vmem>>, vector<16xf32>,
    %swap3A_125 = arith.constant 112 : index
    %swap3A_126 = tpu.vector_load %arg8[%swap3A_125] {strides = array<i32>} : memref<384xi32, #tpu.memory_space<vmem>>, vector<16xi32>,
    tpu.vector_store %arg8[%swap3A_125], %broadcast_in_dim3A_49 {strides = array<i32>} : memref<384xi32, #tpu.memory_space<vmem>>, vector<16xi32>,
    %swap3A_127 = arith.constant 112 : index
    %swap3A_128 = tpu.vector_load %arg9[%swap3A_127] {strides = array<i32>} : memref<384xf32, #tpu.memory_space<vmem>>, vector<16xf32>,
    tpu.vector_store %arg9[%swap3A_127], %broadcast_in_dim3A_51 {strides = array<i32>} : memref<384xf32, #tpu.memory_space<vmem>>, vector<16xf32>,
    %swap3A_129 = arith.constant 128 : index
    %swap3A_130 = tpu.vector_load %arg8[%swap3A_129] {strides = array<i32>} : memref<384xi32, #tpu.memory_space<vmem>>, vector<16xi32>,
    tpu.vector_store %arg8[%swap3A_129], %broadcast_in_dim3A_49 {strides = array<i32>} : memref<384xi32, #tpu.memory_space<vmem>>, vector<16xi32>,
    %swap3A_131 = arith.constant 128 : index
    %swap3A_132 = tpu.vector_load %arg9[%swap3A_131] {strides = array<i32>} : memref<384xf32, #tpu.memory_space<vmem>>, vector<16xf32>,
    tpu.vector_store %arg9[%swap3A_131], %broadcast_in_dim3A_51 {strides = array<i32>} : memref<384xf32, #tpu.memory_space<vmem>>, vector<16xf32>,
    %swap3A_133 = arith.constant 144 : index
    %swap3A_134 = tpu.vector_load %arg8[%swap3A_133] {strides = array<i32>} : memref<384xi32, #tpu.memory_space<vmem>>, vector<16xi32>,
    tpu.vector_store %arg8[%swap3A_133], %broadcast_in_dim3A_49 {strides = array<i32>} : memref<384xi32, #tpu.memory_space<vmem>>, vector<16xi32>,
    %swap3A_135 = arith.constant 144 : index
    %swap3A_136 = tpu.vector_load %arg9[%swap3A_135] {strides = array<i32>} : memref<384xf32, #tpu.memory_space<vmem>>, vector<16xf32>,
    tpu.vector_store %arg9[%swap3A_135], %broadcast_in_dim3A_51 {strides = array<i32>} : memref<384xf32, #tpu.memory_space<vmem>>, vector<16xf32>,
    %swap3A_137 = arith.constant 160 : index
    %swap3A_138 = tpu.vector_load %arg8[%swap3A_137] {strides = array<i32>} : memref<384xi32, #tpu.memory_space<vmem>>, vector<16xi32>,
    tpu.vector_store %arg8[%swap3A_137], %broadcast_in_dim3A_49 {strides = array<i32>} : memref<384xi32, #tpu.memory_space<vmem>>, vector<16xi32>,
    %swap3A_139 = arith.constant 160 : index
    %swap3A_140 = tpu.vector_load %arg9[%swap3A_139] {strides = array<i32>} : memref<384xf32, #tpu.memory_space<vmem>>, vector<16xf32>,
    tpu.vector_store %arg9[%swap3A_139], %broadcast_in_dim3A_51 {strides = array<i32>} : memref<384xf32, #tpu.memory_space<vmem>>, vector<16xf32>,
    %swap3A_141 = arith.constant 176 : index
    %swap3A_142 = tpu.vector_load %arg8[%swap3A_141] {strides = array<i32>} : memref<384xi32, #tpu.memory_space<vmem>>, vector<16xi32>,
    tpu.vector_store %arg8[%swap3A_141], %broadcast_in_dim3A_49 {strides = array<i32>} : memref<384xi32, #tpu.memory_space<vmem>>, vector<16xi32>,
    %swap3A_143 = arith.constant 176 : index
    %swap3A_144 = tpu.vector_load %arg9[%swap3A_143] {strides = array<i32>} : memref<384xf32, #tpu.memory_space<vmem>>, vector<16xf32>,
    tpu.vector_store %arg9[%swap3A_143], %broadcast_in_dim3A_51 {strides = array<i32>} : memref<384xf32, #tpu.memory_space<vmem>>, vector<16xf32>,
    %swap3A_145 = arith.constant 192 : index
    %swap3A_146 = tpu.vector_load %arg8[%swap3A_145] {strides = array<i32>} : memref<384xi32, #tpu.memory_space<vmem>>, vector<16xi32>,
    tpu.vector_store %arg8[%swap3A_145], %broadcast_in_dim3A_49 {strides = array<i32>} : memref<384xi32, #tpu.memory_space<vmem>>, vector<16xi32>,
    %swap3A_147 = arith.constant 192 : index
    %swap3A_148 = tpu.vector_load %arg9[%swap3A_147] {strides = array<i32>} : memref<384xf32, #tpu.memory_space<vmem>>, vector<16xf32>,
    tpu.vector_store %arg9[%swap3A_147], %broadcast_in_dim3A_51 {strides = array<i32>} : memref<384xf32, #tpu.memory_space<vmem>>, vector<16xf32>,
    %swap3A_149 = arith.constant 208 : index
    %swap3A_150 = tpu.vector_load %arg8[%swap3A_149] {strides = array<i32>} : memref<384xi32, #tpu.memory_space<vmem>>, vector<16xi32>,
    tpu.vector_store %arg8[%swap3A_149], %broadcast_in_dim3A_49 {strides = array<i32>} : memref<384xi32, #tpu.memory_space<vmem>>, vector<16xi32>,
    %swap3A_151 = arith.constant 208 : index
    %swap3A_152 = tpu.vector_load %arg9[%swap3A_151] {strides = array<i32>} : memref<384xf32, #tpu.memory_space<vmem>>, vector<16xf32>,
    tpu.vector_store %arg9[%swap3A_151], %broadcast_in_dim3A_51 {strides = array<i32>} : memref<384xf32, #tpu.memory_space<vmem>>, vector<16xf32>,
    %swap3A_153 = arith.constant 224 : index
    %swap3A_154 = tpu.vector_load %arg8[%swap3A_153] {strides = array<i32>} : memref<384xi32, #tpu.memory_space<vmem>>, vector<16xi32>,
    tpu.vector_store %arg8[%swap3A_153], %broadcast_in_dim3A_49 {strides = array<i32>} : memref<384xi32, #tpu.memory_space<vmem>>, vector<16xi32>,
    %swap3A_155 = arith.constant 224 : index
    %swap3A_156 = tpu.vector_load %arg9[%swap3A_155] {strides = array<i32>} : memref<384xf32, #tpu.memory_space<vmem>>, vector<16xf32>,
    tpu.vector_store %arg9[%swap3A_155], %broadcast_in_dim3A_51 {strides = array<i32>} : memref<384xf32, #tpu.memory_space<vmem>>, vector<16xf32>,
    %swap3A_157 = arith.constant 240 : index
    %swap3A_158 = tpu.vector_load %arg8[%swap3A_157] {strides = array<i32>} : memref<384xi32, #tpu.memory_space<vmem>>, vector<16xi32>,
    tpu.vector_store %arg8[%swap3A_157], %broadcast_in_dim3A_49 {strides = array<i32>} : memref<384xi32, #tpu.memory_space<vmem>>, vector<16xi32>,
    %swap3A_159 = arith.constant 240 : index
    %swap3A_160 = tpu.vector_load %arg9[%swap3A_159] {strides = array<i32>} : memref<384xf32, #tpu.memory_space<vmem>>, vector<16xf32>,
    tpu.vector_store %arg9[%swap3A_159], %broadcast_in_dim3A_51 {strides = array<i32>} : memref<384xf32, #tpu.memory_space<vmem>>, vector<16xf32>,
    %swap3A_161 = arith.constant 256 : index
    %swap3A_162 = tpu.vector_load %arg8[%swap3A_161] {strides = array<i32>} : memref<384xi32, #tpu.memory_space<vmem>>, vector<16xi32>,
    tpu.vector_store %arg8[%swap3A_161], %broadcast_in_dim3A_49 {strides = array<i32>} : memref<384xi32, #tpu.memory_space<vmem>>, vector<16xi32>,
    %swap3A_163 = arith.constant 256 : index
    %swap3A_164 = tpu.vector_load %arg9[%swap3A_163] {strides = array<i32>} : memref<384xf32, #tpu.memory_space<vmem>>, vector<16xf32>,
    tpu.vector_store %arg9[%swap3A_163], %broadcast_in_dim3A_51 {strides = array<i32>} : memref<384xf32, #tpu.memory_space<vmem>>, vector<16xf32>,
    %swap3A_165 = arith.constant 272 : index
    %swap3A_166 = tpu.vector_load %arg8[%swap3A_165] {strides = array<i32>} : memref<384xi32, #tpu.memory_space<vmem>>, vector<16xi32>,
    tpu.vector_store %arg8[%swap3A_165], %broadcast_in_dim3A_49 {strides = array<i32>} : memref<384xi32, #tpu.memory_space<vmem>>, vector<16xi32>,
    %swap3A_167 = arith.constant 272 : index
    %swap3A_168 = tpu.vector_load %arg9[%swap3A_167] {strides = array<i32>} : memref<384xf32, #tpu.memory_space<vmem>>, vector<16xf32>,
    tpu.vector_store %arg9[%swap3A_167], %broadcast_in_dim3A_51 {strides = array<i32>} : memref<384xf32, #tpu.memory_space<vmem>>, vector<16xf32>,
    %swap3A_169 = arith.constant 288 : index
    %swap3A_170 = tpu.vector_load %arg8[%swap3A_169] {strides = array<i32>} : memref<384xi32, #tpu.memory_space<vmem>>, vector<16xi32>,
    tpu.vector_store %arg8[%swap3A_169], %broadcast_in_dim3A_49 {strides = array<i32>} : memref<384xi32, #tpu.memory_space<vmem>>, vector<16xi32>,
    %swap3A_171 = arith.constant 288 : index
    %swap3A_172 = tpu.vector_load %arg9[%swap3A_171] {strides = array<i32>} : memref<384xf32, #tpu.memory_space<vmem>>, vector<16xf32>,
    tpu.vector_store %arg9[%swap3A_171], %broadcast_in_dim3A_51 {strides = array<i32>} : memref<384xf32, #tpu.memory_space<vmem>>, vector<16xf32>,
    %swap3A_173 = arith.constant 304 : index
    %swap3A_174 = tpu.vector_load %arg8[%swap3A_173] {strides = array<i32>} : memref<384xi32, #tpu.memory_space<vmem>>, vector<16xi32>,
    tpu.vector_store %arg8[%swap3A_173], %broadcast_in_dim3A_49 {strides = array<i32>} : memref<384xi32, #tpu.memory_space<vmem>>, vector<16xi32>,
    %swap3A_175 = arith.constant 304 : index
    %swap3A_176 = tpu.vector_load %arg9[%swap3A_175] {strides = array<i32>} : memref<384xf32, #tpu.memory_space<vmem>>, vector<16xf32>,
    tpu.vector_store %arg9[%swap3A_175], %broadcast_in_dim3A_51 {strides = array<i32>} : memref<384xf32, #tpu.memory_space<vmem>>, vector<16xf32>,
    %swap3A_177 = arith.constant 320 : index
    %swap3A_178 = tpu.vector_load %arg8[%swap3A_177] {strides = array<i32>} : memref<384xi32, #tpu.memory_space<vmem>>, vector<16xi32>,
    tpu.vector_store %arg8[%swap3A_177], %broadcast_in_dim3A_49 {strides = array<i32>} : memref<384xi32, #tpu.memory_space<vmem>>, vector<16xi32>,
    %swap3A_179 = arith.constant 320 : index
    %swap3A_180 = tpu.vector_load %arg9[%swap3A_179] {strides = array<i32>} : memref<384xf32, #tpu.memory_space<vmem>>, vector<16xf32>,
    tpu.vector_store %arg9[%swap3A_179], %broadcast_in_dim3A_51 {strides = array<i32>} : memref<384xf32, #tpu.memory_space<vmem>>, vector<16xf32>,
    %swap3A_181 = arith.constant 336 : index
    %swap3A_182 = tpu.vector_load %arg8[%swap3A_181] {strides = array<i32>} : memref<384xi32, #tpu.memory_space<vmem>>, vector<16xi32>,
    tpu.vector_store %arg8[%swap3A_181], %broadcast_in_dim3A_49 {strides = array<i32>} : memref<384xi32, #tpu.memory_space<vmem>>, vector<16xi32>,
    %swap3A_183 = arith.constant 336 : index
    %swap3A_184 = tpu.vector_load %arg9[%swap3A_183] {strides = array<i32>} : memref<384xf32, #tpu.memory_space<vmem>>, vector<16xf32>,
    tpu.vector_store %arg9[%swap3A_183], %broadcast_in_dim3A_51 {strides = array<i32>} : memref<384xf32, #tpu.memory_space<vmem>>, vector<16xf32>,
    %swap3A_185 = arith.constant 352 : index
    %swap3A_186 = tpu.vector_load %arg8[%swap3A_185] {strides = array<i32>} : memref<384xi32, #tpu.memory_space<vmem>>, vector<16xi32>,
    tpu.vector_store %arg8[%swap3A_185], %broadcast_in_dim3A_49 {strides = array<i32>} : memref<384xi32, #tpu.memory_space<vmem>>, vector<16xi32>,
    %swap3A_187 = arith.constant 352 : index
    %swap3A_188 = tpu.vector_load %arg9[%swap3A_187] {strides = array<i32>} : memref<384xf32, #tpu.memory_space<vmem>>, vector<16xf32>,
    tpu.vector_store %arg9[%swap3A_187], %broadcast_in_dim3A_51 {strides = array<i32>} : memref<384xf32, #tpu.memory_space<vmem>>, vector<16xf32>,
    %swap3A_189 = arith.constant 368 : index
    %swap3A_190 = tpu.vector_load %arg8[%swap3A_189] {strides = array<i32>} : memref<384xi32, #tpu.memory_space<vmem>>, vector<16xi32>,
    tpu.vector_store %arg8[%swap3A_189], %broadcast_in_dim3A_49 {strides = array<i32>} : memref<384xi32, #tpu.memory_space<vmem>>, vector<16xi32>,
    %swap3A_191 = arith.constant 368 : index
    %swap3A_192 = tpu.vector_load %arg9[%swap3A_191] {strides = array<i32>} : memref<384xf32, #tpu.memory_space<vmem>>, vector<16xf32>,
    tpu.vector_store %arg9[%swap3A_191], %broadcast_in_dim3A_51 {strides = array<i32>} : memref<384xf32, #tpu.memory_space<vmem>>, vector<16xf32>,
    tpu.vector_store_idx %arg8[%scan3A_96#0], %add3A_80 : memref<384xi32, #tpu.memory_space<vmem>>[vector<16xi32>], vector<16xi32>,
    tpu.vector_store_idx %arg9[%scan3A_96#0], %get3A_58 : memref<384xf32, #tpu.memory_space<vmem>>[vector<16xi32>], vector<16xf32>,
    tpu.vector_store_idx %arg8[%scan3A_96#1], %add3A_86 : memref<384xi32, #tpu.memory_space<vmem>>[vector<16xi32>], vector<16xi32>,
    tpu.vector_store_idx %arg9[%scan3A_96#1], %get3A_66 : memref<384xf32, #tpu.memory_space<vmem>>[vector<16xi32>], vector<16xf32>,
    tpu.vector_store_idx %arg8[%scan3A_96#2], %add3A_92 : memref<384xi32, #tpu.memory_space<vmem>>[vector<16xi32>], vector<16xi32>,
    tpu.vector_store_idx %arg9[%scan3A_96#2], %get3A_74 : memref<384xf32, #tpu.memory_space<vmem>>[vector<16xi32>], vector<16xf32>,
    %mul3A_193 = arith.constant 384 : i32
    %mul3A_194 = arith.muli %arg1, %mul3A_193 : i32
    "tpu.region"() ({
      %run_scoped3A = tpu.sem_alloc : memref<!tpu.dma_semaphore, #tpu.memory_space<semaphore_mem>>
      %dma_start3A = tpu.memref_slice %arg12[%mul3A_194] : memref<6144xi32, #tpu.memory_space<vmem_shared>> -> memref<384xi32, #tpu.memory_space<vmem_shared>>
      %dma_start3A_200 = tpu.memref_slice %arg12[%mul3A_194] : memref<6144xi32, #tpu.memory_space<vmem_shared>> -> memref<384xi32, #tpu.memory_space<vmem_shared>>
      tpu.enqueue_dma source(%arg8 : memref<384xi32, #tpu.memory_space<vmem>>) target(%dma_start3A_200 : memref<384xi32, #tpu.memory_space<vmem_shared>>) target_semaphore(%run_scoped3A : memref<!tpu.dma_semaphore, #tpu.memory_space<semaphore_mem>>)
      %dma_wait3A = tpu.memref_slice %arg12[%mul3A_194] : memref<6144xi32, #tpu.memory_space<vmem_shared>> -> memref<384xi32, #tpu.memory_space<vmem_shared>>
      %dma_wait3A_201 = tpu.memref_slice %arg12[%mul3A_194] : memref<6144xi32, #tpu.memory_space<vmem_shared>> -> memref<384xi32, #tpu.memory_space<vmem_shared>>
      tpu.wait_dma2 semaphore(%run_scoped3A : memref<!tpu.dma_semaphore, #tpu.memory_space<semaphore_mem>>) src(%arg8 : memref<384xi32, #tpu.memory_space<vmem>>) dst(%dma_wait3A_201 : memref<384xi32, #tpu.memory_space<vmem_shared>>)
      tpu.yield
    }) : () -> ()
    %mul3A_195 = arith.constant 384 : i32
    %mul3A_196 = arith.muli %arg1, %mul3A_195 : i32
    "tpu.region"() ({
      %run_scoped3A = tpu.sem_alloc : memref<!tpu.dma_semaphore, #tpu.memory_space<semaphore_mem>>
      %dma_start3A = tpu.memref_slice %arg13[%mul3A_196] : memref<6144xf32, #tpu.memory_space<vmem_shared>> -> memref<384xf32, #tpu.memory_space<vmem_shared>>
      %dma_start3A_200 = tpu.memref_slice %arg13[%mul3A_196] : memref<6144xf32, #tpu.memory_space<vmem_shared>> -> memref<384xf32, #tpu.memory_space<vmem_shared>>
      tpu.enqueue_dma source(%arg9 : memref<384xf32, #tpu.memory_space<vmem>>) target(%dma_start3A_200 : memref<384xf32, #tpu.memory_space<vmem_shared>>) target_semaphore(%run_scoped3A : memref<!tpu.dma_semaphore, #tpu.memory_space<semaphore_mem>>)
      %dma_wait3A = tpu.memref_slice %arg13[%mul3A_196] : memref<6144xf32, #tpu.memory_space<vmem_shared>> -> memref<384xf32, #tpu.memory_space<vmem_shared>>
      %dma_wait3A_201 = tpu.memref_slice %arg13[%mul3A_196] : memref<6144xf32, #tpu.memory_space<vmem_shared>> -> memref<384xf32, #tpu.memory_space<vmem_shared>>
      tpu.wait_dma2 semaphore(%run_scoped3A : memref<!tpu.dma_semaphore, #tpu.memory_space<semaphore_mem>>) src(%arg9 : memref<384xf32, #tpu.memory_space<vmem>>) dst(%dma_wait3A_201 : memref<384xf32, #tpu.memory_space<vmem_shared>>)
      tpu.yield
    }) : () -> ()
    %barrier3A = arith.constant 0 : index
    tpu.barrier barrier_id(%barrier3A)
    %eq3A_197 = arith.constant 0 : i32
    %eq3A_198 = arith.cmpi eq, %select_n3A_46, %eq3A_197 : i32
    %convert_element_type3A = arith.extui %eq3A_198 : i1 to i32
    %cond3A = arith.constant 0 : i32
    %cond3A_199 = arith.cmpi ne, %convert_element_type3A, %cond3A : i32
    scf.if %cond3A_199 {
      %swap3A_200 = arith.constant 0 : index
      %swap3A_201 = tpu.vector_load %arg8[%swap3A_200] {strides = array<i32>} : memref<384xi32, #tpu.memory_space<vmem>>, vector<16xi32>,
      tpu.vector_store %arg8[%swap3A_200], %broadcast_in_dim3A_49 {strides = array<i32>} : memref<384xi32, #tpu.memory_space<vmem>>, vector<16xi32>,
      %swap3A_202 = arith.constant 0 : index
      %swap3A_203 = tpu.vector_load %arg9[%swap3A_202] {strides = array<i32>} : memref<384xf32, #tpu.memory_space<vmem>>, vector<16xf32>,
      tpu.vector_store %arg9[%swap3A_202], %broadcast_in_dim3A_51 {strides = array<i32>} : memref<384xf32, #tpu.memory_space<vmem>>, vector<16xf32>,
      %swap3A_204 = arith.constant 16 : index
      %swap3A_205 = tpu.vector_load %arg8[%swap3A_204] {strides = array<i32>} : memref<384xi32, #tpu.memory_space<vmem>>, vector<16xi32>,
      tpu.vector_store %arg8[%swap3A_204], %broadcast_in_dim3A_49 {strides = array<i32>} : memref<384xi32, #tpu.memory_space<vmem>>, vector<16xi32>,
      %swap3A_206 = arith.constant 16 : index
      %swap3A_207 = tpu.vector_load %arg9[%swap3A_206] {strides = array<i32>} : memref<384xf32, #tpu.memory_space<vmem>>, vector<16xf32>,
      tpu.vector_store %arg9[%swap3A_206], %broadcast_in_dim3A_51 {strides = array<i32>} : memref<384xf32, #tpu.memory_space<vmem>>, vector<16xf32>,
      %swap3A_208 = arith.constant 32 : index
      %swap3A_209 = tpu.vector_load %arg8[%swap3A_208] {strides = array<i32>} : memref<384xi32, #tpu.memory_space<vmem>>, vector<16xi32>,
      tpu.vector_store %arg8[%swap3A_208], %broadcast_in_dim3A_49 {strides = array<i32>} : memref<384xi32, #tpu.memory_space<vmem>>, vector<16xi32>,
      %swap3A_210 = arith.constant 32 : index
      %swap3A_211 = tpu.vector_load %arg9[%swap3A_210] {strides = array<i32>} : memref<384xf32, #tpu.memory_space<vmem>>, vector<16xf32>,
      tpu.vector_store %arg9[%swap3A_210], %broadcast_in_dim3A_51 {strides = array<i32>} : memref<384xf32, #tpu.memory_space<vmem>>, vector<16xf32>,
      %swap3A_212 = arith.constant 48 : index
      %swap3A_213 = tpu.vector_load %arg8[%swap3A_212] {strides = array<i32>} : memref<384xi32, #tpu.memory_space<vmem>>, vector<16xi32>,
      tpu.vector_store %arg8[%swap3A_212], %broadcast_in_dim3A_49 {strides = array<i32>} : memref<384xi32, #tpu.memory_space<vmem>>, vector<16xi32>,
      %swap3A_214 = arith.constant 48 : index
      %swap3A_215 = tpu.vector_load %arg9[%swap3A_214] {strides = array<i32>} : memref<384xf32, #tpu.memory_space<vmem>>, vector<16xf32>,
      tpu.vector_store %arg9[%swap3A_214], %broadcast_in_dim3A_51 {strides = array<i32>} : memref<384xf32, #tpu.memory_space<vmem>>, vector<16xf32>,
      %swap3A_216 = arith.constant 64 : index
      %swap3A_217 = tpu.vector_load %arg8[%swap3A_216] {strides = array<i32>} : memref<384xi32, #tpu.memory_space<vmem>>, vector<16xi32>,
      tpu.vector_store %arg8[%swap3A_216], %broadcast_in_dim3A_49 {strides = array<i32>} : memref<384xi32, #tpu.memory_space<vmem>>, vector<16xi32>,
      %swap3A_218 = arith.constant 64 : index
      %swap3A_219 = tpu.vector_load %arg9[%swap3A_218] {strides = array<i32>} : memref<384xf32, #tpu.memory_space<vmem>>, vector<16xf32>,
      tpu.vector_store %arg9[%swap3A_218], %broadcast_in_dim3A_51 {strides = array<i32>} : memref<384xf32, #tpu.memory_space<vmem>>, vector<16xf32>,
      %swap3A_220 = arith.constant 80 : index
      %swap3A_221 = tpu.vector_load %arg8[%swap3A_220] {strides = array<i32>} : memref<384xi32, #tpu.memory_space<vmem>>, vector<16xi32>,
      tpu.vector_store %arg8[%swap3A_220], %broadcast_in_dim3A_49 {strides = array<i32>} : memref<384xi32, #tpu.memory_space<vmem>>, vector<16xi32>,
      %swap3A_222 = arith.constant 80 : index
      %swap3A_223 = tpu.vector_load %arg9[%swap3A_222] {strides = array<i32>} : memref<384xf32, #tpu.memory_space<vmem>>, vector<16xf32>,
      tpu.vector_store %arg9[%swap3A_222], %broadcast_in_dim3A_51 {strides = array<i32>} : memref<384xf32, #tpu.memory_space<vmem>>, vector<16xf32>,
      %swap3A_224 = arith.constant 96 : index
      %swap3A_225 = tpu.vector_load %arg8[%swap3A_224] {strides = array<i32>} : memref<384xi32, #tpu.memory_space<vmem>>, vector<16xi32>,
      tpu.vector_store %arg8[%swap3A_224], %broadcast_in_dim3A_49 {strides = array<i32>} : memref<384xi32, #tpu.memory_space<vmem>>, vector<16xi32>,
      %swap3A_226 = arith.constant 96 : index
      %swap3A_227 = tpu.vector_load %arg9[%swap3A_226] {strides = array<i32>} : memref<384xf32, #tpu.memory_space<vmem>>, vector<16xf32>,
      tpu.vector_store %arg9[%swap3A_226], %broadcast_in_dim3A_51 {strides = array<i32>} : memref<384xf32, #tpu.memory_space<vmem>>, vector<16xf32>,
      %swap3A_228 = arith.constant 112 : index
      %swap3A_229 = tpu.vector_load %arg8[%swap3A_228] {strides = array<i32>} : memref<384xi32, #tpu.memory_space<vmem>>, vector<16xi32>,
      tpu.vector_store %arg8[%swap3A_228], %broadcast_in_dim3A_49 {strides = array<i32>} : memref<384xi32, #tpu.memory_space<vmem>>, vector<16xi32>,
      %swap3A_230 = arith.constant 112 : index
      %swap3A_231 = tpu.vector_load %arg9[%swap3A_230] {strides = array<i32>} : memref<384xf32, #tpu.memory_space<vmem>>, vector<16xf32>,
      tpu.vector_store %arg9[%swap3A_230], %broadcast_in_dim3A_51 {strides = array<i32>} : memref<384xf32, #tpu.memory_space<vmem>>, vector<16xf32>,
      %swap3A_232 = arith.constant 128 : index
      %swap3A_233 = tpu.vector_load %arg8[%swap3A_232] {strides = array<i32>} : memref<384xi32, #tpu.memory_space<vmem>>, vector<16xi32>,
      tpu.vector_store %arg8[%swap3A_232], %broadcast_in_dim3A_49 {strides = array<i32>} : memref<384xi32, #tpu.memory_space<vmem>>, vector<16xi32>,
      %swap3A_234 = arith.constant 128 : index
      %swap3A_235 = tpu.vector_load %arg9[%swap3A_234] {strides = array<i32>} : memref<384xf32, #tpu.memory_space<vmem>>, vector<16xf32>,
      tpu.vector_store %arg9[%swap3A_234], %broadcast_in_dim3A_51 {strides = array<i32>} : memref<384xf32, #tpu.memory_space<vmem>>, vector<16xf32>,
      %swap3A_236 = arith.constant 144 : index
      %swap3A_237 = tpu.vector_load %arg8[%swap3A_236] {strides = array<i32>} : memref<384xi32, #tpu.memory_space<vmem>>, vector<16xi32>,
      tpu.vector_store %arg8[%swap3A_236], %broadcast_in_dim3A_49 {strides = array<i32>} : memref<384xi32, #tpu.memory_space<vmem>>, vector<16xi32>,
      %swap3A_238 = arith.constant 144 : index
      %swap3A_239 = tpu.vector_load %arg9[%swap3A_238] {strides = array<i32>} : memref<384xf32, #tpu.memory_space<vmem>>, vector<16xf32>,
      tpu.vector_store %arg9[%swap3A_238], %broadcast_in_dim3A_51 {strides = array<i32>} : memref<384xf32, #tpu.memory_space<vmem>>, vector<16xf32>,
      %swap3A_240 = arith.constant 160 : index
      %swap3A_241 = tpu.vector_load %arg8[%swap3A_240] {strides = array<i32>} : memref<384xi32, #tpu.memory_space<vmem>>, vector<16xi32>,
      tpu.vector_store %arg8[%swap3A_240], %broadcast_in_dim3A_49 {strides = array<i32>} : memref<384xi32, #tpu.memory_space<vmem>>, vector<16xi32>,
      %swap3A_242 = arith.constant 160 : index
      %swap3A_243 = tpu.vector_load %arg9[%swap3A_242] {strides = array<i32>} : memref<384xf32, #tpu.memory_space<vmem>>, vector<16xf32>,
      tpu.vector_store %arg9[%swap3A_242], %broadcast_in_dim3A_51 {strides = array<i32>} : memref<384xf32, #tpu.memory_space<vmem>>, vector<16xf32>,
      %swap3A_244 = arith.constant 176 : index
      %swap3A_245 = tpu.vector_load %arg8[%swap3A_244] {strides = array<i32>} : memref<384xi32, #tpu.memory_space<vmem>>, vector<16xi32>,
      tpu.vector_store %arg8[%swap3A_244], %broadcast_in_dim3A_49 {strides = array<i32>} : memref<384xi32, #tpu.memory_space<vmem>>, vector<16xi32>,
      %swap3A_246 = arith.constant 176 : index
      %swap3A_247 = tpu.vector_load %arg9[%swap3A_246] {strides = array<i32>} : memref<384xf32, #tpu.memory_space<vmem>>, vector<16xf32>,
      tpu.vector_store %arg9[%swap3A_246], %broadcast_in_dim3A_51 {strides = array<i32>} : memref<384xf32, #tpu.memory_space<vmem>>, vector<16xf32>,
      %swap3A_248 = arith.constant 192 : index
      %swap3A_249 = tpu.vector_load %arg8[%swap3A_248] {strides = array<i32>} : memref<384xi32, #tpu.memory_space<vmem>>, vector<16xi32>,
      tpu.vector_store %arg8[%swap3A_248], %broadcast_in_dim3A_49 {strides = array<i32>} : memref<384xi32, #tpu.memory_space<vmem>>, vector<16xi32>,
      %swap3A_250 = arith.constant 192 : index
      %swap3A_251 = tpu.vector_load %arg9[%swap3A_250] {strides = array<i32>} : memref<384xf32, #tpu.memory_space<vmem>>, vector<16xf32>,
      tpu.vector_store %arg9[%swap3A_250], %broadcast_in_dim3A_51 {strides = array<i32>} : memref<384xf32, #tpu.memory_space<vmem>>, vector<16xf32>,
      %swap3A_252 = arith.constant 208 : index
      %swap3A_253 = tpu.vector_load %arg8[%swap3A_252] {strides = array<i32>} : memref<384xi32, #tpu.memory_space<vmem>>, vector<16xi32>,
      tpu.vector_store %arg8[%swap3A_252], %broadcast_in_dim3A_49 {strides = array<i32>} : memref<384xi32, #tpu.memory_space<vmem>>, vector<16xi32>,
      %swap3A_254 = arith.constant 208 : index
      %swap3A_255 = tpu.vector_load %arg9[%swap3A_254] {strides = array<i32>} : memref<384xf32, #tpu.memory_space<vmem>>, vector<16xf32>,
      tpu.vector_store %arg9[%swap3A_254], %broadcast_in_dim3A_51 {strides = array<i32>} : memref<384xf32, #tpu.memory_space<vmem>>, vector<16xf32>,
      %swap3A_256 = arith.constant 224 : index
      %swap3A_257 = tpu.vector_load %arg8[%swap3A_256] {strides = array<i32>} : memref<384xi32, #tpu.memory_space<vmem>>, vector<16xi32>,
      tpu.vector_store %arg8[%swap3A_256], %broadcast_in_dim3A_49 {strides = array<i32>} : memref<384xi32, #tpu.memory_space<vmem>>, vector<16xi32>,
      %swap3A_258 = arith.constant 224 : index
      %swap3A_259 = tpu.vector_load %arg9[%swap3A_258] {strides = array<i32>} : memref<384xf32, #tpu.memory_space<vmem>>, vector<16xf32>,
      tpu.vector_store %arg9[%swap3A_258], %broadcast_in_dim3A_51 {strides = array<i32>} : memref<384xf32, #tpu.memory_space<vmem>>, vector<16xf32>,
      %swap3A_260 = arith.constant 240 : index
      %swap3A_261 = tpu.vector_load %arg8[%swap3A_260] {strides = array<i32>} : memref<384xi32, #tpu.memory_space<vmem>>, vector<16xi32>,
      tpu.vector_store %arg8[%swap3A_260], %broadcast_in_dim3A_49 {strides = array<i32>} : memref<384xi32, #tpu.memory_space<vmem>>, vector<16xi32>,
      %swap3A_262 = arith.constant 240 : index
      %swap3A_263 = tpu.vector_load %arg9[%swap3A_262] {strides = array<i32>} : memref<384xf32, #tpu.memory_space<vmem>>, vector<16xf32>,
      tpu.vector_store %arg9[%swap3A_262], %broadcast_in_dim3A_51 {strides = array<i32>} : memref<384xf32, #tpu.memory_space<vmem>>, vector<16xf32>,
      %swap3A_264 = arith.constant 256 : index
      %swap3A_265 = tpu.vector_load %arg8[%swap3A_264] {strides = array<i32>} : memref<384xi32, #tpu.memory_space<vmem>>, vector<16xi32>,
      tpu.vector_store %arg8[%swap3A_264], %broadcast_in_dim3A_49 {strides = array<i32>} : memref<384xi32, #tpu.memory_space<vmem>>, vector<16xi32>,
      %swap3A_266 = arith.constant 256 : index
      %swap3A_267 = tpu.vector_load %arg9[%swap3A_266] {strides = array<i32>} : memref<384xf32, #tpu.memory_space<vmem>>, vector<16xf32>,
      tpu.vector_store %arg9[%swap3A_266], %broadcast_in_dim3A_51 {strides = array<i32>} : memref<384xf32, #tpu.memory_space<vmem>>, vector<16xf32>,
      %swap3A_268 = arith.constant 272 : index
      %swap3A_269 = tpu.vector_load %arg8[%swap3A_268] {strides = array<i32>} : memref<384xi32, #tpu.memory_space<vmem>>, vector<16xi32>,
      tpu.vector_store %arg8[%swap3A_268], %broadcast_in_dim3A_49 {strides = array<i32>} : memref<384xi32, #tpu.memory_space<vmem>>, vector<16xi32>,
      %swap3A_270 = arith.constant 272 : index
      %swap3A_271 = tpu.vector_load %arg9[%swap3A_270] {strides = array<i32>} : memref<384xf32, #tpu.memory_space<vmem>>, vector<16xf32>,
      tpu.vector_store %arg9[%swap3A_270], %broadcast_in_dim3A_51 {strides = array<i32>} : memref<384xf32, #tpu.memory_space<vmem>>, vector<16xf32>,
      %swap3A_272 = arith.constant 288 : index
      %swap3A_273 = tpu.vector_load %arg8[%swap3A_272] {strides = array<i32>} : memref<384xi32, #tpu.memory_space<vmem>>, vector<16xi32>,
      tpu.vector_store %arg8[%swap3A_272], %broadcast_in_dim3A_49 {strides = array<i32>} : memref<384xi32, #tpu.memory_space<vmem>>, vector<16xi32>,
      %swap3A_274 = arith.constant 288 : index
      %swap3A_275 = tpu.vector_load %arg9[%swap3A_274] {strides = array<i32>} : memref<384xf32, #tpu.memory_space<vmem>>, vector<16xf32>,
      tpu.vector_store %arg9[%swap3A_274], %broadcast_in_dim3A_51 {strides = array<i32>} : memref<384xf32, #tpu.memory_space<vmem>>, vector<16xf32>,
      %swap3A_276 = arith.constant 304 : index
      %swap3A_277 = tpu.vector_load %arg8[%swap3A_276] {strides = array<i32>} : memref<384xi32, #tpu.memory_space<vmem>>, vector<16xi32>,
      tpu.vector_store %arg8[%swap3A_276], %broadcast_in_dim3A_49 {strides = array<i32>} : memref<384xi32, #tpu.memory_space<vmem>>, vector<16xi32>,
      %swap3A_278 = arith.constant 304 : index
      %swap3A_279 = tpu.vector_load %arg9[%swap3A_278] {strides = array<i32>} : memref<384xf32, #tpu.memory_space<vmem>>, vector<16xf32>,
      tpu.vector_store %arg9[%swap3A_278], %broadcast_in_dim3A_51 {strides = array<i32>} : memref<384xf32, #tpu.memory_space<vmem>>, vector<16xf32>,
      %swap3A_280 = arith.constant 320 : index
      %swap3A_281 = tpu.vector_load %arg8[%swap3A_280] {strides = array<i32>} : memref<384xi32, #tpu.memory_space<vmem>>, vector<16xi32>,
      tpu.vector_store %arg8[%swap3A_280], %broadcast_in_dim3A_49 {strides = array<i32>} : memref<384xi32, #tpu.memory_space<vmem>>, vector<16xi32>,
      %swap3A_282 = arith.constant 320 : index
      %swap3A_283 = tpu.vector_load %arg9[%swap3A_282] {strides = array<i32>} : memref<384xf32, #tpu.memory_space<vmem>>, vector<16xf32>,
      tpu.vector_store %arg9[%swap3A_282], %broadcast_in_dim3A_51 {strides = array<i32>} : memref<384xf32, #tpu.memory_space<vmem>>, vector<16xf32>,
      %swap3A_284 = arith.constant 336 : index
      %swap3A_285 = tpu.vector_load %arg8[%swap3A_284] {strides = array<i32>} : memref<384xi32, #tpu.memory_space<vmem>>, vector<16xi32>,
      tpu.vector_store %arg8[%swap3A_284], %broadcast_in_dim3A_49 {strides = array<i32>} : memref<384xi32, #tpu.memory_space<vmem>>, vector<16xi32>,
      %swap3A_286 = arith.constant 336 : index
      %swap3A_287 = tpu.vector_load %arg9[%swap3A_286] {strides = array<i32>} : memref<384xf32, #tpu.memory_space<vmem>>, vector<16xf32>,
      tpu.vector_store %arg9[%swap3A_286], %broadcast_in_dim3A_51 {strides = array<i32>} : memref<384xf32, #tpu.memory_space<vmem>>, vector<16xf32>,
      %swap3A_288 = arith.constant 352 : index
      %swap3A_289 = tpu.vector_load %arg8[%swap3A_288] {strides = array<i32>} : memref<384xi32, #tpu.memory_space<vmem>>, vector<16xi32>,
      tpu.vector_store %arg8[%swap3A_288], %broadcast_in_dim3A_49 {strides = array<i32>} : memref<384xi32, #tpu.memory_space<vmem>>, vector<16xi32>,
      %swap3A_290 = arith.constant 352 : index
      %swap3A_291 = tpu.vector_load %arg9[%swap3A_290] {strides = array<i32>} : memref<384xf32, #tpu.memory_space<vmem>>, vector<16xf32>,
      tpu.vector_store %arg9[%swap3A_290], %broadcast_in_dim3A_51 {strides = array<i32>} : memref<384xf32, #tpu.memory_space<vmem>>, vector<16xf32>,
      %swap3A_292 = arith.constant 368 : index
      %swap3A_293 = tpu.vector_load %arg8[%swap3A_292] {strides = array<i32>} : memref<384xi32, #tpu.memory_space<vmem>>, vector<16xi32>,
      tpu.vector_store %arg8[%swap3A_292], %broadcast_in_dim3A_49 {strides = array<i32>} : memref<384xi32, #tpu.memory_space<vmem>>, vector<16xi32>,
      %swap3A_294 = arith.constant 368 : index
      %swap3A_295 = tpu.vector_load %arg9[%swap3A_294] {strides = array<i32>} : memref<384xf32, #tpu.memory_space<vmem>>, vector<16xf32>,
      tpu.vector_store %arg9[%swap3A_294], %broadcast_in_dim3A_51 {strides = array<i32>} : memref<384xf32, #tpu.memory_space<vmem>>, vector<16xf32>,
      %mul3A_296 = arith.constant 8 : i32
      %mul3A_297 = arith.muli %select_n3A_30, %mul3A_296 : i32
      %add3A_298 = arith.constant 0 : i32
      %add3A_299 = arith.addi %mul3A_297, %add3A_298 : i32
      %mul3A_300 = arith.constant 384 : i32
      %mul3A_301 = arith.muli %add3A_299, %mul3A_300 : i32
      "tpu.region"() ({
        %run_scoped3A = tpu.sem_alloc : memref<!tpu.dma_semaphore, #tpu.memory_space<semaphore_mem>>
        %dma_start3A = tpu.memref_slice %arg12[%mul3A_301] : memref<6144xi32, #tpu.memory_space<vmem_shared>> -> memref<384xi32, #tpu.memory_space<vmem_shared>>
        %dma_start3A_3032 = tpu.memref_slice %arg12[%mul3A_301] : memref<6144xi32, #tpu.memory_space<vmem_shared>> -> memref<384xi32, #tpu.memory_space<vmem_shared>>
        tpu.enqueue_dma source(%dma_start3A_3032 : memref<384xi32, #tpu.memory_space<vmem_shared>>) target(%arg10 : memref<384xi32, #tpu.memory_space<vmem>>) target_semaphore(%run_scoped3A : memref<!tpu.dma_semaphore, #tpu.memory_space<semaphore_mem>>)
        %dma_wait3A = tpu.memref_slice %arg12[%mul3A_301] : memref<6144xi32, #tpu.memory_space<vmem_shared>> -> memref<384xi32, #tpu.memory_space<vmem_shared>>
        %dma_wait3A_3033 = tpu.memref_slice %arg12[%mul3A_301] : memref<6144xi32, #tpu.memory_space<vmem_shared>> -> memref<384xi32, #tpu.memory_space<vmem_shared>>
        tpu.wait_dma2 semaphore(%run_scoped3A : memref<!tpu.dma_semaphore, #tpu.memory_space<semaphore_mem>>) src(%dma_wait3A_3033 : memref<384xi32, #tpu.memory_space<vmem_shared>>) dst(%arg10 : memref<384xi32, #tpu.memory_space<vmem>>)
        tpu.yield
      }) : () -> ()
      "tpu.region"() ({
        %run_scoped3A = tpu.sem_alloc : memref<!tpu.dma_semaphore, #tpu.memory_space<semaphore_mem>>
        %dma_start3A = tpu.memref_slice %arg13[%mul3A_301] : memref<6144xf32, #tpu.memory_space<vmem_shared>> -> memref<384xf32, #tpu.memory_space<vmem_shared>>
        %dma_start3A_3032 = tpu.memref_slice %arg13[%mul3A_301] : memref<6144xf32, #tpu.memory_space<vmem_shared>> -> memref<384xf32, #tpu.memory_space<vmem_shared>>
        tpu.enqueue_dma source(%dma_start3A_3032 : memref<384xf32, #tpu.memory_space<vmem_shared>>) target(%arg11 : memref<384xf32, #tpu.memory_space<vmem>>) target_semaphore(%run_scoped3A : memref<!tpu.dma_semaphore, #tpu.memory_space<semaphore_mem>>)
        %dma_wait3A = tpu.memref_slice %arg13[%mul3A_301] : memref<6144xf32, #tpu.memory_space<vmem_shared>> -> memref<384xf32, #tpu.memory_space<vmem_shared>>
        %dma_wait3A_3033 = tpu.memref_slice %arg13[%mul3A_301] : memref<6144xf32, #tpu.memory_space<vmem_shared>> -> memref<384xf32, #tpu.memory_space<vmem_shared>>
        tpu.wait_dma2 semaphore(%run_scoped3A : memref<!tpu.dma_semaphore, #tpu.memory_space<semaphore_mem>>) src(%dma_wait3A_3033 : memref<384xf32, #tpu.memory_space<vmem_shared>>) dst(%arg11 : memref<384xf32, #tpu.memory_space<vmem>>)
        tpu.yield
      }) : () -> ()
      %get3A_302 = arith.constant 0 : index
      %get3A_303 = tpu.vector_load %arg8[%get3A_302] {strides = array<i32>} : memref<384xi32, #tpu.memory_space<vmem>>, vector<16xi32>,
      %get3A_304 = arith.constant 0 : index
      %get3A_305 = tpu.vector_load %arg10[%get3A_304] {strides = array<i32>} : memref<384xi32, #tpu.memory_space<vmem>>, vector<16xi32>,
      %add3A_306 = arith.addi %get3A_303, %get3A_305 : vector<16xi32>
      %swap3A_307 = arith.constant 0 : index
      %swap3A_308 = tpu.vector_load %arg8[%swap3A_307] {strides = array<i32>} : memref<384xi32, #tpu.memory_space<vmem>>, vector<16xi32>,
      tpu.vector_store %arg8[%swap3A_307], %add3A_306 {strides = array<i32>} : memref<384xi32, #tpu.memory_space<vmem>>, vector<16xi32>,
      %get3A_309 = arith.constant 0 : index
      %get3A_310 = tpu.vector_load %arg9[%get3A_309] {strides = array<i32>} : memref<384xf32, #tpu.memory_space<vmem>>, vector<16xf32>,
      %get3A_311 = arith.constant 0 : index
      %get3A_312 = tpu.vector_load %arg11[%get3A_311] {strides = array<i32>} : memref<384xf32, #tpu.memory_space<vmem>>, vector<16xf32>,
      %add3A_313 = arith.addf %get3A_310, %get3A_312 : vector<16xf32>
      %swap3A_314 = arith.constant 0 : index
      %swap3A_315 = tpu.vector_load %arg9[%swap3A_314] {strides = array<i32>} : memref<384xf32, #tpu.memory_space<vmem>>, vector<16xf32>,
      tpu.vector_store %arg9[%swap3A_314], %add3A_313 {strides = array<i32>} : memref<384xf32, #tpu.memory_space<vmem>>, vector<16xf32>,
      %get3A_316 = arith.constant 16 : index
      %get3A_317 = tpu.vector_load %arg8[%get3A_316] {strides = array<i32>} : memref<384xi32, #tpu.memory_space<vmem>>, vector<16xi32>,
      %get3A_318 = arith.constant 16 : index
      %get3A_319 = tpu.vector_load %arg10[%get3A_318] {strides = array<i32>} : memref<384xi32, #tpu.memory_space<vmem>>, vector<16xi32>,
      %add3A_320 = arith.addi %get3A_317, %get3A_319 : vector<16xi32>
      %swap3A_321 = arith.constant 16 : index
      %swap3A_322 = tpu.vector_load %arg8[%swap3A_321] {strides = array<i32>} : memref<384xi32, #tpu.memory_space<vmem>>, vector<16xi32>,
      tpu.vector_store %arg8[%swap3A_321], %add3A_320 {strides = array<i32>} : memref<384xi32, #tpu.memory_space<vmem>>, vector<16xi32>,
      %get3A_323 = arith.constant 16 : index
      %get3A_324 = tpu.vector_load %arg9[%get3A_323] {strides = array<i32>} : memref<384xf32, #tpu.memory_space<vmem>>, vector<16xf32>,
      %get3A_325 = arith.constant 16 : index
      %get3A_326 = tpu.vector_load %arg11[%get3A_325] {strides = array<i32>} : memref<384xf32, #tpu.memory_space<vmem>>, vector<16xf32>,
      %add3A_327 = arith.addf %get3A_324, %get3A_326 : vector<16xf32>
      %swap3A_328 = arith.constant 16 : index
      %swap3A_329 = tpu.vector_load %arg9[%swap3A_328] {strides = array<i32>} : memref<384xf32, #tpu.memory_space<vmem>>, vector<16xf32>,
      tpu.vector_store %arg9[%swap3A_328], %add3A_327 {strides = array<i32>} : memref<384xf32, #tpu.memory_space<vmem>>, vector<16xf32>,
      %get3A_330 = arith.constant 32 : index
      %get3A_331 = tpu.vector_load %arg8[%get3A_330] {strides = array<i32>} : memref<384xi32, #tpu.memory_space<vmem>>, vector<16xi32>,
      %get3A_332 = arith.constant 32 : index
      %get3A_333 = tpu.vector_load %arg10[%get3A_332] {strides = array<i32>} : memref<384xi32, #tpu.memory_space<vmem>>, vector<16xi32>,
      %add3A_334 = arith.addi %get3A_331, %get3A_333 : vector<16xi32>
      %swap3A_335 = arith.constant 32 : index
      %swap3A_336 = tpu.vector_load %arg8[%swap3A_335] {strides = array<i32>} : memref<384xi32, #tpu.memory_space<vmem>>, vector<16xi32>,
      tpu.vector_store %arg8[%swap3A_335], %add3A_334 {strides = array<i32>} : memref<384xi32, #tpu.memory_space<vmem>>, vector<16xi32>,
      %get3A_337 = arith.constant 32 : index
      %get3A_338 = tpu.vector_load %arg9[%get3A_337] {strides = array<i32>} : memref<384xf32, #tpu.memory_space<vmem>>, vector<16xf32>,
      %get3A_339 = arith.constant 32 : index
      %get3A_340 = tpu.vector_load %arg11[%get3A_339] {strides = array<i32>} : memref<384xf32, #tpu.memory_space<vmem>>, vector<16xf32>,
      %add3A_341 = arith.addf %get3A_338, %get3A_340 : vector<16xf32>
      %swap3A_342 = arith.constant 32 : index
      %swap3A_343 = tpu.vector_load %arg9[%swap3A_342] {strides = array<i32>} : memref<384xf32, #tpu.memory_space<vmem>>, vector<16xf32>,
      tpu.vector_store %arg9[%swap3A_342], %add3A_341 {strides = array<i32>} : memref<384xf32, #tpu.memory_space<vmem>>, vector<16xf32>,
      %get3A_344 = arith.constant 48 : index
      %get3A_345 = tpu.vector_load %arg8[%get3A_344] {strides = array<i32>} : memref<384xi32, #tpu.memory_space<vmem>>, vector<16xi32>,
      %get3A_346 = arith.constant 48 : index
      %get3A_347 = tpu.vector_load %arg10[%get3A_346] {strides = array<i32>} : memref<384xi32, #tpu.memory_space<vmem>>, vector<16xi32>,
      %add3A_348 = arith.addi %get3A_345, %get3A_347 : vector<16xi32>
      %swap3A_349 = arith.constant 48 : index
      %swap3A_350 = tpu.vector_load %arg8[%swap3A_349] {strides = array<i32>} : memref<384xi32, #tpu.memory_space<vmem>>, vector<16xi32>,
      tpu.vector_store %arg8[%swap3A_349], %add3A_348 {strides = array<i32>} : memref<384xi32, #tpu.memory_space<vmem>>, vector<16xi32>,
      %get3A_351 = arith.constant 48 : index
      %get3A_352 = tpu.vector_load %arg9[%get3A_351] {strides = array<i32>} : memref<384xf32, #tpu.memory_space<vmem>>, vector<16xf32>,
      %get3A_353 = arith.constant 48 : index
      %get3A_354 = tpu.vector_load %arg11[%get3A_353] {strides = array<i32>} : memref<384xf32, #tpu.memory_space<vmem>>, vector<16xf32>,
      %add3A_355 = arith.addf %get3A_352, %get3A_354 : vector<16xf32>
      %swap3A_356 = arith.constant 48 : index
      %swap3A_357 = tpu.vector_load %arg9[%swap3A_356] {strides = array<i32>} : memref<384xf32, #tpu.memory_space<vmem>>, vector<16xf32>,
      tpu.vector_store %arg9[%swap3A_356], %add3A_355 {strides = array<i32>} : memref<384xf32, #tpu.memory_space<vmem>>, vector<16xf32>,
      %get3A_358 = arith.constant 64 : index
      %get3A_359 = tpu.vector_load %arg8[%get3A_358] {strides = array<i32>} : memref<384xi32, #tpu.memory_space<vmem>>, vector<16xi32>,
      %get3A_360 = arith.constant 64 : index
      %get3A_361 = tpu.vector_load %arg10[%get3A_360] {strides = array<i32>} : memref<384xi32, #tpu.memory_space<vmem>>, vector<16xi32>,
      %add3A_362 = arith.addi %get3A_359, %get3A_361 : vector<16xi32>
      %swap3A_363 = arith.constant 64 : index
      %swap3A_364 = tpu.vector_load %arg8[%swap3A_363] {strides = array<i32>} : memref<384xi32, #tpu.memory_space<vmem>>, vector<16xi32>,
      tpu.vector_store %arg8[%swap3A_363], %add3A_362 {strides = array<i32>} : memref<384xi32, #tpu.memory_space<vmem>>, vector<16xi32>,
      %get3A_365 = arith.constant 64 : index
      %get3A_366 = tpu.vector_load %arg9[%get3A_365] {strides = array<i32>} : memref<384xf32, #tpu.memory_space<vmem>>, vector<16xf32>,
      %get3A_367 = arith.constant 64 : index
      %get3A_368 = tpu.vector_load %arg11[%get3A_367] {strides = array<i32>} : memref<384xf32, #tpu.memory_space<vmem>>, vector<16xf32>,
      %add3A_369 = arith.addf %get3A_366, %get3A_368 : vector<16xf32>
      %swap3A_370 = arith.constant 64 : index
      %swap3A_371 = tpu.vector_load %arg9[%swap3A_370] {strides = array<i32>} : memref<384xf32, #tpu.memory_space<vmem>>, vector<16xf32>,
      tpu.vector_store %arg9[%swap3A_370], %add3A_369 {strides = array<i32>} : memref<384xf32, #tpu.memory_space<vmem>>, vector<16xf32>,
      %get3A_372 = arith.constant 80 : index
      %get3A_373 = tpu.vector_load %arg8[%get3A_372] {strides = array<i32>} : memref<384xi32, #tpu.memory_space<vmem>>, vector<16xi32>,
      %get3A_374 = arith.constant 80 : index
      %get3A_375 = tpu.vector_load %arg10[%get3A_374] {strides = array<i32>} : memref<384xi32, #tpu.memory_space<vmem>>, vector<16xi32>,
      %add3A_376 = arith.addi %get3A_373, %get3A_375 : vector<16xi32>
      %swap3A_377 = arith.constant 80 : index
      %swap3A_378 = tpu.vector_load %arg8[%swap3A_377] {strides = array<i32>} : memref<384xi32, #tpu.memory_space<vmem>>, vector<16xi32>,
      tpu.vector_store %arg8[%swap3A_377], %add3A_376 {strides = array<i32>} : memref<384xi32, #tpu.memory_space<vmem>>, vector<16xi32>,
      %get3A_379 = arith.constant 80 : index
      %get3A_380 = tpu.vector_load %arg9[%get3A_379] {strides = array<i32>} : memref<384xf32, #tpu.memory_space<vmem>>, vector<16xf32>,
      %get3A_381 = arith.constant 80 : index
      %get3A_382 = tpu.vector_load %arg11[%get3A_381] {strides = array<i32>} : memref<384xf32, #tpu.memory_space<vmem>>, vector<16xf32>,
      %add3A_383 = arith.addf %get3A_380, %get3A_382 : vector<16xf32>
      %swap3A_384 = arith.constant 80 : index
      %swap3A_385 = tpu.vector_load %arg9[%swap3A_384] {strides = array<i32>} : memref<384xf32, #tpu.memory_space<vmem>>, vector<16xf32>,
      tpu.vector_store %arg9[%swap3A_384], %add3A_383 {strides = array<i32>} : memref<384xf32, #tpu.memory_space<vmem>>, vector<16xf32>,
      %get3A_386 = arith.constant 96 : index
      %get3A_387 = tpu.vector_load %arg8[%get3A_386] {strides = array<i32>} : memref<384xi32, #tpu.memory_space<vmem>>, vector<16xi32>,
      %get3A_388 = arith.constant 96 : index
      %get3A_389 = tpu.vector_load %arg10[%get3A_388] {strides = array<i32>} : memref<384xi32, #tpu.memory_space<vmem>>, vector<16xi32>,
      %add3A_390 = arith.addi %get3A_387, %get3A_389 : vector<16xi32>
      %swap3A_391 = arith.constant 96 : index
      %swap3A_392 = tpu.vector_load %arg8[%swap3A_391] {strides = array<i32>} : memref<384xi32, #tpu.memory_space<vmem>>, vector<16xi32>,
      tpu.vector_store %arg8[%swap3A_391], %add3A_390 {strides = array<i32>} : memref<384xi32, #tpu.memory_space<vmem>>, vector<16xi32>,
      %get3A_393 = arith.constant 96 : index
      %get3A_394 = tpu.vector_load %arg9[%get3A_393] {strides = array<i32>} : memref<384xf32, #tpu.memory_space<vmem>>, vector<16xf32>,
      %get3A_395 = arith.constant 96 : index
      %get3A_396 = tpu.vector_load %arg11[%get3A_395] {strides = array<i32>} : memref<384xf32, #tpu.memory_space<vmem>>, vector<16xf32>,
      %add3A_397 = arith.addf %get3A_394, %get3A_396 : vector<16xf32>
      %swap3A_398 = arith.constant 96 : index
      %swap3A_399 = tpu.vector_load %arg9[%swap3A_398] {strides = array<i32>} : memref<384xf32, #tpu.memory_space<vmem>>, vector<16xf32>,
      tpu.vector_store %arg9[%swap3A_398], %add3A_397 {strides = array<i32>} : memref<384xf32, #tpu.memory_space<vmem>>, vector<16xf32>,
      %get3A_400 = arith.constant 112 : index
      %get3A_401 = tpu.vector_load %arg8[%get3A_400] {strides = array<i32>} : memref<384xi32, #tpu.memory_space<vmem>>, vector<16xi32>,
      %get3A_402 = arith.constant 112 : index
      %get3A_403 = tpu.vector_load %arg10[%get3A_402] {strides = array<i32>} : memref<384xi32, #tpu.memory_space<vmem>>, vector<16xi32>,
      %add3A_404 = arith.addi %get3A_401, %get3A_403 : vector<16xi32>
      %swap3A_405 = arith.constant 112 : index
      %swap3A_406 = tpu.vector_load %arg8[%swap3A_405] {strides = array<i32>} : memref<384xi32, #tpu.memory_space<vmem>>, vector<16xi32>,
      tpu.vector_store %arg8[%swap3A_405], %add3A_404 {strides = array<i32>} : memref<384xi32, #tpu.memory_space<vmem>>, vector<16xi32>,
      %get3A_407 = arith.constant 112 : index
      %get3A_408 = tpu.vector_load %arg9[%get3A_407] {strides = array<i32>} : memref<384xf32, #tpu.memory_space<vmem>>, vector<16xf32>,
      %get3A_409 = arith.constant 112 : index
      %get3A_410 = tpu.vector_load %arg11[%get3A_409] {strides = array<i32>} : memref<384xf32, #tpu.memory_space<vmem>>, vector<16xf32>,
      %add3A_411 = arith.addf %get3A_408, %get3A_410 : vector<16xf32>
      %swap3A_412 = arith.constant 112 : index
      %swap3A_413 = tpu.vector_load %arg9[%swap3A_412] {strides = array<i32>} : memref<384xf32, #tpu.memory_space<vmem>>, vector<16xf32>,
      tpu.vector_store %arg9[%swap3A_412], %add3A_411 {strides = array<i32>} : memref<384xf32, #tpu.memory_space<vmem>>, vector<16xf32>,
      %get3A_414 = arith.constant 128 : index
      %get3A_415 = tpu.vector_load %arg8[%get3A_414] {strides = array<i32>} : memref<384xi32, #tpu.memory_space<vmem>>, vector<16xi32>,
      %get3A_416 = arith.constant 128 : index
      %get3A_417 = tpu.vector_load %arg10[%get3A_416] {strides = array<i32>} : memref<384xi32, #tpu.memory_space<vmem>>, vector<16xi32>,
      %add3A_418 = arith.addi %get3A_415, %get3A_417 : vector<16xi32>
      %swap3A_419 = arith.constant 128 : index
      %swap3A_420 = tpu.vector_load %arg8[%swap3A_419] {strides = array<i32>} : memref<384xi32, #tpu.memory_space<vmem>>, vector<16xi32>,
      tpu.vector_store %arg8[%swap3A_419], %add3A_418 {strides = array<i32>} : memref<384xi32, #tpu.memory_space<vmem>>, vector<16xi32>,
      %get3A_421 = arith.constant 128 : index
      %get3A_422 = tpu.vector_load %arg9[%get3A_421] {strides = array<i32>} : memref<384xf32, #tpu.memory_space<vmem>>, vector<16xf32>,
      %get3A_423 = arith.constant 128 : index
      %get3A_424 = tpu.vector_load %arg11[%get3A_423] {strides = array<i32>} : memref<384xf32, #tpu.memory_space<vmem>>, vector<16xf32>,
      %add3A_425 = arith.addf %get3A_422, %get3A_424 : vector<16xf32>
      %swap3A_426 = arith.constant 128 : index
      %swap3A_427 = tpu.vector_load %arg9[%swap3A_426] {strides = array<i32>} : memref<384xf32, #tpu.memory_space<vmem>>, vector<16xf32>,
      tpu.vector_store %arg9[%swap3A_426], %add3A_425 {strides = array<i32>} : memref<384xf32, #tpu.memory_space<vmem>>, vector<16xf32>,
      %get3A_428 = arith.constant 144 : index
      %get3A_429 = tpu.vector_load %arg8[%get3A_428] {strides = array<i32>} : memref<384xi32, #tpu.memory_space<vmem>>, vector<16xi32>,
      %get3A_430 = arith.constant 144 : index
      %get3A_431 = tpu.vector_load %arg10[%get3A_430] {strides = array<i32>} : memref<384xi32, #tpu.memory_space<vmem>>, vector<16xi32>,
      %add3A_432 = arith.addi %get3A_429, %get3A_431 : vector<16xi32>
      %swap3A_433 = arith.constant 144 : index
      %swap3A_434 = tpu.vector_load %arg8[%swap3A_433] {strides = array<i32>} : memref<384xi32, #tpu.memory_space<vmem>>, vector<16xi32>,
      tpu.vector_store %arg8[%swap3A_433], %add3A_432 {strides = array<i32>} : memref<384xi32, #tpu.memory_space<vmem>>, vector<16xi32>,
      %get3A_435 = arith.constant 144 : index
      %get3A_436 = tpu.vector_load %arg9[%get3A_435] {strides = array<i32>} : memref<384xf32, #tpu.memory_space<vmem>>, vector<16xf32>,
      %get3A_437 = arith.constant 144 : index
      %get3A_438 = tpu.vector_load %arg11[%get3A_437] {strides = array<i32>} : memref<384xf32, #tpu.memory_space<vmem>>, vector<16xf32>,
      %add3A_439 = arith.addf %get3A_436, %get3A_438 : vector<16xf32>
      %swap3A_440 = arith.constant 144 : index
      %swap3A_441 = tpu.vector_load %arg9[%swap3A_440] {strides = array<i32>} : memref<384xf32, #tpu.memory_space<vmem>>, vector<16xf32>,
      tpu.vector_store %arg9[%swap3A_440], %add3A_439 {strides = array<i32>} : memref<384xf32, #tpu.memory_space<vmem>>, vector<16xf32>,
      %get3A_442 = arith.constant 160 : index
      %get3A_443 = tpu.vector_load %arg8[%get3A_442] {strides = array<i32>} : memref<384xi32, #tpu.memory_space<vmem>>, vector<16xi32>,
      %get3A_444 = arith.constant 160 : index
      %get3A_445 = tpu.vector_load %arg10[%get3A_444] {strides = array<i32>} : memref<384xi32, #tpu.memory_space<vmem>>, vector<16xi32>,
      %add3A_446 = arith.addi %get3A_443, %get3A_445 : vector<16xi32>
      %swap3A_447 = arith.constant 160 : index
      %swap3A_448 = tpu.vector_load %arg8[%swap3A_447] {strides = array<i32>} : memref<384xi32, #tpu.memory_space<vmem>>, vector<16xi32>,
      tpu.vector_store %arg8[%swap3A_447], %add3A_446 {strides = array<i32>} : memref<384xi32, #tpu.memory_space<vmem>>, vector<16xi32>,
      %get3A_449 = arith.constant 160 : index
      %get3A_450 = tpu.vector_load %arg9[%get3A_449] {strides = array<i32>} : memref<384xf32, #tpu.memory_space<vmem>>, vector<16xf32>,
      %get3A_451 = arith.constant 160 : index
      %get3A_452 = tpu.vector_load %arg11[%get3A_451] {strides = array<i32>} : memref<384xf32, #tpu.memory_space<vmem>>, vector<16xf32>,
      %add3A_453 = arith.addf %get3A_450, %get3A_452 : vector<16xf32>
      %swap3A_454 = arith.constant 160 : index
      %swap3A_455 = tpu.vector_load %arg9[%swap3A_454] {strides = array<i32>} : memref<384xf32, #tpu.memory_space<vmem>>, vector<16xf32>,
      tpu.vector_store %arg9[%swap3A_454], %add3A_453 {strides = array<i32>} : memref<384xf32, #tpu.memory_space<vmem>>, vector<16xf32>,
      %get3A_456 = arith.constant 176 : index
      %get3A_457 = tpu.vector_load %arg8[%get3A_456] {strides = array<i32>} : memref<384xi32, #tpu.memory_space<vmem>>, vector<16xi32>,
      %get3A_458 = arith.constant 176 : index
      %get3A_459 = tpu.vector_load %arg10[%get3A_458] {strides = array<i32>} : memref<384xi32, #tpu.memory_space<vmem>>, vector<16xi32>,
      %add3A_460 = arith.addi %get3A_457, %get3A_459 : vector<16xi32>
      %swap3A_461 = arith.constant 176 : index
      %swap3A_462 = tpu.vector_load %arg8[%swap3A_461] {strides = array<i32>} : memref<384xi32, #tpu.memory_space<vmem>>, vector<16xi32>,
      tpu.vector_store %arg8[%swap3A_461], %add3A_460 {strides = array<i32>} : memref<384xi32, #tpu.memory_space<vmem>>, vector<16xi32>,
      %get3A_463 = arith.constant 176 : index
      %get3A_464 = tpu.vector_load %arg9[%get3A_463] {strides = array<i32>} : memref<384xf32, #tpu.memory_space<vmem>>, vector<16xf32>,
      %get3A_465 = arith.constant 176 : index
      %get3A_466 = tpu.vector_load %arg11[%get3A_465] {strides = array<i32>} : memref<384xf32, #tpu.memory_space<vmem>>, vector<16xf32>,
      %add3A_467 = arith.addf %get3A_464, %get3A_466 : vector<16xf32>
      %swap3A_468 = arith.constant 176 : index
      %swap3A_469 = tpu.vector_load %arg9[%swap3A_468] {strides = array<i32>} : memref<384xf32, #tpu.memory_space<vmem>>, vector<16xf32>,
      tpu.vector_store %arg9[%swap3A_468], %add3A_467 {strides = array<i32>} : memref<384xf32, #tpu.memory_space<vmem>>, vector<16xf32>,
      %get3A_470 = arith.constant 192 : index
      %get3A_471 = tpu.vector_load %arg8[%get3A_470] {strides = array<i32>} : memref<384xi32, #tpu.memory_space<vmem>>, vector<16xi32>,
      %get3A_472 = arith.constant 192 : index
      %get3A_473 = tpu.vector_load %arg10[%get3A_472] {strides = array<i32>} : memref<384xi32, #tpu.memory_space<vmem>>, vector<16xi32>,
      %add3A_474 = arith.addi %get3A_471, %get3A_473 : vector<16xi32>
      %swap3A_475 = arith.constant 192 : index
      %swap3A_476 = tpu.vector_load %arg8[%swap3A_475] {strides = array<i32>} : memref<384xi32, #tpu.memory_space<vmem>>, vector<16xi32>,
      tpu.vector_store %arg8[%swap3A_475], %add3A_474 {strides = array<i32>} : memref<384xi32, #tpu.memory_space<vmem>>, vector<16xi32>,
      %get3A_477 = arith.constant 192 : index
      %get3A_478 = tpu.vector_load %arg9[%get3A_477] {strides = array<i32>} : memref<384xf32, #tpu.memory_space<vmem>>, vector<16xf32>,
      %get3A_479 = arith.constant 192 : index
      %get3A_480 = tpu.vector_load %arg11[%get3A_479] {strides = array<i32>} : memref<384xf32, #tpu.memory_space<vmem>>, vector<16xf32>,
      %add3A_481 = arith.addf %get3A_478, %get3A_480 : vector<16xf32>
      %swap3A_482 = arith.constant 192 : index
      %swap3A_483 = tpu.vector_load %arg9[%swap3A_482] {strides = array<i32>} : memref<384xf32, #tpu.memory_space<vmem>>, vector<16xf32>,
      tpu.vector_store %arg9[%swap3A_482], %add3A_481 {strides = array<i32>} : memref<384xf32, #tpu.memory_space<vmem>>, vector<16xf32>,
      %get3A_484 = arith.constant 208 : index
      %get3A_485 = tpu.vector_load %arg8[%get3A_484] {strides = array<i32>} : memref<384xi32, #tpu.memory_space<vmem>>, vector<16xi32>,
      %get3A_486 = arith.constant 208 : index
      %get3A_487 = tpu.vector_load %arg10[%get3A_486] {strides = array<i32>} : memref<384xi32, #tpu.memory_space<vmem>>, vector<16xi32>,
      %add3A_488 = arith.addi %get3A_485, %get3A_487 : vector<16xi32>
      %swap3A_489 = arith.constant 208 : index
      %swap3A_490 = tpu.vector_load %arg8[%swap3A_489] {strides = array<i32>} : memref<384xi32, #tpu.memory_space<vmem>>, vector<16xi32>,
      tpu.vector_store %arg8[%swap3A_489], %add3A_488 {strides = array<i32>} : memref<384xi32, #tpu.memory_space<vmem>>, vector<16xi32>,
      %get3A_491 = arith.constant 208 : index
      %get3A_492 = tpu.vector_load %arg9[%get3A_491] {strides = array<i32>} : memref<384xf32, #tpu.memory_space<vmem>>, vector<16xf32>,
      %get3A_493 = arith.constant 208 : index
      %get3A_494 = tpu.vector_load %arg11[%get3A_493] {strides = array<i32>} : memref<384xf32, #tpu.memory_space<vmem>>, vector<16xf32>,
      %add3A_495 = arith.addf %get3A_492, %get3A_494 : vector<16xf32>
      %swap3A_496 = arith.constant 208 : index
      %swap3A_497 = tpu.vector_load %arg9[%swap3A_496] {strides = array<i32>} : memref<384xf32, #tpu.memory_space<vmem>>, vector<16xf32>,
      tpu.vector_store %arg9[%swap3A_496], %add3A_495 {strides = array<i32>} : memref<384xf32, #tpu.memory_space<vmem>>, vector<16xf32>,
      %get3A_498 = arith.constant 224 : index
      %get3A_499 = tpu.vector_load %arg8[%get3A_498] {strides = array<i32>} : memref<384xi32, #tpu.memory_space<vmem>>, vector<16xi32>,
      %get3A_500 = arith.constant 224 : index
      %get3A_501 = tpu.vector_load %arg10[%get3A_500] {strides = array<i32>} : memref<384xi32, #tpu.memory_space<vmem>>, vector<16xi32>,
      %add3A_502 = arith.addi %get3A_499, %get3A_501 : vector<16xi32>
      %swap3A_503 = arith.constant 224 : index
      %swap3A_504 = tpu.vector_load %arg8[%swap3A_503] {strides = array<i32>} : memref<384xi32, #tpu.memory_space<vmem>>, vector<16xi32>,
      tpu.vector_store %arg8[%swap3A_503], %add3A_502 {strides = array<i32>} : memref<384xi32, #tpu.memory_space<vmem>>, vector<16xi32>,
      %get3A_505 = arith.constant 224 : index
      %get3A_506 = tpu.vector_load %arg9[%get3A_505] {strides = array<i32>} : memref<384xf32, #tpu.memory_space<vmem>>, vector<16xf32>,
      %get3A_507 = arith.constant 224 : index
      %get3A_508 = tpu.vector_load %arg11[%get3A_507] {strides = array<i32>} : memref<384xf32, #tpu.memory_space<vmem>>, vector<16xf32>,
      %add3A_509 = arith.addf %get3A_506, %get3A_508 : vector<16xf32>
      %swap3A_510 = arith.constant 224 : index
      %swap3A_511 = tpu.vector_load %arg9[%swap3A_510] {strides = array<i32>} : memref<384xf32, #tpu.memory_space<vmem>>, vector<16xf32>,
      tpu.vector_store %arg9[%swap3A_510], %add3A_509 {strides = array<i32>} : memref<384xf32, #tpu.memory_space<vmem>>, vector<16xf32>,
      %get3A_512 = arith.constant 240 : index
      %get3A_513 = tpu.vector_load %arg8[%get3A_512] {strides = array<i32>} : memref<384xi32, #tpu.memory_space<vmem>>, vector<16xi32>,
      %get3A_514 = arith.constant 240 : index
      %get3A_515 = tpu.vector_load %arg10[%get3A_514] {strides = array<i32>} : memref<384xi32, #tpu.memory_space<vmem>>, vector<16xi32>,
      %add3A_516 = arith.addi %get3A_513, %get3A_515 : vector<16xi32>
      %swap3A_517 = arith.constant 240 : index
      %swap3A_518 = tpu.vector_load %arg8[%swap3A_517] {strides = array<i32>} : memref<384xi32, #tpu.memory_space<vmem>>, vector<16xi32>,
      tpu.vector_store %arg8[%swap3A_517], %add3A_516 {strides = array<i32>} : memref<384xi32, #tpu.memory_space<vmem>>, vector<16xi32>,
      %get3A_519 = arith.constant 240 : index
      %get3A_520 = tpu.vector_load %arg9[%get3A_519] {strides = array<i32>} : memref<384xf32, #tpu.memory_space<vmem>>, vector<16xf32>,
      %get3A_521 = arith.constant 240 : index
      %get3A_522 = tpu.vector_load %arg11[%get3A_521] {strides = array<i32>} : memref<384xf32, #tpu.memory_space<vmem>>, vector<16xf32>,
      %add3A_523 = arith.addf %get3A_520, %get3A_522 : vector<16xf32>
      %swap3A_524 = arith.constant 240 : index
      %swap3A_525 = tpu.vector_load %arg9[%swap3A_524] {strides = array<i32>} : memref<384xf32, #tpu.memory_space<vmem>>, vector<16xf32>,
      tpu.vector_store %arg9[%swap3A_524], %add3A_523 {strides = array<i32>} : memref<384xf32, #tpu.memory_space<vmem>>, vector<16xf32>,
      %get3A_526 = arith.constant 256 : index
      %get3A_527 = tpu.vector_load %arg8[%get3A_526] {strides = array<i32>} : memref<384xi32, #tpu.memory_space<vmem>>, vector<16xi32>,
      %get3A_528 = arith.constant 256 : index
      %get3A_529 = tpu.vector_load %arg10[%get3A_528] {strides = array<i32>} : memref<384xi32, #tpu.memory_space<vmem>>, vector<16xi32>,
      %add3A_530 = arith.addi %get3A_527, %get3A_529 : vector<16xi32>
      %swap3A_531 = arith.constant 256 : index
      %swap3A_532 = tpu.vector_load %arg8[%swap3A_531] {strides = array<i32>} : memref<384xi32, #tpu.memory_space<vmem>>, vector<16xi32>,
      tpu.vector_store %arg8[%swap3A_531], %add3A_530 {strides = array<i32>} : memref<384xi32, #tpu.memory_space<vmem>>, vector<16xi32>,
      %get3A_533 = arith.constant 256 : index
      %get3A_534 = tpu.vector_load %arg9[%get3A_533] {strides = array<i32>} : memref<384xf32, #tpu.memory_space<vmem>>, vector<16xf32>,
      %get3A_535 = arith.constant 256 : index
      %get3A_536 = tpu.vector_load %arg11[%get3A_535] {strides = array<i32>} : memref<384xf32, #tpu.memory_space<vmem>>, vector<16xf32>,
      %add3A_537 = arith.addf %get3A_534, %get3A_536 : vector<16xf32>
      %swap3A_538 = arith.constant 256 : index
      %swap3A_539 = tpu.vector_load %arg9[%swap3A_538] {strides = array<i32>} : memref<384xf32, #tpu.memory_space<vmem>>, vector<16xf32>,
      tpu.vector_store %arg9[%swap3A_538], %add3A_537 {strides = array<i32>} : memref<384xf32, #tpu.memory_space<vmem>>, vector<16xf32>,
      %get3A_540 = arith.constant 272 : index
      %get3A_541 = tpu.vector_load %arg8[%get3A_540] {strides = array<i32>} : memref<384xi32, #tpu.memory_space<vmem>>, vector<16xi32>,
      %get3A_542 = arith.constant 272 : index
      %get3A_543 = tpu.vector_load %arg10[%get3A_542] {strides = array<i32>} : memref<384xi32, #tpu.memory_space<vmem>>, vector<16xi32>,
      %add3A_544 = arith.addi %get3A_541, %get3A_543 : vector<16xi32>
      %swap3A_545 = arith.constant 272 : index
      %swap3A_546 = tpu.vector_load %arg8[%swap3A_545] {strides = array<i32>} : memref<384xi32, #tpu.memory_space<vmem>>, vector<16xi32>,
      tpu.vector_store %arg8[%swap3A_545], %add3A_544 {strides = array<i32>} : memref<384xi32, #tpu.memory_space<vmem>>, vector<16xi32>,
      %get3A_547 = arith.constant 272 : index
      %get3A_548 = tpu.vector_load %arg9[%get3A_547] {strides = array<i32>} : memref<384xf32, #tpu.memory_space<vmem>>, vector<16xf32>,
      %get3A_549 = arith.constant 272 : index
      %get3A_550 = tpu.vector_load %arg11[%get3A_549] {strides = array<i32>} : memref<384xf32, #tpu.memory_space<vmem>>, vector<16xf32>,
      %add3A_551 = arith.addf %get3A_548, %get3A_550 : vector<16xf32>
      %swap3A_552 = arith.constant 272 : index
      %swap3A_553 = tpu.vector_load %arg9[%swap3A_552] {strides = array<i32>} : memref<384xf32, #tpu.memory_space<vmem>>, vector<16xf32>,
      tpu.vector_store %arg9[%swap3A_552], %add3A_551 {strides = array<i32>} : memref<384xf32, #tpu.memory_space<vmem>>, vector<16xf32>,
      %get3A_554 = arith.constant 288 : index
      %get3A_555 = tpu.vector_load %arg8[%get3A_554] {strides = array<i32>} : memref<384xi32, #tpu.memory_space<vmem>>, vector<16xi32>,
      %get3A_556 = arith.constant 288 : index
      %get3A_557 = tpu.vector_load %arg10[%get3A_556] {strides = array<i32>} : memref<384xi32, #tpu.memory_space<vmem>>, vector<16xi32>,
      %add3A_558 = arith.addi %get3A_555, %get3A_557 : vector<16xi32>
      %swap3A_559 = arith.constant 288 : index
      %swap3A_560 = tpu.vector_load %arg8[%swap3A_559] {strides = array<i32>} : memref<384xi32, #tpu.memory_space<vmem>>, vector<16xi32>,
      tpu.vector_store %arg8[%swap3A_559], %add3A_558 {strides = array<i32>} : memref<384xi32, #tpu.memory_space<vmem>>, vector<16xi32>,
      %get3A_561 = arith.constant 288 : index
      %get3A_562 = tpu.vector_load %arg9[%get3A_561] {strides = array<i32>} : memref<384xf32, #tpu.memory_space<vmem>>, vector<16xf32>,
      %get3A_563 = arith.constant 288 : index
      %get3A_564 = tpu.vector_load %arg11[%get3A_563] {strides = array<i32>} : memref<384xf32, #tpu.memory_space<vmem>>, vector<16xf32>,
      %add3A_565 = arith.addf %get3A_562, %get3A_564 : vector<16xf32>
      %swap3A_566 = arith.constant 288 : index
      %swap3A_567 = tpu.vector_load %arg9[%swap3A_566] {strides = array<i32>} : memref<384xf32, #tpu.memory_space<vmem>>, vector<16xf32>,
      tpu.vector_store %arg9[%swap3A_566], %add3A_565 {strides = array<i32>} : memref<384xf32, #tpu.memory_space<vmem>>, vector<16xf32>,
      %get3A_568 = arith.constant 304 : index
      %get3A_569 = tpu.vector_load %arg8[%get3A_568] {strides = array<i32>} : memref<384xi32, #tpu.memory_space<vmem>>, vector<16xi32>,
      %get3A_570 = arith.constant 304 : index
      %get3A_571 = tpu.vector_load %arg10[%get3A_570] {strides = array<i32>} : memref<384xi32, #tpu.memory_space<vmem>>, vector<16xi32>,
      %add3A_572 = arith.addi %get3A_569, %get3A_571 : vector<16xi32>
      %swap3A_573 = arith.constant 304 : index
      %swap3A_574 = tpu.vector_load %arg8[%swap3A_573] {strides = array<i32>} : memref<384xi32, #tpu.memory_space<vmem>>, vector<16xi32>,
      tpu.vector_store %arg8[%swap3A_573], %add3A_572 {strides = array<i32>} : memref<384xi32, #tpu.memory_space<vmem>>, vector<16xi32>,
      %get3A_575 = arith.constant 304 : index
      %get3A_576 = tpu.vector_load %arg9[%get3A_575] {strides = array<i32>} : memref<384xf32, #tpu.memory_space<vmem>>, vector<16xf32>,
      %get3A_577 = arith.constant 304 : index
      %get3A_578 = tpu.vector_load %arg11[%get3A_577] {strides = array<i32>} : memref<384xf32, #tpu.memory_space<vmem>>, vector<16xf32>,
      %add3A_579 = arith.addf %get3A_576, %get3A_578 : vector<16xf32>
      %swap3A_580 = arith.constant 304 : index
      %swap3A_581 = tpu.vector_load %arg9[%swap3A_580] {strides = array<i32>} : memref<384xf32, #tpu.memory_space<vmem>>, vector<16xf32>,
      tpu.vector_store %arg9[%swap3A_580], %add3A_579 {strides = array<i32>} : memref<384xf32, #tpu.memory_space<vmem>>, vector<16xf32>,
      %get3A_582 = arith.constant 320 : index
      %get3A_583 = tpu.vector_load %arg8[%get3A_582] {strides = array<i32>} : memref<384xi32, #tpu.memory_space<vmem>>, vector<16xi32>,
      %get3A_584 = arith.constant 320 : index
      %get3A_585 = tpu.vector_load %arg10[%get3A_584] {strides = array<i32>} : memref<384xi32, #tpu.memory_space<vmem>>, vector<16xi32>,
      %add3A_586 = arith.addi %get3A_583, %get3A_585 : vector<16xi32>
      %swap3A_587 = arith.constant 320 : index
      %swap3A_588 = tpu.vector_load %arg8[%swap3A_587] {strides = array<i32>} : memref<384xi32, #tpu.memory_space<vmem>>, vector<16xi32>,
      tpu.vector_store %arg8[%swap3A_587], %add3A_586 {strides = array<i32>} : memref<384xi32, #tpu.memory_space<vmem>>, vector<16xi32>,
      %get3A_589 = arith.constant 320 : index
      %get3A_590 = tpu.vector_load %arg9[%get3A_589] {strides = array<i32>} : memref<384xf32, #tpu.memory_space<vmem>>, vector<16xf32>,
      %get3A_591 = arith.constant 320 : index
      %get3A_592 = tpu.vector_load %arg11[%get3A_591] {strides = array<i32>} : memref<384xf32, #tpu.memory_space<vmem>>, vector<16xf32>,
      %add3A_593 = arith.addf %get3A_590, %get3A_592 : vector<16xf32>
      %swap3A_594 = arith.constant 320 : index
      %swap3A_595 = tpu.vector_load %arg9[%swap3A_594] {strides = array<i32>} : memref<384xf32, #tpu.memory_space<vmem>>, vector<16xf32>,
      tpu.vector_store %arg9[%swap3A_594], %add3A_593 {strides = array<i32>} : memref<384xf32, #tpu.memory_space<vmem>>, vector<16xf32>,
      %get3A_596 = arith.constant 336 : index
      %get3A_597 = tpu.vector_load %arg8[%get3A_596] {strides = array<i32>} : memref<384xi32, #tpu.memory_space<vmem>>, vector<16xi32>,
      %get3A_598 = arith.constant 336 : index
      %get3A_599 = tpu.vector_load %arg10[%get3A_598] {strides = array<i32>} : memref<384xi32, #tpu.memory_space<vmem>>, vector<16xi32>,
      %add3A_600 = arith.addi %get3A_597, %get3A_599 : vector<16xi32>
      %swap3A_601 = arith.constant 336 : index
      %swap3A_602 = tpu.vector_load %arg8[%swap3A_601] {strides = array<i32>} : memref<384xi32, #tpu.memory_space<vmem>>, vector<16xi32>,
      tpu.vector_store %arg8[%swap3A_601], %add3A_600 {strides = array<i32>} : memref<384xi32, #tpu.memory_space<vmem>>, vector<16xi32>,
      %get3A_603 = arith.constant 336 : index
      %get3A_604 = tpu.vector_load %arg9[%get3A_603] {strides = array<i32>} : memref<384xf32, #tpu.memory_space<vmem>>, vector<16xf32>,
      %get3A_605 = arith.constant 336 : index
      %get3A_606 = tpu.vector_load %arg11[%get3A_605] {strides = array<i32>} : memref<384xf32, #tpu.memory_space<vmem>>, vector<16xf32>,
      %add3A_607 = arith.addf %get3A_604, %get3A_606 : vector<16xf32>
      %swap3A_608 = arith.constant 336 : index
      %swap3A_609 = tpu.vector_load %arg9[%swap3A_608] {strides = array<i32>} : memref<384xf32, #tpu.memory_space<vmem>>, vector<16xf32>,
      tpu.vector_store %arg9[%swap3A_608], %add3A_607 {strides = array<i32>} : memref<384xf32, #tpu.memory_space<vmem>>, vector<16xf32>,
      %get3A_610 = arith.constant 352 : index
      %get3A_611 = tpu.vector_load %arg8[%get3A_610] {strides = array<i32>} : memref<384xi32, #tpu.memory_space<vmem>>, vector<16xi32>,
      %get3A_612 = arith.constant 352 : index
      %get3A_613 = tpu.vector_load %arg10[%get3A_612] {strides = array<i32>} : memref<384xi32, #tpu.memory_space<vmem>>, vector<16xi32>,
      %add3A_614 = arith.addi %get3A_611, %get3A_613 : vector<16xi32>
      %swap3A_615 = arith.constant 352 : index
      %swap3A_616 = tpu.vector_load %arg8[%swap3A_615] {strides = array<i32>} : memref<384xi32, #tpu.memory_space<vmem>>, vector<16xi32>,
      tpu.vector_store %arg8[%swap3A_615], %add3A_614 {strides = array<i32>} : memref<384xi32, #tpu.memory_space<vmem>>, vector<16xi32>,
      %get3A_617 = arith.constant 352 : index
      %get3A_618 = tpu.vector_load %arg9[%get3A_617] {strides = array<i32>} : memref<384xf32, #tpu.memory_space<vmem>>, vector<16xf32>,
      %get3A_619 = arith.constant 352 : index
      %get3A_620 = tpu.vector_load %arg11[%get3A_619] {strides = array<i32>} : memref<384xf32, #tpu.memory_space<vmem>>, vector<16xf32>,
      %add3A_621 = arith.addf %get3A_618, %get3A_620 : vector<16xf32>
      %swap3A_622 = arith.constant 352 : index
      %swap3A_623 = tpu.vector_load %arg9[%swap3A_622] {strides = array<i32>} : memref<384xf32, #tpu.memory_space<vmem>>, vector<16xf32>,
      tpu.vector_store %arg9[%swap3A_622], %add3A_621 {strides = array<i32>} : memref<384xf32, #tpu.memory_space<vmem>>, vector<16xf32>,
      %get3A_624 = arith.constant 368 : index
      %get3A_625 = tpu.vector_load %arg8[%get3A_624] {strides = array<i32>} : memref<384xi32, #tpu.memory_space<vmem>>, vector<16xi32>,
      %get3A_626 = arith.constant 368 : index
      %get3A_627 = tpu.vector_load %arg10[%get3A_626] {strides = array<i32>} : memref<384xi32, #tpu.memory_space<vmem>>, vector<16xi32>,
      %add3A_628 = arith.addi %get3A_625, %get3A_627 : vector<16xi32>
      %swap3A_629 = arith.constant 368 : index
      %swap3A_630 = tpu.vector_load %arg8[%swap3A_629] {strides = array<i32>} : memref<384xi32, #tpu.memory_space<vmem>>, vector<16xi32>,
      tpu.vector_store %arg8[%swap3A_629], %add3A_628 {strides = array<i32>} : memref<384xi32, #tpu.memory_space<vmem>>, vector<16xi32>,
      %get3A_631 = arith.constant 368 : index
      %get3A_632 = tpu.vector_load %arg9[%get3A_631] {strides = array<i32>} : memref<384xf32, #tpu.memory_space<vmem>>, vector<16xf32>,
      %get3A_633 = arith.constant 368 : index
      %get3A_634 = tpu.vector_load %arg11[%get3A_633] {strides = array<i32>} : memref<384xf32, #tpu.memory_space<vmem>>, vector<16xf32>,
      %add3A_635 = arith.addf %get3A_632, %get3A_634 : vector<16xf32>
      %swap3A_636 = arith.constant 368 : index
      %swap3A_637 = tpu.vector_load %arg9[%swap3A_636] {strides = array<i32>} : memref<384xf32, #tpu.memory_space<vmem>>, vector<16xf32>,
      tpu.vector_store %arg9[%swap3A_636], %add3A_635 {strides = array<i32>} : memref<384xf32, #tpu.memory_space<vmem>>, vector<16xf32>,
      %mul3A_638 = arith.constant 8 : i32
      %mul3A_639 = arith.muli %select_n3A_30, %mul3A_638 : i32
      %add3A_640 = arith.constant 1 : i32
      %add3A_641 = arith.addi %mul3A_639, %add3A_640 : i32
      %mul3A_642 = arith.constant 384 : i32
      %mul3A_643 = arith.muli %add3A_641, %mul3A_642 : i32
      "tpu.region"() ({
        %run_scoped3A = tpu.sem_alloc : memref<!tpu.dma_semaphore, #tpu.memory_space<semaphore_mem>>
        %dma_start3A = tpu.memref_slice %arg12[%mul3A_643] : memref<6144xi32, #tpu.memory_space<vmem_shared>> -> memref<384xi32, #tpu.memory_space<vmem_shared>>
        %dma_start3A_3032 = tpu.memref_slice %arg12[%mul3A_643] : memref<6144xi32, #tpu.memory_space<vmem_shared>> -> memref<384xi32, #tpu.memory_space<vmem_shared>>
        tpu.enqueue_dma source(%dma_start3A_3032 : memref<384xi32, #tpu.memory_space<vmem_shared>>) target(%arg10 : memref<384xi32, #tpu.memory_space<vmem>>) target_semaphore(%run_scoped3A : memref<!tpu.dma_semaphore, #tpu.memory_space<semaphore_mem>>)
        %dma_wait3A = tpu.memref_slice %arg12[%mul3A_643] : memref<6144xi32, #tpu.memory_space<vmem_shared>> -> memref<384xi32, #tpu.memory_space<vmem_shared>>
        %dma_wait3A_3033 = tpu.memref_slice %arg12[%mul3A_643] : memref<6144xi32, #tpu.memory_space<vmem_shared>> -> memref<384xi32, #tpu.memory_space<vmem_shared>>
        tpu.wait_dma2 semaphore(%run_scoped3A : memref<!tpu.dma_semaphore, #tpu.memory_space<semaphore_mem>>) src(%dma_wait3A_3033 : memref<384xi32, #tpu.memory_space<vmem_shared>>) dst(%arg10 : memref<384xi32, #tpu.memory_space<vmem>>)
        tpu.yield
      }) : () -> ()
      "tpu.region"() ({
        %run_scoped3A = tpu.sem_alloc : memref<!tpu.dma_semaphore, #tpu.memory_space<semaphore_mem>>
        %dma_start3A = tpu.memref_slice %arg13[%mul3A_643] : memref<6144xf32, #tpu.memory_space<vmem_shared>> -> memref<384xf32, #tpu.memory_space<vmem_shared>>
        %dma_start3A_3032 = tpu.memref_slice %arg13[%mul3A_643] : memref<6144xf32, #tpu.memory_space<vmem_shared>> -> memref<384xf32, #tpu.memory_space<vmem_shared>>
        tpu.enqueue_dma source(%dma_start3A_3032 : memref<384xf32, #tpu.memory_space<vmem_shared>>) target(%arg11 : memref<384xf32, #tpu.memory_space<vmem>>) target_semaphore(%run_scoped3A : memref<!tpu.dma_semaphore, #tpu.memory_space<semaphore_mem>>)
        %dma_wait3A = tpu.memref_slice %arg13[%mul3A_643] : memref<6144xf32, #tpu.memory_space<vmem_shared>> -> memref<384xf32, #tpu.memory_space<vmem_shared>>
        %dma_wait3A_3033 = tpu.memref_slice %arg13[%mul3A_643] : memref<6144xf32, #tpu.memory_space<vmem_shared>> -> memref<384xf32, #tpu.memory_space<vmem_shared>>
        tpu.wait_dma2 semaphore(%run_scoped3A : memref<!tpu.dma_semaphore, #tpu.memory_space<semaphore_mem>>) src(%dma_wait3A_3033 : memref<384xf32, #tpu.memory_space<vmem_shared>>) dst(%arg11 : memref<384xf32, #tpu.memory_space<vmem>>)
        tpu.yield
      }) : () -> ()
      %get3A_644 = arith.constant 0 : index
      %get3A_645 = tpu.vector_load %arg8[%get3A_644] {strides = array<i32>} : memref<384xi32, #tpu.memory_space<vmem>>, vector<16xi32>,
      %get3A_646 = arith.constant 0 : index
      %get3A_647 = tpu.vector_load %arg10[%get3A_646] {strides = array<i32>} : memref<384xi32, #tpu.memory_space<vmem>>, vector<16xi32>,
      %add3A_648 = arith.addi %get3A_645, %get3A_647 : vector<16xi32>
      %swap3A_649 = arith.constant 0 : index
      %swap3A_650 = tpu.vector_load %arg8[%swap3A_649] {strides = array<i32>} : memref<384xi32, #tpu.memory_space<vmem>>, vector<16xi32>,
      tpu.vector_store %arg8[%swap3A_649], %add3A_648 {strides = array<i32>} : memref<384xi32, #tpu.memory_space<vmem>>, vector<16xi32>,
      %get3A_651 = arith.constant 0 : index
      %get3A_652 = tpu.vector_load %arg9[%get3A_651] {strides = array<i32>} : memref<384xf32, #tpu.memory_space<vmem>>, vector<16xf32>,
      %get3A_653 = arith.constant 0 : index
      %get3A_654 = tpu.vector_load %arg11[%get3A_653] {strides = array<i32>} : memref<384xf32, #tpu.memory_space<vmem>>, vector<16xf32>,
      %add3A_655 = arith.addf %get3A_652, %get3A_654 : vector<16xf32>
      %swap3A_656 = arith.constant 0 : index
      %swap3A_657 = tpu.vector_load %arg9[%swap3A_656] {strides = array<i32>} : memref<384xf32, #tpu.memory_space<vmem>>, vector<16xf32>,
      tpu.vector_store %arg9[%swap3A_656], %add3A_655 {strides = array<i32>} : memref<384xf32, #tpu.memory_space<vmem>>, vector<16xf32>,
      %get3A_658 = arith.constant 16 : index
      %get3A_659 = tpu.vector_load %arg8[%get3A_658] {strides = array<i32>} : memref<384xi32, #tpu.memory_space<vmem>>, vector<16xi32>,
      %get3A_660 = arith.constant 16 : index
      %get3A_661 = tpu.vector_load %arg10[%get3A_660] {strides = array<i32>} : memref<384xi32, #tpu.memory_space<vmem>>, vector<16xi32>,
      %add3A_662 = arith.addi %get3A_659, %get3A_661 : vector<16xi32>
      %swap3A_663 = arith.constant 16 : index
      %swap3A_664 = tpu.vector_load %arg8[%swap3A_663] {strides = array<i32>} : memref<384xi32, #tpu.memory_space<vmem>>, vector<16xi32>,
      tpu.vector_store %arg8[%swap3A_663], %add3A_662 {strides = array<i32>} : memref<384xi32, #tpu.memory_space<vmem>>, vector<16xi32>,
      %get3A_665 = arith.constant 16 : index
      %get3A_666 = tpu.vector_load %arg9[%get3A_665] {strides = array<i32>} : memref<384xf32, #tpu.memory_space<vmem>>, vector<16xf32>,
      %get3A_667 = arith.constant 16 : index
      %get3A_668 = tpu.vector_load %arg11[%get3A_667] {strides = array<i32>} : memref<384xf32, #tpu.memory_space<vmem>>, vector<16xf32>,
      %add3A_669 = arith.addf %get3A_666, %get3A_668 : vector<16xf32>
      %swap3A_670 = arith.constant 16 : index
      %swap3A_671 = tpu.vector_load %arg9[%swap3A_670] {strides = array<i32>} : memref<384xf32, #tpu.memory_space<vmem>>, vector<16xf32>,
      tpu.vector_store %arg9[%swap3A_670], %add3A_669 {strides = array<i32>} : memref<384xf32, #tpu.memory_space<vmem>>, vector<16xf32>,
      %get3A_672 = arith.constant 32 : index
      %get3A_673 = tpu.vector_load %arg8[%get3A_672] {strides = array<i32>} : memref<384xi32, #tpu.memory_space<vmem>>, vector<16xi32>,
      %get3A_674 = arith.constant 32 : index
      %get3A_675 = tpu.vector_load %arg10[%get3A_674] {strides = array<i32>} : memref<384xi32, #tpu.memory_space<vmem>>, vector<16xi32>,
      %add3A_676 = arith.addi %get3A_673, %get3A_675 : vector<16xi32>
      %swap3A_677 = arith.constant 32 : index
      %swap3A_678 = tpu.vector_load %arg8[%swap3A_677] {strides = array<i32>} : memref<384xi32, #tpu.memory_space<vmem>>, vector<16xi32>,
      tpu.vector_store %arg8[%swap3A_677], %add3A_676 {strides = array<i32>} : memref<384xi32, #tpu.memory_space<vmem>>, vector<16xi32>,
      %get3A_679 = arith.constant 32 : index
      %get3A_680 = tpu.vector_load %arg9[%get3A_679] {strides = array<i32>} : memref<384xf32, #tpu.memory_space<vmem>>, vector<16xf32>,
      %get3A_681 = arith.constant 32 : index
      %get3A_682 = tpu.vector_load %arg11[%get3A_681] {strides = array<i32>} : memref<384xf32, #tpu.memory_space<vmem>>, vector<16xf32>,
      %add3A_683 = arith.addf %get3A_680, %get3A_682 : vector<16xf32>
      %swap3A_684 = arith.constant 32 : index
      %swap3A_685 = tpu.vector_load %arg9[%swap3A_684] {strides = array<i32>} : memref<384xf32, #tpu.memory_space<vmem>>, vector<16xf32>,
      tpu.vector_store %arg9[%swap3A_684], %add3A_683 {strides = array<i32>} : memref<384xf32, #tpu.memory_space<vmem>>, vector<16xf32>,
      %get3A_686 = arith.constant 48 : index
      %get3A_687 = tpu.vector_load %arg8[%get3A_686] {strides = array<i32>} : memref<384xi32, #tpu.memory_space<vmem>>, vector<16xi32>,
      %get3A_688 = arith.constant 48 : index
      %get3A_689 = tpu.vector_load %arg10[%get3A_688] {strides = array<i32>} : memref<384xi32, #tpu.memory_space<vmem>>, vector<16xi32>,
      %add3A_690 = arith.addi %get3A_687, %get3A_689 : vector<16xi32>
      %swap3A_691 = arith.constant 48 : index
      %swap3A_692 = tpu.vector_load %arg8[%swap3A_691] {strides = array<i32>} : memref<384xi32, #tpu.memory_space<vmem>>, vector<16xi32>,
      tpu.vector_store %arg8[%swap3A_691], %add3A_690 {strides = array<i32>} : memref<384xi32, #tpu.memory_space<vmem>>, vector<16xi32>,
      %get3A_693 = arith.constant 48 : index
      %get3A_694 = tpu.vector_load %arg9[%get3A_693] {strides = array<i32>} : memref<384xf32, #tpu.memory_space<vmem>>, vector<16xf32>,
      %get3A_695 = arith.constant 48 : index
      %get3A_696 = tpu.vector_load %arg11[%get3A_695] {strides = array<i32>} : memref<384xf32, #tpu.memory_space<vmem>>, vector<16xf32>,
      %add3A_697 = arith.addf %get3A_694, %get3A_696 : vector<16xf32>
      %swap3A_698 = arith.constant 48 : index
      %swap3A_699 = tpu.vector_load %arg9[%swap3A_698] {strides = array<i32>} : memref<384xf32, #tpu.memory_space<vmem>>, vector<16xf32>,
      tpu.vector_store %arg9[%swap3A_698], %add3A_697 {strides = array<i32>} : memref<384xf32, #tpu.memory_space<vmem>>, vector<16xf32>,
      %get3A_700 = arith.constant 64 : index
      %get3A_701 = tpu.vector_load %arg8[%get3A_700] {strides = array<i32>} : memref<384xi32, #tpu.memory_space<vmem>>, vector<16xi32>,
      %get3A_702 = arith.constant 64 : index
      %get3A_703 = tpu.vector_load %arg10[%get3A_702] {strides = array<i32>} : memref<384xi32, #tpu.memory_space<vmem>>, vector<16xi32>,
      %add3A_704 = arith.addi %get3A_701, %get3A_703 : vector<16xi32>
      %swap3A_705 = arith.constant 64 : index
      %swap3A_706 = tpu.vector_load %arg8[%swap3A_705] {strides = array<i32>} : memref<384xi32, #tpu.memory_space<vmem>>, vector<16xi32>,
      tpu.vector_store %arg8[%swap3A_705], %add3A_704 {strides = array<i32>} : memref<384xi32, #tpu.memory_space<vmem>>, vector<16xi32>,
      %get3A_707 = arith.constant 64 : index
      %get3A_708 = tpu.vector_load %arg9[%get3A_707] {strides = array<i32>} : memref<384xf32, #tpu.memory_space<vmem>>, vector<16xf32>,
      %get3A_709 = arith.constant 64 : index
      %get3A_710 = tpu.vector_load %arg11[%get3A_709] {strides = array<i32>} : memref<384xf32, #tpu.memory_space<vmem>>, vector<16xf32>,
      %add3A_711 = arith.addf %get3A_708, %get3A_710 : vector<16xf32>
      %swap3A_712 = arith.constant 64 : index
      %swap3A_713 = tpu.vector_load %arg9[%swap3A_712] {strides = array<i32>} : memref<384xf32, #tpu.memory_space<vmem>>, vector<16xf32>,
      tpu.vector_store %arg9[%swap3A_712], %add3A_711 {strides = array<i32>} : memref<384xf32, #tpu.memory_space<vmem>>, vector<16xf32>,
      %get3A_714 = arith.constant 80 : index
      %get3A_715 = tpu.vector_load %arg8[%get3A_714] {strides = array<i32>} : memref<384xi32, #tpu.memory_space<vmem>>, vector<16xi32>,
      %get3A_716 = arith.constant 80 : index
      %get3A_717 = tpu.vector_load %arg10[%get3A_716] {strides = array<i32>} : memref<384xi32, #tpu.memory_space<vmem>>, vector<16xi32>,
      %add3A_718 = arith.addi %get3A_715, %get3A_717 : vector<16xi32>
      %swap3A_719 = arith.constant 80 : index
      %swap3A_720 = tpu.vector_load %arg8[%swap3A_719] {strides = array<i32>} : memref<384xi32, #tpu.memory_space<vmem>>, vector<16xi32>,
      tpu.vector_store %arg8[%swap3A_719], %add3A_718 {strides = array<i32>} : memref<384xi32, #tpu.memory_space<vmem>>, vector<16xi32>,
      %get3A_721 = arith.constant 80 : index
      %get3A_722 = tpu.vector_load %arg9[%get3A_721] {strides = array<i32>} : memref<384xf32, #tpu.memory_space<vmem>>, vector<16xf32>,
      %get3A_723 = arith.constant 80 : index
      %get3A_724 = tpu.vector_load %arg11[%get3A_723] {strides = array<i32>} : memref<384xf32, #tpu.memory_space<vmem>>, vector<16xf32>,
      %add3A_725 = arith.addf %get3A_722, %get3A_724 : vector<16xf32>
      %swap3A_726 = arith.constant 80 : index
      %swap3A_727 = tpu.vector_load %arg9[%swap3A_726] {strides = array<i32>} : memref<384xf32, #tpu.memory_space<vmem>>, vector<16xf32>,
      tpu.vector_store %arg9[%swap3A_726], %add3A_725 {strides = array<i32>} : memref<384xf32, #tpu.memory_space<vmem>>, vector<16xf32>,
      %get3A_728 = arith.constant 96 : index
      %get3A_729 = tpu.vector_load %arg8[%get3A_728] {strides = array<i32>} : memref<384xi32, #tpu.memory_space<vmem>>, vector<16xi32>,
      %get3A_730 = arith.constant 96 : index
      %get3A_731 = tpu.vector_load %arg10[%get3A_730] {strides = array<i32>} : memref<384xi32, #tpu.memory_space<vmem>>, vector<16xi32>,
      %add3A_732 = arith.addi %get3A_729, %get3A_731 : vector<16xi32>
      %swap3A_733 = arith.constant 96 : index
      %swap3A_734 = tpu.vector_load %arg8[%swap3A_733] {strides = array<i32>} : memref<384xi32, #tpu.memory_space<vmem>>, vector<16xi32>,
      tpu.vector_store %arg8[%swap3A_733], %add3A_732 {strides = array<i32>} : memref<384xi32, #tpu.memory_space<vmem>>, vector<16xi32>,
      %get3A_735 = arith.constant 96 : index
      %get3A_736 = tpu.vector_load %arg9[%get3A_735] {strides = array<i32>} : memref<384xf32, #tpu.memory_space<vmem>>, vector<16xf32>,
      %get3A_737 = arith.constant 96 : index
      %get3A_738 = tpu.vector_load %arg11[%get3A_737] {strides = array<i32>} : memref<384xf32, #tpu.memory_space<vmem>>, vector<16xf32>,
      %add3A_739 = arith.addf %get3A_736, %get3A_738 : vector<16xf32>
      %swap3A_740 = arith.constant 96 : index
      %swap3A_741 = tpu.vector_load %arg9[%swap3A_740] {strides = array<i32>} : memref<384xf32, #tpu.memory_space<vmem>>, vector<16xf32>,
      tpu.vector_store %arg9[%swap3A_740], %add3A_739 {strides = array<i32>} : memref<384xf32, #tpu.memory_space<vmem>>, vector<16xf32>,
      %get3A_742 = arith.constant 112 : index
      %get3A_743 = tpu.vector_load %arg8[%get3A_742] {strides = array<i32>} : memref<384xi32, #tpu.memory_space<vmem>>, vector<16xi32>,
      %get3A_744 = arith.constant 112 : index
      %get3A_745 = tpu.vector_load %arg10[%get3A_744] {strides = array<i32>} : memref<384xi32, #tpu.memory_space<vmem>>, vector<16xi32>,
      %add3A_746 = arith.addi %get3A_743, %get3A_745 : vector<16xi32>
      %swap3A_747 = arith.constant 112 : index
      %swap3A_748 = tpu.vector_load %arg8[%swap3A_747] {strides = array<i32>} : memref<384xi32, #tpu.memory_space<vmem>>, vector<16xi32>,
      tpu.vector_store %arg8[%swap3A_747], %add3A_746 {strides = array<i32>} : memref<384xi32, #tpu.memory_space<vmem>>, vector<16xi32>,
      %get3A_749 = arith.constant 112 : index
      %get3A_750 = tpu.vector_load %arg9[%get3A_749] {strides = array<i32>} : memref<384xf32, #tpu.memory_space<vmem>>, vector<16xf32>,
      %get3A_751 = arith.constant 112 : index
      %get3A_752 = tpu.vector_load %arg11[%get3A_751] {strides = array<i32>} : memref<384xf32, #tpu.memory_space<vmem>>, vector<16xf32>,
      %add3A_753 = arith.addf %get3A_750, %get3A_752 : vector<16xf32>
      %swap3A_754 = arith.constant 112 : index
      %swap3A_755 = tpu.vector_load %arg9[%swap3A_754] {strides = array<i32>} : memref<384xf32, #tpu.memory_space<vmem>>, vector<16xf32>,
      tpu.vector_store %arg9[%swap3A_754], %add3A_753 {strides = array<i32>} : memref<384xf32, #tpu.memory_space<vmem>>, vector<16xf32>,
      %get3A_756 = arith.constant 128 : index
      %get3A_757 = tpu.vector_load %arg8[%get3A_756] {strides = array<i32>} : memref<384xi32, #tpu.memory_space<vmem>>, vector<16xi32>,
      %get3A_758 = arith.constant 128 : index
      %get3A_759 = tpu.vector_load %arg10[%get3A_758] {strides = array<i32>} : memref<384xi32, #tpu.memory_space<vmem>>, vector<16xi32>,
      %add3A_760 = arith.addi %get3A_757, %get3A_759 : vector<16xi32>
      %swap3A_761 = arith.constant 128 : index
      %swap3A_762 = tpu.vector_load %arg8[%swap3A_761] {strides = array<i32>} : memref<384xi32, #tpu.memory_space<vmem>>, vector<16xi32>,
      tpu.vector_store %arg8[%swap3A_761], %add3A_760 {strides = array<i32>} : memref<384xi32, #tpu.memory_space<vmem>>, vector<16xi32>,
      %get3A_763 = arith.constant 128 : index
      %get3A_764 = tpu.vector_load %arg9[%get3A_763] {strides = array<i32>} : memref<384xf32, #tpu.memory_space<vmem>>, vector<16xf32>,
      %get3A_765 = arith.constant 128 : index
      %get3A_766 = tpu.vector_load %arg11[%get3A_765] {strides = array<i32>} : memref<384xf32, #tpu.memory_space<vmem>>, vector<16xf32>,
      %add3A_767 = arith.addf %get3A_764, %get3A_766 : vector<16xf32>
      %swap3A_768 = arith.constant 128 : index
      %swap3A_769 = tpu.vector_load %arg9[%swap3A_768] {strides = array<i32>} : memref<384xf32, #tpu.memory_space<vmem>>, vector<16xf32>,
      tpu.vector_store %arg9[%swap3A_768], %add3A_767 {strides = array<i32>} : memref<384xf32, #tpu.memory_space<vmem>>, vector<16xf32>,
      %get3A_770 = arith.constant 144 : index
      %get3A_771 = tpu.vector_load %arg8[%get3A_770] {strides = array<i32>} : memref<384xi32, #tpu.memory_space<vmem>>, vector<16xi32>,
      %get3A_772 = arith.constant 144 : index
      %get3A_773 = tpu.vector_load %arg10[%get3A_772] {strides = array<i32>} : memref<384xi32, #tpu.memory_space<vmem>>, vector<16xi32>,
      %add3A_774 = arith.addi %get3A_771, %get3A_773 : vector<16xi32>
      %swap3A_775 = arith.constant 144 : index
      %swap3A_776 = tpu.vector_load %arg8[%swap3A_775] {strides = array<i32>} : memref<384xi32, #tpu.memory_space<vmem>>, vector<16xi32>,
      tpu.vector_store %arg8[%swap3A_775], %add3A_774 {strides = array<i32>} : memref<384xi32, #tpu.memory_space<vmem>>, vector<16xi32>,
      %get3A_777 = arith.constant 144 : index
      %get3A_778 = tpu.vector_load %arg9[%get3A_777] {strides = array<i32>} : memref<384xf32, #tpu.memory_space<vmem>>, vector<16xf32>,
      %get3A_779 = arith.constant 144 : index
      %get3A_780 = tpu.vector_load %arg11[%get3A_779] {strides = array<i32>} : memref<384xf32, #tpu.memory_space<vmem>>, vector<16xf32>,
      %add3A_781 = arith.addf %get3A_778, %get3A_780 : vector<16xf32>
      %swap3A_782 = arith.constant 144 : index
      %swap3A_783 = tpu.vector_load %arg9[%swap3A_782] {strides = array<i32>} : memref<384xf32, #tpu.memory_space<vmem>>, vector<16xf32>,
      tpu.vector_store %arg9[%swap3A_782], %add3A_781 {strides = array<i32>} : memref<384xf32, #tpu.memory_space<vmem>>, vector<16xf32>,
      %get3A_784 = arith.constant 160 : index
      %get3A_785 = tpu.vector_load %arg8[%get3A_784] {strides = array<i32>} : memref<384xi32, #tpu.memory_space<vmem>>, vector<16xi32>,
      %get3A_786 = arith.constant 160 : index
      %get3A_787 = tpu.vector_load %arg10[%get3A_786] {strides = array<i32>} : memref<384xi32, #tpu.memory_space<vmem>>, vector<16xi32>,
      %add3A_788 = arith.addi %get3A_785, %get3A_787 : vector<16xi32>
      %swap3A_789 = arith.constant 160 : index
      %swap3A_790 = tpu.vector_load %arg8[%swap3A_789] {strides = array<i32>} : memref<384xi32, #tpu.memory_space<vmem>>, vector<16xi32>,
      tpu.vector_store %arg8[%swap3A_789], %add3A_788 {strides = array<i32>} : memref<384xi32, #tpu.memory_space<vmem>>, vector<16xi32>,
      %get3A_791 = arith.constant 160 : index
      %get3A_792 = tpu.vector_load %arg9[%get3A_791] {strides = array<i32>} : memref<384xf32, #tpu.memory_space<vmem>>, vector<16xf32>,
      %get3A_793 = arith.constant 160 : index
      %get3A_794 = tpu.vector_load %arg11[%get3A_793] {strides = array<i32>} : memref<384xf32, #tpu.memory_space<vmem>>, vector<16xf32>,
      %add3A_795 = arith.addf %get3A_792, %get3A_794 : vector<16xf32>
      %swap3A_796 = arith.constant 160 : index
      %swap3A_797 = tpu.vector_load %arg9[%swap3A_796] {strides = array<i32>} : memref<384xf32, #tpu.memory_space<vmem>>, vector<16xf32>,
      tpu.vector_store %arg9[%swap3A_796], %add3A_795 {strides = array<i32>} : memref<384xf32, #tpu.memory_space<vmem>>, vector<16xf32>,
      %get3A_798 = arith.constant 176 : index
      %get3A_799 = tpu.vector_load %arg8[%get3A_798] {strides = array<i32>} : memref<384xi32, #tpu.memory_space<vmem>>, vector<16xi32>,
      %get3A_800 = arith.constant 176 : index
      %get3A_801 = tpu.vector_load %arg10[%get3A_800] {strides = array<i32>} : memref<384xi32, #tpu.memory_space<vmem>>, vector<16xi32>,
      %add3A_802 = arith.addi %get3A_799, %get3A_801 : vector<16xi32>
      %swap3A_803 = arith.constant 176 : index
      %swap3A_804 = tpu.vector_load %arg8[%swap3A_803] {strides = array<i32>} : memref<384xi32, #tpu.memory_space<vmem>>, vector<16xi32>,
      tpu.vector_store %arg8[%swap3A_803], %add3A_802 {strides = array<i32>} : memref<384xi32, #tpu.memory_space<vmem>>, vector<16xi32>,
      %get3A_805 = arith.constant 176 : index
      %get3A_806 = tpu.vector_load %arg9[%get3A_805] {strides = array<i32>} : memref<384xf32, #tpu.memory_space<vmem>>, vector<16xf32>,
      %get3A_807 = arith.constant 176 : index
      %get3A_808 = tpu.vector_load %arg11[%get3A_807] {strides = array<i32>} : memref<384xf32, #tpu.memory_space<vmem>>, vector<16xf32>,
      %add3A_809 = arith.addf %get3A_806, %get3A_808 : vector<16xf32>
      %swap3A_810 = arith.constant 176 : index
      %swap3A_811 = tpu.vector_load %arg9[%swap3A_810] {strides = array<i32>} : memref<384xf32, #tpu.memory_space<vmem>>, vector<16xf32>,
      tpu.vector_store %arg9[%swap3A_810], %add3A_809 {strides = array<i32>} : memref<384xf32, #tpu.memory_space<vmem>>, vector<16xf32>,
      %get3A_812 = arith.constant 192 : index
      %get3A_813 = tpu.vector_load %arg8[%get3A_812] {strides = array<i32>} : memref<384xi32, #tpu.memory_space<vmem>>, vector<16xi32>,
      %get3A_814 = arith.constant 192 : index
      %get3A_815 = tpu.vector_load %arg10[%get3A_814] {strides = array<i32>} : memref<384xi32, #tpu.memory_space<vmem>>, vector<16xi32>,
      %add3A_816 = arith.addi %get3A_813, %get3A_815 : vector<16xi32>
      %swap3A_817 = arith.constant 192 : index
      %swap3A_818 = tpu.vector_load %arg8[%swap3A_817] {strides = array<i32>} : memref<384xi32, #tpu.memory_space<vmem>>, vector<16xi32>,
      tpu.vector_store %arg8[%swap3A_817], %add3A_816 {strides = array<i32>} : memref<384xi32, #tpu.memory_space<vmem>>, vector<16xi32>,
      %get3A_819 = arith.constant 192 : index
      %get3A_820 = tpu.vector_load %arg9[%get3A_819] {strides = array<i32>} : memref<384xf32, #tpu.memory_space<vmem>>, vector<16xf32>,
      %get3A_821 = arith.constant 192 : index
      %get3A_822 = tpu.vector_load %arg11[%get3A_821] {strides = array<i32>} : memref<384xf32, #tpu.memory_space<vmem>>, vector<16xf32>,
      %add3A_823 = arith.addf %get3A_820, %get3A_822 : vector<16xf32>
      %swap3A_824 = arith.constant 192 : index
      %swap3A_825 = tpu.vector_load %arg9[%swap3A_824] {strides = array<i32>} : memref<384xf32, #tpu.memory_space<vmem>>, vector<16xf32>,
      tpu.vector_store %arg9[%swap3A_824], %add3A_823 {strides = array<i32>} : memref<384xf32, #tpu.memory_space<vmem>>, vector<16xf32>,
      %get3A_826 = arith.constant 208 : index
      %get3A_827 = tpu.vector_load %arg8[%get3A_826] {strides = array<i32>} : memref<384xi32, #tpu.memory_space<vmem>>, vector<16xi32>,
      %get3A_828 = arith.constant 208 : index
      %get3A_829 = tpu.vector_load %arg10[%get3A_828] {strides = array<i32>} : memref<384xi32, #tpu.memory_space<vmem>>, vector<16xi32>,
      %add3A_830 = arith.addi %get3A_827, %get3A_829 : vector<16xi32>
      %swap3A_831 = arith.constant 208 : index
      %swap3A_832 = tpu.vector_load %arg8[%swap3A_831] {strides = array<i32>} : memref<384xi32, #tpu.memory_space<vmem>>, vector<16xi32>,
      tpu.vector_store %arg8[%swap3A_831], %add3A_830 {strides = array<i32>} : memref<384xi32, #tpu.memory_space<vmem>>, vector<16xi32>,
      %get3A_833 = arith.constant 208 : index
      %get3A_834 = tpu.vector_load %arg9[%get3A_833] {strides = array<i32>} : memref<384xf32, #tpu.memory_space<vmem>>, vector<16xf32>,
      %get3A_835 = arith.constant 208 : index
      %get3A_836 = tpu.vector_load %arg11[%get3A_835] {strides = array<i32>} : memref<384xf32, #tpu.memory_space<vmem>>, vector<16xf32>,
      %add3A_837 = arith.addf %get3A_834, %get3A_836 : vector<16xf32>
      %swap3A_838 = arith.constant 208 : index
      %swap3A_839 = tpu.vector_load %arg9[%swap3A_838] {strides = array<i32>} : memref<384xf32, #tpu.memory_space<vmem>>, vector<16xf32>,
      tpu.vector_store %arg9[%swap3A_838], %add3A_837 {strides = array<i32>} : memref<384xf32, #tpu.memory_space<vmem>>, vector<16xf32>,
      %get3A_840 = arith.constant 224 : index
      %get3A_841 = tpu.vector_load %arg8[%get3A_840] {strides = array<i32>} : memref<384xi32, #tpu.memory_space<vmem>>, vector<16xi32>,
      %get3A_842 = arith.constant 224 : index
      %get3A_843 = tpu.vector_load %arg10[%get3A_842] {strides = array<i32>} : memref<384xi32, #tpu.memory_space<vmem>>, vector<16xi32>,
      %add3A_844 = arith.addi %get3A_841, %get3A_843 : vector<16xi32>
      %swap3A_845 = arith.constant 224 : index
      %swap3A_846 = tpu.vector_load %arg8[%swap3A_845] {strides = array<i32>} : memref<384xi32, #tpu.memory_space<vmem>>, vector<16xi32>,
      tpu.vector_store %arg8[%swap3A_845], %add3A_844 {strides = array<i32>} : memref<384xi32, #tpu.memory_space<vmem>>, vector<16xi32>,
      %get3A_847 = arith.constant 224 : index
      %get3A_848 = tpu.vector_load %arg9[%get3A_847] {strides = array<i32>} : memref<384xf32, #tpu.memory_space<vmem>>, vector<16xf32>,
      %get3A_849 = arith.constant 224 : index
      %get3A_850 = tpu.vector_load %arg11[%get3A_849] {strides = array<i32>} : memref<384xf32, #tpu.memory_space<vmem>>, vector<16xf32>,
      %add3A_851 = arith.addf %get3A_848, %get3A_850 : vector<16xf32>
      %swap3A_852 = arith.constant 224 : index
      %swap3A_853 = tpu.vector_load %arg9[%swap3A_852] {strides = array<i32>} : memref<384xf32, #tpu.memory_space<vmem>>, vector<16xf32>,
      tpu.vector_store %arg9[%swap3A_852], %add3A_851 {strides = array<i32>} : memref<384xf32, #tpu.memory_space<vmem>>, vector<16xf32>,
      %get3A_854 = arith.constant 240 : index
      %get3A_855 = tpu.vector_load %arg8[%get3A_854] {strides = array<i32>} : memref<384xi32, #tpu.memory_space<vmem>>, vector<16xi32>,
      %get3A_856 = arith.constant 240 : index
      %get3A_857 = tpu.vector_load %arg10[%get3A_856] {strides = array<i32>} : memref<384xi32, #tpu.memory_space<vmem>>, vector<16xi32>,
      %add3A_858 = arith.addi %get3A_855, %get3A_857 : vector<16xi32>
      %swap3A_859 = arith.constant 240 : index
      %swap3A_860 = tpu.vector_load %arg8[%swap3A_859] {strides = array<i32>} : memref<384xi32, #tpu.memory_space<vmem>>, vector<16xi32>,
      tpu.vector_store %arg8[%swap3A_859], %add3A_858 {strides = array<i32>} : memref<384xi32, #tpu.memory_space<vmem>>, vector<16xi32>,
      %get3A_861 = arith.constant 240 : index
      %get3A_862 = tpu.vector_load %arg9[%get3A_861] {strides = array<i32>} : memref<384xf32, #tpu.memory_space<vmem>>, vector<16xf32>,
      %get3A_863 = arith.constant 240 : index
      %get3A_864 = tpu.vector_load %arg11[%get3A_863] {strides = array<i32>} : memref<384xf32, #tpu.memory_space<vmem>>, vector<16xf32>,
      %add3A_865 = arith.addf %get3A_862, %get3A_864 : vector<16xf32>
      %swap3A_866 = arith.constant 240 : index
      %swap3A_867 = tpu.vector_load %arg9[%swap3A_866] {strides = array<i32>} : memref<384xf32, #tpu.memory_space<vmem>>, vector<16xf32>,
      tpu.vector_store %arg9[%swap3A_866], %add3A_865 {strides = array<i32>} : memref<384xf32, #tpu.memory_space<vmem>>, vector<16xf32>,
      %get3A_868 = arith.constant 256 : index
      %get3A_869 = tpu.vector_load %arg8[%get3A_868] {strides = array<i32>} : memref<384xi32, #tpu.memory_space<vmem>>, vector<16xi32>,
      %get3A_870 = arith.constant 256 : index
      %get3A_871 = tpu.vector_load %arg10[%get3A_870] {strides = array<i32>} : memref<384xi32, #tpu.memory_space<vmem>>, vector<16xi32>,
      %add3A_872 = arith.addi %get3A_869, %get3A_871 : vector<16xi32>
      %swap3A_873 = arith.constant 256 : index
      %swap3A_874 = tpu.vector_load %arg8[%swap3A_873] {strides = array<i32>} : memref<384xi32, #tpu.memory_space<vmem>>, vector<16xi32>,
      tpu.vector_store %arg8[%swap3A_873], %add3A_872 {strides = array<i32>} : memref<384xi32, #tpu.memory_space<vmem>>, vector<16xi32>,
      %get3A_875 = arith.constant 256 : index
      %get3A_876 = tpu.vector_load %arg9[%get3A_875] {strides = array<i32>} : memref<384xf32, #tpu.memory_space<vmem>>, vector<16xf32>,
      %get3A_877 = arith.constant 256 : index
      %get3A_878 = tpu.vector_load %arg11[%get3A_877] {strides = array<i32>} : memref<384xf32, #tpu.memory_space<vmem>>, vector<16xf32>,
      %add3A_879 = arith.addf %get3A_876, %get3A_878 : vector<16xf32>
      %swap3A_880 = arith.constant 256 : index
      %swap3A_881 = tpu.vector_load %arg9[%swap3A_880] {strides = array<i32>} : memref<384xf32, #tpu.memory_space<vmem>>, vector<16xf32>,
      tpu.vector_store %arg9[%swap3A_880], %add3A_879 {strides = array<i32>} : memref<384xf32, #tpu.memory_space<vmem>>, vector<16xf32>,
      %get3A_882 = arith.constant 272 : index
      %get3A_883 = tpu.vector_load %arg8[%get3A_882] {strides = array<i32>} : memref<384xi32, #tpu.memory_space<vmem>>, vector<16xi32>,
      %get3A_884 = arith.constant 272 : index
      %get3A_885 = tpu.vector_load %arg10[%get3A_884] {strides = array<i32>} : memref<384xi32, #tpu.memory_space<vmem>>, vector<16xi32>,
      %add3A_886 = arith.addi %get3A_883, %get3A_885 : vector<16xi32>
      %swap3A_887 = arith.constant 272 : index
      %swap3A_888 = tpu.vector_load %arg8[%swap3A_887] {strides = array<i32>} : memref<384xi32, #tpu.memory_space<vmem>>, vector<16xi32>,
      tpu.vector_store %arg8[%swap3A_887], %add3A_886 {strides = array<i32>} : memref<384xi32, #tpu.memory_space<vmem>>, vector<16xi32>,
      %get3A_889 = arith.constant 272 : index
      %get3A_890 = tpu.vector_load %arg9[%get3A_889] {strides = array<i32>} : memref<384xf32, #tpu.memory_space<vmem>>, vector<16xf32>,
      %get3A_891 = arith.constant 272 : index
      %get3A_892 = tpu.vector_load %arg11[%get3A_891] {strides = array<i32>} : memref<384xf32, #tpu.memory_space<vmem>>, vector<16xf32>,
      %add3A_893 = arith.addf %get3A_890, %get3A_892 : vector<16xf32>
      %swap3A_894 = arith.constant 272 : index
      %swap3A_895 = tpu.vector_load %arg9[%swap3A_894] {strides = array<i32>} : memref<384xf32, #tpu.memory_space<vmem>>, vector<16xf32>,
      tpu.vector_store %arg9[%swap3A_894], %add3A_893 {strides = array<i32>} : memref<384xf32, #tpu.memory_space<vmem>>, vector<16xf32>,
      %get3A_896 = arith.constant 288 : index
      %get3A_897 = tpu.vector_load %arg8[%get3A_896] {strides = array<i32>} : memref<384xi32, #tpu.memory_space<vmem>>, vector<16xi32>,
      %get3A_898 = arith.constant 288 : index
      %get3A_899 = tpu.vector_load %arg10[%get3A_898] {strides = array<i32>} : memref<384xi32, #tpu.memory_space<vmem>>, vector<16xi32>,
      %add3A_900 = arith.addi %get3A_897, %get3A_899 : vector<16xi32>
      %swap3A_901 = arith.constant 288 : index
      %swap3A_902 = tpu.vector_load %arg8[%swap3A_901] {strides = array<i32>} : memref<384xi32, #tpu.memory_space<vmem>>, vector<16xi32>,
      tpu.vector_store %arg8[%swap3A_901], %add3A_900 {strides = array<i32>} : memref<384xi32, #tpu.memory_space<vmem>>, vector<16xi32>,
      %get3A_903 = arith.constant 288 : index
      %get3A_904 = tpu.vector_load %arg9[%get3A_903] {strides = array<i32>} : memref<384xf32, #tpu.memory_space<vmem>>, vector<16xf32>,
      %get3A_905 = arith.constant 288 : index
      %get3A_906 = tpu.vector_load %arg11[%get3A_905] {strides = array<i32>} : memref<384xf32, #tpu.memory_space<vmem>>, vector<16xf32>,
      %add3A_907 = arith.addf %get3A_904, %get3A_906 : vector<16xf32>
      %swap3A_908 = arith.constant 288 : index
      %swap3A_909 = tpu.vector_load %arg9[%swap3A_908] {strides = array<i32>} : memref<384xf32, #tpu.memory_space<vmem>>, vector<16xf32>,
      tpu.vector_store %arg9[%swap3A_908], %add3A_907 {strides = array<i32>} : memref<384xf32, #tpu.memory_space<vmem>>, vector<16xf32>,
      %get3A_910 = arith.constant 304 : index
      %get3A_911 = tpu.vector_load %arg8[%get3A_910] {strides = array<i32>} : memref<384xi32, #tpu.memory_space<vmem>>, vector<16xi32>,
      %get3A_912 = arith.constant 304 : index
      %get3A_913 = tpu.vector_load %arg10[%get3A_912] {strides = array<i32>} : memref<384xi32, #tpu.memory_space<vmem>>, vector<16xi32>,
      %add3A_914 = arith.addi %get3A_911, %get3A_913 : vector<16xi32>
      %swap3A_915 = arith.constant 304 : index
      %swap3A_916 = tpu.vector_load %arg8[%swap3A_915] {strides = array<i32>} : memref<384xi32, #tpu.memory_space<vmem>>, vector<16xi32>,
      tpu.vector_store %arg8[%swap3A_915], %add3A_914 {strides = array<i32>} : memref<384xi32, #tpu.memory_space<vmem>>, vector<16xi32>,
      %get3A_917 = arith.constant 304 : index
      %get3A_918 = tpu.vector_load %arg9[%get3A_917] {strides = array<i32>} : memref<384xf32, #tpu.memory_space<vmem>>, vector<16xf32>,
      %get3A_919 = arith.constant 304 : index
      %get3A_920 = tpu.vector_load %arg11[%get3A_919] {strides = array<i32>} : memref<384xf32, #tpu.memory_space<vmem>>, vector<16xf32>,
      %add3A_921 = arith.addf %get3A_918, %get3A_920 : vector<16xf32>
      %swap3A_922 = arith.constant 304 : index
      %swap3A_923 = tpu.vector_load %arg9[%swap3A_922] {strides = array<i32>} : memref<384xf32, #tpu.memory_space<vmem>>, vector<16xf32>,
      tpu.vector_store %arg9[%swap3A_922], %add3A_921 {strides = array<i32>} : memref<384xf32, #tpu.memory_space<vmem>>, vector<16xf32>,
      %get3A_924 = arith.constant 320 : index
      %get3A_925 = tpu.vector_load %arg8[%get3A_924] {strides = array<i32>} : memref<384xi32, #tpu.memory_space<vmem>>, vector<16xi32>,
      %get3A_926 = arith.constant 320 : index
      %get3A_927 = tpu.vector_load %arg10[%get3A_926] {strides = array<i32>} : memref<384xi32, #tpu.memory_space<vmem>>, vector<16xi32>,
      %add3A_928 = arith.addi %get3A_925, %get3A_927 : vector<16xi32>
      %swap3A_929 = arith.constant 320 : index
      %swap3A_930 = tpu.vector_load %arg8[%swap3A_929] {strides = array<i32>} : memref<384xi32, #tpu.memory_space<vmem>>, vector<16xi32>,
      tpu.vector_store %arg8[%swap3A_929], %add3A_928 {strides = array<i32>} : memref<384xi32, #tpu.memory_space<vmem>>, vector<16xi32>,
      %get3A_931 = arith.constant 320 : index
      %get3A_932 = tpu.vector_load %arg9[%get3A_931] {strides = array<i32>} : memref<384xf32, #tpu.memory_space<vmem>>, vector<16xf32>,
      %get3A_933 = arith.constant 320 : index
      %get3A_934 = tpu.vector_load %arg11[%get3A_933] {strides = array<i32>} : memref<384xf32, #tpu.memory_space<vmem>>, vector<16xf32>,
      %add3A_935 = arith.addf %get3A_932, %get3A_934 : vector<16xf32>
      %swap3A_936 = arith.constant 320 : index
      %swap3A_937 = tpu.vector_load %arg9[%swap3A_936] {strides = array<i32>} : memref<384xf32, #tpu.memory_space<vmem>>, vector<16xf32>,
      tpu.vector_store %arg9[%swap3A_936], %add3A_935 {strides = array<i32>} : memref<384xf32, #tpu.memory_space<vmem>>, vector<16xf32>,
      %get3A_938 = arith.constant 336 : index
      %get3A_939 = tpu.vector_load %arg8[%get3A_938] {strides = array<i32>} : memref<384xi32, #tpu.memory_space<vmem>>, vector<16xi32>,
      %get3A_940 = arith.constant 336 : index
      %get3A_941 = tpu.vector_load %arg10[%get3A_940] {strides = array<i32>} : memref<384xi32, #tpu.memory_space<vmem>>, vector<16xi32>,
      %add3A_942 = arith.addi %get3A_939, %get3A_941 : vector<16xi32>
      %swap3A_943 = arith.constant 336 : index
      %swap3A_944 = tpu.vector_load %arg8[%swap3A_943] {strides = array<i32>} : memref<384xi32, #tpu.memory_space<vmem>>, vector<16xi32>,
      tpu.vector_store %arg8[%swap3A_943], %add3A_942 {strides = array<i32>} : memref<384xi32, #tpu.memory_space<vmem>>, vector<16xi32>,
      %get3A_945 = arith.constant 336 : index
      %get3A_946 = tpu.vector_load %arg9[%get3A_945] {strides = array<i32>} : memref<384xf32, #tpu.memory_space<vmem>>, vector<16xf32>,
      %get3A_947 = arith.constant 336 : index
      %get3A_948 = tpu.vector_load %arg11[%get3A_947] {strides = array<i32>} : memref<384xf32, #tpu.memory_space<vmem>>, vector<16xf32>,
      %add3A_949 = arith.addf %get3A_946, %get3A_948 : vector<16xf32>
      %swap3A_950 = arith.constant 336 : index
      %swap3A_951 = tpu.vector_load %arg9[%swap3A_950] {strides = array<i32>} : memref<384xf32, #tpu.memory_space<vmem>>, vector<16xf32>,
      tpu.vector_store %arg9[%swap3A_950], %add3A_949 {strides = array<i32>} : memref<384xf32, #tpu.memory_space<vmem>>, vector<16xf32>,
      %get3A_952 = arith.constant 352 : index
      %get3A_953 = tpu.vector_load %arg8[%get3A_952] {strides = array<i32>} : memref<384xi32, #tpu.memory_space<vmem>>, vector<16xi32>,
      %get3A_954 = arith.constant 352 : index
      %get3A_955 = tpu.vector_load %arg10[%get3A_954] {strides = array<i32>} : memref<384xi32, #tpu.memory_space<vmem>>, vector<16xi32>,
      %add3A_956 = arith.addi %get3A_953, %get3A_955 : vector<16xi32>
      %swap3A_957 = arith.constant 352 : index
      %swap3A_958 = tpu.vector_load %arg8[%swap3A_957] {strides = array<i32>} : memref<384xi32, #tpu.memory_space<vmem>>, vector<16xi32>,
      tpu.vector_store %arg8[%swap3A_957], %add3A_956 {strides = array<i32>} : memref<384xi32, #tpu.memory_space<vmem>>, vector<16xi32>,
      %get3A_959 = arith.constant 352 : index
      %get3A_960 = tpu.vector_load %arg9[%get3A_959] {strides = array<i32>} : memref<384xf32, #tpu.memory_space<vmem>>, vector<16xf32>,
      %get3A_961 = arith.constant 352 : index
      %get3A_962 = tpu.vector_load %arg11[%get3A_961] {strides = array<i32>} : memref<384xf32, #tpu.memory_space<vmem>>, vector<16xf32>,
      %add3A_963 = arith.addf %get3A_960, %get3A_962 : vector<16xf32>
      %swap3A_964 = arith.constant 352 : index
      %swap3A_965 = tpu.vector_load %arg9[%swap3A_964] {strides = array<i32>} : memref<384xf32, #tpu.memory_space<vmem>>, vector<16xf32>,
      tpu.vector_store %arg9[%swap3A_964], %add3A_963 {strides = array<i32>} : memref<384xf32, #tpu.memory_space<vmem>>, vector<16xf32>,
      %get3A_966 = arith.constant 368 : index
      %get3A_967 = tpu.vector_load %arg8[%get3A_966] {strides = array<i32>} : memref<384xi32, #tpu.memory_space<vmem>>, vector<16xi32>,
      %get3A_968 = arith.constant 368 : index
      %get3A_969 = tpu.vector_load %arg10[%get3A_968] {strides = array<i32>} : memref<384xi32, #tpu.memory_space<vmem>>, vector<16xi32>,
      %add3A_970 = arith.addi %get3A_967, %get3A_969 : vector<16xi32>
      %swap3A_971 = arith.constant 368 : index
      %swap3A_972 = tpu.vector_load %arg8[%swap3A_971] {strides = array<i32>} : memref<384xi32, #tpu.memory_space<vmem>>, vector<16xi32>,
      tpu.vector_store %arg8[%swap3A_971], %add3A_970 {strides = array<i32>} : memref<384xi32, #tpu.memory_space<vmem>>, vector<16xi32>,
      %get3A_973 = arith.constant 368 : index
      %get3A_974 = tpu.vector_load %arg9[%get3A_973] {strides = array<i32>} : memref<384xf32, #tpu.memory_space<vmem>>, vector<16xf32>,
      %get3A_975 = arith.constant 368 : index
      %get3A_976 = tpu.vector_load %arg11[%get3A_975] {strides = array<i32>} : memref<384xf32, #tpu.memory_space<vmem>>, vector<16xf32>,
      %add3A_977 = arith.addf %get3A_974, %get3A_976 : vector<16xf32>
      %swap3A_978 = arith.constant 368 : index
      %swap3A_979 = tpu.vector_load %arg9[%swap3A_978] {strides = array<i32>} : memref<384xf32, #tpu.memory_space<vmem>>, vector<16xf32>,
      tpu.vector_store %arg9[%swap3A_978], %add3A_977 {strides = array<i32>} : memref<384xf32, #tpu.memory_space<vmem>>, vector<16xf32>,
      %mul3A_980 = arith.constant 8 : i32
      %mul3A_981 = arith.muli %select_n3A_30, %mul3A_980 : i32
      %add3A_982 = arith.constant 2 : i32
      %add3A_983 = arith.addi %mul3A_981, %add3A_982 : i32
      %mul3A_984 = arith.constant 384 : i32
      %mul3A_985 = arith.muli %add3A_983, %mul3A_984 : i32
      "tpu.region"() ({
        %run_scoped3A = tpu.sem_alloc : memref<!tpu.dma_semaphore, #tpu.memory_space<semaphore_mem>>
        %dma_start3A = tpu.memref_slice %arg12[%mul3A_985] : memref<6144xi32, #tpu.memory_space<vmem_shared>> -> memref<384xi32, #tpu.memory_space<vmem_shared>>
        %dma_start3A_3032 = tpu.memref_slice %arg12[%mul3A_985] : memref<6144xi32, #tpu.memory_space<vmem_shared>> -> memref<384xi32, #tpu.memory_space<vmem_shared>>
        tpu.enqueue_dma source(%dma_start3A_3032 : memref<384xi32, #tpu.memory_space<vmem_shared>>) target(%arg10 : memref<384xi32, #tpu.memory_space<vmem>>) target_semaphore(%run_scoped3A : memref<!tpu.dma_semaphore, #tpu.memory_space<semaphore_mem>>)
        %dma_wait3A = tpu.memref_slice %arg12[%mul3A_985] : memref<6144xi32, #tpu.memory_space<vmem_shared>> -> memref<384xi32, #tpu.memory_space<vmem_shared>>
        %dma_wait3A_3033 = tpu.memref_slice %arg12[%mul3A_985] : memref<6144xi32, #tpu.memory_space<vmem_shared>> -> memref<384xi32, #tpu.memory_space<vmem_shared>>
        tpu.wait_dma2 semaphore(%run_scoped3A : memref<!tpu.dma_semaphore, #tpu.memory_space<semaphore_mem>>) src(%dma_wait3A_3033 : memref<384xi32, #tpu.memory_space<vmem_shared>>) dst(%arg10 : memref<384xi32, #tpu.memory_space<vmem>>)
        tpu.yield
      }) : () -> ()
      "tpu.region"() ({
        %run_scoped3A = tpu.sem_alloc : memref<!tpu.dma_semaphore, #tpu.memory_space<semaphore_mem>>
        %dma_start3A = tpu.memref_slice %arg13[%mul3A_985] : memref<6144xf32, #tpu.memory_space<vmem_shared>> -> memref<384xf32, #tpu.memory_space<vmem_shared>>
        %dma_start3A_3032 = tpu.memref_slice %arg13[%mul3A_985] : memref<6144xf32, #tpu.memory_space<vmem_shared>> -> memref<384xf32, #tpu.memory_space<vmem_shared>>
        tpu.enqueue_dma source(%dma_start3A_3032 : memref<384xf32, #tpu.memory_space<vmem_shared>>) target(%arg11 : memref<384xf32, #tpu.memory_space<vmem>>) target_semaphore(%run_scoped3A : memref<!tpu.dma_semaphore, #tpu.memory_space<semaphore_mem>>)
        %dma_wait3A = tpu.memref_slice %arg13[%mul3A_985] : memref<6144xf32, #tpu.memory_space<vmem_shared>> -> memref<384xf32, #tpu.memory_space<vmem_shared>>
        %dma_wait3A_3033 = tpu.memref_slice %arg13[%mul3A_985] : memref<6144xf32, #tpu.memory_space<vmem_shared>> -> memref<384xf32, #tpu.memory_space<vmem_shared>>
        tpu.wait_dma2 semaphore(%run_scoped3A : memref<!tpu.dma_semaphore, #tpu.memory_space<semaphore_mem>>) src(%dma_wait3A_3033 : memref<384xf32, #tpu.memory_space<vmem_shared>>) dst(%arg11 : memref<384xf32, #tpu.memory_space<vmem>>)
        tpu.yield
      }) : () -> ()
      %get3A_986 = arith.constant 0 : index
      %get3A_987 = tpu.vector_load %arg8[%get3A_986] {strides = array<i32>} : memref<384xi32, #tpu.memory_space<vmem>>, vector<16xi32>,
      %get3A_988 = arith.constant 0 : index
      %get3A_989 = tpu.vector_load %arg10[%get3A_988] {strides = array<i32>} : memref<384xi32, #tpu.memory_space<vmem>>, vector<16xi32>,
      %add3A_990 = arith.addi %get3A_987, %get3A_989 : vector<16xi32>
      %swap3A_991 = arith.constant 0 : index
      %swap3A_992 = tpu.vector_load %arg8[%swap3A_991] {strides = array<i32>} : memref<384xi32, #tpu.memory_space<vmem>>, vector<16xi32>,
      tpu.vector_store %arg8[%swap3A_991], %add3A_990 {strides = array<i32>} : memref<384xi32, #tpu.memory_space<vmem>>, vector<16xi32>,
      %get3A_993 = arith.constant 0 : index
      %get3A_994 = tpu.vector_load %arg9[%get3A_993] {strides = array<i32>} : memref<384xf32, #tpu.memory_space<vmem>>, vector<16xf32>,
      %get3A_995 = arith.constant 0 : index
      %get3A_996 = tpu.vector_load %arg11[%get3A_995] {strides = array<i32>} : memref<384xf32, #tpu.memory_space<vmem>>, vector<16xf32>,
      %add3A_997 = arith.addf %get3A_994, %get3A_996 : vector<16xf32>
      %swap3A_998 = arith.constant 0 : index
      %swap3A_999 = tpu.vector_load %arg9[%swap3A_998] {strides = array<i32>} : memref<384xf32, #tpu.memory_space<vmem>>, vector<16xf32>,
      tpu.vector_store %arg9[%swap3A_998], %add3A_997 {strides = array<i32>} : memref<384xf32, #tpu.memory_space<vmem>>, vector<16xf32>,
      %get3A_1000 = arith.constant 16 : index
      %get3A_1001 = tpu.vector_load %arg8[%get3A_1000] {strides = array<i32>} : memref<384xi32, #tpu.memory_space<vmem>>, vector<16xi32>,
      %get3A_1002 = arith.constant 16 : index
      %get3A_1003 = tpu.vector_load %arg10[%get3A_1002] {strides = array<i32>} : memref<384xi32, #tpu.memory_space<vmem>>, vector<16xi32>,
      %add3A_1004 = arith.addi %get3A_1001, %get3A_1003 : vector<16xi32>
      %swap3A_1005 = arith.constant 16 : index
      %swap3A_1006 = tpu.vector_load %arg8[%swap3A_1005] {strides = array<i32>} : memref<384xi32, #tpu.memory_space<vmem>>, vector<16xi32>,
      tpu.vector_store %arg8[%swap3A_1005], %add3A_1004 {strides = array<i32>} : memref<384xi32, #tpu.memory_space<vmem>>, vector<16xi32>,
      %get3A_1007 = arith.constant 16 : index
      %get3A_1008 = tpu.vector_load %arg9[%get3A_1007] {strides = array<i32>} : memref<384xf32, #tpu.memory_space<vmem>>, vector<16xf32>,
      %get3A_1009 = arith.constant 16 : index
      %get3A_1010 = tpu.vector_load %arg11[%get3A_1009] {strides = array<i32>} : memref<384xf32, #tpu.memory_space<vmem>>, vector<16xf32>,
      %add3A_1011 = arith.addf %get3A_1008, %get3A_1010 : vector<16xf32>
      %swap3A_1012 = arith.constant 16 : index
      %swap3A_1013 = tpu.vector_load %arg9[%swap3A_1012] {strides = array<i32>} : memref<384xf32, #tpu.memory_space<vmem>>, vector<16xf32>,
      tpu.vector_store %arg9[%swap3A_1012], %add3A_1011 {strides = array<i32>} : memref<384xf32, #tpu.memory_space<vmem>>, vector<16xf32>,
      %get3A_1014 = arith.constant 32 : index
      %get3A_1015 = tpu.vector_load %arg8[%get3A_1014] {strides = array<i32>} : memref<384xi32, #tpu.memory_space<vmem>>, vector<16xi32>,
      %get3A_1016 = arith.constant 32 : index
      %get3A_1017 = tpu.vector_load %arg10[%get3A_1016] {strides = array<i32>} : memref<384xi32, #tpu.memory_space<vmem>>, vector<16xi32>,
      %add3A_1018 = arith.addi %get3A_1015, %get3A_1017 : vector<16xi32>
      %swap3A_1019 = arith.constant 32 : index
      %swap3A_1020 = tpu.vector_load %arg8[%swap3A_1019] {strides = array<i32>} : memref<384xi32, #tpu.memory_space<vmem>>, vector<16xi32>,
      tpu.vector_store %arg8[%swap3A_1019], %add3A_1018 {strides = array<i32>} : memref<384xi32, #tpu.memory_space<vmem>>, vector<16xi32>,
      %get3A_1021 = arith.constant 32 : index
      %get3A_1022 = tpu.vector_load %arg9[%get3A_1021] {strides = array<i32>} : memref<384xf32, #tpu.memory_space<vmem>>, vector<16xf32>,
      %get3A_1023 = arith.constant 32 : index
      %get3A_1024 = tpu.vector_load %arg11[%get3A_1023] {strides = array<i32>} : memref<384xf32, #tpu.memory_space<vmem>>, vector<16xf32>,
      %add3A_1025 = arith.addf %get3A_1022, %get3A_1024 : vector<16xf32>
      %swap3A_1026 = arith.constant 32 : index
      %swap3A_1027 = tpu.vector_load %arg9[%swap3A_1026] {strides = array<i32>} : memref<384xf32, #tpu.memory_space<vmem>>, vector<16xf32>,
      tpu.vector_store %arg9[%swap3A_1026], %add3A_1025 {strides = array<i32>} : memref<384xf32, #tpu.memory_space<vmem>>, vector<16xf32>,
      %get3A_1028 = arith.constant 48 : index
      %get3A_1029 = tpu.vector_load %arg8[%get3A_1028] {strides = array<i32>} : memref<384xi32, #tpu.memory_space<vmem>>, vector<16xi32>,
      %get3A_1030 = arith.constant 48 : index
      %get3A_1031 = tpu.vector_load %arg10[%get3A_1030] {strides = array<i32>} : memref<384xi32, #tpu.memory_space<vmem>>, vector<16xi32>,
      %add3A_1032 = arith.addi %get3A_1029, %get3A_1031 : vector<16xi32>
      %swap3A_1033 = arith.constant 48 : index
      %swap3A_1034 = tpu.vector_load %arg8[%swap3A_1033] {strides = array<i32>} : memref<384xi32, #tpu.memory_space<vmem>>, vector<16xi32>,
      tpu.vector_store %arg8[%swap3A_1033], %add3A_1032 {strides = array<i32>} : memref<384xi32, #tpu.memory_space<vmem>>, vector<16xi32>,
      %get3A_1035 = arith.constant 48 : index
      %get3A_1036 = tpu.vector_load %arg9[%get3A_1035] {strides = array<i32>} : memref<384xf32, #tpu.memory_space<vmem>>, vector<16xf32>,
      %get3A_1037 = arith.constant 48 : index
      %get3A_1038 = tpu.vector_load %arg11[%get3A_1037] {strides = array<i32>} : memref<384xf32, #tpu.memory_space<vmem>>, vector<16xf32>,
      %add3A_1039 = arith.addf %get3A_1036, %get3A_1038 : vector<16xf32>
      %swap3A_1040 = arith.constant 48 : index
      %swap3A_1041 = tpu.vector_load %arg9[%swap3A_1040] {strides = array<i32>} : memref<384xf32, #tpu.memory_space<vmem>>, vector<16xf32>,
      tpu.vector_store %arg9[%swap3A_1040], %add3A_1039 {strides = array<i32>} : memref<384xf32, #tpu.memory_space<vmem>>, vector<16xf32>,
      %get3A_1042 = arith.constant 64 : index
      %get3A_1043 = tpu.vector_load %arg8[%get3A_1042] {strides = array<i32>} : memref<384xi32, #tpu.memory_space<vmem>>, vector<16xi32>,
      %get3A_1044 = arith.constant 64 : index
      %get3A_1045 = tpu.vector_load %arg10[%get3A_1044] {strides = array<i32>} : memref<384xi32, #tpu.memory_space<vmem>>, vector<16xi32>,
      %add3A_1046 = arith.addi %get3A_1043, %get3A_1045 : vector<16xi32>
      %swap3A_1047 = arith.constant 64 : index
      %swap3A_1048 = tpu.vector_load %arg8[%swap3A_1047] {strides = array<i32>} : memref<384xi32, #tpu.memory_space<vmem>>, vector<16xi32>,
      tpu.vector_store %arg8[%swap3A_1047], %add3A_1046 {strides = array<i32>} : memref<384xi32, #tpu.memory_space<vmem>>, vector<16xi32>,
      %get3A_1049 = arith.constant 64 : index
      %get3A_1050 = tpu.vector_load %arg9[%get3A_1049] {strides = array<i32>} : memref<384xf32, #tpu.memory_space<vmem>>, vector<16xf32>,
      %get3A_1051 = arith.constant 64 : index
      %get3A_1052 = tpu.vector_load %arg11[%get3A_1051] {strides = array<i32>} : memref<384xf32, #tpu.memory_space<vmem>>, vector<16xf32>,
      %add3A_1053 = arith.addf %get3A_1050, %get3A_1052 : vector<16xf32>
      %swap3A_1054 = arith.constant 64 : index
      %swap3A_1055 = tpu.vector_load %arg9[%swap3A_1054] {strides = array<i32>} : memref<384xf32, #tpu.memory_space<vmem>>, vector<16xf32>,
      tpu.vector_store %arg9[%swap3A_1054], %add3A_1053 {strides = array<i32>} : memref<384xf32, #tpu.memory_space<vmem>>, vector<16xf32>,
      %get3A_1056 = arith.constant 80 : index
      %get3A_1057 = tpu.vector_load %arg8[%get3A_1056] {strides = array<i32>} : memref<384xi32, #tpu.memory_space<vmem>>, vector<16xi32>,
      %get3A_1058 = arith.constant 80 : index
      %get3A_1059 = tpu.vector_load %arg10[%get3A_1058] {strides = array<i32>} : memref<384xi32, #tpu.memory_space<vmem>>, vector<16xi32>,
      %add3A_1060 = arith.addi %get3A_1057, %get3A_1059 : vector<16xi32>
      %swap3A_1061 = arith.constant 80 : index
      %swap3A_1062 = tpu.vector_load %arg8[%swap3A_1061] {strides = array<i32>} : memref<384xi32, #tpu.memory_space<vmem>>, vector<16xi32>,
      tpu.vector_store %arg8[%swap3A_1061], %add3A_1060 {strides = array<i32>} : memref<384xi32, #tpu.memory_space<vmem>>, vector<16xi32>,
      %get3A_1063 = arith.constant 80 : index
      %get3A_1064 = tpu.vector_load %arg9[%get3A_1063] {strides = array<i32>} : memref<384xf32, #tpu.memory_space<vmem>>, vector<16xf32>,
      %get3A_1065 = arith.constant 80 : index
      %get3A_1066 = tpu.vector_load %arg11[%get3A_1065] {strides = array<i32>} : memref<384xf32, #tpu.memory_space<vmem>>, vector<16xf32>,
      %add3A_1067 = arith.addf %get3A_1064, %get3A_1066 : vector<16xf32>
      %swap3A_1068 = arith.constant 80 : index
      %swap3A_1069 = tpu.vector_load %arg9[%swap3A_1068] {strides = array<i32>} : memref<384xf32, #tpu.memory_space<vmem>>, vector<16xf32>,
      tpu.vector_store %arg9[%swap3A_1068], %add3A_1067 {strides = array<i32>} : memref<384xf32, #tpu.memory_space<vmem>>, vector<16xf32>,
      %get3A_1070 = arith.constant 96 : index
      %get3A_1071 = tpu.vector_load %arg8[%get3A_1070] {strides = array<i32>} : memref<384xi32, #tpu.memory_space<vmem>>, vector<16xi32>,
      %get3A_1072 = arith.constant 96 : index
      %get3A_1073 = tpu.vector_load %arg10[%get3A_1072] {strides = array<i32>} : memref<384xi32, #tpu.memory_space<vmem>>, vector<16xi32>,
      %add3A_1074 = arith.addi %get3A_1071, %get3A_1073 : vector<16xi32>
      %swap3A_1075 = arith.constant 96 : index
      %swap3A_1076 = tpu.vector_load %arg8[%swap3A_1075] {strides = array<i32>} : memref<384xi32, #tpu.memory_space<vmem>>, vector<16xi32>,
      tpu.vector_store %arg8[%swap3A_1075], %add3A_1074 {strides = array<i32>} : memref<384xi32, #tpu.memory_space<vmem>>, vector<16xi32>,
      %get3A_1077 = arith.constant 96 : index
      %get3A_1078 = tpu.vector_load %arg9[%get3A_1077] {strides = array<i32>} : memref<384xf32, #tpu.memory_space<vmem>>, vector<16xf32>,
      %get3A_1079 = arith.constant 96 : index
      %get3A_1080 = tpu.vector_load %arg11[%get3A_1079] {strides = array<i32>} : memref<384xf32, #tpu.memory_space<vmem>>, vector<16xf32>,
      %add3A_1081 = arith.addf %get3A_1078, %get3A_1080 : vector<16xf32>
      %swap3A_1082 = arith.constant 96 : index
      %swap3A_1083 = tpu.vector_load %arg9[%swap3A_1082] {strides = array<i32>} : memref<384xf32, #tpu.memory_space<vmem>>, vector<16xf32>,
      tpu.vector_store %arg9[%swap3A_1082], %add3A_1081 {strides = array<i32>} : memref<384xf32, #tpu.memory_space<vmem>>, vector<16xf32>,
      %get3A_1084 = arith.constant 112 : index
      %get3A_1085 = tpu.vector_load %arg8[%get3A_1084] {strides = array<i32>} : memref<384xi32, #tpu.memory_space<vmem>>, vector<16xi32>,
      %get3A_1086 = arith.constant 112 : index
      %get3A_1087 = tpu.vector_load %arg10[%get3A_1086] {strides = array<i32>} : memref<384xi32, #tpu.memory_space<vmem>>, vector<16xi32>,
      %add3A_1088 = arith.addi %get3A_1085, %get3A_1087 : vector<16xi32>
      %swap3A_1089 = arith.constant 112 : index
      %swap3A_1090 = tpu.vector_load %arg8[%swap3A_1089] {strides = array<i32>} : memref<384xi32, #tpu.memory_space<vmem>>, vector<16xi32>,
      tpu.vector_store %arg8[%swap3A_1089], %add3A_1088 {strides = array<i32>} : memref<384xi32, #tpu.memory_space<vmem>>, vector<16xi32>,
      %get3A_1091 = arith.constant 112 : index
      %get3A_1092 = tpu.vector_load %arg9[%get3A_1091] {strides = array<i32>} : memref<384xf32, #tpu.memory_space<vmem>>, vector<16xf32>,
      %get3A_1093 = arith.constant 112 : index
      %get3A_1094 = tpu.vector_load %arg11[%get3A_1093] {strides = array<i32>} : memref<384xf32, #tpu.memory_space<vmem>>, vector<16xf32>,
      %add3A_1095 = arith.addf %get3A_1092, %get3A_1094 : vector<16xf32>
      %swap3A_1096 = arith.constant 112 : index
      %swap3A_1097 = tpu.vector_load %arg9[%swap3A_1096] {strides = array<i32>} : memref<384xf32, #tpu.memory_space<vmem>>, vector<16xf32>,
      tpu.vector_store %arg9[%swap3A_1096], %add3A_1095 {strides = array<i32>} : memref<384xf32, #tpu.memory_space<vmem>>, vector<16xf32>,
      %get3A_1098 = arith.constant 128 : index
      %get3A_1099 = tpu.vector_load %arg8[%get3A_1098] {strides = array<i32>} : memref<384xi32, #tpu.memory_space<vmem>>, vector<16xi32>,
      %get3A_1100 = arith.constant 128 : index
      %get3A_1101 = tpu.vector_load %arg10[%get3A_1100] {strides = array<i32>} : memref<384xi32, #tpu.memory_space<vmem>>, vector<16xi32>,
      %add3A_1102 = arith.addi %get3A_1099, %get3A_1101 : vector<16xi32>
      %swap3A_1103 = arith.constant 128 : index
      %swap3A_1104 = tpu.vector_load %arg8[%swap3A_1103] {strides = array<i32>} : memref<384xi32, #tpu.memory_space<vmem>>, vector<16xi32>,
      tpu.vector_store %arg8[%swap3A_1103], %add3A_1102 {strides = array<i32>} : memref<384xi32, #tpu.memory_space<vmem>>, vector<16xi32>,
      %get3A_1105 = arith.constant 128 : index
      %get3A_1106 = tpu.vector_load %arg9[%get3A_1105] {strides = array<i32>} : memref<384xf32, #tpu.memory_space<vmem>>, vector<16xf32>,
      %get3A_1107 = arith.constant 128 : index
      %get3A_1108 = tpu.vector_load %arg11[%get3A_1107] {strides = array<i32>} : memref<384xf32, #tpu.memory_space<vmem>>, vector<16xf32>,
      %add3A_1109 = arith.addf %get3A_1106, %get3A_1108 : vector<16xf32>
      %swap3A_1110 = arith.constant 128 : index
      %swap3A_1111 = tpu.vector_load %arg9[%swap3A_1110] {strides = array<i32>} : memref<384xf32, #tpu.memory_space<vmem>>, vector<16xf32>,
      tpu.vector_store %arg9[%swap3A_1110], %add3A_1109 {strides = array<i32>} : memref<384xf32, #tpu.memory_space<vmem>>, vector<16xf32>,
      %get3A_1112 = arith.constant 144 : index
      %get3A_1113 = tpu.vector_load %arg8[%get3A_1112] {strides = array<i32>} : memref<384xi32, #tpu.memory_space<vmem>>, vector<16xi32>,
      %get3A_1114 = arith.constant 144 : index
      %get3A_1115 = tpu.vector_load %arg10[%get3A_1114] {strides = array<i32>} : memref<384xi32, #tpu.memory_space<vmem>>, vector<16xi32>,
      %add3A_1116 = arith.addi %get3A_1113, %get3A_1115 : vector<16xi32>
      %swap3A_1117 = arith.constant 144 : index
      %swap3A_1118 = tpu.vector_load %arg8[%swap3A_1117] {strides = array<i32>} : memref<384xi32, #tpu.memory_space<vmem>>, vector<16xi32>,
      tpu.vector_store %arg8[%swap3A_1117], %add3A_1116 {strides = array<i32>} : memref<384xi32, #tpu.memory_space<vmem>>, vector<16xi32>,
      %get3A_1119 = arith.constant 144 : index
      %get3A_1120 = tpu.vector_load %arg9[%get3A_1119] {strides = array<i32>} : memref<384xf32, #tpu.memory_space<vmem>>, vector<16xf32>,
      %get3A_1121 = arith.constant 144 : index
      %get3A_1122 = tpu.vector_load %arg11[%get3A_1121] {strides = array<i32>} : memref<384xf32, #tpu.memory_space<vmem>>, vector<16xf32>,
      %add3A_1123 = arith.addf %get3A_1120, %get3A_1122 : vector<16xf32>
      %swap3A_1124 = arith.constant 144 : index
      %swap3A_1125 = tpu.vector_load %arg9[%swap3A_1124] {strides = array<i32>} : memref<384xf32, #tpu.memory_space<vmem>>, vector<16xf32>,
      tpu.vector_store %arg9[%swap3A_1124], %add3A_1123 {strides = array<i32>} : memref<384xf32, #tpu.memory_space<vmem>>, vector<16xf32>,
      %get3A_1126 = arith.constant 160 : index
      %get3A_1127 = tpu.vector_load %arg8[%get3A_1126] {strides = array<i32>} : memref<384xi32, #tpu.memory_space<vmem>>, vector<16xi32>,
      %get3A_1128 = arith.constant 160 : index
      %get3A_1129 = tpu.vector_load %arg10[%get3A_1128] {strides = array<i32>} : memref<384xi32, #tpu.memory_space<vmem>>, vector<16xi32>,
      %add3A_1130 = arith.addi %get3A_1127, %get3A_1129 : vector<16xi32>
      %swap3A_1131 = arith.constant 160 : index
      %swap3A_1132 = tpu.vector_load %arg8[%swap3A_1131] {strides = array<i32>} : memref<384xi32, #tpu.memory_space<vmem>>, vector<16xi32>,
      tpu.vector_store %arg8[%swap3A_1131], %add3A_1130 {strides = array<i32>} : memref<384xi32, #tpu.memory_space<vmem>>, vector<16xi32>,
      %get3A_1133 = arith.constant 160 : index
      %get3A_1134 = tpu.vector_load %arg9[%get3A_1133] {strides = array<i32>} : memref<384xf32, #tpu.memory_space<vmem>>, vector<16xf32>,
      %get3A_1135 = arith.constant 160 : index
      %get3A_1136 = tpu.vector_load %arg11[%get3A_1135] {strides = array<i32>} : memref<384xf32, #tpu.memory_space<vmem>>, vector<16xf32>,
      %add3A_1137 = arith.addf %get3A_1134, %get3A_1136 : vector<16xf32>
      %swap3A_1138 = arith.constant 160 : index
      %swap3A_1139 = tpu.vector_load %arg9[%swap3A_1138] {strides = array<i32>} : memref<384xf32, #tpu.memory_space<vmem>>, vector<16xf32>,
      tpu.vector_store %arg9[%swap3A_1138], %add3A_1137 {strides = array<i32>} : memref<384xf32, #tpu.memory_space<vmem>>, vector<16xf32>,
      %get3A_1140 = arith.constant 176 : index
      %get3A_1141 = tpu.vector_load %arg8[%get3A_1140] {strides = array<i32>} : memref<384xi32, #tpu.memory_space<vmem>>, vector<16xi32>,
      %get3A_1142 = arith.constant 176 : index
      %get3A_1143 = tpu.vector_load %arg10[%get3A_1142] {strides = array<i32>} : memref<384xi32, #tpu.memory_space<vmem>>, vector<16xi32>,
      %add3A_1144 = arith.addi %get3A_1141, %get3A_1143 : vector<16xi32>
      %swap3A_1145 = arith.constant 176 : index
      %swap3A_1146 = tpu.vector_load %arg8[%swap3A_1145] {strides = array<i32>} : memref<384xi32, #tpu.memory_space<vmem>>, vector<16xi32>,
      tpu.vector_store %arg8[%swap3A_1145], %add3A_1144 {strides = array<i32>} : memref<384xi32, #tpu.memory_space<vmem>>, vector<16xi32>,
      %get3A_1147 = arith.constant 176 : index
      %get3A_1148 = tpu.vector_load %arg9[%get3A_1147] {strides = array<i32>} : memref<384xf32, #tpu.memory_space<vmem>>, vector<16xf32>,
      %get3A_1149 = arith.constant 176 : index
      %get3A_1150 = tpu.vector_load %arg11[%get3A_1149] {strides = array<i32>} : memref<384xf32, #tpu.memory_space<vmem>>, vector<16xf32>,
      %add3A_1151 = arith.addf %get3A_1148, %get3A_1150 : vector<16xf32>
      %swap3A_1152 = arith.constant 176 : index
      %swap3A_1153 = tpu.vector_load %arg9[%swap3A_1152] {strides = array<i32>} : memref<384xf32, #tpu.memory_space<vmem>>, vector<16xf32>,
      tpu.vector_store %arg9[%swap3A_1152], %add3A_1151 {strides = array<i32>} : memref<384xf32, #tpu.memory_space<vmem>>, vector<16xf32>,
      %get3A_1154 = arith.constant 192 : index
      %get3A_1155 = tpu.vector_load %arg8[%get3A_1154] {strides = array<i32>} : memref<384xi32, #tpu.memory_space<vmem>>, vector<16xi32>,
      %get3A_1156 = arith.constant 192 : index
      %get3A_1157 = tpu.vector_load %arg10[%get3A_1156] {strides = array<i32>} : memref<384xi32, #tpu.memory_space<vmem>>, vector<16xi32>,
      %add3A_1158 = arith.addi %get3A_1155, %get3A_1157 : vector<16xi32>
      %swap3A_1159 = arith.constant 192 : index
      %swap3A_1160 = tpu.vector_load %arg8[%swap3A_1159] {strides = array<i32>} : memref<384xi32, #tpu.memory_space<vmem>>, vector<16xi32>,
      tpu.vector_store %arg8[%swap3A_1159], %add3A_1158 {strides = array<i32>} : memref<384xi32, #tpu.memory_space<vmem>>, vector<16xi32>,
      %get3A_1161 = arith.constant 192 : index
      %get3A_1162 = tpu.vector_load %arg9[%get3A_1161] {strides = array<i32>} : memref<384xf32, #tpu.memory_space<vmem>>, vector<16xf32>,
      %get3A_1163 = arith.constant 192 : index
      %get3A_1164 = tpu.vector_load %arg11[%get3A_1163] {strides = array<i32>} : memref<384xf32, #tpu.memory_space<vmem>>, vector<16xf32>,
      %add3A_1165 = arith.addf %get3A_1162, %get3A_1164 : vector<16xf32>
      %swap3A_1166 = arith.constant 192 : index
      %swap3A_1167 = tpu.vector_load %arg9[%swap3A_1166] {strides = array<i32>} : memref<384xf32, #tpu.memory_space<vmem>>, vector<16xf32>,
      tpu.vector_store %arg9[%swap3A_1166], %add3A_1165 {strides = array<i32>} : memref<384xf32, #tpu.memory_space<vmem>>, vector<16xf32>,
      %get3A_1168 = arith.constant 208 : index
      %get3A_1169 = tpu.vector_load %arg8[%get3A_1168] {strides = array<i32>} : memref<384xi32, #tpu.memory_space<vmem>>, vector<16xi32>,
      %get3A_1170 = arith.constant 208 : index
      %get3A_1171 = tpu.vector_load %arg10[%get3A_1170] {strides = array<i32>} : memref<384xi32, #tpu.memory_space<vmem>>, vector<16xi32>,
      %add3A_1172 = arith.addi %get3A_1169, %get3A_1171 : vector<16xi32>
      %swap3A_1173 = arith.constant 208 : index
      %swap3A_1174 = tpu.vector_load %arg8[%swap3A_1173] {strides = array<i32>} : memref<384xi32, #tpu.memory_space<vmem>>, vector<16xi32>,
      tpu.vector_store %arg8[%swap3A_1173], %add3A_1172 {strides = array<i32>} : memref<384xi32, #tpu.memory_space<vmem>>, vector<16xi32>,
      %get3A_1175 = arith.constant 208 : index
      %get3A_1176 = tpu.vector_load %arg9[%get3A_1175] {strides = array<i32>} : memref<384xf32, #tpu.memory_space<vmem>>, vector<16xf32>,
      %get3A_1177 = arith.constant 208 : index
      %get3A_1178 = tpu.vector_load %arg11[%get3A_1177] {strides = array<i32>} : memref<384xf32, #tpu.memory_space<vmem>>, vector<16xf32>,
      %add3A_1179 = arith.addf %get3A_1176, %get3A_1178 : vector<16xf32>
      %swap3A_1180 = arith.constant 208 : index
      %swap3A_1181 = tpu.vector_load %arg9[%swap3A_1180] {strides = array<i32>} : memref<384xf32, #tpu.memory_space<vmem>>, vector<16xf32>,
      tpu.vector_store %arg9[%swap3A_1180], %add3A_1179 {strides = array<i32>} : memref<384xf32, #tpu.memory_space<vmem>>, vector<16xf32>,
      %get3A_1182 = arith.constant 224 : index
      %get3A_1183 = tpu.vector_load %arg8[%get3A_1182] {strides = array<i32>} : memref<384xi32, #tpu.memory_space<vmem>>, vector<16xi32>,
      %get3A_1184 = arith.constant 224 : index
      %get3A_1185 = tpu.vector_load %arg10[%get3A_1184] {strides = array<i32>} : memref<384xi32, #tpu.memory_space<vmem>>, vector<16xi32>,
      %add3A_1186 = arith.addi %get3A_1183, %get3A_1185 : vector<16xi32>
      %swap3A_1187 = arith.constant 224 : index
      %swap3A_1188 = tpu.vector_load %arg8[%swap3A_1187] {strides = array<i32>} : memref<384xi32, #tpu.memory_space<vmem>>, vector<16xi32>,
      tpu.vector_store %arg8[%swap3A_1187], %add3A_1186 {strides = array<i32>} : memref<384xi32, #tpu.memory_space<vmem>>, vector<16xi32>,
      %get3A_1189 = arith.constant 224 : index
      %get3A_1190 = tpu.vector_load %arg9[%get3A_1189] {strides = array<i32>} : memref<384xf32, #tpu.memory_space<vmem>>, vector<16xf32>,
      %get3A_1191 = arith.constant 224 : index
      %get3A_1192 = tpu.vector_load %arg11[%get3A_1191] {strides = array<i32>} : memref<384xf32, #tpu.memory_space<vmem>>, vector<16xf32>,
      %add3A_1193 = arith.addf %get3A_1190, %get3A_1192 : vector<16xf32>
      %swap3A_1194 = arith.constant 224 : index
      %swap3A_1195 = tpu.vector_load %arg9[%swap3A_1194] {strides = array<i32>} : memref<384xf32, #tpu.memory_space<vmem>>, vector<16xf32>,
      tpu.vector_store %arg9[%swap3A_1194], %add3A_1193 {strides = array<i32>} : memref<384xf32, #tpu.memory_space<vmem>>, vector<16xf32>,
      %get3A_1196 = arith.constant 240 : index
      %get3A_1197 = tpu.vector_load %arg8[%get3A_1196] {strides = array<i32>} : memref<384xi32, #tpu.memory_space<vmem>>, vector<16xi32>,
      %get3A_1198 = arith.constant 240 : index
      %get3A_1199 = tpu.vector_load %arg10[%get3A_1198] {strides = array<i32>} : memref<384xi32, #tpu.memory_space<vmem>>, vector<16xi32>,
      %add3A_1200 = arith.addi %get3A_1197, %get3A_1199 : vector<16xi32>
      %swap3A_1201 = arith.constant 240 : index
      %swap3A_1202 = tpu.vector_load %arg8[%swap3A_1201] {strides = array<i32>} : memref<384xi32, #tpu.memory_space<vmem>>, vector<16xi32>,
      tpu.vector_store %arg8[%swap3A_1201], %add3A_1200 {strides = array<i32>} : memref<384xi32, #tpu.memory_space<vmem>>, vector<16xi32>,
      %get3A_1203 = arith.constant 240 : index
      %get3A_1204 = tpu.vector_load %arg9[%get3A_1203] {strides = array<i32>} : memref<384xf32, #tpu.memory_space<vmem>>, vector<16xf32>,
      %get3A_1205 = arith.constant 240 : index
      %get3A_1206 = tpu.vector_load %arg11[%get3A_1205] {strides = array<i32>} : memref<384xf32, #tpu.memory_space<vmem>>, vector<16xf32>,
      %add3A_1207 = arith.addf %get3A_1204, %get3A_1206 : vector<16xf32>
      %swap3A_1208 = arith.constant 240 : index
      %swap3A_1209 = tpu.vector_load %arg9[%swap3A_1208] {strides = array<i32>} : memref<384xf32, #tpu.memory_space<vmem>>, vector<16xf32>,
      tpu.vector_store %arg9[%swap3A_1208], %add3A_1207 {strides = array<i32>} : memref<384xf32, #tpu.memory_space<vmem>>, vector<16xf32>,
      %get3A_1210 = arith.constant 256 : index
      %get3A_1211 = tpu.vector_load %arg8[%get3A_1210] {strides = array<i32>} : memref<384xi32, #tpu.memory_space<vmem>>, vector<16xi32>,
      %get3A_1212 = arith.constant 256 : index
      %get3A_1213 = tpu.vector_load %arg10[%get3A_1212] {strides = array<i32>} : memref<384xi32, #tpu.memory_space<vmem>>, vector<16xi32>,
      %add3A_1214 = arith.addi %get3A_1211, %get3A_1213 : vector<16xi32>
      %swap3A_1215 = arith.constant 256 : index
      %swap3A_1216 = tpu.vector_load %arg8[%swap3A_1215] {strides = array<i32>} : memref<384xi32, #tpu.memory_space<vmem>>, vector<16xi32>,
      tpu.vector_store %arg8[%swap3A_1215], %add3A_1214 {strides = array<i32>} : memref<384xi32, #tpu.memory_space<vmem>>, vector<16xi32>,
      %get3A_1217 = arith.constant 256 : index
      %get3A_1218 = tpu.vector_load %arg9[%get3A_1217] {strides = array<i32>} : memref<384xf32, #tpu.memory_space<vmem>>, vector<16xf32>,
      %get3A_1219 = arith.constant 256 : index
      %get3A_1220 = tpu.vector_load %arg11[%get3A_1219] {strides = array<i32>} : memref<384xf32, #tpu.memory_space<vmem>>, vector<16xf32>,
      %add3A_1221 = arith.addf %get3A_1218, %get3A_1220 : vector<16xf32>
      %swap3A_1222 = arith.constant 256 : index
      %swap3A_1223 = tpu.vector_load %arg9[%swap3A_1222] {strides = array<i32>} : memref<384xf32, #tpu.memory_space<vmem>>, vector<16xf32>,
      tpu.vector_store %arg9[%swap3A_1222], %add3A_1221 {strides = array<i32>} : memref<384xf32, #tpu.memory_space<vmem>>, vector<16xf32>,
      %get3A_1224 = arith.constant 272 : index
      %get3A_1225 = tpu.vector_load %arg8[%get3A_1224] {strides = array<i32>} : memref<384xi32, #tpu.memory_space<vmem>>, vector<16xi32>,
      %get3A_1226 = arith.constant 272 : index
      %get3A_1227 = tpu.vector_load %arg10[%get3A_1226] {strides = array<i32>} : memref<384xi32, #tpu.memory_space<vmem>>, vector<16xi32>,
      %add3A_1228 = arith.addi %get3A_1225, %get3A_1227 : vector<16xi32>
      %swap3A_1229 = arith.constant 272 : index
      %swap3A_1230 = tpu.vector_load %arg8[%swap3A_1229] {strides = array<i32>} : memref<384xi32, #tpu.memory_space<vmem>>, vector<16xi32>,
      tpu.vector_store %arg8[%swap3A_1229], %add3A_1228 {strides = array<i32>} : memref<384xi32, #tpu.memory_space<vmem>>, vector<16xi32>,
      %get3A_1231 = arith.constant 272 : index
      %get3A_1232 = tpu.vector_load %arg9[%get3A_1231] {strides = array<i32>} : memref<384xf32, #tpu.memory_space<vmem>>, vector<16xf32>,
      %get3A_1233 = arith.constant 272 : index
      %get3A_1234 = tpu.vector_load %arg11[%get3A_1233] {strides = array<i32>} : memref<384xf32, #tpu.memory_space<vmem>>, vector<16xf32>,
      %add3A_1235 = arith.addf %get3A_1232, %get3A_1234 : vector<16xf32>
      %swap3A_1236 = arith.constant 272 : index
      %swap3A_1237 = tpu.vector_load %arg9[%swap3A_1236] {strides = array<i32>} : memref<384xf32, #tpu.memory_space<vmem>>, vector<16xf32>,
      tpu.vector_store %arg9[%swap3A_1236], %add3A_1235 {strides = array<i32>} : memref<384xf32, #tpu.memory_space<vmem>>, vector<16xf32>,
      %get3A_1238 = arith.constant 288 : index
      %get3A_1239 = tpu.vector_load %arg8[%get3A_1238] {strides = array<i32>} : memref<384xi32, #tpu.memory_space<vmem>>, vector<16xi32>,
      %get3A_1240 = arith.constant 288 : index
      %get3A_1241 = tpu.vector_load %arg10[%get3A_1240] {strides = array<i32>} : memref<384xi32, #tpu.memory_space<vmem>>, vector<16xi32>,
      %add3A_1242 = arith.addi %get3A_1239, %get3A_1241 : vector<16xi32>
      %swap3A_1243 = arith.constant 288 : index
      %swap3A_1244 = tpu.vector_load %arg8[%swap3A_1243] {strides = array<i32>} : memref<384xi32, #tpu.memory_space<vmem>>, vector<16xi32>,
      tpu.vector_store %arg8[%swap3A_1243], %add3A_1242 {strides = array<i32>} : memref<384xi32, #tpu.memory_space<vmem>>, vector<16xi32>,
      %get3A_1245 = arith.constant 288 : index
      %get3A_1246 = tpu.vector_load %arg9[%get3A_1245] {strides = array<i32>} : memref<384xf32, #tpu.memory_space<vmem>>, vector<16xf32>,
      %get3A_1247 = arith.constant 288 : index
      %get3A_1248 = tpu.vector_load %arg11[%get3A_1247] {strides = array<i32>} : memref<384xf32, #tpu.memory_space<vmem>>, vector<16xf32>,
      %add3A_1249 = arith.addf %get3A_1246, %get3A_1248 : vector<16xf32>
      %swap3A_1250 = arith.constant 288 : index
      %swap3A_1251 = tpu.vector_load %arg9[%swap3A_1250] {strides = array<i32>} : memref<384xf32, #tpu.memory_space<vmem>>, vector<16xf32>,
      tpu.vector_store %arg9[%swap3A_1250], %add3A_1249 {strides = array<i32>} : memref<384xf32, #tpu.memory_space<vmem>>, vector<16xf32>,
      %get3A_1252 = arith.constant 304 : index
      %get3A_1253 = tpu.vector_load %arg8[%get3A_1252] {strides = array<i32>} : memref<384xi32, #tpu.memory_space<vmem>>, vector<16xi32>,
      %get3A_1254 = arith.constant 304 : index
      %get3A_1255 = tpu.vector_load %arg10[%get3A_1254] {strides = array<i32>} : memref<384xi32, #tpu.memory_space<vmem>>, vector<16xi32>,
      %add3A_1256 = arith.addi %get3A_1253, %get3A_1255 : vector<16xi32>
      %swap3A_1257 = arith.constant 304 : index
      %swap3A_1258 = tpu.vector_load %arg8[%swap3A_1257] {strides = array<i32>} : memref<384xi32, #tpu.memory_space<vmem>>, vector<16xi32>,
      tpu.vector_store %arg8[%swap3A_1257], %add3A_1256 {strides = array<i32>} : memref<384xi32, #tpu.memory_space<vmem>>, vector<16xi32>,
      %get3A_1259 = arith.constant 304 : index
      %get3A_1260 = tpu.vector_load %arg9[%get3A_1259] {strides = array<i32>} : memref<384xf32, #tpu.memory_space<vmem>>, vector<16xf32>,
      %get3A_1261 = arith.constant 304 : index
      %get3A_1262 = tpu.vector_load %arg11[%get3A_1261] {strides = array<i32>} : memref<384xf32, #tpu.memory_space<vmem>>, vector<16xf32>,
      %add3A_1263 = arith.addf %get3A_1260, %get3A_1262 : vector<16xf32>
      %swap3A_1264 = arith.constant 304 : index
      %swap3A_1265 = tpu.vector_load %arg9[%swap3A_1264] {strides = array<i32>} : memref<384xf32, #tpu.memory_space<vmem>>, vector<16xf32>,
      tpu.vector_store %arg9[%swap3A_1264], %add3A_1263 {strides = array<i32>} : memref<384xf32, #tpu.memory_space<vmem>>, vector<16xf32>,
      %get3A_1266 = arith.constant 320 : index
      %get3A_1267 = tpu.vector_load %arg8[%get3A_1266] {strides = array<i32>} : memref<384xi32, #tpu.memory_space<vmem>>, vector<16xi32>,
      %get3A_1268 = arith.constant 320 : index
      %get3A_1269 = tpu.vector_load %arg10[%get3A_1268] {strides = array<i32>} : memref<384xi32, #tpu.memory_space<vmem>>, vector<16xi32>,
      %add3A_1270 = arith.addi %get3A_1267, %get3A_1269 : vector<16xi32>
      %swap3A_1271 = arith.constant 320 : index
      %swap3A_1272 = tpu.vector_load %arg8[%swap3A_1271] {strides = array<i32>} : memref<384xi32, #tpu.memory_space<vmem>>, vector<16xi32>,
      tpu.vector_store %arg8[%swap3A_1271], %add3A_1270 {strides = array<i32>} : memref<384xi32, #tpu.memory_space<vmem>>, vector<16xi32>,
      %get3A_1273 = arith.constant 320 : index
      %get3A_1274 = tpu.vector_load %arg9[%get3A_1273] {strides = array<i32>} : memref<384xf32, #tpu.memory_space<vmem>>, vector<16xf32>,
      %get3A_1275 = arith.constant 320 : index
      %get3A_1276 = tpu.vector_load %arg11[%get3A_1275] {strides = array<i32>} : memref<384xf32, #tpu.memory_space<vmem>>, vector<16xf32>,
      %add3A_1277 = arith.addf %get3A_1274, %get3A_1276 : vector<16xf32>
      %swap3A_1278 = arith.constant 320 : index
      %swap3A_1279 = tpu.vector_load %arg9[%swap3A_1278] {strides = array<i32>} : memref<384xf32, #tpu.memory_space<vmem>>, vector<16xf32>,
      tpu.vector_store %arg9[%swap3A_1278], %add3A_1277 {strides = array<i32>} : memref<384xf32, #tpu.memory_space<vmem>>, vector<16xf32>,
      %get3A_1280 = arith.constant 336 : index
      %get3A_1281 = tpu.vector_load %arg8[%get3A_1280] {strides = array<i32>} : memref<384xi32, #tpu.memory_space<vmem>>, vector<16xi32>,
      %get3A_1282 = arith.constant 336 : index
      %get3A_1283 = tpu.vector_load %arg10[%get3A_1282] {strides = array<i32>} : memref<384xi32, #tpu.memory_space<vmem>>, vector<16xi32>,
      %add3A_1284 = arith.addi %get3A_1281, %get3A_1283 : vector<16xi32>
      %swap3A_1285 = arith.constant 336 : index
      %swap3A_1286 = tpu.vector_load %arg8[%swap3A_1285] {strides = array<i32>} : memref<384xi32, #tpu.memory_space<vmem>>, vector<16xi32>,
      tpu.vector_store %arg8[%swap3A_1285], %add3A_1284 {strides = array<i32>} : memref<384xi32, #tpu.memory_space<vmem>>, vector<16xi32>,
      %get3A_1287 = arith.constant 336 : index
      %get3A_1288 = tpu.vector_load %arg9[%get3A_1287] {strides = array<i32>} : memref<384xf32, #tpu.memory_space<vmem>>, vector<16xf32>,
      %get3A_1289 = arith.constant 336 : index
      %get3A_1290 = tpu.vector_load %arg11[%get3A_1289] {strides = array<i32>} : memref<384xf32, #tpu.memory_space<vmem>>, vector<16xf32>,
      %add3A_1291 = arith.addf %get3A_1288, %get3A_1290 : vector<16xf32>
      %swap3A_1292 = arith.constant 336 : index
      %swap3A_1293 = tpu.vector_load %arg9[%swap3A_1292] {strides = array<i32>} : memref<384xf32, #tpu.memory_space<vmem>>, vector<16xf32>,
      tpu.vector_store %arg9[%swap3A_1292], %add3A_1291 {strides = array<i32>} : memref<384xf32, #tpu.memory_space<vmem>>, vector<16xf32>,
      %get3A_1294 = arith.constant 352 : index
      %get3A_1295 = tpu.vector_load %arg8[%get3A_1294] {strides = array<i32>} : memref<384xi32, #tpu.memory_space<vmem>>, vector<16xi32>,
      %get3A_1296 = arith.constant 352 : index
      %get3A_1297 = tpu.vector_load %arg10[%get3A_1296] {strides = array<i32>} : memref<384xi32, #tpu.memory_space<vmem>>, vector<16xi32>,
      %add3A_1298 = arith.addi %get3A_1295, %get3A_1297 : vector<16xi32>
      %swap3A_1299 = arith.constant 352 : index
      %swap3A_1300 = tpu.vector_load %arg8[%swap3A_1299] {strides = array<i32>} : memref<384xi32, #tpu.memory_space<vmem>>, vector<16xi32>,
      tpu.vector_store %arg8[%swap3A_1299], %add3A_1298 {strides = array<i32>} : memref<384xi32, #tpu.memory_space<vmem>>, vector<16xi32>,
      %get3A_1301 = arith.constant 352 : index
      %get3A_1302 = tpu.vector_load %arg9[%get3A_1301] {strides = array<i32>} : memref<384xf32, #tpu.memory_space<vmem>>, vector<16xf32>,
      %get3A_1303 = arith.constant 352 : index
      %get3A_1304 = tpu.vector_load %arg11[%get3A_1303] {strides = array<i32>} : memref<384xf32, #tpu.memory_space<vmem>>, vector<16xf32>,
      %add3A_1305 = arith.addf %get3A_1302, %get3A_1304 : vector<16xf32>
      %swap3A_1306 = arith.constant 352 : index
      %swap3A_1307 = tpu.vector_load %arg9[%swap3A_1306] {strides = array<i32>} : memref<384xf32, #tpu.memory_space<vmem>>, vector<16xf32>,
      tpu.vector_store %arg9[%swap3A_1306], %add3A_1305 {strides = array<i32>} : memref<384xf32, #tpu.memory_space<vmem>>, vector<16xf32>,
      %get3A_1308 = arith.constant 368 : index
      %get3A_1309 = tpu.vector_load %arg8[%get3A_1308] {strides = array<i32>} : memref<384xi32, #tpu.memory_space<vmem>>, vector<16xi32>,
      %get3A_1310 = arith.constant 368 : index
      %get3A_1311 = tpu.vector_load %arg10[%get3A_1310] {strides = array<i32>} : memref<384xi32, #tpu.memory_space<vmem>>, vector<16xi32>,
      %add3A_1312 = arith.addi %get3A_1309, %get3A_1311 : vector<16xi32>
      %swap3A_1313 = arith.constant 368 : index
      %swap3A_1314 = tpu.vector_load %arg8[%swap3A_1313] {strides = array<i32>} : memref<384xi32, #tpu.memory_space<vmem>>, vector<16xi32>,
      tpu.vector_store %arg8[%swap3A_1313], %add3A_1312 {strides = array<i32>} : memref<384xi32, #tpu.memory_space<vmem>>, vector<16xi32>,
      %get3A_1315 = arith.constant 368 : index
      %get3A_1316 = tpu.vector_load %arg9[%get3A_1315] {strides = array<i32>} : memref<384xf32, #tpu.memory_space<vmem>>, vector<16xf32>,
      %get3A_1317 = arith.constant 368 : index
      %get3A_1318 = tpu.vector_load %arg11[%get3A_1317] {strides = array<i32>} : memref<384xf32, #tpu.memory_space<vmem>>, vector<16xf32>,
      %add3A_1319 = arith.addf %get3A_1316, %get3A_1318 : vector<16xf32>
      %swap3A_1320 = arith.constant 368 : index
      %swap3A_1321 = tpu.vector_load %arg9[%swap3A_1320] {strides = array<i32>} : memref<384xf32, #tpu.memory_space<vmem>>, vector<16xf32>,
      tpu.vector_store %arg9[%swap3A_1320], %add3A_1319 {strides = array<i32>} : memref<384xf32, #tpu.memory_space<vmem>>, vector<16xf32>,
      %mul3A_1322 = arith.constant 8 : i32
      %mul3A_1323 = arith.muli %select_n3A_30, %mul3A_1322 : i32
      %add3A_1324 = arith.constant 3 : i32
      %add3A_1325 = arith.addi %mul3A_1323, %add3A_1324 : i32
      %mul3A_1326 = arith.constant 384 : i32
      %mul3A_1327 = arith.muli %add3A_1325, %mul3A_1326 : i32
      "tpu.region"() ({
        %run_scoped3A = tpu.sem_alloc : memref<!tpu.dma_semaphore, #tpu.memory_space<semaphore_mem>>
        %dma_start3A = tpu.memref_slice %arg12[%mul3A_1327] : memref<6144xi32, #tpu.memory_space<vmem_shared>> -> memref<384xi32, #tpu.memory_space<vmem_shared>>
        %dma_start3A_3032 = tpu.memref_slice %arg12[%mul3A_1327] : memref<6144xi32, #tpu.memory_space<vmem_shared>> -> memref<384xi32, #tpu.memory_space<vmem_shared>>
        tpu.enqueue_dma source(%dma_start3A_3032 : memref<384xi32, #tpu.memory_space<vmem_shared>>) target(%arg10 : memref<384xi32, #tpu.memory_space<vmem>>) target_semaphore(%run_scoped3A : memref<!tpu.dma_semaphore, #tpu.memory_space<semaphore_mem>>)
        %dma_wait3A = tpu.memref_slice %arg12[%mul3A_1327] : memref<6144xi32, #tpu.memory_space<vmem_shared>> -> memref<384xi32, #tpu.memory_space<vmem_shared>>
        %dma_wait3A_3033 = tpu.memref_slice %arg12[%mul3A_1327] : memref<6144xi32, #tpu.memory_space<vmem_shared>> -> memref<384xi32, #tpu.memory_space<vmem_shared>>
        tpu.wait_dma2 semaphore(%run_scoped3A : memref<!tpu.dma_semaphore, #tpu.memory_space<semaphore_mem>>) src(%dma_wait3A_3033 : memref<384xi32, #tpu.memory_space<vmem_shared>>) dst(%arg10 : memref<384xi32, #tpu.memory_space<vmem>>)
        tpu.yield
      }) : () -> ()
      "tpu.region"() ({
        %run_scoped3A = tpu.sem_alloc : memref<!tpu.dma_semaphore, #tpu.memory_space<semaphore_mem>>
        %dma_start3A = tpu.memref_slice %arg13[%mul3A_1327] : memref<6144xf32, #tpu.memory_space<vmem_shared>> -> memref<384xf32, #tpu.memory_space<vmem_shared>>
        %dma_start3A_3032 = tpu.memref_slice %arg13[%mul3A_1327] : memref<6144xf32, #tpu.memory_space<vmem_shared>> -> memref<384xf32, #tpu.memory_space<vmem_shared>>
        tpu.enqueue_dma source(%dma_start3A_3032 : memref<384xf32, #tpu.memory_space<vmem_shared>>) target(%arg11 : memref<384xf32, #tpu.memory_space<vmem>>) target_semaphore(%run_scoped3A : memref<!tpu.dma_semaphore, #tpu.memory_space<semaphore_mem>>)
        %dma_wait3A = tpu.memref_slice %arg13[%mul3A_1327] : memref<6144xf32, #tpu.memory_space<vmem_shared>> -> memref<384xf32, #tpu.memory_space<vmem_shared>>
        %dma_wait3A_3033 = tpu.memref_slice %arg13[%mul3A_1327] : memref<6144xf32, #tpu.memory_space<vmem_shared>> -> memref<384xf32, #tpu.memory_space<vmem_shared>>
        tpu.wait_dma2 semaphore(%run_scoped3A : memref<!tpu.dma_semaphore, #tpu.memory_space<semaphore_mem>>) src(%dma_wait3A_3033 : memref<384xf32, #tpu.memory_space<vmem_shared>>) dst(%arg11 : memref<384xf32, #tpu.memory_space<vmem>>)
        tpu.yield
      }) : () -> ()
      %get3A_1328 = arith.constant 0 : index
      %get3A_1329 = tpu.vector_load %arg8[%get3A_1328] {strides = array<i32>} : memref<384xi32, #tpu.memory_space<vmem>>, vector<16xi32>,
      %get3A_1330 = arith.constant 0 : index
      %get3A_1331 = tpu.vector_load %arg10[%get3A_1330] {strides = array<i32>} : memref<384xi32, #tpu.memory_space<vmem>>, vector<16xi32>,
      %add3A_1332 = arith.addi %get3A_1329, %get3A_1331 : vector<16xi32>
      %swap3A_1333 = arith.constant 0 : index
      %swap3A_1334 = tpu.vector_load %arg8[%swap3A_1333] {strides = array<i32>} : memref<384xi32, #tpu.memory_space<vmem>>, vector<16xi32>,
      tpu.vector_store %arg8[%swap3A_1333], %add3A_1332 {strides = array<i32>} : memref<384xi32, #tpu.memory_space<vmem>>, vector<16xi32>,
      %get3A_1335 = arith.constant 0 : index
      %get3A_1336 = tpu.vector_load %arg9[%get3A_1335] {strides = array<i32>} : memref<384xf32, #tpu.memory_space<vmem>>, vector<16xf32>,
      %get3A_1337 = arith.constant 0 : index
      %get3A_1338 = tpu.vector_load %arg11[%get3A_1337] {strides = array<i32>} : memref<384xf32, #tpu.memory_space<vmem>>, vector<16xf32>,
      %add3A_1339 = arith.addf %get3A_1336, %get3A_1338 : vector<16xf32>
      %swap3A_1340 = arith.constant 0 : index
      %swap3A_1341 = tpu.vector_load %arg9[%swap3A_1340] {strides = array<i32>} : memref<384xf32, #tpu.memory_space<vmem>>, vector<16xf32>,
      tpu.vector_store %arg9[%swap3A_1340], %add3A_1339 {strides = array<i32>} : memref<384xf32, #tpu.memory_space<vmem>>, vector<16xf32>,
      %get3A_1342 = arith.constant 16 : index
      %get3A_1343 = tpu.vector_load %arg8[%get3A_1342] {strides = array<i32>} : memref<384xi32, #tpu.memory_space<vmem>>, vector<16xi32>,
      %get3A_1344 = arith.constant 16 : index
      %get3A_1345 = tpu.vector_load %arg10[%get3A_1344] {strides = array<i32>} : memref<384xi32, #tpu.memory_space<vmem>>, vector<16xi32>,
      %add3A_1346 = arith.addi %get3A_1343, %get3A_1345 : vector<16xi32>
      %swap3A_1347 = arith.constant 16 : index
      %swap3A_1348 = tpu.vector_load %arg8[%swap3A_1347] {strides = array<i32>} : memref<384xi32, #tpu.memory_space<vmem>>, vector<16xi32>,
      tpu.vector_store %arg8[%swap3A_1347], %add3A_1346 {strides = array<i32>} : memref<384xi32, #tpu.memory_space<vmem>>, vector<16xi32>,
      %get3A_1349 = arith.constant 16 : index
      %get3A_1350 = tpu.vector_load %arg9[%get3A_1349] {strides = array<i32>} : memref<384xf32, #tpu.memory_space<vmem>>, vector<16xf32>,
      %get3A_1351 = arith.constant 16 : index
      %get3A_1352 = tpu.vector_load %arg11[%get3A_1351] {strides = array<i32>} : memref<384xf32, #tpu.memory_space<vmem>>, vector<16xf32>,
      %add3A_1353 = arith.addf %get3A_1350, %get3A_1352 : vector<16xf32>
      %swap3A_1354 = arith.constant 16 : index
      %swap3A_1355 = tpu.vector_load %arg9[%swap3A_1354] {strides = array<i32>} : memref<384xf32, #tpu.memory_space<vmem>>, vector<16xf32>,
      tpu.vector_store %arg9[%swap3A_1354], %add3A_1353 {strides = array<i32>} : memref<384xf32, #tpu.memory_space<vmem>>, vector<16xf32>,
      %get3A_1356 = arith.constant 32 : index
      %get3A_1357 = tpu.vector_load %arg8[%get3A_1356] {strides = array<i32>} : memref<384xi32, #tpu.memory_space<vmem>>, vector<16xi32>,
      %get3A_1358 = arith.constant 32 : index
      %get3A_1359 = tpu.vector_load %arg10[%get3A_1358] {strides = array<i32>} : memref<384xi32, #tpu.memory_space<vmem>>, vector<16xi32>,
      %add3A_1360 = arith.addi %get3A_1357, %get3A_1359 : vector<16xi32>
      %swap3A_1361 = arith.constant 32 : index
      %swap3A_1362 = tpu.vector_load %arg8[%swap3A_1361] {strides = array<i32>} : memref<384xi32, #tpu.memory_space<vmem>>, vector<16xi32>,
      tpu.vector_store %arg8[%swap3A_1361], %add3A_1360 {strides = array<i32>} : memref<384xi32, #tpu.memory_space<vmem>>, vector<16xi32>,
      %get3A_1363 = arith.constant 32 : index
      %get3A_1364 = tpu.vector_load %arg9[%get3A_1363] {strides = array<i32>} : memref<384xf32, #tpu.memory_space<vmem>>, vector<16xf32>,
      %get3A_1365 = arith.constant 32 : index
      %get3A_1366 = tpu.vector_load %arg11[%get3A_1365] {strides = array<i32>} : memref<384xf32, #tpu.memory_space<vmem>>, vector<16xf32>,
      %add3A_1367 = arith.addf %get3A_1364, %get3A_1366 : vector<16xf32>
      %swap3A_1368 = arith.constant 32 : index
      %swap3A_1369 = tpu.vector_load %arg9[%swap3A_1368] {strides = array<i32>} : memref<384xf32, #tpu.memory_space<vmem>>, vector<16xf32>,
      tpu.vector_store %arg9[%swap3A_1368], %add3A_1367 {strides = array<i32>} : memref<384xf32, #tpu.memory_space<vmem>>, vector<16xf32>,
      %get3A_1370 = arith.constant 48 : index
      %get3A_1371 = tpu.vector_load %arg8[%get3A_1370] {strides = array<i32>} : memref<384xi32, #tpu.memory_space<vmem>>, vector<16xi32>,
      %get3A_1372 = arith.constant 48 : index
      %get3A_1373 = tpu.vector_load %arg10[%get3A_1372] {strides = array<i32>} : memref<384xi32, #tpu.memory_space<vmem>>, vector<16xi32>,
      %add3A_1374 = arith.addi %get3A_1371, %get3A_1373 : vector<16xi32>
      %swap3A_1375 = arith.constant 48 : index
      %swap3A_1376 = tpu.vector_load %arg8[%swap3A_1375] {strides = array<i32>} : memref<384xi32, #tpu.memory_space<vmem>>, vector<16xi32>,
      tpu.vector_store %arg8[%swap3A_1375], %add3A_1374 {strides = array<i32>} : memref<384xi32, #tpu.memory_space<vmem>>, vector<16xi32>,
      %get3A_1377 = arith.constant 48 : index
      %get3A_1378 = tpu.vector_load %arg9[%get3A_1377] {strides = array<i32>} : memref<384xf32, #tpu.memory_space<vmem>>, vector<16xf32>,
      %get3A_1379 = arith.constant 48 : index
      %get3A_1380 = tpu.vector_load %arg11[%get3A_1379] {strides = array<i32>} : memref<384xf32, #tpu.memory_space<vmem>>, vector<16xf32>,
      %add3A_1381 = arith.addf %get3A_1378, %get3A_1380 : vector<16xf32>
      %swap3A_1382 = arith.constant 48 : index
      %swap3A_1383 = tpu.vector_load %arg9[%swap3A_1382] {strides = array<i32>} : memref<384xf32, #tpu.memory_space<vmem>>, vector<16xf32>,
      tpu.vector_store %arg9[%swap3A_1382], %add3A_1381 {strides = array<i32>} : memref<384xf32, #tpu.memory_space<vmem>>, vector<16xf32>,
      %get3A_1384 = arith.constant 64 : index
      %get3A_1385 = tpu.vector_load %arg8[%get3A_1384] {strides = array<i32>} : memref<384xi32, #tpu.memory_space<vmem>>, vector<16xi32>,
      %get3A_1386 = arith.constant 64 : index
      %get3A_1387 = tpu.vector_load %arg10[%get3A_1386] {strides = array<i32>} : memref<384xi32, #tpu.memory_space<vmem>>, vector<16xi32>,
      %add3A_1388 = arith.addi %get3A_1385, %get3A_1387 : vector<16xi32>
      %swap3A_1389 = arith.constant 64 : index
      %swap3A_1390 = tpu.vector_load %arg8[%swap3A_1389] {strides = array<i32>} : memref<384xi32, #tpu.memory_space<vmem>>, vector<16xi32>,
      tpu.vector_store %arg8[%swap3A_1389], %add3A_1388 {strides = array<i32>} : memref<384xi32, #tpu.memory_space<vmem>>, vector<16xi32>,
      %get3A_1391 = arith.constant 64 : index
      %get3A_1392 = tpu.vector_load %arg9[%get3A_1391] {strides = array<i32>} : memref<384xf32, #tpu.memory_space<vmem>>, vector<16xf32>,
      %get3A_1393 = arith.constant 64 : index
      %get3A_1394 = tpu.vector_load %arg11[%get3A_1393] {strides = array<i32>} : memref<384xf32, #tpu.memory_space<vmem>>, vector<16xf32>,
      %add3A_1395 = arith.addf %get3A_1392, %get3A_1394 : vector<16xf32>
      %swap3A_1396 = arith.constant 64 : index
      %swap3A_1397 = tpu.vector_load %arg9[%swap3A_1396] {strides = array<i32>} : memref<384xf32, #tpu.memory_space<vmem>>, vector<16xf32>,
      tpu.vector_store %arg9[%swap3A_1396], %add3A_1395 {strides = array<i32>} : memref<384xf32, #tpu.memory_space<vmem>>, vector<16xf32>,
      %get3A_1398 = arith.constant 80 : index
      %get3A_1399 = tpu.vector_load %arg8[%get3A_1398] {strides = array<i32>} : memref<384xi32, #tpu.memory_space<vmem>>, vector<16xi32>,
      %get3A_1400 = arith.constant 80 : index
      %get3A_1401 = tpu.vector_load %arg10[%get3A_1400] {strides = array<i32>} : memref<384xi32, #tpu.memory_space<vmem>>, vector<16xi32>,
      %add3A_1402 = arith.addi %get3A_1399, %get3A_1401 : vector<16xi32>
      %swap3A_1403 = arith.constant 80 : index
      %swap3A_1404 = tpu.vector_load %arg8[%swap3A_1403] {strides = array<i32>} : memref<384xi32, #tpu.memory_space<vmem>>, vector<16xi32>,
      tpu.vector_store %arg8[%swap3A_1403], %add3A_1402 {strides = array<i32>} : memref<384xi32, #tpu.memory_space<vmem>>, vector<16xi32>,
      %get3A_1405 = arith.constant 80 : index
      %get3A_1406 = tpu.vector_load %arg9[%get3A_1405] {strides = array<i32>} : memref<384xf32, #tpu.memory_space<vmem>>, vector<16xf32>,
      %get3A_1407 = arith.constant 80 : index
      %get3A_1408 = tpu.vector_load %arg11[%get3A_1407] {strides = array<i32>} : memref<384xf32, #tpu.memory_space<vmem>>, vector<16xf32>,
      %add3A_1409 = arith.addf %get3A_1406, %get3A_1408 : vector<16xf32>
      %swap3A_1410 = arith.constant 80 : index
      %swap3A_1411 = tpu.vector_load %arg9[%swap3A_1410] {strides = array<i32>} : memref<384xf32, #tpu.memory_space<vmem>>, vector<16xf32>,
      tpu.vector_store %arg9[%swap3A_1410], %add3A_1409 {strides = array<i32>} : memref<384xf32, #tpu.memory_space<vmem>>, vector<16xf32>,
      %get3A_1412 = arith.constant 96 : index
      %get3A_1413 = tpu.vector_load %arg8[%get3A_1412] {strides = array<i32>} : memref<384xi32, #tpu.memory_space<vmem>>, vector<16xi32>,
      %get3A_1414 = arith.constant 96 : index
      %get3A_1415 = tpu.vector_load %arg10[%get3A_1414] {strides = array<i32>} : memref<384xi32, #tpu.memory_space<vmem>>, vector<16xi32>,
      %add3A_1416 = arith.addi %get3A_1413, %get3A_1415 : vector<16xi32>
      %swap3A_1417 = arith.constant 96 : index
      %swap3A_1418 = tpu.vector_load %arg8[%swap3A_1417] {strides = array<i32>} : memref<384xi32, #tpu.memory_space<vmem>>, vector<16xi32>,
      tpu.vector_store %arg8[%swap3A_1417], %add3A_1416 {strides = array<i32>} : memref<384xi32, #tpu.memory_space<vmem>>, vector<16xi32>,
      %get3A_1419 = arith.constant 96 : index
      %get3A_1420 = tpu.vector_load %arg9[%get3A_1419] {strides = array<i32>} : memref<384xf32, #tpu.memory_space<vmem>>, vector<16xf32>,
      %get3A_1421 = arith.constant 96 : index
      %get3A_1422 = tpu.vector_load %arg11[%get3A_1421] {strides = array<i32>} : memref<384xf32, #tpu.memory_space<vmem>>, vector<16xf32>,
      %add3A_1423 = arith.addf %get3A_1420, %get3A_1422 : vector<16xf32>
      %swap3A_1424 = arith.constant 96 : index
      %swap3A_1425 = tpu.vector_load %arg9[%swap3A_1424] {strides = array<i32>} : memref<384xf32, #tpu.memory_space<vmem>>, vector<16xf32>,
      tpu.vector_store %arg9[%swap3A_1424], %add3A_1423 {strides = array<i32>} : memref<384xf32, #tpu.memory_space<vmem>>, vector<16xf32>,
      %get3A_1426 = arith.constant 112 : index
      %get3A_1427 = tpu.vector_load %arg8[%get3A_1426] {strides = array<i32>} : memref<384xi32, #tpu.memory_space<vmem>>, vector<16xi32>,
      %get3A_1428 = arith.constant 112 : index
      %get3A_1429 = tpu.vector_load %arg10[%get3A_1428] {strides = array<i32>} : memref<384xi32, #tpu.memory_space<vmem>>, vector<16xi32>,
      %add3A_1430 = arith.addi %get3A_1427, %get3A_1429 : vector<16xi32>
      %swap3A_1431 = arith.constant 112 : index
      %swap3A_1432 = tpu.vector_load %arg8[%swap3A_1431] {strides = array<i32>} : memref<384xi32, #tpu.memory_space<vmem>>, vector<16xi32>,
      tpu.vector_store %arg8[%swap3A_1431], %add3A_1430 {strides = array<i32>} : memref<384xi32, #tpu.memory_space<vmem>>, vector<16xi32>,
      %get3A_1433 = arith.constant 112 : index
      %get3A_1434 = tpu.vector_load %arg9[%get3A_1433] {strides = array<i32>} : memref<384xf32, #tpu.memory_space<vmem>>, vector<16xf32>,
      %get3A_1435 = arith.constant 112 : index
      %get3A_1436 = tpu.vector_load %arg11[%get3A_1435] {strides = array<i32>} : memref<384xf32, #tpu.memory_space<vmem>>, vector<16xf32>,
      %add3A_1437 = arith.addf %get3A_1434, %get3A_1436 : vector<16xf32>
      %swap3A_1438 = arith.constant 112 : index
      %swap3A_1439 = tpu.vector_load %arg9[%swap3A_1438] {strides = array<i32>} : memref<384xf32, #tpu.memory_space<vmem>>, vector<16xf32>,
      tpu.vector_store %arg9[%swap3A_1438], %add3A_1437 {strides = array<i32>} : memref<384xf32, #tpu.memory_space<vmem>>, vector<16xf32>,
      %get3A_1440 = arith.constant 128 : index
      %get3A_1441 = tpu.vector_load %arg8[%get3A_1440] {strides = array<i32>} : memref<384xi32, #tpu.memory_space<vmem>>, vector<16xi32>,
      %get3A_1442 = arith.constant 128 : index
      %get3A_1443 = tpu.vector_load %arg10[%get3A_1442] {strides = array<i32>} : memref<384xi32, #tpu.memory_space<vmem>>, vector<16xi32>,
      %add3A_1444 = arith.addi %get3A_1441, %get3A_1443 : vector<16xi32>
      %swap3A_1445 = arith.constant 128 : index
      %swap3A_1446 = tpu.vector_load %arg8[%swap3A_1445] {strides = array<i32>} : memref<384xi32, #tpu.memory_space<vmem>>, vector<16xi32>,
      tpu.vector_store %arg8[%swap3A_1445], %add3A_1444 {strides = array<i32>} : memref<384xi32, #tpu.memory_space<vmem>>, vector<16xi32>,
      %get3A_1447 = arith.constant 128 : index
      %get3A_1448 = tpu.vector_load %arg9[%get3A_1447] {strides = array<i32>} : memref<384xf32, #tpu.memory_space<vmem>>, vector<16xf32>,
      %get3A_1449 = arith.constant 128 : index
      %get3A_1450 = tpu.vector_load %arg11[%get3A_1449] {strides = array<i32>} : memref<384xf32, #tpu.memory_space<vmem>>, vector<16xf32>,
      %add3A_1451 = arith.addf %get3A_1448, %get3A_1450 : vector<16xf32>
      %swap3A_1452 = arith.constant 128 : index
      %swap3A_1453 = tpu.vector_load %arg9[%swap3A_1452] {strides = array<i32>} : memref<384xf32, #tpu.memory_space<vmem>>, vector<16xf32>,
      tpu.vector_store %arg9[%swap3A_1452], %add3A_1451 {strides = array<i32>} : memref<384xf32, #tpu.memory_space<vmem>>, vector<16xf32>,
      %get3A_1454 = arith.constant 144 : index
      %get3A_1455 = tpu.vector_load %arg8[%get3A_1454] {strides = array<i32>} : memref<384xi32, #tpu.memory_space<vmem>>, vector<16xi32>,
      %get3A_1456 = arith.constant 144 : index
      %get3A_1457 = tpu.vector_load %arg10[%get3A_1456] {strides = array<i32>} : memref<384xi32, #tpu.memory_space<vmem>>, vector<16xi32>,
      %add3A_1458 = arith.addi %get3A_1455, %get3A_1457 : vector<16xi32>
      %swap3A_1459 = arith.constant 144 : index
      %swap3A_1460 = tpu.vector_load %arg8[%swap3A_1459] {strides = array<i32>} : memref<384xi32, #tpu.memory_space<vmem>>, vector<16xi32>,
      tpu.vector_store %arg8[%swap3A_1459], %add3A_1458 {strides = array<i32>} : memref<384xi32, #tpu.memory_space<vmem>>, vector<16xi32>,
      %get3A_1461 = arith.constant 144 : index
      %get3A_1462 = tpu.vector_load %arg9[%get3A_1461] {strides = array<i32>} : memref<384xf32, #tpu.memory_space<vmem>>, vector<16xf32>,
      %get3A_1463 = arith.constant 144 : index
      %get3A_1464 = tpu.vector_load %arg11[%get3A_1463] {strides = array<i32>} : memref<384xf32, #tpu.memory_space<vmem>>, vector<16xf32>,
      %add3A_1465 = arith.addf %get3A_1462, %get3A_1464 : vector<16xf32>
      %swap3A_1466 = arith.constant 144 : index
      %swap3A_1467 = tpu.vector_load %arg9[%swap3A_1466] {strides = array<i32>} : memref<384xf32, #tpu.memory_space<vmem>>, vector<16xf32>,
      tpu.vector_store %arg9[%swap3A_1466], %add3A_1465 {strides = array<i32>} : memref<384xf32, #tpu.memory_space<vmem>>, vector<16xf32>,
      %get3A_1468 = arith.constant 160 : index
      %get3A_1469 = tpu.vector_load %arg8[%get3A_1468] {strides = array<i32>} : memref<384xi32, #tpu.memory_space<vmem>>, vector<16xi32>,
      %get3A_1470 = arith.constant 160 : index
      %get3A_1471 = tpu.vector_load %arg10[%get3A_1470] {strides = array<i32>} : memref<384xi32, #tpu.memory_space<vmem>>, vector<16xi32>,
      %add3A_1472 = arith.addi %get3A_1469, %get3A_1471 : vector<16xi32>
      %swap3A_1473 = arith.constant 160 : index
      %swap3A_1474 = tpu.vector_load %arg8[%swap3A_1473] {strides = array<i32>} : memref<384xi32, #tpu.memory_space<vmem>>, vector<16xi32>,
      tpu.vector_store %arg8[%swap3A_1473], %add3A_1472 {strides = array<i32>} : memref<384xi32, #tpu.memory_space<vmem>>, vector<16xi32>,
      %get3A_1475 = arith.constant 160 : index
      %get3A_1476 = tpu.vector_load %arg9[%get3A_1475] {strides = array<i32>} : memref<384xf32, #tpu.memory_space<vmem>>, vector<16xf32>,
      %get3A_1477 = arith.constant 160 : index
      %get3A_1478 = tpu.vector_load %arg11[%get3A_1477] {strides = array<i32>} : memref<384xf32, #tpu.memory_space<vmem>>, vector<16xf32>,
      %add3A_1479 = arith.addf %get3A_1476, %get3A_1478 : vector<16xf32>
      %swap3A_1480 = arith.constant 160 : index
      %swap3A_1481 = tpu.vector_load %arg9[%swap3A_1480] {strides = array<i32>} : memref<384xf32, #tpu.memory_space<vmem>>, vector<16xf32>,
      tpu.vector_store %arg9[%swap3A_1480], %add3A_1479 {strides = array<i32>} : memref<384xf32, #tpu.memory_space<vmem>>, vector<16xf32>,
      %get3A_1482 = arith.constant 176 : index
      %get3A_1483 = tpu.vector_load %arg8[%get3A_1482] {strides = array<i32>} : memref<384xi32, #tpu.memory_space<vmem>>, vector<16xi32>,
      %get3A_1484 = arith.constant 176 : index
      %get3A_1485 = tpu.vector_load %arg10[%get3A_1484] {strides = array<i32>} : memref<384xi32, #tpu.memory_space<vmem>>, vector<16xi32>,
      %add3A_1486 = arith.addi %get3A_1483, %get3A_1485 : vector<16xi32>
      %swap3A_1487 = arith.constant 176 : index
      %swap3A_1488 = tpu.vector_load %arg8[%swap3A_1487] {strides = array<i32>} : memref<384xi32, #tpu.memory_space<vmem>>, vector<16xi32>,
      tpu.vector_store %arg8[%swap3A_1487], %add3A_1486 {strides = array<i32>} : memref<384xi32, #tpu.memory_space<vmem>>, vector<16xi32>,
      %get3A_1489 = arith.constant 176 : index
      %get3A_1490 = tpu.vector_load %arg9[%get3A_1489] {strides = array<i32>} : memref<384xf32, #tpu.memory_space<vmem>>, vector<16xf32>,
      %get3A_1491 = arith.constant 176 : index
      %get3A_1492 = tpu.vector_load %arg11[%get3A_1491] {strides = array<i32>} : memref<384xf32, #tpu.memory_space<vmem>>, vector<16xf32>,
      %add3A_1493 = arith.addf %get3A_1490, %get3A_1492 : vector<16xf32>
      %swap3A_1494 = arith.constant 176 : index
      %swap3A_1495 = tpu.vector_load %arg9[%swap3A_1494] {strides = array<i32>} : memref<384xf32, #tpu.memory_space<vmem>>, vector<16xf32>,
      tpu.vector_store %arg9[%swap3A_1494], %add3A_1493 {strides = array<i32>} : memref<384xf32, #tpu.memory_space<vmem>>, vector<16xf32>,
      %get3A_1496 = arith.constant 192 : index
      %get3A_1497 = tpu.vector_load %arg8[%get3A_1496] {strides = array<i32>} : memref<384xi32, #tpu.memory_space<vmem>>, vector<16xi32>,
      %get3A_1498 = arith.constant 192 : index
      %get3A_1499 = tpu.vector_load %arg10[%get3A_1498] {strides = array<i32>} : memref<384xi32, #tpu.memory_space<vmem>>, vector<16xi32>,
      %add3A_1500 = arith.addi %get3A_1497, %get3A_1499 : vector<16xi32>
      %swap3A_1501 = arith.constant 192 : index
      %swap3A_1502 = tpu.vector_load %arg8[%swap3A_1501] {strides = array<i32>} : memref<384xi32, #tpu.memory_space<vmem>>, vector<16xi32>,
      tpu.vector_store %arg8[%swap3A_1501], %add3A_1500 {strides = array<i32>} : memref<384xi32, #tpu.memory_space<vmem>>, vector<16xi32>,
      %get3A_1503 = arith.constant 192 : index
      %get3A_1504 = tpu.vector_load %arg9[%get3A_1503] {strides = array<i32>} : memref<384xf32, #tpu.memory_space<vmem>>, vector<16xf32>,
      %get3A_1505 = arith.constant 192 : index
      %get3A_1506 = tpu.vector_load %arg11[%get3A_1505] {strides = array<i32>} : memref<384xf32, #tpu.memory_space<vmem>>, vector<16xf32>,
      %add3A_1507 = arith.addf %get3A_1504, %get3A_1506 : vector<16xf32>
      %swap3A_1508 = arith.constant 192 : index
      %swap3A_1509 = tpu.vector_load %arg9[%swap3A_1508] {strides = array<i32>} : memref<384xf32, #tpu.memory_space<vmem>>, vector<16xf32>,
      tpu.vector_store %arg9[%swap3A_1508], %add3A_1507 {strides = array<i32>} : memref<384xf32, #tpu.memory_space<vmem>>, vector<16xf32>,
      %get3A_1510 = arith.constant 208 : index
      %get3A_1511 = tpu.vector_load %arg8[%get3A_1510] {strides = array<i32>} : memref<384xi32, #tpu.memory_space<vmem>>, vector<16xi32>,
      %get3A_1512 = arith.constant 208 : index
      %get3A_1513 = tpu.vector_load %arg10[%get3A_1512] {strides = array<i32>} : memref<384xi32, #tpu.memory_space<vmem>>, vector<16xi32>,
      %add3A_1514 = arith.addi %get3A_1511, %get3A_1513 : vector<16xi32>
      %swap3A_1515 = arith.constant 208 : index
      %swap3A_1516 = tpu.vector_load %arg8[%swap3A_1515] {strides = array<i32>} : memref<384xi32, #tpu.memory_space<vmem>>, vector<16xi32>,
      tpu.vector_store %arg8[%swap3A_1515], %add3A_1514 {strides = array<i32>} : memref<384xi32, #tpu.memory_space<vmem>>, vector<16xi32>,
      %get3A_1517 = arith.constant 208 : index
      %get3A_1518 = tpu.vector_load %arg9[%get3A_1517] {strides = array<i32>} : memref<384xf32, #tpu.memory_space<vmem>>, vector<16xf32>,
      %get3A_1519 = arith.constant 208 : index
      %get3A_1520 = tpu.vector_load %arg11[%get3A_1519] {strides = array<i32>} : memref<384xf32, #tpu.memory_space<vmem>>, vector<16xf32>,
      %add3A_1521 = arith.addf %get3A_1518, %get3A_1520 : vector<16xf32>
      %swap3A_1522 = arith.constant 208 : index
      %swap3A_1523 = tpu.vector_load %arg9[%swap3A_1522] {strides = array<i32>} : memref<384xf32, #tpu.memory_space<vmem>>, vector<16xf32>,
      tpu.vector_store %arg9[%swap3A_1522], %add3A_1521 {strides = array<i32>} : memref<384xf32, #tpu.memory_space<vmem>>, vector<16xf32>,
      %get3A_1524 = arith.constant 224 : index
      %get3A_1525 = tpu.vector_load %arg8[%get3A_1524] {strides = array<i32>} : memref<384xi32, #tpu.memory_space<vmem>>, vector<16xi32>,
      %get3A_1526 = arith.constant 224 : index
      %get3A_1527 = tpu.vector_load %arg10[%get3A_1526] {strides = array<i32>} : memref<384xi32, #tpu.memory_space<vmem>>, vector<16xi32>,
      %add3A_1528 = arith.addi %get3A_1525, %get3A_1527 : vector<16xi32>
      %swap3A_1529 = arith.constant 224 : index
      %swap3A_1530 = tpu.vector_load %arg8[%swap3A_1529] {strides = array<i32>} : memref<384xi32, #tpu.memory_space<vmem>>, vector<16xi32>,
      tpu.vector_store %arg8[%swap3A_1529], %add3A_1528 {strides = array<i32>} : memref<384xi32, #tpu.memory_space<vmem>>, vector<16xi32>,
      %get3A_1531 = arith.constant 224 : index
      %get3A_1532 = tpu.vector_load %arg9[%get3A_1531] {strides = array<i32>} : memref<384xf32, #tpu.memory_space<vmem>>, vector<16xf32>,
      %get3A_1533 = arith.constant 224 : index
      %get3A_1534 = tpu.vector_load %arg11[%get3A_1533] {strides = array<i32>} : memref<384xf32, #tpu.memory_space<vmem>>, vector<16xf32>,
      %add3A_1535 = arith.addf %get3A_1532, %get3A_1534 : vector<16xf32>
      %swap3A_1536 = arith.constant 224 : index
      %swap3A_1537 = tpu.vector_load %arg9[%swap3A_1536] {strides = array<i32>} : memref<384xf32, #tpu.memory_space<vmem>>, vector<16xf32>,
      tpu.vector_store %arg9[%swap3A_1536], %add3A_1535 {strides = array<i32>} : memref<384xf32, #tpu.memory_space<vmem>>, vector<16xf32>,
      %get3A_1538 = arith.constant 240 : index
      %get3A_1539 = tpu.vector_load %arg8[%get3A_1538] {strides = array<i32>} : memref<384xi32, #tpu.memory_space<vmem>>, vector<16xi32>,
      %get3A_1540 = arith.constant 240 : index
      %get3A_1541 = tpu.vector_load %arg10[%get3A_1540] {strides = array<i32>} : memref<384xi32, #tpu.memory_space<vmem>>, vector<16xi32>,
      %add3A_1542 = arith.addi %get3A_1539, %get3A_1541 : vector<16xi32>
      %swap3A_1543 = arith.constant 240 : index
      %swap3A_1544 = tpu.vector_load %arg8[%swap3A_1543] {strides = array<i32>} : memref<384xi32, #tpu.memory_space<vmem>>, vector<16xi32>,
      tpu.vector_store %arg8[%swap3A_1543], %add3A_1542 {strides = array<i32>} : memref<384xi32, #tpu.memory_space<vmem>>, vector<16xi32>,
      %get3A_1545 = arith.constant 240 : index
      %get3A_1546 = tpu.vector_load %arg9[%get3A_1545] {strides = array<i32>} : memref<384xf32, #tpu.memory_space<vmem>>, vector<16xf32>,
      %get3A_1547 = arith.constant 240 : index
      %get3A_1548 = tpu.vector_load %arg11[%get3A_1547] {strides = array<i32>} : memref<384xf32, #tpu.memory_space<vmem>>, vector<16xf32>,
      %add3A_1549 = arith.addf %get3A_1546, %get3A_1548 : vector<16xf32>
      %swap3A_1550 = arith.constant 240 : index
      %swap3A_1551 = tpu.vector_load %arg9[%swap3A_1550] {strides = array<i32>} : memref<384xf32, #tpu.memory_space<vmem>>, vector<16xf32>,
      tpu.vector_store %arg9[%swap3A_1550], %add3A_1549 {strides = array<i32>} : memref<384xf32, #tpu.memory_space<vmem>>, vector<16xf32>,
      %get3A_1552 = arith.constant 256 : index
      %get3A_1553 = tpu.vector_load %arg8[%get3A_1552] {strides = array<i32>} : memref<384xi32, #tpu.memory_space<vmem>>, vector<16xi32>,
      %get3A_1554 = arith.constant 256 : index
      %get3A_1555 = tpu.vector_load %arg10[%get3A_1554] {strides = array<i32>} : memref<384xi32, #tpu.memory_space<vmem>>, vector<16xi32>,
      %add3A_1556 = arith.addi %get3A_1553, %get3A_1555 : vector<16xi32>
      %swap3A_1557 = arith.constant 256 : index
      %swap3A_1558 = tpu.vector_load %arg8[%swap3A_1557] {strides = array<i32>} : memref<384xi32, #tpu.memory_space<vmem>>, vector<16xi32>,
      tpu.vector_store %arg8[%swap3A_1557], %add3A_1556 {strides = array<i32>} : memref<384xi32, #tpu.memory_space<vmem>>, vector<16xi32>,
      %get3A_1559 = arith.constant 256 : index
      %get3A_1560 = tpu.vector_load %arg9[%get3A_1559] {strides = array<i32>} : memref<384xf32, #tpu.memory_space<vmem>>, vector<16xf32>,
      %get3A_1561 = arith.constant 256 : index
      %get3A_1562 = tpu.vector_load %arg11[%get3A_1561] {strides = array<i32>} : memref<384xf32, #tpu.memory_space<vmem>>, vector<16xf32>,
      %add3A_1563 = arith.addf %get3A_1560, %get3A_1562 : vector<16xf32>
      %swap3A_1564 = arith.constant 256 : index
      %swap3A_1565 = tpu.vector_load %arg9[%swap3A_1564] {strides = array<i32>} : memref<384xf32, #tpu.memory_space<vmem>>, vector<16xf32>,
      tpu.vector_store %arg9[%swap3A_1564], %add3A_1563 {strides = array<i32>} : memref<384xf32, #tpu.memory_space<vmem>>, vector<16xf32>,
      %get3A_1566 = arith.constant 272 : index
      %get3A_1567 = tpu.vector_load %arg8[%get3A_1566] {strides = array<i32>} : memref<384xi32, #tpu.memory_space<vmem>>, vector<16xi32>,
      %get3A_1568 = arith.constant 272 : index
      %get3A_1569 = tpu.vector_load %arg10[%get3A_1568] {strides = array<i32>} : memref<384xi32, #tpu.memory_space<vmem>>, vector<16xi32>,
      %add3A_1570 = arith.addi %get3A_1567, %get3A_1569 : vector<16xi32>
      %swap3A_1571 = arith.constant 272 : index
      %swap3A_1572 = tpu.vector_load %arg8[%swap3A_1571] {strides = array<i32>} : memref<384xi32, #tpu.memory_space<vmem>>, vector<16xi32>,
      tpu.vector_store %arg8[%swap3A_1571], %add3A_1570 {strides = array<i32>} : memref<384xi32, #tpu.memory_space<vmem>>, vector<16xi32>,
      %get3A_1573 = arith.constant 272 : index
      %get3A_1574 = tpu.vector_load %arg9[%get3A_1573] {strides = array<i32>} : memref<384xf32, #tpu.memory_space<vmem>>, vector<16xf32>,
      %get3A_1575 = arith.constant 272 : index
      %get3A_1576 = tpu.vector_load %arg11[%get3A_1575] {strides = array<i32>} : memref<384xf32, #tpu.memory_space<vmem>>, vector<16xf32>,
      %add3A_1577 = arith.addf %get3A_1574, %get3A_1576 : vector<16xf32>
      %swap3A_1578 = arith.constant 272 : index
      %swap3A_1579 = tpu.vector_load %arg9[%swap3A_1578] {strides = array<i32>} : memref<384xf32, #tpu.memory_space<vmem>>, vector<16xf32>,
      tpu.vector_store %arg9[%swap3A_1578], %add3A_1577 {strides = array<i32>} : memref<384xf32, #tpu.memory_space<vmem>>, vector<16xf32>,
      %get3A_1580 = arith.constant 288 : index
      %get3A_1581 = tpu.vector_load %arg8[%get3A_1580] {strides = array<i32>} : memref<384xi32, #tpu.memory_space<vmem>>, vector<16xi32>,
      %get3A_1582 = arith.constant 288 : index
      %get3A_1583 = tpu.vector_load %arg10[%get3A_1582] {strides = array<i32>} : memref<384xi32, #tpu.memory_space<vmem>>, vector<16xi32>,
      %add3A_1584 = arith.addi %get3A_1581, %get3A_1583 : vector<16xi32>
      %swap3A_1585 = arith.constant 288 : index
      %swap3A_1586 = tpu.vector_load %arg8[%swap3A_1585] {strides = array<i32>} : memref<384xi32, #tpu.memory_space<vmem>>, vector<16xi32>,
      tpu.vector_store %arg8[%swap3A_1585], %add3A_1584 {strides = array<i32>} : memref<384xi32, #tpu.memory_space<vmem>>, vector<16xi32>,
      %get3A_1587 = arith.constant 288 : index
      %get3A_1588 = tpu.vector_load %arg9[%get3A_1587] {strides = array<i32>} : memref<384xf32, #tpu.memory_space<vmem>>, vector<16xf32>,
      %get3A_1589 = arith.constant 288 : index
      %get3A_1590 = tpu.vector_load %arg11[%get3A_1589] {strides = array<i32>} : memref<384xf32, #tpu.memory_space<vmem>>, vector<16xf32>,
      %add3A_1591 = arith.addf %get3A_1588, %get3A_1590 : vector<16xf32>
      %swap3A_1592 = arith.constant 288 : index
      %swap3A_1593 = tpu.vector_load %arg9[%swap3A_1592] {strides = array<i32>} : memref<384xf32, #tpu.memory_space<vmem>>, vector<16xf32>,
      tpu.vector_store %arg9[%swap3A_1592], %add3A_1591 {strides = array<i32>} : memref<384xf32, #tpu.memory_space<vmem>>, vector<16xf32>,
      %get3A_1594 = arith.constant 304 : index
      %get3A_1595 = tpu.vector_load %arg8[%get3A_1594] {strides = array<i32>} : memref<384xi32, #tpu.memory_space<vmem>>, vector<16xi32>,
      %get3A_1596 = arith.constant 304 : index
      %get3A_1597 = tpu.vector_load %arg10[%get3A_1596] {strides = array<i32>} : memref<384xi32, #tpu.memory_space<vmem>>, vector<16xi32>,
      %add3A_1598 = arith.addi %get3A_1595, %get3A_1597 : vector<16xi32>
      %swap3A_1599 = arith.constant 304 : index
      %swap3A_1600 = tpu.vector_load %arg8[%swap3A_1599] {strides = array<i32>} : memref<384xi32, #tpu.memory_space<vmem>>, vector<16xi32>,
      tpu.vector_store %arg8[%swap3A_1599], %add3A_1598 {strides = array<i32>} : memref<384xi32, #tpu.memory_space<vmem>>, vector<16xi32>,
      %get3A_1601 = arith.constant 304 : index
      %get3A_1602 = tpu.vector_load %arg9[%get3A_1601] {strides = array<i32>} : memref<384xf32, #tpu.memory_space<vmem>>, vector<16xf32>,
      %get3A_1603 = arith.constant 304 : index
      %get3A_1604 = tpu.vector_load %arg11[%get3A_1603] {strides = array<i32>} : memref<384xf32, #tpu.memory_space<vmem>>, vector<16xf32>,
      %add3A_1605 = arith.addf %get3A_1602, %get3A_1604 : vector<16xf32>
      %swap3A_1606 = arith.constant 304 : index
      %swap3A_1607 = tpu.vector_load %arg9[%swap3A_1606] {strides = array<i32>} : memref<384xf32, #tpu.memory_space<vmem>>, vector<16xf32>,
      tpu.vector_store %arg9[%swap3A_1606], %add3A_1605 {strides = array<i32>} : memref<384xf32, #tpu.memory_space<vmem>>, vector<16xf32>,
      %get3A_1608 = arith.constant 320 : index
      %get3A_1609 = tpu.vector_load %arg8[%get3A_1608] {strides = array<i32>} : memref<384xi32, #tpu.memory_space<vmem>>, vector<16xi32>,
      %get3A_1610 = arith.constant 320 : index
      %get3A_1611 = tpu.vector_load %arg10[%get3A_1610] {strides = array<i32>} : memref<384xi32, #tpu.memory_space<vmem>>, vector<16xi32>,
      %add3A_1612 = arith.addi %get3A_1609, %get3A_1611 : vector<16xi32>
      %swap3A_1613 = arith.constant 320 : index
      %swap3A_1614 = tpu.vector_load %arg8[%swap3A_1613] {strides = array<i32>} : memref<384xi32, #tpu.memory_space<vmem>>, vector<16xi32>,
      tpu.vector_store %arg8[%swap3A_1613], %add3A_1612 {strides = array<i32>} : memref<384xi32, #tpu.memory_space<vmem>>, vector<16xi32>,
      %get3A_1615 = arith.constant 320 : index
      %get3A_1616 = tpu.vector_load %arg9[%get3A_1615] {strides = array<i32>} : memref<384xf32, #tpu.memory_space<vmem>>, vector<16xf32>,
      %get3A_1617 = arith.constant 320 : index
      %get3A_1618 = tpu.vector_load %arg11[%get3A_1617] {strides = array<i32>} : memref<384xf32, #tpu.memory_space<vmem>>, vector<16xf32>,
      %add3A_1619 = arith.addf %get3A_1616, %get3A_1618 : vector<16xf32>
      %swap3A_1620 = arith.constant 320 : index
      %swap3A_1621 = tpu.vector_load %arg9[%swap3A_1620] {strides = array<i32>} : memref<384xf32, #tpu.memory_space<vmem>>, vector<16xf32>,
      tpu.vector_store %arg9[%swap3A_1620], %add3A_1619 {strides = array<i32>} : memref<384xf32, #tpu.memory_space<vmem>>, vector<16xf32>,
      %get3A_1622 = arith.constant 336 : index
      %get3A_1623 = tpu.vector_load %arg8[%get3A_1622] {strides = array<i32>} : memref<384xi32, #tpu.memory_space<vmem>>, vector<16xi32>,
      %get3A_1624 = arith.constant 336 : index
      %get3A_1625 = tpu.vector_load %arg10[%get3A_1624] {strides = array<i32>} : memref<384xi32, #tpu.memory_space<vmem>>, vector<16xi32>,
      %add3A_1626 = arith.addi %get3A_1623, %get3A_1625 : vector<16xi32>
      %swap3A_1627 = arith.constant 336 : index
      %swap3A_1628 = tpu.vector_load %arg8[%swap3A_1627] {strides = array<i32>} : memref<384xi32, #tpu.memory_space<vmem>>, vector<16xi32>,
      tpu.vector_store %arg8[%swap3A_1627], %add3A_1626 {strides = array<i32>} : memref<384xi32, #tpu.memory_space<vmem>>, vector<16xi32>,
      %get3A_1629 = arith.constant 336 : index
      %get3A_1630 = tpu.vector_load %arg9[%get3A_1629] {strides = array<i32>} : memref<384xf32, #tpu.memory_space<vmem>>, vector<16xf32>,
      %get3A_1631 = arith.constant 336 : index
      %get3A_1632 = tpu.vector_load %arg11[%get3A_1631] {strides = array<i32>} : memref<384xf32, #tpu.memory_space<vmem>>, vector<16xf32>,
      %add3A_1633 = arith.addf %get3A_1630, %get3A_1632 : vector<16xf32>
      %swap3A_1634 = arith.constant 336 : index
      %swap3A_1635 = tpu.vector_load %arg9[%swap3A_1634] {strides = array<i32>} : memref<384xf32, #tpu.memory_space<vmem>>, vector<16xf32>,
      tpu.vector_store %arg9[%swap3A_1634], %add3A_1633 {strides = array<i32>} : memref<384xf32, #tpu.memory_space<vmem>>, vector<16xf32>,
      %get3A_1636 = arith.constant 352 : index
      %get3A_1637 = tpu.vector_load %arg8[%get3A_1636] {strides = array<i32>} : memref<384xi32, #tpu.memory_space<vmem>>, vector<16xi32>,
      %get3A_1638 = arith.constant 352 : index
      %get3A_1639 = tpu.vector_load %arg10[%get3A_1638] {strides = array<i32>} : memref<384xi32, #tpu.memory_space<vmem>>, vector<16xi32>,
      %add3A_1640 = arith.addi %get3A_1637, %get3A_1639 : vector<16xi32>
      %swap3A_1641 = arith.constant 352 : index
      %swap3A_1642 = tpu.vector_load %arg8[%swap3A_1641] {strides = array<i32>} : memref<384xi32, #tpu.memory_space<vmem>>, vector<16xi32>,
      tpu.vector_store %arg8[%swap3A_1641], %add3A_1640 {strides = array<i32>} : memref<384xi32, #tpu.memory_space<vmem>>, vector<16xi32>,
      %get3A_1643 = arith.constant 352 : index
      %get3A_1644 = tpu.vector_load %arg9[%get3A_1643] {strides = array<i32>} : memref<384xf32, #tpu.memory_space<vmem>>, vector<16xf32>,
      %get3A_1645 = arith.constant 352 : index
      %get3A_1646 = tpu.vector_load %arg11[%get3A_1645] {strides = array<i32>} : memref<384xf32, #tpu.memory_space<vmem>>, vector<16xf32>,
      %add3A_1647 = arith.addf %get3A_1644, %get3A_1646 : vector<16xf32>
      %swap3A_1648 = arith.constant 352 : index
      %swap3A_1649 = tpu.vector_load %arg9[%swap3A_1648] {strides = array<i32>} : memref<384xf32, #tpu.memory_space<vmem>>, vector<16xf32>,
      tpu.vector_store %arg9[%swap3A_1648], %add3A_1647 {strides = array<i32>} : memref<384xf32, #tpu.memory_space<vmem>>, vector<16xf32>,
      %get3A_1650 = arith.constant 368 : index
      %get3A_1651 = tpu.vector_load %arg8[%get3A_1650] {strides = array<i32>} : memref<384xi32, #tpu.memory_space<vmem>>, vector<16xi32>,
      %get3A_1652 = arith.constant 368 : index
      %get3A_1653 = tpu.vector_load %arg10[%get3A_1652] {strides = array<i32>} : memref<384xi32, #tpu.memory_space<vmem>>, vector<16xi32>,
      %add3A_1654 = arith.addi %get3A_1651, %get3A_1653 : vector<16xi32>
      %swap3A_1655 = arith.constant 368 : index
      %swap3A_1656 = tpu.vector_load %arg8[%swap3A_1655] {strides = array<i32>} : memref<384xi32, #tpu.memory_space<vmem>>, vector<16xi32>,
      tpu.vector_store %arg8[%swap3A_1655], %add3A_1654 {strides = array<i32>} : memref<384xi32, #tpu.memory_space<vmem>>, vector<16xi32>,
      %get3A_1657 = arith.constant 368 : index
      %get3A_1658 = tpu.vector_load %arg9[%get3A_1657] {strides = array<i32>} : memref<384xf32, #tpu.memory_space<vmem>>, vector<16xf32>,
      %get3A_1659 = arith.constant 368 : index
      %get3A_1660 = tpu.vector_load %arg11[%get3A_1659] {strides = array<i32>} : memref<384xf32, #tpu.memory_space<vmem>>, vector<16xf32>,
      %add3A_1661 = arith.addf %get3A_1658, %get3A_1660 : vector<16xf32>
      %swap3A_1662 = arith.constant 368 : index
      %swap3A_1663 = tpu.vector_load %arg9[%swap3A_1662] {strides = array<i32>} : memref<384xf32, #tpu.memory_space<vmem>>, vector<16xf32>,
      tpu.vector_store %arg9[%swap3A_1662], %add3A_1661 {strides = array<i32>} : memref<384xf32, #tpu.memory_space<vmem>>, vector<16xf32>,
      %mul3A_1664 = arith.constant 8 : i32
      %mul3A_1665 = arith.muli %select_n3A_30, %mul3A_1664 : i32
      %add3A_1666 = arith.constant 4 : i32
      %add3A_1667 = arith.addi %mul3A_1665, %add3A_1666 : i32
      %mul3A_1668 = arith.constant 384 : i32
      %mul3A_1669 = arith.muli %add3A_1667, %mul3A_1668 : i32
      "tpu.region"() ({
        %run_scoped3A = tpu.sem_alloc : memref<!tpu.dma_semaphore, #tpu.memory_space<semaphore_mem>>
        %dma_start3A = tpu.memref_slice %arg12[%mul3A_1669] : memref<6144xi32, #tpu.memory_space<vmem_shared>> -> memref<384xi32, #tpu.memory_space<vmem_shared>>
        %dma_start3A_3032 = tpu.memref_slice %arg12[%mul3A_1669] : memref<6144xi32, #tpu.memory_space<vmem_shared>> -> memref<384xi32, #tpu.memory_space<vmem_shared>>
        tpu.enqueue_dma source(%dma_start3A_3032 : memref<384xi32, #tpu.memory_space<vmem_shared>>) target(%arg10 : memref<384xi32, #tpu.memory_space<vmem>>) target_semaphore(%run_scoped3A : memref<!tpu.dma_semaphore, #tpu.memory_space<semaphore_mem>>)
        %dma_wait3A = tpu.memref_slice %arg12[%mul3A_1669] : memref<6144xi32, #tpu.memory_space<vmem_shared>> -> memref<384xi32, #tpu.memory_space<vmem_shared>>
        %dma_wait3A_3033 = tpu.memref_slice %arg12[%mul3A_1669] : memref<6144xi32, #tpu.memory_space<vmem_shared>> -> memref<384xi32, #tpu.memory_space<vmem_shared>>
        tpu.wait_dma2 semaphore(%run_scoped3A : memref<!tpu.dma_semaphore, #tpu.memory_space<semaphore_mem>>) src(%dma_wait3A_3033 : memref<384xi32, #tpu.memory_space<vmem_shared>>) dst(%arg10 : memref<384xi32, #tpu.memory_space<vmem>>)
        tpu.yield
      }) : () -> ()
      "tpu.region"() ({
        %run_scoped3A = tpu.sem_alloc : memref<!tpu.dma_semaphore, #tpu.memory_space<semaphore_mem>>
        %dma_start3A = tpu.memref_slice %arg13[%mul3A_1669] : memref<6144xf32, #tpu.memory_space<vmem_shared>> -> memref<384xf32, #tpu.memory_space<vmem_shared>>
        %dma_start3A_3032 = tpu.memref_slice %arg13[%mul3A_1669] : memref<6144xf32, #tpu.memory_space<vmem_shared>> -> memref<384xf32, #tpu.memory_space<vmem_shared>>
        tpu.enqueue_dma source(%dma_start3A_3032 : memref<384xf32, #tpu.memory_space<vmem_shared>>) target(%arg11 : memref<384xf32, #tpu.memory_space<vmem>>) target_semaphore(%run_scoped3A : memref<!tpu.dma_semaphore, #tpu.memory_space<semaphore_mem>>)
        %dma_wait3A = tpu.memref_slice %arg13[%mul3A_1669] : memref<6144xf32, #tpu.memory_space<vmem_shared>> -> memref<384xf32, #tpu.memory_space<vmem_shared>>
        %dma_wait3A_3033 = tpu.memref_slice %arg13[%mul3A_1669] : memref<6144xf32, #tpu.memory_space<vmem_shared>> -> memref<384xf32, #tpu.memory_space<vmem_shared>>
        tpu.wait_dma2 semaphore(%run_scoped3A : memref<!tpu.dma_semaphore, #tpu.memory_space<semaphore_mem>>) src(%dma_wait3A_3033 : memref<384xf32, #tpu.memory_space<vmem_shared>>) dst(%arg11 : memref<384xf32, #tpu.memory_space<vmem>>)
        tpu.yield
      }) : () -> ()
      %get3A_1670 = arith.constant 0 : index
      %get3A_1671 = tpu.vector_load %arg8[%get3A_1670] {strides = array<i32>} : memref<384xi32, #tpu.memory_space<vmem>>, vector<16xi32>,
      %get3A_1672 = arith.constant 0 : index
      %get3A_1673 = tpu.vector_load %arg10[%get3A_1672] {strides = array<i32>} : memref<384xi32, #tpu.memory_space<vmem>>, vector<16xi32>,
      %add3A_1674 = arith.addi %get3A_1671, %get3A_1673 : vector<16xi32>
      %swap3A_1675 = arith.constant 0 : index
      %swap3A_1676 = tpu.vector_load %arg8[%swap3A_1675] {strides = array<i32>} : memref<384xi32, #tpu.memory_space<vmem>>, vector<16xi32>,
      tpu.vector_store %arg8[%swap3A_1675], %add3A_1674 {strides = array<i32>} : memref<384xi32, #tpu.memory_space<vmem>>, vector<16xi32>,
      %get3A_1677 = arith.constant 0 : index
      %get3A_1678 = tpu.vector_load %arg9[%get3A_1677] {strides = array<i32>} : memref<384xf32, #tpu.memory_space<vmem>>, vector<16xf32>,
      %get3A_1679 = arith.constant 0 : index
      %get3A_1680 = tpu.vector_load %arg11[%get3A_1679] {strides = array<i32>} : memref<384xf32, #tpu.memory_space<vmem>>, vector<16xf32>,
      %add3A_1681 = arith.addf %get3A_1678, %get3A_1680 : vector<16xf32>
      %swap3A_1682 = arith.constant 0 : index
      %swap3A_1683 = tpu.vector_load %arg9[%swap3A_1682] {strides = array<i32>} : memref<384xf32, #tpu.memory_space<vmem>>, vector<16xf32>,
      tpu.vector_store %arg9[%swap3A_1682], %add3A_1681 {strides = array<i32>} : memref<384xf32, #tpu.memory_space<vmem>>, vector<16xf32>,
      %get3A_1684 = arith.constant 16 : index
      %get3A_1685 = tpu.vector_load %arg8[%get3A_1684] {strides = array<i32>} : memref<384xi32, #tpu.memory_space<vmem>>, vector<16xi32>,
      %get3A_1686 = arith.constant 16 : index
      %get3A_1687 = tpu.vector_load %arg10[%get3A_1686] {strides = array<i32>} : memref<384xi32, #tpu.memory_space<vmem>>, vector<16xi32>,
      %add3A_1688 = arith.addi %get3A_1685, %get3A_1687 : vector<16xi32>
      %swap3A_1689 = arith.constant 16 : index
      %swap3A_1690 = tpu.vector_load %arg8[%swap3A_1689] {strides = array<i32>} : memref<384xi32, #tpu.memory_space<vmem>>, vector<16xi32>,
      tpu.vector_store %arg8[%swap3A_1689], %add3A_1688 {strides = array<i32>} : memref<384xi32, #tpu.memory_space<vmem>>, vector<16xi32>,
      %get3A_1691 = arith.constant 16 : index
      %get3A_1692 = tpu.vector_load %arg9[%get3A_1691] {strides = array<i32>} : memref<384xf32, #tpu.memory_space<vmem>>, vector<16xf32>,
      %get3A_1693 = arith.constant 16 : index
      %get3A_1694 = tpu.vector_load %arg11[%get3A_1693] {strides = array<i32>} : memref<384xf32, #tpu.memory_space<vmem>>, vector<16xf32>,
      %add3A_1695 = arith.addf %get3A_1692, %get3A_1694 : vector<16xf32>
      %swap3A_1696 = arith.constant 16 : index
      %swap3A_1697 = tpu.vector_load %arg9[%swap3A_1696] {strides = array<i32>} : memref<384xf32, #tpu.memory_space<vmem>>, vector<16xf32>,
      tpu.vector_store %arg9[%swap3A_1696], %add3A_1695 {strides = array<i32>} : memref<384xf32, #tpu.memory_space<vmem>>, vector<16xf32>,
      %get3A_1698 = arith.constant 32 : index
      %get3A_1699 = tpu.vector_load %arg8[%get3A_1698] {strides = array<i32>} : memref<384xi32, #tpu.memory_space<vmem>>, vector<16xi32>,
      %get3A_1700 = arith.constant 32 : index
      %get3A_1701 = tpu.vector_load %arg10[%get3A_1700] {strides = array<i32>} : memref<384xi32, #tpu.memory_space<vmem>>, vector<16xi32>,
      %add3A_1702 = arith.addi %get3A_1699, %get3A_1701 : vector<16xi32>
      %swap3A_1703 = arith.constant 32 : index
      %swap3A_1704 = tpu.vector_load %arg8[%swap3A_1703] {strides = array<i32>} : memref<384xi32, #tpu.memory_space<vmem>>, vector<16xi32>,
      tpu.vector_store %arg8[%swap3A_1703], %add3A_1702 {strides = array<i32>} : memref<384xi32, #tpu.memory_space<vmem>>, vector<16xi32>,
      %get3A_1705 = arith.constant 32 : index
      %get3A_1706 = tpu.vector_load %arg9[%get3A_1705] {strides = array<i32>} : memref<384xf32, #tpu.memory_space<vmem>>, vector<16xf32>,
      %get3A_1707 = arith.constant 32 : index
      %get3A_1708 = tpu.vector_load %arg11[%get3A_1707] {strides = array<i32>} : memref<384xf32, #tpu.memory_space<vmem>>, vector<16xf32>,
      %add3A_1709 = arith.addf %get3A_1706, %get3A_1708 : vector<16xf32>
      %swap3A_1710 = arith.constant 32 : index
      %swap3A_1711 = tpu.vector_load %arg9[%swap3A_1710] {strides = array<i32>} : memref<384xf32, #tpu.memory_space<vmem>>, vector<16xf32>,
      tpu.vector_store %arg9[%swap3A_1710], %add3A_1709 {strides = array<i32>} : memref<384xf32, #tpu.memory_space<vmem>>, vector<16xf32>,
      %get3A_1712 = arith.constant 48 : index
      %get3A_1713 = tpu.vector_load %arg8[%get3A_1712] {strides = array<i32>} : memref<384xi32, #tpu.memory_space<vmem>>, vector<16xi32>,
      %get3A_1714 = arith.constant 48 : index
      %get3A_1715 = tpu.vector_load %arg10[%get3A_1714] {strides = array<i32>} : memref<384xi32, #tpu.memory_space<vmem>>, vector<16xi32>,
      %add3A_1716 = arith.addi %get3A_1713, %get3A_1715 : vector<16xi32>
      %swap3A_1717 = arith.constant 48 : index
      %swap3A_1718 = tpu.vector_load %arg8[%swap3A_1717] {strides = array<i32>} : memref<384xi32, #tpu.memory_space<vmem>>, vector<16xi32>,
      tpu.vector_store %arg8[%swap3A_1717], %add3A_1716 {strides = array<i32>} : memref<384xi32, #tpu.memory_space<vmem>>, vector<16xi32>,
      %get3A_1719 = arith.constant 48 : index
      %get3A_1720 = tpu.vector_load %arg9[%get3A_1719] {strides = array<i32>} : memref<384xf32, #tpu.memory_space<vmem>>, vector<16xf32>,
      %get3A_1721 = arith.constant 48 : index
      %get3A_1722 = tpu.vector_load %arg11[%get3A_1721] {strides = array<i32>} : memref<384xf32, #tpu.memory_space<vmem>>, vector<16xf32>,
      %add3A_1723 = arith.addf %get3A_1720, %get3A_1722 : vector<16xf32>
      %swap3A_1724 = arith.constant 48 : index
      %swap3A_1725 = tpu.vector_load %arg9[%swap3A_1724] {strides = array<i32>} : memref<384xf32, #tpu.memory_space<vmem>>, vector<16xf32>,
      tpu.vector_store %arg9[%swap3A_1724], %add3A_1723 {strides = array<i32>} : memref<384xf32, #tpu.memory_space<vmem>>, vector<16xf32>,
      %get3A_1726 = arith.constant 64 : index
      %get3A_1727 = tpu.vector_load %arg8[%get3A_1726] {strides = array<i32>} : memref<384xi32, #tpu.memory_space<vmem>>, vector<16xi32>,
      %get3A_1728 = arith.constant 64 : index
      %get3A_1729 = tpu.vector_load %arg10[%get3A_1728] {strides = array<i32>} : memref<384xi32, #tpu.memory_space<vmem>>, vector<16xi32>,
      %add3A_1730 = arith.addi %get3A_1727, %get3A_1729 : vector<16xi32>
      %swap3A_1731 = arith.constant 64 : index
      %swap3A_1732 = tpu.vector_load %arg8[%swap3A_1731] {strides = array<i32>} : memref<384xi32, #tpu.memory_space<vmem>>, vector<16xi32>,
      tpu.vector_store %arg8[%swap3A_1731], %add3A_1730 {strides = array<i32>} : memref<384xi32, #tpu.memory_space<vmem>>, vector<16xi32>,
      %get3A_1733 = arith.constant 64 : index
      %get3A_1734 = tpu.vector_load %arg9[%get3A_1733] {strides = array<i32>} : memref<384xf32, #tpu.memory_space<vmem>>, vector<16xf32>,
      %get3A_1735 = arith.constant 64 : index
      %get3A_1736 = tpu.vector_load %arg11[%get3A_1735] {strides = array<i32>} : memref<384xf32, #tpu.memory_space<vmem>>, vector<16xf32>,
      %add3A_1737 = arith.addf %get3A_1734, %get3A_1736 : vector<16xf32>
      %swap3A_1738 = arith.constant 64 : index
      %swap3A_1739 = tpu.vector_load %arg9[%swap3A_1738] {strides = array<i32>} : memref<384xf32, #tpu.memory_space<vmem>>, vector<16xf32>,
      tpu.vector_store %arg9[%swap3A_1738], %add3A_1737 {strides = array<i32>} : memref<384xf32, #tpu.memory_space<vmem>>, vector<16xf32>,
      %get3A_1740 = arith.constant 80 : index
      %get3A_1741 = tpu.vector_load %arg8[%get3A_1740] {strides = array<i32>} : memref<384xi32, #tpu.memory_space<vmem>>, vector<16xi32>,
      %get3A_1742 = arith.constant 80 : index
      %get3A_1743 = tpu.vector_load %arg10[%get3A_1742] {strides = array<i32>} : memref<384xi32, #tpu.memory_space<vmem>>, vector<16xi32>,
      %add3A_1744 = arith.addi %get3A_1741, %get3A_1743 : vector<16xi32>
      %swap3A_1745 = arith.constant 80 : index
      %swap3A_1746 = tpu.vector_load %arg8[%swap3A_1745] {strides = array<i32>} : memref<384xi32, #tpu.memory_space<vmem>>, vector<16xi32>,
      tpu.vector_store %arg8[%swap3A_1745], %add3A_1744 {strides = array<i32>} : memref<384xi32, #tpu.memory_space<vmem>>, vector<16xi32>,
      %get3A_1747 = arith.constant 80 : index
      %get3A_1748 = tpu.vector_load %arg9[%get3A_1747] {strides = array<i32>} : memref<384xf32, #tpu.memory_space<vmem>>, vector<16xf32>,
      %get3A_1749 = arith.constant 80 : index
      %get3A_1750 = tpu.vector_load %arg11[%get3A_1749] {strides = array<i32>} : memref<384xf32, #tpu.memory_space<vmem>>, vector<16xf32>,
      %add3A_1751 = arith.addf %get3A_1748, %get3A_1750 : vector<16xf32>
      %swap3A_1752 = arith.constant 80 : index
      %swap3A_1753 = tpu.vector_load %arg9[%swap3A_1752] {strides = array<i32>} : memref<384xf32, #tpu.memory_space<vmem>>, vector<16xf32>,
      tpu.vector_store %arg9[%swap3A_1752], %add3A_1751 {strides = array<i32>} : memref<384xf32, #tpu.memory_space<vmem>>, vector<16xf32>,
      %get3A_1754 = arith.constant 96 : index
      %get3A_1755 = tpu.vector_load %arg8[%get3A_1754] {strides = array<i32>} : memref<384xi32, #tpu.memory_space<vmem>>, vector<16xi32>,
      %get3A_1756 = arith.constant 96 : index
      %get3A_1757 = tpu.vector_load %arg10[%get3A_1756] {strides = array<i32>} : memref<384xi32, #tpu.memory_space<vmem>>, vector<16xi32>,
      %add3A_1758 = arith.addi %get3A_1755, %get3A_1757 : vector<16xi32>
      %swap3A_1759 = arith.constant 96 : index
      %swap3A_1760 = tpu.vector_load %arg8[%swap3A_1759] {strides = array<i32>} : memref<384xi32, #tpu.memory_space<vmem>>, vector<16xi32>,
      tpu.vector_store %arg8[%swap3A_1759], %add3A_1758 {strides = array<i32>} : memref<384xi32, #tpu.memory_space<vmem>>, vector<16xi32>,
      %get3A_1761 = arith.constant 96 : index
      %get3A_1762 = tpu.vector_load %arg9[%get3A_1761] {strides = array<i32>} : memref<384xf32, #tpu.memory_space<vmem>>, vector<16xf32>,
      %get3A_1763 = arith.constant 96 : index
      %get3A_1764 = tpu.vector_load %arg11[%get3A_1763] {strides = array<i32>} : memref<384xf32, #tpu.memory_space<vmem>>, vector<16xf32>,
      %add3A_1765 = arith.addf %get3A_1762, %get3A_1764 : vector<16xf32>
      %swap3A_1766 = arith.constant 96 : index
      %swap3A_1767 = tpu.vector_load %arg9[%swap3A_1766] {strides = array<i32>} : memref<384xf32, #tpu.memory_space<vmem>>, vector<16xf32>,
      tpu.vector_store %arg9[%swap3A_1766], %add3A_1765 {strides = array<i32>} : memref<384xf32, #tpu.memory_space<vmem>>, vector<16xf32>,
      %get3A_1768 = arith.constant 112 : index
      %get3A_1769 = tpu.vector_load %arg8[%get3A_1768] {strides = array<i32>} : memref<384xi32, #tpu.memory_space<vmem>>, vector<16xi32>,
      %get3A_1770 = arith.constant 112 : index
      %get3A_1771 = tpu.vector_load %arg10[%get3A_1770] {strides = array<i32>} : memref<384xi32, #tpu.memory_space<vmem>>, vector<16xi32>,
      %add3A_1772 = arith.addi %get3A_1769, %get3A_1771 : vector<16xi32>
      %swap3A_1773 = arith.constant 112 : index
      %swap3A_1774 = tpu.vector_load %arg8[%swap3A_1773] {strides = array<i32>} : memref<384xi32, #tpu.memory_space<vmem>>, vector<16xi32>,
      tpu.vector_store %arg8[%swap3A_1773], %add3A_1772 {strides = array<i32>} : memref<384xi32, #tpu.memory_space<vmem>>, vector<16xi32>,
      %get3A_1775 = arith.constant 112 : index
      %get3A_1776 = tpu.vector_load %arg9[%get3A_1775] {strides = array<i32>} : memref<384xf32, #tpu.memory_space<vmem>>, vector<16xf32>,
      %get3A_1777 = arith.constant 112 : index
      %get3A_1778 = tpu.vector_load %arg11[%get3A_1777] {strides = array<i32>} : memref<384xf32, #tpu.memory_space<vmem>>, vector<16xf32>,
      %add3A_1779 = arith.addf %get3A_1776, %get3A_1778 : vector<16xf32>
      %swap3A_1780 = arith.constant 112 : index
      %swap3A_1781 = tpu.vector_load %arg9[%swap3A_1780] {strides = array<i32>} : memref<384xf32, #tpu.memory_space<vmem>>, vector<16xf32>,
      tpu.vector_store %arg9[%swap3A_1780], %add3A_1779 {strides = array<i32>} : memref<384xf32, #tpu.memory_space<vmem>>, vector<16xf32>,
      %get3A_1782 = arith.constant 128 : index
      %get3A_1783 = tpu.vector_load %arg8[%get3A_1782] {strides = array<i32>} : memref<384xi32, #tpu.memory_space<vmem>>, vector<16xi32>,
      %get3A_1784 = arith.constant 128 : index
      %get3A_1785 = tpu.vector_load %arg10[%get3A_1784] {strides = array<i32>} : memref<384xi32, #tpu.memory_space<vmem>>, vector<16xi32>,
      %add3A_1786 = arith.addi %get3A_1783, %get3A_1785 : vector<16xi32>
      %swap3A_1787 = arith.constant 128 : index
      %swap3A_1788 = tpu.vector_load %arg8[%swap3A_1787] {strides = array<i32>} : memref<384xi32, #tpu.memory_space<vmem>>, vector<16xi32>,
      tpu.vector_store %arg8[%swap3A_1787], %add3A_1786 {strides = array<i32>} : memref<384xi32, #tpu.memory_space<vmem>>, vector<16xi32>,
      %get3A_1789 = arith.constant 128 : index
      %get3A_1790 = tpu.vector_load %arg9[%get3A_1789] {strides = array<i32>} : memref<384xf32, #tpu.memory_space<vmem>>, vector<16xf32>,
      %get3A_1791 = arith.constant 128 : index
      %get3A_1792 = tpu.vector_load %arg11[%get3A_1791] {strides = array<i32>} : memref<384xf32, #tpu.memory_space<vmem>>, vector<16xf32>,
      %add3A_1793 = arith.addf %get3A_1790, %get3A_1792 : vector<16xf32>
      %swap3A_1794 = arith.constant 128 : index
      %swap3A_1795 = tpu.vector_load %arg9[%swap3A_1794] {strides = array<i32>} : memref<384xf32, #tpu.memory_space<vmem>>, vector<16xf32>,
      tpu.vector_store %arg9[%swap3A_1794], %add3A_1793 {strides = array<i32>} : memref<384xf32, #tpu.memory_space<vmem>>, vector<16xf32>,
      %get3A_1796 = arith.constant 144 : index
      %get3A_1797 = tpu.vector_load %arg8[%get3A_1796] {strides = array<i32>} : memref<384xi32, #tpu.memory_space<vmem>>, vector<16xi32>,
      %get3A_1798 = arith.constant 144 : index
      %get3A_1799 = tpu.vector_load %arg10[%get3A_1798] {strides = array<i32>} : memref<384xi32, #tpu.memory_space<vmem>>, vector<16xi32>,
      %add3A_1800 = arith.addi %get3A_1797, %get3A_1799 : vector<16xi32>
      %swap3A_1801 = arith.constant 144 : index
      %swap3A_1802 = tpu.vector_load %arg8[%swap3A_1801] {strides = array<i32>} : memref<384xi32, #tpu.memory_space<vmem>>, vector<16xi32>,
      tpu.vector_store %arg8[%swap3A_1801], %add3A_1800 {strides = array<i32>} : memref<384xi32, #tpu.memory_space<vmem>>, vector<16xi32>,
      %get3A_1803 = arith.constant 144 : index
      %get3A_1804 = tpu.vector_load %arg9[%get3A_1803] {strides = array<i32>} : memref<384xf32, #tpu.memory_space<vmem>>, vector<16xf32>,
      %get3A_1805 = arith.constant 144 : index
      %get3A_1806 = tpu.vector_load %arg11[%get3A_1805] {strides = array<i32>} : memref<384xf32, #tpu.memory_space<vmem>>, vector<16xf32>,
      %add3A_1807 = arith.addf %get3A_1804, %get3A_1806 : vector<16xf32>
      %swap3A_1808 = arith.constant 144 : index
      %swap3A_1809 = tpu.vector_load %arg9[%swap3A_1808] {strides = array<i32>} : memref<384xf32, #tpu.memory_space<vmem>>, vector<16xf32>,
      tpu.vector_store %arg9[%swap3A_1808], %add3A_1807 {strides = array<i32>} : memref<384xf32, #tpu.memory_space<vmem>>, vector<16xf32>,
      %get3A_1810 = arith.constant 160 : index
      %get3A_1811 = tpu.vector_load %arg8[%get3A_1810] {strides = array<i32>} : memref<384xi32, #tpu.memory_space<vmem>>, vector<16xi32>,
      %get3A_1812 = arith.constant 160 : index
      %get3A_1813 = tpu.vector_load %arg10[%get3A_1812] {strides = array<i32>} : memref<384xi32, #tpu.memory_space<vmem>>, vector<16xi32>,
      %add3A_1814 = arith.addi %get3A_1811, %get3A_1813 : vector<16xi32>
      %swap3A_1815 = arith.constant 160 : index
      %swap3A_1816 = tpu.vector_load %arg8[%swap3A_1815] {strides = array<i32>} : memref<384xi32, #tpu.memory_space<vmem>>, vector<16xi32>,
      tpu.vector_store %arg8[%swap3A_1815], %add3A_1814 {strides = array<i32>} : memref<384xi32, #tpu.memory_space<vmem>>, vector<16xi32>,
      %get3A_1817 = arith.constant 160 : index
      %get3A_1818 = tpu.vector_load %arg9[%get3A_1817] {strides = array<i32>} : memref<384xf32, #tpu.memory_space<vmem>>, vector<16xf32>,
      %get3A_1819 = arith.constant 160 : index
      %get3A_1820 = tpu.vector_load %arg11[%get3A_1819] {strides = array<i32>} : memref<384xf32, #tpu.memory_space<vmem>>, vector<16xf32>,
      %add3A_1821 = arith.addf %get3A_1818, %get3A_1820 : vector<16xf32>
      %swap3A_1822 = arith.constant 160 : index
      %swap3A_1823 = tpu.vector_load %arg9[%swap3A_1822] {strides = array<i32>} : memref<384xf32, #tpu.memory_space<vmem>>, vector<16xf32>,
      tpu.vector_store %arg9[%swap3A_1822], %add3A_1821 {strides = array<i32>} : memref<384xf32, #tpu.memory_space<vmem>>, vector<16xf32>,
      %get3A_1824 = arith.constant 176 : index
      %get3A_1825 = tpu.vector_load %arg8[%get3A_1824] {strides = array<i32>} : memref<384xi32, #tpu.memory_space<vmem>>, vector<16xi32>,
      %get3A_1826 = arith.constant 176 : index
      %get3A_1827 = tpu.vector_load %arg10[%get3A_1826] {strides = array<i32>} : memref<384xi32, #tpu.memory_space<vmem>>, vector<16xi32>,
      %add3A_1828 = arith.addi %get3A_1825, %get3A_1827 : vector<16xi32>
      %swap3A_1829 = arith.constant 176 : index
      %swap3A_1830 = tpu.vector_load %arg8[%swap3A_1829] {strides = array<i32>} : memref<384xi32, #tpu.memory_space<vmem>>, vector<16xi32>,
      tpu.vector_store %arg8[%swap3A_1829], %add3A_1828 {strides = array<i32>} : memref<384xi32, #tpu.memory_space<vmem>>, vector<16xi32>,
      %get3A_1831 = arith.constant 176 : index
      %get3A_1832 = tpu.vector_load %arg9[%get3A_1831] {strides = array<i32>} : memref<384xf32, #tpu.memory_space<vmem>>, vector<16xf32>,
      %get3A_1833 = arith.constant 176 : index
      %get3A_1834 = tpu.vector_load %arg11[%get3A_1833] {strides = array<i32>} : memref<384xf32, #tpu.memory_space<vmem>>, vector<16xf32>,
      %add3A_1835 = arith.addf %get3A_1832, %get3A_1834 : vector<16xf32>
      %swap3A_1836 = arith.constant 176 : index
      %swap3A_1837 = tpu.vector_load %arg9[%swap3A_1836] {strides = array<i32>} : memref<384xf32, #tpu.memory_space<vmem>>, vector<16xf32>,
      tpu.vector_store %arg9[%swap3A_1836], %add3A_1835 {strides = array<i32>} : memref<384xf32, #tpu.memory_space<vmem>>, vector<16xf32>,
      %get3A_1838 = arith.constant 192 : index
      %get3A_1839 = tpu.vector_load %arg8[%get3A_1838] {strides = array<i32>} : memref<384xi32, #tpu.memory_space<vmem>>, vector<16xi32>,
      %get3A_1840 = arith.constant 192 : index
      %get3A_1841 = tpu.vector_load %arg10[%get3A_1840] {strides = array<i32>} : memref<384xi32, #tpu.memory_space<vmem>>, vector<16xi32>,
      %add3A_1842 = arith.addi %get3A_1839, %get3A_1841 : vector<16xi32>
      %swap3A_1843 = arith.constant 192 : index
      %swap3A_1844 = tpu.vector_load %arg8[%swap3A_1843] {strides = array<i32>} : memref<384xi32, #tpu.memory_space<vmem>>, vector<16xi32>,
      tpu.vector_store %arg8[%swap3A_1843], %add3A_1842 {strides = array<i32>} : memref<384xi32, #tpu.memory_space<vmem>>, vector<16xi32>,
      %get3A_1845 = arith.constant 192 : index
      %get3A_1846 = tpu.vector_load %arg9[%get3A_1845] {strides = array<i32>} : memref<384xf32, #tpu.memory_space<vmem>>, vector<16xf32>,
      %get3A_1847 = arith.constant 192 : index
      %get3A_1848 = tpu.vector_load %arg11[%get3A_1847] {strides = array<i32>} : memref<384xf32, #tpu.memory_space<vmem>>, vector<16xf32>,
      %add3A_1849 = arith.addf %get3A_1846, %get3A_1848 : vector<16xf32>
      %swap3A_1850 = arith.constant 192 : index
      %swap3A_1851 = tpu.vector_load %arg9[%swap3A_1850] {strides = array<i32>} : memref<384xf32, #tpu.memory_space<vmem>>, vector<16xf32>,
      tpu.vector_store %arg9[%swap3A_1850], %add3A_1849 {strides = array<i32>} : memref<384xf32, #tpu.memory_space<vmem>>, vector<16xf32>,
      %get3A_1852 = arith.constant 208 : index
      %get3A_1853 = tpu.vector_load %arg8[%get3A_1852] {strides = array<i32>} : memref<384xi32, #tpu.memory_space<vmem>>, vector<16xi32>,
      %get3A_1854 = arith.constant 208 : index
      %get3A_1855 = tpu.vector_load %arg10[%get3A_1854] {strides = array<i32>} : memref<384xi32, #tpu.memory_space<vmem>>, vector<16xi32>,
      %add3A_1856 = arith.addi %get3A_1853, %get3A_1855 : vector<16xi32>
      %swap3A_1857 = arith.constant 208 : index
      %swap3A_1858 = tpu.vector_load %arg8[%swap3A_1857] {strides = array<i32>} : memref<384xi32, #tpu.memory_space<vmem>>, vector<16xi32>,
      tpu.vector_store %arg8[%swap3A_1857], %add3A_1856 {strides = array<i32>} : memref<384xi32, #tpu.memory_space<vmem>>, vector<16xi32>,
      %get3A_1859 = arith.constant 208 : index
      %get3A_1860 = tpu.vector_load %arg9[%get3A_1859] {strides = array<i32>} : memref<384xf32, #tpu.memory_space<vmem>>, vector<16xf32>,
      %get3A_1861 = arith.constant 208 : index
      %get3A_1862 = tpu.vector_load %arg11[%get3A_1861] {strides = array<i32>} : memref<384xf32, #tpu.memory_space<vmem>>, vector<16xf32>,
      %add3A_1863 = arith.addf %get3A_1860, %get3A_1862 : vector<16xf32>
      %swap3A_1864 = arith.constant 208 : index
      %swap3A_1865 = tpu.vector_load %arg9[%swap3A_1864] {strides = array<i32>} : memref<384xf32, #tpu.memory_space<vmem>>, vector<16xf32>,
      tpu.vector_store %arg9[%swap3A_1864], %add3A_1863 {strides = array<i32>} : memref<384xf32, #tpu.memory_space<vmem>>, vector<16xf32>,
      %get3A_1866 = arith.constant 224 : index
      %get3A_1867 = tpu.vector_load %arg8[%get3A_1866] {strides = array<i32>} : memref<384xi32, #tpu.memory_space<vmem>>, vector<16xi32>,
      %get3A_1868 = arith.constant 224 : index
      %get3A_1869 = tpu.vector_load %arg10[%get3A_1868] {strides = array<i32>} : memref<384xi32, #tpu.memory_space<vmem>>, vector<16xi32>,
      %add3A_1870 = arith.addi %get3A_1867, %get3A_1869 : vector<16xi32>
      %swap3A_1871 = arith.constant 224 : index
      %swap3A_1872 = tpu.vector_load %arg8[%swap3A_1871] {strides = array<i32>} : memref<384xi32, #tpu.memory_space<vmem>>, vector<16xi32>,
      tpu.vector_store %arg8[%swap3A_1871], %add3A_1870 {strides = array<i32>} : memref<384xi32, #tpu.memory_space<vmem>>, vector<16xi32>,
      %get3A_1873 = arith.constant 224 : index
      %get3A_1874 = tpu.vector_load %arg9[%get3A_1873] {strides = array<i32>} : memref<384xf32, #tpu.memory_space<vmem>>, vector<16xf32>,
      %get3A_1875 = arith.constant 224 : index
      %get3A_1876 = tpu.vector_load %arg11[%get3A_1875] {strides = array<i32>} : memref<384xf32, #tpu.memory_space<vmem>>, vector<16xf32>,
      %add3A_1877 = arith.addf %get3A_1874, %get3A_1876 : vector<16xf32>
      %swap3A_1878 = arith.constant 224 : index
      %swap3A_1879 = tpu.vector_load %arg9[%swap3A_1878] {strides = array<i32>} : memref<384xf32, #tpu.memory_space<vmem>>, vector<16xf32>,
      tpu.vector_store %arg9[%swap3A_1878], %add3A_1877 {strides = array<i32>} : memref<384xf32, #tpu.memory_space<vmem>>, vector<16xf32>,
      %get3A_1880 = arith.constant 240 : index
      %get3A_1881 = tpu.vector_load %arg8[%get3A_1880] {strides = array<i32>} : memref<384xi32, #tpu.memory_space<vmem>>, vector<16xi32>,
      %get3A_1882 = arith.constant 240 : index
      %get3A_1883 = tpu.vector_load %arg10[%get3A_1882] {strides = array<i32>} : memref<384xi32, #tpu.memory_space<vmem>>, vector<16xi32>,
      %add3A_1884 = arith.addi %get3A_1881, %get3A_1883 : vector<16xi32>
      %swap3A_1885 = arith.constant 240 : index
      %swap3A_1886 = tpu.vector_load %arg8[%swap3A_1885] {strides = array<i32>} : memref<384xi32, #tpu.memory_space<vmem>>, vector<16xi32>,
      tpu.vector_store %arg8[%swap3A_1885], %add3A_1884 {strides = array<i32>} : memref<384xi32, #tpu.memory_space<vmem>>, vector<16xi32>,
      %get3A_1887 = arith.constant 240 : index
      %get3A_1888 = tpu.vector_load %arg9[%get3A_1887] {strides = array<i32>} : memref<384xf32, #tpu.memory_space<vmem>>, vector<16xf32>,
      %get3A_1889 = arith.constant 240 : index
      %get3A_1890 = tpu.vector_load %arg11[%get3A_1889] {strides = array<i32>} : memref<384xf32, #tpu.memory_space<vmem>>, vector<16xf32>,
      %add3A_1891 = arith.addf %get3A_1888, %get3A_1890 : vector<16xf32>
      %swap3A_1892 = arith.constant 240 : index
      %swap3A_1893 = tpu.vector_load %arg9[%swap3A_1892] {strides = array<i32>} : memref<384xf32, #tpu.memory_space<vmem>>, vector<16xf32>,
      tpu.vector_store %arg9[%swap3A_1892], %add3A_1891 {strides = array<i32>} : memref<384xf32, #tpu.memory_space<vmem>>, vector<16xf32>,
      %get3A_1894 = arith.constant 256 : index
      %get3A_1895 = tpu.vector_load %arg8[%get3A_1894] {strides = array<i32>} : memref<384xi32, #tpu.memory_space<vmem>>, vector<16xi32>,
      %get3A_1896 = arith.constant 256 : index
      %get3A_1897 = tpu.vector_load %arg10[%get3A_1896] {strides = array<i32>} : memref<384xi32, #tpu.memory_space<vmem>>, vector<16xi32>,
      %add3A_1898 = arith.addi %get3A_1895, %get3A_1897 : vector<16xi32>
      %swap3A_1899 = arith.constant 256 : index
      %swap3A_1900 = tpu.vector_load %arg8[%swap3A_1899] {strides = array<i32>} : memref<384xi32, #tpu.memory_space<vmem>>, vector<16xi32>,
      tpu.vector_store %arg8[%swap3A_1899], %add3A_1898 {strides = array<i32>} : memref<384xi32, #tpu.memory_space<vmem>>, vector<16xi32>,
      %get3A_1901 = arith.constant 256 : index
      %get3A_1902 = tpu.vector_load %arg9[%get3A_1901] {strides = array<i32>} : memref<384xf32, #tpu.memory_space<vmem>>, vector<16xf32>,
      %get3A_1903 = arith.constant 256 : index
      %get3A_1904 = tpu.vector_load %arg11[%get3A_1903] {strides = array<i32>} : memref<384xf32, #tpu.memory_space<vmem>>, vector<16xf32>,
      %add3A_1905 = arith.addf %get3A_1902, %get3A_1904 : vector<16xf32>
      %swap3A_1906 = arith.constant 256 : index
      %swap3A_1907 = tpu.vector_load %arg9[%swap3A_1906] {strides = array<i32>} : memref<384xf32, #tpu.memory_space<vmem>>, vector<16xf32>,
      tpu.vector_store %arg9[%swap3A_1906], %add3A_1905 {strides = array<i32>} : memref<384xf32, #tpu.memory_space<vmem>>, vector<16xf32>,
      %get3A_1908 = arith.constant 272 : index
      %get3A_1909 = tpu.vector_load %arg8[%get3A_1908] {strides = array<i32>} : memref<384xi32, #tpu.memory_space<vmem>>, vector<16xi32>,
      %get3A_1910 = arith.constant 272 : index
      %get3A_1911 = tpu.vector_load %arg10[%get3A_1910] {strides = array<i32>} : memref<384xi32, #tpu.memory_space<vmem>>, vector<16xi32>,
      %add3A_1912 = arith.addi %get3A_1909, %get3A_1911 : vector<16xi32>
      %swap3A_1913 = arith.constant 272 : index
      %swap3A_1914 = tpu.vector_load %arg8[%swap3A_1913] {strides = array<i32>} : memref<384xi32, #tpu.memory_space<vmem>>, vector<16xi32>,
      tpu.vector_store %arg8[%swap3A_1913], %add3A_1912 {strides = array<i32>} : memref<384xi32, #tpu.memory_space<vmem>>, vector<16xi32>,
      %get3A_1915 = arith.constant 272 : index
      %get3A_1916 = tpu.vector_load %arg9[%get3A_1915] {strides = array<i32>} : memref<384xf32, #tpu.memory_space<vmem>>, vector<16xf32>,
      %get3A_1917 = arith.constant 272 : index
      %get3A_1918 = tpu.vector_load %arg11[%get3A_1917] {strides = array<i32>} : memref<384xf32, #tpu.memory_space<vmem>>, vector<16xf32>,
      %add3A_1919 = arith.addf %get3A_1916, %get3A_1918 : vector<16xf32>
      %swap3A_1920 = arith.constant 272 : index
      %swap3A_1921 = tpu.vector_load %arg9[%swap3A_1920] {strides = array<i32>} : memref<384xf32, #tpu.memory_space<vmem>>, vector<16xf32>,
      tpu.vector_store %arg9[%swap3A_1920], %add3A_1919 {strides = array<i32>} : memref<384xf32, #tpu.memory_space<vmem>>, vector<16xf32>,
      %get3A_1922 = arith.constant 288 : index
      %get3A_1923 = tpu.vector_load %arg8[%get3A_1922] {strides = array<i32>} : memref<384xi32, #tpu.memory_space<vmem>>, vector<16xi32>,
      %get3A_1924 = arith.constant 288 : index
      %get3A_1925 = tpu.vector_load %arg10[%get3A_1924] {strides = array<i32>} : memref<384xi32, #tpu.memory_space<vmem>>, vector<16xi32>,
      %add3A_1926 = arith.addi %get3A_1923, %get3A_1925 : vector<16xi32>
      %swap3A_1927 = arith.constant 288 : index
      %swap3A_1928 = tpu.vector_load %arg8[%swap3A_1927] {strides = array<i32>} : memref<384xi32, #tpu.memory_space<vmem>>, vector<16xi32>,
      tpu.vector_store %arg8[%swap3A_1927], %add3A_1926 {strides = array<i32>} : memref<384xi32, #tpu.memory_space<vmem>>, vector<16xi32>,
      %get3A_1929 = arith.constant 288 : index
      %get3A_1930 = tpu.vector_load %arg9[%get3A_1929] {strides = array<i32>} : memref<384xf32, #tpu.memory_space<vmem>>, vector<16xf32>,
      %get3A_1931 = arith.constant 288 : index
      %get3A_1932 = tpu.vector_load %arg11[%get3A_1931] {strides = array<i32>} : memref<384xf32, #tpu.memory_space<vmem>>, vector<16xf32>,
      %add3A_1933 = arith.addf %get3A_1930, %get3A_1932 : vector<16xf32>
      %swap3A_1934 = arith.constant 288 : index
      %swap3A_1935 = tpu.vector_load %arg9[%swap3A_1934] {strides = array<i32>} : memref<384xf32, #tpu.memory_space<vmem>>, vector<16xf32>,
      tpu.vector_store %arg9[%swap3A_1934], %add3A_1933 {strides = array<i32>} : memref<384xf32, #tpu.memory_space<vmem>>, vector<16xf32>,
      %get3A_1936 = arith.constant 304 : index
      %get3A_1937 = tpu.vector_load %arg8[%get3A_1936] {strides = array<i32>} : memref<384xi32, #tpu.memory_space<vmem>>, vector<16xi32>,
      %get3A_1938 = arith.constant 304 : index
      %get3A_1939 = tpu.vector_load %arg10[%get3A_1938] {strides = array<i32>} : memref<384xi32, #tpu.memory_space<vmem>>, vector<16xi32>,
      %add3A_1940 = arith.addi %get3A_1937, %get3A_1939 : vector<16xi32>
      %swap3A_1941 = arith.constant 304 : index
      %swap3A_1942 = tpu.vector_load %arg8[%swap3A_1941] {strides = array<i32>} : memref<384xi32, #tpu.memory_space<vmem>>, vector<16xi32>,
      tpu.vector_store %arg8[%swap3A_1941], %add3A_1940 {strides = array<i32>} : memref<384xi32, #tpu.memory_space<vmem>>, vector<16xi32>,
      %get3A_1943 = arith.constant 304 : index
      %get3A_1944 = tpu.vector_load %arg9[%get3A_1943] {strides = array<i32>} : memref<384xf32, #tpu.memory_space<vmem>>, vector<16xf32>,
      %get3A_1945 = arith.constant 304 : index
      %get3A_1946 = tpu.vector_load %arg11[%get3A_1945] {strides = array<i32>} : memref<384xf32, #tpu.memory_space<vmem>>, vector<16xf32>,
      %add3A_1947 = arith.addf %get3A_1944, %get3A_1946 : vector<16xf32>
      %swap3A_1948 = arith.constant 304 : index
      %swap3A_1949 = tpu.vector_load %arg9[%swap3A_1948] {strides = array<i32>} : memref<384xf32, #tpu.memory_space<vmem>>, vector<16xf32>,
      tpu.vector_store %arg9[%swap3A_1948], %add3A_1947 {strides = array<i32>} : memref<384xf32, #tpu.memory_space<vmem>>, vector<16xf32>,
      %get3A_1950 = arith.constant 320 : index
      %get3A_1951 = tpu.vector_load %arg8[%get3A_1950] {strides = array<i32>} : memref<384xi32, #tpu.memory_space<vmem>>, vector<16xi32>,
      %get3A_1952 = arith.constant 320 : index
      %get3A_1953 = tpu.vector_load %arg10[%get3A_1952] {strides = array<i32>} : memref<384xi32, #tpu.memory_space<vmem>>, vector<16xi32>,
      %add3A_1954 = arith.addi %get3A_1951, %get3A_1953 : vector<16xi32>
      %swap3A_1955 = arith.constant 320 : index
      %swap3A_1956 = tpu.vector_load %arg8[%swap3A_1955] {strides = array<i32>} : memref<384xi32, #tpu.memory_space<vmem>>, vector<16xi32>,
      tpu.vector_store %arg8[%swap3A_1955], %add3A_1954 {strides = array<i32>} : memref<384xi32, #tpu.memory_space<vmem>>, vector<16xi32>,
      %get3A_1957 = arith.constant 320 : index
      %get3A_1958 = tpu.vector_load %arg9[%get3A_1957] {strides = array<i32>} : memref<384xf32, #tpu.memory_space<vmem>>, vector<16xf32>,
      %get3A_1959 = arith.constant 320 : index
      %get3A_1960 = tpu.vector_load %arg11[%get3A_1959] {strides = array<i32>} : memref<384xf32, #tpu.memory_space<vmem>>, vector<16xf32>,
      %add3A_1961 = arith.addf %get3A_1958, %get3A_1960 : vector<16xf32>
      %swap3A_1962 = arith.constant 320 : index
      %swap3A_1963 = tpu.vector_load %arg9[%swap3A_1962] {strides = array<i32>} : memref<384xf32, #tpu.memory_space<vmem>>, vector<16xf32>,
      tpu.vector_store %arg9[%swap3A_1962], %add3A_1961 {strides = array<i32>} : memref<384xf32, #tpu.memory_space<vmem>>, vector<16xf32>,
      %get3A_1964 = arith.constant 336 : index
      %get3A_1965 = tpu.vector_load %arg8[%get3A_1964] {strides = array<i32>} : memref<384xi32, #tpu.memory_space<vmem>>, vector<16xi32>,
      %get3A_1966 = arith.constant 336 : index
      %get3A_1967 = tpu.vector_load %arg10[%get3A_1966] {strides = array<i32>} : memref<384xi32, #tpu.memory_space<vmem>>, vector<16xi32>,
      %add3A_1968 = arith.addi %get3A_1965, %get3A_1967 : vector<16xi32>
      %swap3A_1969 = arith.constant 336 : index
      %swap3A_1970 = tpu.vector_load %arg8[%swap3A_1969] {strides = array<i32>} : memref<384xi32, #tpu.memory_space<vmem>>, vector<16xi32>,
      tpu.vector_store %arg8[%swap3A_1969], %add3A_1968 {strides = array<i32>} : memref<384xi32, #tpu.memory_space<vmem>>, vector<16xi32>,
      %get3A_1971 = arith.constant 336 : index
      %get3A_1972 = tpu.vector_load %arg9[%get3A_1971] {strides = array<i32>} : memref<384xf32, #tpu.memory_space<vmem>>, vector<16xf32>,
      %get3A_1973 = arith.constant 336 : index
      %get3A_1974 = tpu.vector_load %arg11[%get3A_1973] {strides = array<i32>} : memref<384xf32, #tpu.memory_space<vmem>>, vector<16xf32>,
      %add3A_1975 = arith.addf %get3A_1972, %get3A_1974 : vector<16xf32>
      %swap3A_1976 = arith.constant 336 : index
      %swap3A_1977 = tpu.vector_load %arg9[%swap3A_1976] {strides = array<i32>} : memref<384xf32, #tpu.memory_space<vmem>>, vector<16xf32>,
      tpu.vector_store %arg9[%swap3A_1976], %add3A_1975 {strides = array<i32>} : memref<384xf32, #tpu.memory_space<vmem>>, vector<16xf32>,
      %get3A_1978 = arith.constant 352 : index
      %get3A_1979 = tpu.vector_load %arg8[%get3A_1978] {strides = array<i32>} : memref<384xi32, #tpu.memory_space<vmem>>, vector<16xi32>,
      %get3A_1980 = arith.constant 352 : index
      %get3A_1981 = tpu.vector_load %arg10[%get3A_1980] {strides = array<i32>} : memref<384xi32, #tpu.memory_space<vmem>>, vector<16xi32>,
      %add3A_1982 = arith.addi %get3A_1979, %get3A_1981 : vector<16xi32>
      %swap3A_1983 = arith.constant 352 : index
      %swap3A_1984 = tpu.vector_load %arg8[%swap3A_1983] {strides = array<i32>} : memref<384xi32, #tpu.memory_space<vmem>>, vector<16xi32>,
      tpu.vector_store %arg8[%swap3A_1983], %add3A_1982 {strides = array<i32>} : memref<384xi32, #tpu.memory_space<vmem>>, vector<16xi32>,
      %get3A_1985 = arith.constant 352 : index
      %get3A_1986 = tpu.vector_load %arg9[%get3A_1985] {strides = array<i32>} : memref<384xf32, #tpu.memory_space<vmem>>, vector<16xf32>,
      %get3A_1987 = arith.constant 352 : index
      %get3A_1988 = tpu.vector_load %arg11[%get3A_1987] {strides = array<i32>} : memref<384xf32, #tpu.memory_space<vmem>>, vector<16xf32>,
      %add3A_1989 = arith.addf %get3A_1986, %get3A_1988 : vector<16xf32>
      %swap3A_1990 = arith.constant 352 : index
      %swap3A_1991 = tpu.vector_load %arg9[%swap3A_1990] {strides = array<i32>} : memref<384xf32, #tpu.memory_space<vmem>>, vector<16xf32>,
      tpu.vector_store %arg9[%swap3A_1990], %add3A_1989 {strides = array<i32>} : memref<384xf32, #tpu.memory_space<vmem>>, vector<16xf32>,
      %get3A_1992 = arith.constant 368 : index
      %get3A_1993 = tpu.vector_load %arg8[%get3A_1992] {strides = array<i32>} : memref<384xi32, #tpu.memory_space<vmem>>, vector<16xi32>,
      %get3A_1994 = arith.constant 368 : index
      %get3A_1995 = tpu.vector_load %arg10[%get3A_1994] {strides = array<i32>} : memref<384xi32, #tpu.memory_space<vmem>>, vector<16xi32>,
      %add3A_1996 = arith.addi %get3A_1993, %get3A_1995 : vector<16xi32>
      %swap3A_1997 = arith.constant 368 : index
      %swap3A_1998 = tpu.vector_load %arg8[%swap3A_1997] {strides = array<i32>} : memref<384xi32, #tpu.memory_space<vmem>>, vector<16xi32>,
      tpu.vector_store %arg8[%swap3A_1997], %add3A_1996 {strides = array<i32>} : memref<384xi32, #tpu.memory_space<vmem>>, vector<16xi32>,
      %get3A_1999 = arith.constant 368 : index
      %get3A_2000 = tpu.vector_load %arg9[%get3A_1999] {strides = array<i32>} : memref<384xf32, #tpu.memory_space<vmem>>, vector<16xf32>,
      %get3A_2001 = arith.constant 368 : index
      %get3A_2002 = tpu.vector_load %arg11[%get3A_2001] {strides = array<i32>} : memref<384xf32, #tpu.memory_space<vmem>>, vector<16xf32>,
      %add3A_2003 = arith.addf %get3A_2000, %get3A_2002 : vector<16xf32>
      %swap3A_2004 = arith.constant 368 : index
      %swap3A_2005 = tpu.vector_load %arg9[%swap3A_2004] {strides = array<i32>} : memref<384xf32, #tpu.memory_space<vmem>>, vector<16xf32>,
      tpu.vector_store %arg9[%swap3A_2004], %add3A_2003 {strides = array<i32>} : memref<384xf32, #tpu.memory_space<vmem>>, vector<16xf32>,
      %mul3A_2006 = arith.constant 8 : i32
      %mul3A_2007 = arith.muli %select_n3A_30, %mul3A_2006 : i32
      %add3A_2008 = arith.constant 5 : i32
      %add3A_2009 = arith.addi %mul3A_2007, %add3A_2008 : i32
      %mul3A_2010 = arith.constant 384 : i32
      %mul3A_2011 = arith.muli %add3A_2009, %mul3A_2010 : i32
      "tpu.region"() ({
        %run_scoped3A = tpu.sem_alloc : memref<!tpu.dma_semaphore, #tpu.memory_space<semaphore_mem>>
        %dma_start3A = tpu.memref_slice %arg12[%mul3A_2011] : memref<6144xi32, #tpu.memory_space<vmem_shared>> -> memref<384xi32, #tpu.memory_space<vmem_shared>>
        %dma_start3A_3032 = tpu.memref_slice %arg12[%mul3A_2011] : memref<6144xi32, #tpu.memory_space<vmem_shared>> -> memref<384xi32, #tpu.memory_space<vmem_shared>>
        tpu.enqueue_dma source(%dma_start3A_3032 : memref<384xi32, #tpu.memory_space<vmem_shared>>) target(%arg10 : memref<384xi32, #tpu.memory_space<vmem>>) target_semaphore(%run_scoped3A : memref<!tpu.dma_semaphore, #tpu.memory_space<semaphore_mem>>)
        %dma_wait3A = tpu.memref_slice %arg12[%mul3A_2011] : memref<6144xi32, #tpu.memory_space<vmem_shared>> -> memref<384xi32, #tpu.memory_space<vmem_shared>>
        %dma_wait3A_3033 = tpu.memref_slice %arg12[%mul3A_2011] : memref<6144xi32, #tpu.memory_space<vmem_shared>> -> memref<384xi32, #tpu.memory_space<vmem_shared>>
        tpu.wait_dma2 semaphore(%run_scoped3A : memref<!tpu.dma_semaphore, #tpu.memory_space<semaphore_mem>>) src(%dma_wait3A_3033 : memref<384xi32, #tpu.memory_space<vmem_shared>>) dst(%arg10 : memref<384xi32, #tpu.memory_space<vmem>>)
        tpu.yield
      }) : () -> ()
      "tpu.region"() ({
        %run_scoped3A = tpu.sem_alloc : memref<!tpu.dma_semaphore, #tpu.memory_space<semaphore_mem>>
        %dma_start3A = tpu.memref_slice %arg13[%mul3A_2011] : memref<6144xf32, #tpu.memory_space<vmem_shared>> -> memref<384xf32, #tpu.memory_space<vmem_shared>>
        %dma_start3A_3032 = tpu.memref_slice %arg13[%mul3A_2011] : memref<6144xf32, #tpu.memory_space<vmem_shared>> -> memref<384xf32, #tpu.memory_space<vmem_shared>>
        tpu.enqueue_dma source(%dma_start3A_3032 : memref<384xf32, #tpu.memory_space<vmem_shared>>) target(%arg11 : memref<384xf32, #tpu.memory_space<vmem>>) target_semaphore(%run_scoped3A : memref<!tpu.dma_semaphore, #tpu.memory_space<semaphore_mem>>)
        %dma_wait3A = tpu.memref_slice %arg13[%mul3A_2011] : memref<6144xf32, #tpu.memory_space<vmem_shared>> -> memref<384xf32, #tpu.memory_space<vmem_shared>>
        %dma_wait3A_3033 = tpu.memref_slice %arg13[%mul3A_2011] : memref<6144xf32, #tpu.memory_space<vmem_shared>> -> memref<384xf32, #tpu.memory_space<vmem_shared>>
        tpu.wait_dma2 semaphore(%run_scoped3A : memref<!tpu.dma_semaphore, #tpu.memory_space<semaphore_mem>>) src(%dma_wait3A_3033 : memref<384xf32, #tpu.memory_space<vmem_shared>>) dst(%arg11 : memref<384xf32, #tpu.memory_space<vmem>>)
        tpu.yield
      }) : () -> ()
      %get3A_2012 = arith.constant 0 : index
      %get3A_2013 = tpu.vector_load %arg8[%get3A_2012] {strides = array<i32>} : memref<384xi32, #tpu.memory_space<vmem>>, vector<16xi32>,
      %get3A_2014 = arith.constant 0 : index
      %get3A_2015 = tpu.vector_load %arg10[%get3A_2014] {strides = array<i32>} : memref<384xi32, #tpu.memory_space<vmem>>, vector<16xi32>,
      %add3A_2016 = arith.addi %get3A_2013, %get3A_2015 : vector<16xi32>
      %swap3A_2017 = arith.constant 0 : index
      %swap3A_2018 = tpu.vector_load %arg8[%swap3A_2017] {strides = array<i32>} : memref<384xi32, #tpu.memory_space<vmem>>, vector<16xi32>,
      tpu.vector_store %arg8[%swap3A_2017], %add3A_2016 {strides = array<i32>} : memref<384xi32, #tpu.memory_space<vmem>>, vector<16xi32>,
      %get3A_2019 = arith.constant 0 : index
      %get3A_2020 = tpu.vector_load %arg9[%get3A_2019] {strides = array<i32>} : memref<384xf32, #tpu.memory_space<vmem>>, vector<16xf32>,
      %get3A_2021 = arith.constant 0 : index
      %get3A_2022 = tpu.vector_load %arg11[%get3A_2021] {strides = array<i32>} : memref<384xf32, #tpu.memory_space<vmem>>, vector<16xf32>,
      %add3A_2023 = arith.addf %get3A_2020, %get3A_2022 : vector<16xf32>
      %swap3A_2024 = arith.constant 0 : index
      %swap3A_2025 = tpu.vector_load %arg9[%swap3A_2024] {strides = array<i32>} : memref<384xf32, #tpu.memory_space<vmem>>, vector<16xf32>,
      tpu.vector_store %arg9[%swap3A_2024], %add3A_2023 {strides = array<i32>} : memref<384xf32, #tpu.memory_space<vmem>>, vector<16xf32>,
      %get3A_2026 = arith.constant 16 : index
      %get3A_2027 = tpu.vector_load %arg8[%get3A_2026] {strides = array<i32>} : memref<384xi32, #tpu.memory_space<vmem>>, vector<16xi32>,
      %get3A_2028 = arith.constant 16 : index
      %get3A_2029 = tpu.vector_load %arg10[%get3A_2028] {strides = array<i32>} : memref<384xi32, #tpu.memory_space<vmem>>, vector<16xi32>,
      %add3A_2030 = arith.addi %get3A_2027, %get3A_2029 : vector<16xi32>
      %swap3A_2031 = arith.constant 16 : index
      %swap3A_2032 = tpu.vector_load %arg8[%swap3A_2031] {strides = array<i32>} : memref<384xi32, #tpu.memory_space<vmem>>, vector<16xi32>,
      tpu.vector_store %arg8[%swap3A_2031], %add3A_2030 {strides = array<i32>} : memref<384xi32, #tpu.memory_space<vmem>>, vector<16xi32>,
      %get3A_2033 = arith.constant 16 : index
      %get3A_2034 = tpu.vector_load %arg9[%get3A_2033] {strides = array<i32>} : memref<384xf32, #tpu.memory_space<vmem>>, vector<16xf32>,
      %get3A_2035 = arith.constant 16 : index
      %get3A_2036 = tpu.vector_load %arg11[%get3A_2035] {strides = array<i32>} : memref<384xf32, #tpu.memory_space<vmem>>, vector<16xf32>,
      %add3A_2037 = arith.addf %get3A_2034, %get3A_2036 : vector<16xf32>
      %swap3A_2038 = arith.constant 16 : index
      %swap3A_2039 = tpu.vector_load %arg9[%swap3A_2038] {strides = array<i32>} : memref<384xf32, #tpu.memory_space<vmem>>, vector<16xf32>,
      tpu.vector_store %arg9[%swap3A_2038], %add3A_2037 {strides = array<i32>} : memref<384xf32, #tpu.memory_space<vmem>>, vector<16xf32>,
      %get3A_2040 = arith.constant 32 : index
      %get3A_2041 = tpu.vector_load %arg8[%get3A_2040] {strides = array<i32>} : memref<384xi32, #tpu.memory_space<vmem>>, vector<16xi32>,
      %get3A_2042 = arith.constant 32 : index
      %get3A_2043 = tpu.vector_load %arg10[%get3A_2042] {strides = array<i32>} : memref<384xi32, #tpu.memory_space<vmem>>, vector<16xi32>,
      %add3A_2044 = arith.addi %get3A_2041, %get3A_2043 : vector<16xi32>
      %swap3A_2045 = arith.constant 32 : index
      %swap3A_2046 = tpu.vector_load %arg8[%swap3A_2045] {strides = array<i32>} : memref<384xi32, #tpu.memory_space<vmem>>, vector<16xi32>,
      tpu.vector_store %arg8[%swap3A_2045], %add3A_2044 {strides = array<i32>} : memref<384xi32, #tpu.memory_space<vmem>>, vector<16xi32>,
      %get3A_2047 = arith.constant 32 : index
      %get3A_2048 = tpu.vector_load %arg9[%get3A_2047] {strides = array<i32>} : memref<384xf32, #tpu.memory_space<vmem>>, vector<16xf32>,
      %get3A_2049 = arith.constant 32 : index
      %get3A_2050 = tpu.vector_load %arg11[%get3A_2049] {strides = array<i32>} : memref<384xf32, #tpu.memory_space<vmem>>, vector<16xf32>,
      %add3A_2051 = arith.addf %get3A_2048, %get3A_2050 : vector<16xf32>
      %swap3A_2052 = arith.constant 32 : index
      %swap3A_2053 = tpu.vector_load %arg9[%swap3A_2052] {strides = array<i32>} : memref<384xf32, #tpu.memory_space<vmem>>, vector<16xf32>,
      tpu.vector_store %arg9[%swap3A_2052], %add3A_2051 {strides = array<i32>} : memref<384xf32, #tpu.memory_space<vmem>>, vector<16xf32>,
      %get3A_2054 = arith.constant 48 : index
      %get3A_2055 = tpu.vector_load %arg8[%get3A_2054] {strides = array<i32>} : memref<384xi32, #tpu.memory_space<vmem>>, vector<16xi32>,
      %get3A_2056 = arith.constant 48 : index
      %get3A_2057 = tpu.vector_load %arg10[%get3A_2056] {strides = array<i32>} : memref<384xi32, #tpu.memory_space<vmem>>, vector<16xi32>,
      %add3A_2058 = arith.addi %get3A_2055, %get3A_2057 : vector<16xi32>
      %swap3A_2059 = arith.constant 48 : index
      %swap3A_2060 = tpu.vector_load %arg8[%swap3A_2059] {strides = array<i32>} : memref<384xi32, #tpu.memory_space<vmem>>, vector<16xi32>,
      tpu.vector_store %arg8[%swap3A_2059], %add3A_2058 {strides = array<i32>} : memref<384xi32, #tpu.memory_space<vmem>>, vector<16xi32>,
      %get3A_2061 = arith.constant 48 : index
      %get3A_2062 = tpu.vector_load %arg9[%get3A_2061] {strides = array<i32>} : memref<384xf32, #tpu.memory_space<vmem>>, vector<16xf32>,
      %get3A_2063 = arith.constant 48 : index
      %get3A_2064 = tpu.vector_load %arg11[%get3A_2063] {strides = array<i32>} : memref<384xf32, #tpu.memory_space<vmem>>, vector<16xf32>,
      %add3A_2065 = arith.addf %get3A_2062, %get3A_2064 : vector<16xf32>
      %swap3A_2066 = arith.constant 48 : index
      %swap3A_2067 = tpu.vector_load %arg9[%swap3A_2066] {strides = array<i32>} : memref<384xf32, #tpu.memory_space<vmem>>, vector<16xf32>,
      tpu.vector_store %arg9[%swap3A_2066], %add3A_2065 {strides = array<i32>} : memref<384xf32, #tpu.memory_space<vmem>>, vector<16xf32>,
      %get3A_2068 = arith.constant 64 : index
      %get3A_2069 = tpu.vector_load %arg8[%get3A_2068] {strides = array<i32>} : memref<384xi32, #tpu.memory_space<vmem>>, vector<16xi32>,
      %get3A_2070 = arith.constant 64 : index
      %get3A_2071 = tpu.vector_load %arg10[%get3A_2070] {strides = array<i32>} : memref<384xi32, #tpu.memory_space<vmem>>, vector<16xi32>,
      %add3A_2072 = arith.addi %get3A_2069, %get3A_2071 : vector<16xi32>
      %swap3A_2073 = arith.constant 64 : index
      %swap3A_2074 = tpu.vector_load %arg8[%swap3A_2073] {strides = array<i32>} : memref<384xi32, #tpu.memory_space<vmem>>, vector<16xi32>,
      tpu.vector_store %arg8[%swap3A_2073], %add3A_2072 {strides = array<i32>} : memref<384xi32, #tpu.memory_space<vmem>>, vector<16xi32>,
      %get3A_2075 = arith.constant 64 : index
      %get3A_2076 = tpu.vector_load %arg9[%get3A_2075] {strides = array<i32>} : memref<384xf32, #tpu.memory_space<vmem>>, vector<16xf32>,
      %get3A_2077 = arith.constant 64 : index
      %get3A_2078 = tpu.vector_load %arg11[%get3A_2077] {strides = array<i32>} : memref<384xf32, #tpu.memory_space<vmem>>, vector<16xf32>,
      %add3A_2079 = arith.addf %get3A_2076, %get3A_2078 : vector<16xf32>
      %swap3A_2080 = arith.constant 64 : index
      %swap3A_2081 = tpu.vector_load %arg9[%swap3A_2080] {strides = array<i32>} : memref<384xf32, #tpu.memory_space<vmem>>, vector<16xf32>,
      tpu.vector_store %arg9[%swap3A_2080], %add3A_2079 {strides = array<i32>} : memref<384xf32, #tpu.memory_space<vmem>>, vector<16xf32>,
      %get3A_2082 = arith.constant 80 : index
      %get3A_2083 = tpu.vector_load %arg8[%get3A_2082] {strides = array<i32>} : memref<384xi32, #tpu.memory_space<vmem>>, vector<16xi32>,
      %get3A_2084 = arith.constant 80 : index
      %get3A_2085 = tpu.vector_load %arg10[%get3A_2084] {strides = array<i32>} : memref<384xi32, #tpu.memory_space<vmem>>, vector<16xi32>,
      %add3A_2086 = arith.addi %get3A_2083, %get3A_2085 : vector<16xi32>
      %swap3A_2087 = arith.constant 80 : index
      %swap3A_2088 = tpu.vector_load %arg8[%swap3A_2087] {strides = array<i32>} : memref<384xi32, #tpu.memory_space<vmem>>, vector<16xi32>,
      tpu.vector_store %arg8[%swap3A_2087], %add3A_2086 {strides = array<i32>} : memref<384xi32, #tpu.memory_space<vmem>>, vector<16xi32>,
      %get3A_2089 = arith.constant 80 : index
      %get3A_2090 = tpu.vector_load %arg9[%get3A_2089] {strides = array<i32>} : memref<384xf32, #tpu.memory_space<vmem>>, vector<16xf32>,
      %get3A_2091 = arith.constant 80 : index
      %get3A_2092 = tpu.vector_load %arg11[%get3A_2091] {strides = array<i32>} : memref<384xf32, #tpu.memory_space<vmem>>, vector<16xf32>,
      %add3A_2093 = arith.addf %get3A_2090, %get3A_2092 : vector<16xf32>
      %swap3A_2094 = arith.constant 80 : index
      %swap3A_2095 = tpu.vector_load %arg9[%swap3A_2094] {strides = array<i32>} : memref<384xf32, #tpu.memory_space<vmem>>, vector<16xf32>,
      tpu.vector_store %arg9[%swap3A_2094], %add3A_2093 {strides = array<i32>} : memref<384xf32, #tpu.memory_space<vmem>>, vector<16xf32>,
      %get3A_2096 = arith.constant 96 : index
      %get3A_2097 = tpu.vector_load %arg8[%get3A_2096] {strides = array<i32>} : memref<384xi32, #tpu.memory_space<vmem>>, vector<16xi32>,
      %get3A_2098 = arith.constant 96 : index
      %get3A_2099 = tpu.vector_load %arg10[%get3A_2098] {strides = array<i32>} : memref<384xi32, #tpu.memory_space<vmem>>, vector<16xi32>,
      %add3A_2100 = arith.addi %get3A_2097, %get3A_2099 : vector<16xi32>
      %swap3A_2101 = arith.constant 96 : index
      %swap3A_2102 = tpu.vector_load %arg8[%swap3A_2101] {strides = array<i32>} : memref<384xi32, #tpu.memory_space<vmem>>, vector<16xi32>,
      tpu.vector_store %arg8[%swap3A_2101], %add3A_2100 {strides = array<i32>} : memref<384xi32, #tpu.memory_space<vmem>>, vector<16xi32>,
      %get3A_2103 = arith.constant 96 : index
      %get3A_2104 = tpu.vector_load %arg9[%get3A_2103] {strides = array<i32>} : memref<384xf32, #tpu.memory_space<vmem>>, vector<16xf32>,
      %get3A_2105 = arith.constant 96 : index
      %get3A_2106 = tpu.vector_load %arg11[%get3A_2105] {strides = array<i32>} : memref<384xf32, #tpu.memory_space<vmem>>, vector<16xf32>,
      %add3A_2107 = arith.addf %get3A_2104, %get3A_2106 : vector<16xf32>
      %swap3A_2108 = arith.constant 96 : index
      %swap3A_2109 = tpu.vector_load %arg9[%swap3A_2108] {strides = array<i32>} : memref<384xf32, #tpu.memory_space<vmem>>, vector<16xf32>,
      tpu.vector_store %arg9[%swap3A_2108], %add3A_2107 {strides = array<i32>} : memref<384xf32, #tpu.memory_space<vmem>>, vector<16xf32>,
      %get3A_2110 = arith.constant 112 : index
      %get3A_2111 = tpu.vector_load %arg8[%get3A_2110] {strides = array<i32>} : memref<384xi32, #tpu.memory_space<vmem>>, vector<16xi32>,
      %get3A_2112 = arith.constant 112 : index
      %get3A_2113 = tpu.vector_load %arg10[%get3A_2112] {strides = array<i32>} : memref<384xi32, #tpu.memory_space<vmem>>, vector<16xi32>,
      %add3A_2114 = arith.addi %get3A_2111, %get3A_2113 : vector<16xi32>
      %swap3A_2115 = arith.constant 112 : index
      %swap3A_2116 = tpu.vector_load %arg8[%swap3A_2115] {strides = array<i32>} : memref<384xi32, #tpu.memory_space<vmem>>, vector<16xi32>,
      tpu.vector_store %arg8[%swap3A_2115], %add3A_2114 {strides = array<i32>} : memref<384xi32, #tpu.memory_space<vmem>>, vector<16xi32>,
      %get3A_2117 = arith.constant 112 : index
      %get3A_2118 = tpu.vector_load %arg9[%get3A_2117] {strides = array<i32>} : memref<384xf32, #tpu.memory_space<vmem>>, vector<16xf32>,
      %get3A_2119 = arith.constant 112 : index
      %get3A_2120 = tpu.vector_load %arg11[%get3A_2119] {strides = array<i32>} : memref<384xf32, #tpu.memory_space<vmem>>, vector<16xf32>,
      %add3A_2121 = arith.addf %get3A_2118, %get3A_2120 : vector<16xf32>
      %swap3A_2122 = arith.constant 112 : index
      %swap3A_2123 = tpu.vector_load %arg9[%swap3A_2122] {strides = array<i32>} : memref<384xf32, #tpu.memory_space<vmem>>, vector<16xf32>,
      tpu.vector_store %arg9[%swap3A_2122], %add3A_2121 {strides = array<i32>} : memref<384xf32, #tpu.memory_space<vmem>>, vector<16xf32>,
      %get3A_2124 = arith.constant 128 : index
      %get3A_2125 = tpu.vector_load %arg8[%get3A_2124] {strides = array<i32>} : memref<384xi32, #tpu.memory_space<vmem>>, vector<16xi32>,
      %get3A_2126 = arith.constant 128 : index
      %get3A_2127 = tpu.vector_load %arg10[%get3A_2126] {strides = array<i32>} : memref<384xi32, #tpu.memory_space<vmem>>, vector<16xi32>,
      %add3A_2128 = arith.addi %get3A_2125, %get3A_2127 : vector<16xi32>
      %swap3A_2129 = arith.constant 128 : index
      %swap3A_2130 = tpu.vector_load %arg8[%swap3A_2129] {strides = array<i32>} : memref<384xi32, #tpu.memory_space<vmem>>, vector<16xi32>,
      tpu.vector_store %arg8[%swap3A_2129], %add3A_2128 {strides = array<i32>} : memref<384xi32, #tpu.memory_space<vmem>>, vector<16xi32>,
      %get3A_2131 = arith.constant 128 : index
      %get3A_2132 = tpu.vector_load %arg9[%get3A_2131] {strides = array<i32>} : memref<384xf32, #tpu.memory_space<vmem>>, vector<16xf32>,
      %get3A_2133 = arith.constant 128 : index
      %get3A_2134 = tpu.vector_load %arg11[%get3A_2133] {strides = array<i32>} : memref<384xf32, #tpu.memory_space<vmem>>, vector<16xf32>,
      %add3A_2135 = arith.addf %get3A_2132, %get3A_2134 : vector<16xf32>
      %swap3A_2136 = arith.constant 128 : index
      %swap3A_2137 = tpu.vector_load %arg9[%swap3A_2136] {strides = array<i32>} : memref<384xf32, #tpu.memory_space<vmem>>, vector<16xf32>,
      tpu.vector_store %arg9[%swap3A_2136], %add3A_2135 {strides = array<i32>} : memref<384xf32, #tpu.memory_space<vmem>>, vector<16xf32>,
      %get3A_2138 = arith.constant 144 : index
      %get3A_2139 = tpu.vector_load %arg8[%get3A_2138] {strides = array<i32>} : memref<384xi32, #tpu.memory_space<vmem>>, vector<16xi32>,
      %get3A_2140 = arith.constant 144 : index
      %get3A_2141 = tpu.vector_load %arg10[%get3A_2140] {strides = array<i32>} : memref<384xi32, #tpu.memory_space<vmem>>, vector<16xi32>,
      %add3A_2142 = arith.addi %get3A_2139, %get3A_2141 : vector<16xi32>
      %swap3A_2143 = arith.constant 144 : index
      %swap3A_2144 = tpu.vector_load %arg8[%swap3A_2143] {strides = array<i32>} : memref<384xi32, #tpu.memory_space<vmem>>, vector<16xi32>,
      tpu.vector_store %arg8[%swap3A_2143], %add3A_2142 {strides = array<i32>} : memref<384xi32, #tpu.memory_space<vmem>>, vector<16xi32>,
      %get3A_2145 = arith.constant 144 : index
      %get3A_2146 = tpu.vector_load %arg9[%get3A_2145] {strides = array<i32>} : memref<384xf32, #tpu.memory_space<vmem>>, vector<16xf32>,
      %get3A_2147 = arith.constant 144 : index
      %get3A_2148 = tpu.vector_load %arg11[%get3A_2147] {strides = array<i32>} : memref<384xf32, #tpu.memory_space<vmem>>, vector<16xf32>,
      %add3A_2149 = arith.addf %get3A_2146, %get3A_2148 : vector<16xf32>
      %swap3A_2150 = arith.constant 144 : index
      %swap3A_2151 = tpu.vector_load %arg9[%swap3A_2150] {strides = array<i32>} : memref<384xf32, #tpu.memory_space<vmem>>, vector<16xf32>,
      tpu.vector_store %arg9[%swap3A_2150], %add3A_2149 {strides = array<i32>} : memref<384xf32, #tpu.memory_space<vmem>>, vector<16xf32>,
      %get3A_2152 = arith.constant 160 : index
      %get3A_2153 = tpu.vector_load %arg8[%get3A_2152] {strides = array<i32>} : memref<384xi32, #tpu.memory_space<vmem>>, vector<16xi32>,
      %get3A_2154 = arith.constant 160 : index
      %get3A_2155 = tpu.vector_load %arg10[%get3A_2154] {strides = array<i32>} : memref<384xi32, #tpu.memory_space<vmem>>, vector<16xi32>,
      %add3A_2156 = arith.addi %get3A_2153, %get3A_2155 : vector<16xi32>
      %swap3A_2157 = arith.constant 160 : index
      %swap3A_2158 = tpu.vector_load %arg8[%swap3A_2157] {strides = array<i32>} : memref<384xi32, #tpu.memory_space<vmem>>, vector<16xi32>,
      tpu.vector_store %arg8[%swap3A_2157], %add3A_2156 {strides = array<i32>} : memref<384xi32, #tpu.memory_space<vmem>>, vector<16xi32>,
      %get3A_2159 = arith.constant 160 : index
      %get3A_2160 = tpu.vector_load %arg9[%get3A_2159] {strides = array<i32>} : memref<384xf32, #tpu.memory_space<vmem>>, vector<16xf32>,
      %get3A_2161 = arith.constant 160 : index
      %get3A_2162 = tpu.vector_load %arg11[%get3A_2161] {strides = array<i32>} : memref<384xf32, #tpu.memory_space<vmem>>, vector<16xf32>,
      %add3A_2163 = arith.addf %get3A_2160, %get3A_2162 : vector<16xf32>
      %swap3A_2164 = arith.constant 160 : index
      %swap3A_2165 = tpu.vector_load %arg9[%swap3A_2164] {strides = array<i32>} : memref<384xf32, #tpu.memory_space<vmem>>, vector<16xf32>,
      tpu.vector_store %arg9[%swap3A_2164], %add3A_2163 {strides = array<i32>} : memref<384xf32, #tpu.memory_space<vmem>>, vector<16xf32>,
      %get3A_2166 = arith.constant 176 : index
      %get3A_2167 = tpu.vector_load %arg8[%get3A_2166] {strides = array<i32>} : memref<384xi32, #tpu.memory_space<vmem>>, vector<16xi32>,
      %get3A_2168 = arith.constant 176 : index
      %get3A_2169 = tpu.vector_load %arg10[%get3A_2168] {strides = array<i32>} : memref<384xi32, #tpu.memory_space<vmem>>, vector<16xi32>,
      %add3A_2170 = arith.addi %get3A_2167, %get3A_2169 : vector<16xi32>
      %swap3A_2171 = arith.constant 176 : index
      %swap3A_2172 = tpu.vector_load %arg8[%swap3A_2171] {strides = array<i32>} : memref<384xi32, #tpu.memory_space<vmem>>, vector<16xi32>,
      tpu.vector_store %arg8[%swap3A_2171], %add3A_2170 {strides = array<i32>} : memref<384xi32, #tpu.memory_space<vmem>>, vector<16xi32>,
      %get3A_2173 = arith.constant 176 : index
      %get3A_2174 = tpu.vector_load %arg9[%get3A_2173] {strides = array<i32>} : memref<384xf32, #tpu.memory_space<vmem>>, vector<16xf32>,
      %get3A_2175 = arith.constant 176 : index
      %get3A_2176 = tpu.vector_load %arg11[%get3A_2175] {strides = array<i32>} : memref<384xf32, #tpu.memory_space<vmem>>, vector<16xf32>,
      %add3A_2177 = arith.addf %get3A_2174, %get3A_2176 : vector<16xf32>
      %swap3A_2178 = arith.constant 176 : index
      %swap3A_2179 = tpu.vector_load %arg9[%swap3A_2178] {strides = array<i32>} : memref<384xf32, #tpu.memory_space<vmem>>, vector<16xf32>,
      tpu.vector_store %arg9[%swap3A_2178], %add3A_2177 {strides = array<i32>} : memref<384xf32, #tpu.memory_space<vmem>>, vector<16xf32>,
      %get3A_2180 = arith.constant 192 : index
      %get3A_2181 = tpu.vector_load %arg8[%get3A_2180] {strides = array<i32>} : memref<384xi32, #tpu.memory_space<vmem>>, vector<16xi32>,
      %get3A_2182 = arith.constant 192 : index
      %get3A_2183 = tpu.vector_load %arg10[%get3A_2182] {strides = array<i32>} : memref<384xi32, #tpu.memory_space<vmem>>, vector<16xi32>,
      %add3A_2184 = arith.addi %get3A_2181, %get3A_2183 : vector<16xi32>
      %swap3A_2185 = arith.constant 192 : index
      %swap3A_2186 = tpu.vector_load %arg8[%swap3A_2185] {strides = array<i32>} : memref<384xi32, #tpu.memory_space<vmem>>, vector<16xi32>,
      tpu.vector_store %arg8[%swap3A_2185], %add3A_2184 {strides = array<i32>} : memref<384xi32, #tpu.memory_space<vmem>>, vector<16xi32>,
      %get3A_2187 = arith.constant 192 : index
      %get3A_2188 = tpu.vector_load %arg9[%get3A_2187] {strides = array<i32>} : memref<384xf32, #tpu.memory_space<vmem>>, vector<16xf32>,
      %get3A_2189 = arith.constant 192 : index
      %get3A_2190 = tpu.vector_load %arg11[%get3A_2189] {strides = array<i32>} : memref<384xf32, #tpu.memory_space<vmem>>, vector<16xf32>,
      %add3A_2191 = arith.addf %get3A_2188, %get3A_2190 : vector<16xf32>
      %swap3A_2192 = arith.constant 192 : index
      %swap3A_2193 = tpu.vector_load %arg9[%swap3A_2192] {strides = array<i32>} : memref<384xf32, #tpu.memory_space<vmem>>, vector<16xf32>,
      tpu.vector_store %arg9[%swap3A_2192], %add3A_2191 {strides = array<i32>} : memref<384xf32, #tpu.memory_space<vmem>>, vector<16xf32>,
      %get3A_2194 = arith.constant 208 : index
      %get3A_2195 = tpu.vector_load %arg8[%get3A_2194] {strides = array<i32>} : memref<384xi32, #tpu.memory_space<vmem>>, vector<16xi32>,
      %get3A_2196 = arith.constant 208 : index
      %get3A_2197 = tpu.vector_load %arg10[%get3A_2196] {strides = array<i32>} : memref<384xi32, #tpu.memory_space<vmem>>, vector<16xi32>,
      %add3A_2198 = arith.addi %get3A_2195, %get3A_2197 : vector<16xi32>
      %swap3A_2199 = arith.constant 208 : index
      %swap3A_2200 = tpu.vector_load %arg8[%swap3A_2199] {strides = array<i32>} : memref<384xi32, #tpu.memory_space<vmem>>, vector<16xi32>,
      tpu.vector_store %arg8[%swap3A_2199], %add3A_2198 {strides = array<i32>} : memref<384xi32, #tpu.memory_space<vmem>>, vector<16xi32>,
      %get3A_2201 = arith.constant 208 : index
      %get3A_2202 = tpu.vector_load %arg9[%get3A_2201] {strides = array<i32>} : memref<384xf32, #tpu.memory_space<vmem>>, vector<16xf32>,
      %get3A_2203 = arith.constant 208 : index
      %get3A_2204 = tpu.vector_load %arg11[%get3A_2203] {strides = array<i32>} : memref<384xf32, #tpu.memory_space<vmem>>, vector<16xf32>,
      %add3A_2205 = arith.addf %get3A_2202, %get3A_2204 : vector<16xf32>
      %swap3A_2206 = arith.constant 208 : index
      %swap3A_2207 = tpu.vector_load %arg9[%swap3A_2206] {strides = array<i32>} : memref<384xf32, #tpu.memory_space<vmem>>, vector<16xf32>,
      tpu.vector_store %arg9[%swap3A_2206], %add3A_2205 {strides = array<i32>} : memref<384xf32, #tpu.memory_space<vmem>>, vector<16xf32>,
      %get3A_2208 = arith.constant 224 : index
      %get3A_2209 = tpu.vector_load %arg8[%get3A_2208] {strides = array<i32>} : memref<384xi32, #tpu.memory_space<vmem>>, vector<16xi32>,
      %get3A_2210 = arith.constant 224 : index
      %get3A_2211 = tpu.vector_load %arg10[%get3A_2210] {strides = array<i32>} : memref<384xi32, #tpu.memory_space<vmem>>, vector<16xi32>,
      %add3A_2212 = arith.addi %get3A_2209, %get3A_2211 : vector<16xi32>
      %swap3A_2213 = arith.constant 224 : index
      %swap3A_2214 = tpu.vector_load %arg8[%swap3A_2213] {strides = array<i32>} : memref<384xi32, #tpu.memory_space<vmem>>, vector<16xi32>,
      tpu.vector_store %arg8[%swap3A_2213], %add3A_2212 {strides = array<i32>} : memref<384xi32, #tpu.memory_space<vmem>>, vector<16xi32>,
      %get3A_2215 = arith.constant 224 : index
      %get3A_2216 = tpu.vector_load %arg9[%get3A_2215] {strides = array<i32>} : memref<384xf32, #tpu.memory_space<vmem>>, vector<16xf32>,
      %get3A_2217 = arith.constant 224 : index
      %get3A_2218 = tpu.vector_load %arg11[%get3A_2217] {strides = array<i32>} : memref<384xf32, #tpu.memory_space<vmem>>, vector<16xf32>,
      %add3A_2219 = arith.addf %get3A_2216, %get3A_2218 : vector<16xf32>
      %swap3A_2220 = arith.constant 224 : index
      %swap3A_2221 = tpu.vector_load %arg9[%swap3A_2220] {strides = array<i32>} : memref<384xf32, #tpu.memory_space<vmem>>, vector<16xf32>,
      tpu.vector_store %arg9[%swap3A_2220], %add3A_2219 {strides = array<i32>} : memref<384xf32, #tpu.memory_space<vmem>>, vector<16xf32>,
      %get3A_2222 = arith.constant 240 : index
      %get3A_2223 = tpu.vector_load %arg8[%get3A_2222] {strides = array<i32>} : memref<384xi32, #tpu.memory_space<vmem>>, vector<16xi32>,
      %get3A_2224 = arith.constant 240 : index
      %get3A_2225 = tpu.vector_load %arg10[%get3A_2224] {strides = array<i32>} : memref<384xi32, #tpu.memory_space<vmem>>, vector<16xi32>,
      %add3A_2226 = arith.addi %get3A_2223, %get3A_2225 : vector<16xi32>
      %swap3A_2227 = arith.constant 240 : index
      %swap3A_2228 = tpu.vector_load %arg8[%swap3A_2227] {strides = array<i32>} : memref<384xi32, #tpu.memory_space<vmem>>, vector<16xi32>,
      tpu.vector_store %arg8[%swap3A_2227], %add3A_2226 {strides = array<i32>} : memref<384xi32, #tpu.memory_space<vmem>>, vector<16xi32>,
      %get3A_2229 = arith.constant 240 : index
      %get3A_2230 = tpu.vector_load %arg9[%get3A_2229] {strides = array<i32>} : memref<384xf32, #tpu.memory_space<vmem>>, vector<16xf32>,
      %get3A_2231 = arith.constant 240 : index
      %get3A_2232 = tpu.vector_load %arg11[%get3A_2231] {strides = array<i32>} : memref<384xf32, #tpu.memory_space<vmem>>, vector<16xf32>,
      %add3A_2233 = arith.addf %get3A_2230, %get3A_2232 : vector<16xf32>
      %swap3A_2234 = arith.constant 240 : index
      %swap3A_2235 = tpu.vector_load %arg9[%swap3A_2234] {strides = array<i32>} : memref<384xf32, #tpu.memory_space<vmem>>, vector<16xf32>,
      tpu.vector_store %arg9[%swap3A_2234], %add3A_2233 {strides = array<i32>} : memref<384xf32, #tpu.memory_space<vmem>>, vector<16xf32>,
      %get3A_2236 = arith.constant 256 : index
      %get3A_2237 = tpu.vector_load %arg8[%get3A_2236] {strides = array<i32>} : memref<384xi32, #tpu.memory_space<vmem>>, vector<16xi32>,
      %get3A_2238 = arith.constant 256 : index
      %get3A_2239 = tpu.vector_load %arg10[%get3A_2238] {strides = array<i32>} : memref<384xi32, #tpu.memory_space<vmem>>, vector<16xi32>,
      %add3A_2240 = arith.addi %get3A_2237, %get3A_2239 : vector<16xi32>
      %swap3A_2241 = arith.constant 256 : index
      %swap3A_2242 = tpu.vector_load %arg8[%swap3A_2241] {strides = array<i32>} : memref<384xi32, #tpu.memory_space<vmem>>, vector<16xi32>,
      tpu.vector_store %arg8[%swap3A_2241], %add3A_2240 {strides = array<i32>} : memref<384xi32, #tpu.memory_space<vmem>>, vector<16xi32>,
      %get3A_2243 = arith.constant 256 : index
      %get3A_2244 = tpu.vector_load %arg9[%get3A_2243] {strides = array<i32>} : memref<384xf32, #tpu.memory_space<vmem>>, vector<16xf32>,
      %get3A_2245 = arith.constant 256 : index
      %get3A_2246 = tpu.vector_load %arg11[%get3A_2245] {strides = array<i32>} : memref<384xf32, #tpu.memory_space<vmem>>, vector<16xf32>,
      %add3A_2247 = arith.addf %get3A_2244, %get3A_2246 : vector<16xf32>
      %swap3A_2248 = arith.constant 256 : index
      %swap3A_2249 = tpu.vector_load %arg9[%swap3A_2248] {strides = array<i32>} : memref<384xf32, #tpu.memory_space<vmem>>, vector<16xf32>,
      tpu.vector_store %arg9[%swap3A_2248], %add3A_2247 {strides = array<i32>} : memref<384xf32, #tpu.memory_space<vmem>>, vector<16xf32>,
      %get3A_2250 = arith.constant 272 : index
      %get3A_2251 = tpu.vector_load %arg8[%get3A_2250] {strides = array<i32>} : memref<384xi32, #tpu.memory_space<vmem>>, vector<16xi32>,
      %get3A_2252 = arith.constant 272 : index
      %get3A_2253 = tpu.vector_load %arg10[%get3A_2252] {strides = array<i32>} : memref<384xi32, #tpu.memory_space<vmem>>, vector<16xi32>,
      %add3A_2254 = arith.addi %get3A_2251, %get3A_2253 : vector<16xi32>
      %swap3A_2255 = arith.constant 272 : index
      %swap3A_2256 = tpu.vector_load %arg8[%swap3A_2255] {strides = array<i32>} : memref<384xi32, #tpu.memory_space<vmem>>, vector<16xi32>,
      tpu.vector_store %arg8[%swap3A_2255], %add3A_2254 {strides = array<i32>} : memref<384xi32, #tpu.memory_space<vmem>>, vector<16xi32>,
      %get3A_2257 = arith.constant 272 : index
      %get3A_2258 = tpu.vector_load %arg9[%get3A_2257] {strides = array<i32>} : memref<384xf32, #tpu.memory_space<vmem>>, vector<16xf32>,
      %get3A_2259 = arith.constant 272 : index
      %get3A_2260 = tpu.vector_load %arg11[%get3A_2259] {strides = array<i32>} : memref<384xf32, #tpu.memory_space<vmem>>, vector<16xf32>,
      %add3A_2261 = arith.addf %get3A_2258, %get3A_2260 : vector<16xf32>
      %swap3A_2262 = arith.constant 272 : index
      %swap3A_2263 = tpu.vector_load %arg9[%swap3A_2262] {strides = array<i32>} : memref<384xf32, #tpu.memory_space<vmem>>, vector<16xf32>,
      tpu.vector_store %arg9[%swap3A_2262], %add3A_2261 {strides = array<i32>} : memref<384xf32, #tpu.memory_space<vmem>>, vector<16xf32>,
      %get3A_2264 = arith.constant 288 : index
      %get3A_2265 = tpu.vector_load %arg8[%get3A_2264] {strides = array<i32>} : memref<384xi32, #tpu.memory_space<vmem>>, vector<16xi32>,
      %get3A_2266 = arith.constant 288 : index
      %get3A_2267 = tpu.vector_load %arg10[%get3A_2266] {strides = array<i32>} : memref<384xi32, #tpu.memory_space<vmem>>, vector<16xi32>,
      %add3A_2268 = arith.addi %get3A_2265, %get3A_2267 : vector<16xi32>
      %swap3A_2269 = arith.constant 288 : index
      %swap3A_2270 = tpu.vector_load %arg8[%swap3A_2269] {strides = array<i32>} : memref<384xi32, #tpu.memory_space<vmem>>, vector<16xi32>,
      tpu.vector_store %arg8[%swap3A_2269], %add3A_2268 {strides = array<i32>} : memref<384xi32, #tpu.memory_space<vmem>>, vector<16xi32>,
      %get3A_2271 = arith.constant 288 : index
      %get3A_2272 = tpu.vector_load %arg9[%get3A_2271] {strides = array<i32>} : memref<384xf32, #tpu.memory_space<vmem>>, vector<16xf32>,
      %get3A_2273 = arith.constant 288 : index
      %get3A_2274 = tpu.vector_load %arg11[%get3A_2273] {strides = array<i32>} : memref<384xf32, #tpu.memory_space<vmem>>, vector<16xf32>,
      %add3A_2275 = arith.addf %get3A_2272, %get3A_2274 : vector<16xf32>
      %swap3A_2276 = arith.constant 288 : index
      %swap3A_2277 = tpu.vector_load %arg9[%swap3A_2276] {strides = array<i32>} : memref<384xf32, #tpu.memory_space<vmem>>, vector<16xf32>,
      tpu.vector_store %arg9[%swap3A_2276], %add3A_2275 {strides = array<i32>} : memref<384xf32, #tpu.memory_space<vmem>>, vector<16xf32>,
      %get3A_2278 = arith.constant 304 : index
      %get3A_2279 = tpu.vector_load %arg8[%get3A_2278] {strides = array<i32>} : memref<384xi32, #tpu.memory_space<vmem>>, vector<16xi32>,
      %get3A_2280 = arith.constant 304 : index
      %get3A_2281 = tpu.vector_load %arg10[%get3A_2280] {strides = array<i32>} : memref<384xi32, #tpu.memory_space<vmem>>, vector<16xi32>,
      %add3A_2282 = arith.addi %get3A_2279, %get3A_2281 : vector<16xi32>
      %swap3A_2283 = arith.constant 304 : index
      %swap3A_2284 = tpu.vector_load %arg8[%swap3A_2283] {strides = array<i32>} : memref<384xi32, #tpu.memory_space<vmem>>, vector<16xi32>,
      tpu.vector_store %arg8[%swap3A_2283], %add3A_2282 {strides = array<i32>} : memref<384xi32, #tpu.memory_space<vmem>>, vector<16xi32>,
      %get3A_2285 = arith.constant 304 : index
      %get3A_2286 = tpu.vector_load %arg9[%get3A_2285] {strides = array<i32>} : memref<384xf32, #tpu.memory_space<vmem>>, vector<16xf32>,
      %get3A_2287 = arith.constant 304 : index
      %get3A_2288 = tpu.vector_load %arg11[%get3A_2287] {strides = array<i32>} : memref<384xf32, #tpu.memory_space<vmem>>, vector<16xf32>,
      %add3A_2289 = arith.addf %get3A_2286, %get3A_2288 : vector<16xf32>
      %swap3A_2290 = arith.constant 304 : index
      %swap3A_2291 = tpu.vector_load %arg9[%swap3A_2290] {strides = array<i32>} : memref<384xf32, #tpu.memory_space<vmem>>, vector<16xf32>,
      tpu.vector_store %arg9[%swap3A_2290], %add3A_2289 {strides = array<i32>} : memref<384xf32, #tpu.memory_space<vmem>>, vector<16xf32>,
      %get3A_2292 = arith.constant 320 : index
      %get3A_2293 = tpu.vector_load %arg8[%get3A_2292] {strides = array<i32>} : memref<384xi32, #tpu.memory_space<vmem>>, vector<16xi32>,
      %get3A_2294 = arith.constant 320 : index
      %get3A_2295 = tpu.vector_load %arg10[%get3A_2294] {strides = array<i32>} : memref<384xi32, #tpu.memory_space<vmem>>, vector<16xi32>,
      %add3A_2296 = arith.addi %get3A_2293, %get3A_2295 : vector<16xi32>
      %swap3A_2297 = arith.constant 320 : index
      %swap3A_2298 = tpu.vector_load %arg8[%swap3A_2297] {strides = array<i32>} : memref<384xi32, #tpu.memory_space<vmem>>, vector<16xi32>,
      tpu.vector_store %arg8[%swap3A_2297], %add3A_2296 {strides = array<i32>} : memref<384xi32, #tpu.memory_space<vmem>>, vector<16xi32>,
      %get3A_2299 = arith.constant 320 : index
      %get3A_2300 = tpu.vector_load %arg9[%get3A_2299] {strides = array<i32>} : memref<384xf32, #tpu.memory_space<vmem>>, vector<16xf32>,
      %get3A_2301 = arith.constant 320 : index
      %get3A_2302 = tpu.vector_load %arg11[%get3A_2301] {strides = array<i32>} : memref<384xf32, #tpu.memory_space<vmem>>, vector<16xf32>,
      %add3A_2303 = arith.addf %get3A_2300, %get3A_2302 : vector<16xf32>
      %swap3A_2304 = arith.constant 320 : index
      %swap3A_2305 = tpu.vector_load %arg9[%swap3A_2304] {strides = array<i32>} : memref<384xf32, #tpu.memory_space<vmem>>, vector<16xf32>,
      tpu.vector_store %arg9[%swap3A_2304], %add3A_2303 {strides = array<i32>} : memref<384xf32, #tpu.memory_space<vmem>>, vector<16xf32>,
      %get3A_2306 = arith.constant 336 : index
      %get3A_2307 = tpu.vector_load %arg8[%get3A_2306] {strides = array<i32>} : memref<384xi32, #tpu.memory_space<vmem>>, vector<16xi32>,
      %get3A_2308 = arith.constant 336 : index
      %get3A_2309 = tpu.vector_load %arg10[%get3A_2308] {strides = array<i32>} : memref<384xi32, #tpu.memory_space<vmem>>, vector<16xi32>,
      %add3A_2310 = arith.addi %get3A_2307, %get3A_2309 : vector<16xi32>
      %swap3A_2311 = arith.constant 336 : index
      %swap3A_2312 = tpu.vector_load %arg8[%swap3A_2311] {strides = array<i32>} : memref<384xi32, #tpu.memory_space<vmem>>, vector<16xi32>,
      tpu.vector_store %arg8[%swap3A_2311], %add3A_2310 {strides = array<i32>} : memref<384xi32, #tpu.memory_space<vmem>>, vector<16xi32>,
      %get3A_2313 = arith.constant 336 : index
      %get3A_2314 = tpu.vector_load %arg9[%get3A_2313] {strides = array<i32>} : memref<384xf32, #tpu.memory_space<vmem>>, vector<16xf32>,
      %get3A_2315 = arith.constant 336 : index
      %get3A_2316 = tpu.vector_load %arg11[%get3A_2315] {strides = array<i32>} : memref<384xf32, #tpu.memory_space<vmem>>, vector<16xf32>,
      %add3A_2317 = arith.addf %get3A_2314, %get3A_2316 : vector<16xf32>
      %swap3A_2318 = arith.constant 336 : index
      %swap3A_2319 = tpu.vector_load %arg9[%swap3A_2318] {strides = array<i32>} : memref<384xf32, #tpu.memory_space<vmem>>, vector<16xf32>,
      tpu.vector_store %arg9[%swap3A_2318], %add3A_2317 {strides = array<i32>} : memref<384xf32, #tpu.memory_space<vmem>>, vector<16xf32>,
      %get3A_2320 = arith.constant 352 : index
      %get3A_2321 = tpu.vector_load %arg8[%get3A_2320] {strides = array<i32>} : memref<384xi32, #tpu.memory_space<vmem>>, vector<16xi32>,
      %get3A_2322 = arith.constant 352 : index
      %get3A_2323 = tpu.vector_load %arg10[%get3A_2322] {strides = array<i32>} : memref<384xi32, #tpu.memory_space<vmem>>, vector<16xi32>,
      %add3A_2324 = arith.addi %get3A_2321, %get3A_2323 : vector<16xi32>
      %swap3A_2325 = arith.constant 352 : index
      %swap3A_2326 = tpu.vector_load %arg8[%swap3A_2325] {strides = array<i32>} : memref<384xi32, #tpu.memory_space<vmem>>, vector<16xi32>,
      tpu.vector_store %arg8[%swap3A_2325], %add3A_2324 {strides = array<i32>} : memref<384xi32, #tpu.memory_space<vmem>>, vector<16xi32>,
      %get3A_2327 = arith.constant 352 : index
      %get3A_2328 = tpu.vector_load %arg9[%get3A_2327] {strides = array<i32>} : memref<384xf32, #tpu.memory_space<vmem>>, vector<16xf32>,
      %get3A_2329 = arith.constant 352 : index
      %get3A_2330 = tpu.vector_load %arg11[%get3A_2329] {strides = array<i32>} : memref<384xf32, #tpu.memory_space<vmem>>, vector<16xf32>,
      %add3A_2331 = arith.addf %get3A_2328, %get3A_2330 : vector<16xf32>
      %swap3A_2332 = arith.constant 352 : index
      %swap3A_2333 = tpu.vector_load %arg9[%swap3A_2332] {strides = array<i32>} : memref<384xf32, #tpu.memory_space<vmem>>, vector<16xf32>,
      tpu.vector_store %arg9[%swap3A_2332], %add3A_2331 {strides = array<i32>} : memref<384xf32, #tpu.memory_space<vmem>>, vector<16xf32>,
      %get3A_2334 = arith.constant 368 : index
      %get3A_2335 = tpu.vector_load %arg8[%get3A_2334] {strides = array<i32>} : memref<384xi32, #tpu.memory_space<vmem>>, vector<16xi32>,
      %get3A_2336 = arith.constant 368 : index
      %get3A_2337 = tpu.vector_load %arg10[%get3A_2336] {strides = array<i32>} : memref<384xi32, #tpu.memory_space<vmem>>, vector<16xi32>,
      %add3A_2338 = arith.addi %get3A_2335, %get3A_2337 : vector<16xi32>
      %swap3A_2339 = arith.constant 368 : index
      %swap3A_2340 = tpu.vector_load %arg8[%swap3A_2339] {strides = array<i32>} : memref<384xi32, #tpu.memory_space<vmem>>, vector<16xi32>,
      tpu.vector_store %arg8[%swap3A_2339], %add3A_2338 {strides = array<i32>} : memref<384xi32, #tpu.memory_space<vmem>>, vector<16xi32>,
      %get3A_2341 = arith.constant 368 : index
      %get3A_2342 = tpu.vector_load %arg9[%get3A_2341] {strides = array<i32>} : memref<384xf32, #tpu.memory_space<vmem>>, vector<16xf32>,
      %get3A_2343 = arith.constant 368 : index
      %get3A_2344 = tpu.vector_load %arg11[%get3A_2343] {strides = array<i32>} : memref<384xf32, #tpu.memory_space<vmem>>, vector<16xf32>,
      %add3A_2345 = arith.addf %get3A_2342, %get3A_2344 : vector<16xf32>
      %swap3A_2346 = arith.constant 368 : index
      %swap3A_2347 = tpu.vector_load %arg9[%swap3A_2346] {strides = array<i32>} : memref<384xf32, #tpu.memory_space<vmem>>, vector<16xf32>,
      tpu.vector_store %arg9[%swap3A_2346], %add3A_2345 {strides = array<i32>} : memref<384xf32, #tpu.memory_space<vmem>>, vector<16xf32>,
      %mul3A_2348 = arith.constant 8 : i32
      %mul3A_2349 = arith.muli %select_n3A_30, %mul3A_2348 : i32
      %add3A_2350 = arith.constant 6 : i32
      %add3A_2351 = arith.addi %mul3A_2349, %add3A_2350 : i32
      %mul3A_2352 = arith.constant 384 : i32
      %mul3A_2353 = arith.muli %add3A_2351, %mul3A_2352 : i32
      "tpu.region"() ({
        %run_scoped3A = tpu.sem_alloc : memref<!tpu.dma_semaphore, #tpu.memory_space<semaphore_mem>>
        %dma_start3A = tpu.memref_slice %arg12[%mul3A_2353] : memref<6144xi32, #tpu.memory_space<vmem_shared>> -> memref<384xi32, #tpu.memory_space<vmem_shared>>
        %dma_start3A_3032 = tpu.memref_slice %arg12[%mul3A_2353] : memref<6144xi32, #tpu.memory_space<vmem_shared>> -> memref<384xi32, #tpu.memory_space<vmem_shared>>
        tpu.enqueue_dma source(%dma_start3A_3032 : memref<384xi32, #tpu.memory_space<vmem_shared>>) target(%arg10 : memref<384xi32, #tpu.memory_space<vmem>>) target_semaphore(%run_scoped3A : memref<!tpu.dma_semaphore, #tpu.memory_space<semaphore_mem>>)
        %dma_wait3A = tpu.memref_slice %arg12[%mul3A_2353] : memref<6144xi32, #tpu.memory_space<vmem_shared>> -> memref<384xi32, #tpu.memory_space<vmem_shared>>
        %dma_wait3A_3033 = tpu.memref_slice %arg12[%mul3A_2353] : memref<6144xi32, #tpu.memory_space<vmem_shared>> -> memref<384xi32, #tpu.memory_space<vmem_shared>>
        tpu.wait_dma2 semaphore(%run_scoped3A : memref<!tpu.dma_semaphore, #tpu.memory_space<semaphore_mem>>) src(%dma_wait3A_3033 : memref<384xi32, #tpu.memory_space<vmem_shared>>) dst(%arg10 : memref<384xi32, #tpu.memory_space<vmem>>)
        tpu.yield
      }) : () -> ()
      "tpu.region"() ({
        %run_scoped3A = tpu.sem_alloc : memref<!tpu.dma_semaphore, #tpu.memory_space<semaphore_mem>>
        %dma_start3A = tpu.memref_slice %arg13[%mul3A_2353] : memref<6144xf32, #tpu.memory_space<vmem_shared>> -> memref<384xf32, #tpu.memory_space<vmem_shared>>
        %dma_start3A_3032 = tpu.memref_slice %arg13[%mul3A_2353] : memref<6144xf32, #tpu.memory_space<vmem_shared>> -> memref<384xf32, #tpu.memory_space<vmem_shared>>
        tpu.enqueue_dma source(%dma_start3A_3032 : memref<384xf32, #tpu.memory_space<vmem_shared>>) target(%arg11 : memref<384xf32, #tpu.memory_space<vmem>>) target_semaphore(%run_scoped3A : memref<!tpu.dma_semaphore, #tpu.memory_space<semaphore_mem>>)
        %dma_wait3A = tpu.memref_slice %arg13[%mul3A_2353] : memref<6144xf32, #tpu.memory_space<vmem_shared>> -> memref<384xf32, #tpu.memory_space<vmem_shared>>
        %dma_wait3A_3033 = tpu.memref_slice %arg13[%mul3A_2353] : memref<6144xf32, #tpu.memory_space<vmem_shared>> -> memref<384xf32, #tpu.memory_space<vmem_shared>>
        tpu.wait_dma2 semaphore(%run_scoped3A : memref<!tpu.dma_semaphore, #tpu.memory_space<semaphore_mem>>) src(%dma_wait3A_3033 : memref<384xf32, #tpu.memory_space<vmem_shared>>) dst(%arg11 : memref<384xf32, #tpu.memory_space<vmem>>)
        tpu.yield
      }) : () -> ()
      %get3A_2354 = arith.constant 0 : index
      %get3A_2355 = tpu.vector_load %arg8[%get3A_2354] {strides = array<i32>} : memref<384xi32, #tpu.memory_space<vmem>>, vector<16xi32>,
      %get3A_2356 = arith.constant 0 : index
      %get3A_2357 = tpu.vector_load %arg10[%get3A_2356] {strides = array<i32>} : memref<384xi32, #tpu.memory_space<vmem>>, vector<16xi32>,
      %add3A_2358 = arith.addi %get3A_2355, %get3A_2357 : vector<16xi32>
      %swap3A_2359 = arith.constant 0 : index
      %swap3A_2360 = tpu.vector_load %arg8[%swap3A_2359] {strides = array<i32>} : memref<384xi32, #tpu.memory_space<vmem>>, vector<16xi32>,
      tpu.vector_store %arg8[%swap3A_2359], %add3A_2358 {strides = array<i32>} : memref<384xi32, #tpu.memory_space<vmem>>, vector<16xi32>,
      %get3A_2361 = arith.constant 0 : index
      %get3A_2362 = tpu.vector_load %arg9[%get3A_2361] {strides = array<i32>} : memref<384xf32, #tpu.memory_space<vmem>>, vector<16xf32>,
      %get3A_2363 = arith.constant 0 : index
      %get3A_2364 = tpu.vector_load %arg11[%get3A_2363] {strides = array<i32>} : memref<384xf32, #tpu.memory_space<vmem>>, vector<16xf32>,
      %add3A_2365 = arith.addf %get3A_2362, %get3A_2364 : vector<16xf32>
      %swap3A_2366 = arith.constant 0 : index
      %swap3A_2367 = tpu.vector_load %arg9[%swap3A_2366] {strides = array<i32>} : memref<384xf32, #tpu.memory_space<vmem>>, vector<16xf32>,
      tpu.vector_store %arg9[%swap3A_2366], %add3A_2365 {strides = array<i32>} : memref<384xf32, #tpu.memory_space<vmem>>, vector<16xf32>,
      %get3A_2368 = arith.constant 16 : index
      %get3A_2369 = tpu.vector_load %arg8[%get3A_2368] {strides = array<i32>} : memref<384xi32, #tpu.memory_space<vmem>>, vector<16xi32>,
      %get3A_2370 = arith.constant 16 : index
      %get3A_2371 = tpu.vector_load %arg10[%get3A_2370] {strides = array<i32>} : memref<384xi32, #tpu.memory_space<vmem>>, vector<16xi32>,
      %add3A_2372 = arith.addi %get3A_2369, %get3A_2371 : vector<16xi32>
      %swap3A_2373 = arith.constant 16 : index
      %swap3A_2374 = tpu.vector_load %arg8[%swap3A_2373] {strides = array<i32>} : memref<384xi32, #tpu.memory_space<vmem>>, vector<16xi32>,
      tpu.vector_store %arg8[%swap3A_2373], %add3A_2372 {strides = array<i32>} : memref<384xi32, #tpu.memory_space<vmem>>, vector<16xi32>,
      %get3A_2375 = arith.constant 16 : index
      %get3A_2376 = tpu.vector_load %arg9[%get3A_2375] {strides = array<i32>} : memref<384xf32, #tpu.memory_space<vmem>>, vector<16xf32>,
      %get3A_2377 = arith.constant 16 : index
      %get3A_2378 = tpu.vector_load %arg11[%get3A_2377] {strides = array<i32>} : memref<384xf32, #tpu.memory_space<vmem>>, vector<16xf32>,
      %add3A_2379 = arith.addf %get3A_2376, %get3A_2378 : vector<16xf32>
      %swap3A_2380 = arith.constant 16 : index
      %swap3A_2381 = tpu.vector_load %arg9[%swap3A_2380] {strides = array<i32>} : memref<384xf32, #tpu.memory_space<vmem>>, vector<16xf32>,
      tpu.vector_store %arg9[%swap3A_2380], %add3A_2379 {strides = array<i32>} : memref<384xf32, #tpu.memory_space<vmem>>, vector<16xf32>,
      %get3A_2382 = arith.constant 32 : index
      %get3A_2383 = tpu.vector_load %arg8[%get3A_2382] {strides = array<i32>} : memref<384xi32, #tpu.memory_space<vmem>>, vector<16xi32>,
      %get3A_2384 = arith.constant 32 : index
      %get3A_2385 = tpu.vector_load %arg10[%get3A_2384] {strides = array<i32>} : memref<384xi32, #tpu.memory_space<vmem>>, vector<16xi32>,
      %add3A_2386 = arith.addi %get3A_2383, %get3A_2385 : vector<16xi32>
      %swap3A_2387 = arith.constant 32 : index
      %swap3A_2388 = tpu.vector_load %arg8[%swap3A_2387] {strides = array<i32>} : memref<384xi32, #tpu.memory_space<vmem>>, vector<16xi32>,
      tpu.vector_store %arg8[%swap3A_2387], %add3A_2386 {strides = array<i32>} : memref<384xi32, #tpu.memory_space<vmem>>, vector<16xi32>,
      %get3A_2389 = arith.constant 32 : index
      %get3A_2390 = tpu.vector_load %arg9[%get3A_2389] {strides = array<i32>} : memref<384xf32, #tpu.memory_space<vmem>>, vector<16xf32>,
      %get3A_2391 = arith.constant 32 : index
      %get3A_2392 = tpu.vector_load %arg11[%get3A_2391] {strides = array<i32>} : memref<384xf32, #tpu.memory_space<vmem>>, vector<16xf32>,
      %add3A_2393 = arith.addf %get3A_2390, %get3A_2392 : vector<16xf32>
      %swap3A_2394 = arith.constant 32 : index
      %swap3A_2395 = tpu.vector_load %arg9[%swap3A_2394] {strides = array<i32>} : memref<384xf32, #tpu.memory_space<vmem>>, vector<16xf32>,
      tpu.vector_store %arg9[%swap3A_2394], %add3A_2393 {strides = array<i32>} : memref<384xf32, #tpu.memory_space<vmem>>, vector<16xf32>,
      %get3A_2396 = arith.constant 48 : index
      %get3A_2397 = tpu.vector_load %arg8[%get3A_2396] {strides = array<i32>} : memref<384xi32, #tpu.memory_space<vmem>>, vector<16xi32>,
      %get3A_2398 = arith.constant 48 : index
      %get3A_2399 = tpu.vector_load %arg10[%get3A_2398] {strides = array<i32>} : memref<384xi32, #tpu.memory_space<vmem>>, vector<16xi32>,
      %add3A_2400 = arith.addi %get3A_2397, %get3A_2399 : vector<16xi32>
      %swap3A_2401 = arith.constant 48 : index
      %swap3A_2402 = tpu.vector_load %arg8[%swap3A_2401] {strides = array<i32>} : memref<384xi32, #tpu.memory_space<vmem>>, vector<16xi32>,
      tpu.vector_store %arg8[%swap3A_2401], %add3A_2400 {strides = array<i32>} : memref<384xi32, #tpu.memory_space<vmem>>, vector<16xi32>,
      %get3A_2403 = arith.constant 48 : index
      %get3A_2404 = tpu.vector_load %arg9[%get3A_2403] {strides = array<i32>} : memref<384xf32, #tpu.memory_space<vmem>>, vector<16xf32>,
      %get3A_2405 = arith.constant 48 : index
      %get3A_2406 = tpu.vector_load %arg11[%get3A_2405] {strides = array<i32>} : memref<384xf32, #tpu.memory_space<vmem>>, vector<16xf32>,
      %add3A_2407 = arith.addf %get3A_2404, %get3A_2406 : vector<16xf32>
      %swap3A_2408 = arith.constant 48 : index
      %swap3A_2409 = tpu.vector_load %arg9[%swap3A_2408] {strides = array<i32>} : memref<384xf32, #tpu.memory_space<vmem>>, vector<16xf32>,
      tpu.vector_store %arg9[%swap3A_2408], %add3A_2407 {strides = array<i32>} : memref<384xf32, #tpu.memory_space<vmem>>, vector<16xf32>,
      %get3A_2410 = arith.constant 64 : index
      %get3A_2411 = tpu.vector_load %arg8[%get3A_2410] {strides = array<i32>} : memref<384xi32, #tpu.memory_space<vmem>>, vector<16xi32>,
      %get3A_2412 = arith.constant 64 : index
      %get3A_2413 = tpu.vector_load %arg10[%get3A_2412] {strides = array<i32>} : memref<384xi32, #tpu.memory_space<vmem>>, vector<16xi32>,
      %add3A_2414 = arith.addi %get3A_2411, %get3A_2413 : vector<16xi32>
      %swap3A_2415 = arith.constant 64 : index
      %swap3A_2416 = tpu.vector_load %arg8[%swap3A_2415] {strides = array<i32>} : memref<384xi32, #tpu.memory_space<vmem>>, vector<16xi32>,
      tpu.vector_store %arg8[%swap3A_2415], %add3A_2414 {strides = array<i32>} : memref<384xi32, #tpu.memory_space<vmem>>, vector<16xi32>,
      %get3A_2417 = arith.constant 64 : index
      %get3A_2418 = tpu.vector_load %arg9[%get3A_2417] {strides = array<i32>} : memref<384xf32, #tpu.memory_space<vmem>>, vector<16xf32>,
      %get3A_2419 = arith.constant 64 : index
      %get3A_2420 = tpu.vector_load %arg11[%get3A_2419] {strides = array<i32>} : memref<384xf32, #tpu.memory_space<vmem>>, vector<16xf32>,
      %add3A_2421 = arith.addf %get3A_2418, %get3A_2420 : vector<16xf32>
      %swap3A_2422 = arith.constant 64 : index
      %swap3A_2423 = tpu.vector_load %arg9[%swap3A_2422] {strides = array<i32>} : memref<384xf32, #tpu.memory_space<vmem>>, vector<16xf32>,
      tpu.vector_store %arg9[%swap3A_2422], %add3A_2421 {strides = array<i32>} : memref<384xf32, #tpu.memory_space<vmem>>, vector<16xf32>,
      %get3A_2424 = arith.constant 80 : index
      %get3A_2425 = tpu.vector_load %arg8[%get3A_2424] {strides = array<i32>} : memref<384xi32, #tpu.memory_space<vmem>>, vector<16xi32>,
      %get3A_2426 = arith.constant 80 : index
      %get3A_2427 = tpu.vector_load %arg10[%get3A_2426] {strides = array<i32>} : memref<384xi32, #tpu.memory_space<vmem>>, vector<16xi32>,
      %add3A_2428 = arith.addi %get3A_2425, %get3A_2427 : vector<16xi32>
      %swap3A_2429 = arith.constant 80 : index
      %swap3A_2430 = tpu.vector_load %arg8[%swap3A_2429] {strides = array<i32>} : memref<384xi32, #tpu.memory_space<vmem>>, vector<16xi32>,
      tpu.vector_store %arg8[%swap3A_2429], %add3A_2428 {strides = array<i32>} : memref<384xi32, #tpu.memory_space<vmem>>, vector<16xi32>,
      %get3A_2431 = arith.constant 80 : index
      %get3A_2432 = tpu.vector_load %arg9[%get3A_2431] {strides = array<i32>} : memref<384xf32, #tpu.memory_space<vmem>>, vector<16xf32>,
      %get3A_2433 = arith.constant 80 : index
      %get3A_2434 = tpu.vector_load %arg11[%get3A_2433] {strides = array<i32>} : memref<384xf32, #tpu.memory_space<vmem>>, vector<16xf32>,
      %add3A_2435 = arith.addf %get3A_2432, %get3A_2434 : vector<16xf32>
      %swap3A_2436 = arith.constant 80 : index
      %swap3A_2437 = tpu.vector_load %arg9[%swap3A_2436] {strides = array<i32>} : memref<384xf32, #tpu.memory_space<vmem>>, vector<16xf32>,
      tpu.vector_store %arg9[%swap3A_2436], %add3A_2435 {strides = array<i32>} : memref<384xf32, #tpu.memory_space<vmem>>, vector<16xf32>,
      %get3A_2438 = arith.constant 96 : index
      %get3A_2439 = tpu.vector_load %arg8[%get3A_2438] {strides = array<i32>} : memref<384xi32, #tpu.memory_space<vmem>>, vector<16xi32>,
      %get3A_2440 = arith.constant 96 : index
      %get3A_2441 = tpu.vector_load %arg10[%get3A_2440] {strides = array<i32>} : memref<384xi32, #tpu.memory_space<vmem>>, vector<16xi32>,
      %add3A_2442 = arith.addi %get3A_2439, %get3A_2441 : vector<16xi32>
      %swap3A_2443 = arith.constant 96 : index
      %swap3A_2444 = tpu.vector_load %arg8[%swap3A_2443] {strides = array<i32>} : memref<384xi32, #tpu.memory_space<vmem>>, vector<16xi32>,
      tpu.vector_store %arg8[%swap3A_2443], %add3A_2442 {strides = array<i32>} : memref<384xi32, #tpu.memory_space<vmem>>, vector<16xi32>,
      %get3A_2445 = arith.constant 96 : index
      %get3A_2446 = tpu.vector_load %arg9[%get3A_2445] {strides = array<i32>} : memref<384xf32, #tpu.memory_space<vmem>>, vector<16xf32>,
      %get3A_2447 = arith.constant 96 : index
      %get3A_2448 = tpu.vector_load %arg11[%get3A_2447] {strides = array<i32>} : memref<384xf32, #tpu.memory_space<vmem>>, vector<16xf32>,
      %add3A_2449 = arith.addf %get3A_2446, %get3A_2448 : vector<16xf32>
      %swap3A_2450 = arith.constant 96 : index
      %swap3A_2451 = tpu.vector_load %arg9[%swap3A_2450] {strides = array<i32>} : memref<384xf32, #tpu.memory_space<vmem>>, vector<16xf32>,
      tpu.vector_store %arg9[%swap3A_2450], %add3A_2449 {strides = array<i32>} : memref<384xf32, #tpu.memory_space<vmem>>, vector<16xf32>,
      %get3A_2452 = arith.constant 112 : index
      %get3A_2453 = tpu.vector_load %arg8[%get3A_2452] {strides = array<i32>} : memref<384xi32, #tpu.memory_space<vmem>>, vector<16xi32>,
      %get3A_2454 = arith.constant 112 : index
      %get3A_2455 = tpu.vector_load %arg10[%get3A_2454] {strides = array<i32>} : memref<384xi32, #tpu.memory_space<vmem>>, vector<16xi32>,
      %add3A_2456 = arith.addi %get3A_2453, %get3A_2455 : vector<16xi32>
      %swap3A_2457 = arith.constant 112 : index
      %swap3A_2458 = tpu.vector_load %arg8[%swap3A_2457] {strides = array<i32>} : memref<384xi32, #tpu.memory_space<vmem>>, vector<16xi32>,
      tpu.vector_store %arg8[%swap3A_2457], %add3A_2456 {strides = array<i32>} : memref<384xi32, #tpu.memory_space<vmem>>, vector<16xi32>,
      %get3A_2459 = arith.constant 112 : index
      %get3A_2460 = tpu.vector_load %arg9[%get3A_2459] {strides = array<i32>} : memref<384xf32, #tpu.memory_space<vmem>>, vector<16xf32>,
      %get3A_2461 = arith.constant 112 : index
      %get3A_2462 = tpu.vector_load %arg11[%get3A_2461] {strides = array<i32>} : memref<384xf32, #tpu.memory_space<vmem>>, vector<16xf32>,
      %add3A_2463 = arith.addf %get3A_2460, %get3A_2462 : vector<16xf32>
      %swap3A_2464 = arith.constant 112 : index
      %swap3A_2465 = tpu.vector_load %arg9[%swap3A_2464] {strides = array<i32>} : memref<384xf32, #tpu.memory_space<vmem>>, vector<16xf32>,
      tpu.vector_store %arg9[%swap3A_2464], %add3A_2463 {strides = array<i32>} : memref<384xf32, #tpu.memory_space<vmem>>, vector<16xf32>,
      %get3A_2466 = arith.constant 128 : index
      %get3A_2467 = tpu.vector_load %arg8[%get3A_2466] {strides = array<i32>} : memref<384xi32, #tpu.memory_space<vmem>>, vector<16xi32>,
      %get3A_2468 = arith.constant 128 : index
      %get3A_2469 = tpu.vector_load %arg10[%get3A_2468] {strides = array<i32>} : memref<384xi32, #tpu.memory_space<vmem>>, vector<16xi32>,
      %add3A_2470 = arith.addi %get3A_2467, %get3A_2469 : vector<16xi32>
      %swap3A_2471 = arith.constant 128 : index
      %swap3A_2472 = tpu.vector_load %arg8[%swap3A_2471] {strides = array<i32>} : memref<384xi32, #tpu.memory_space<vmem>>, vector<16xi32>,
      tpu.vector_store %arg8[%swap3A_2471], %add3A_2470 {strides = array<i32>} : memref<384xi32, #tpu.memory_space<vmem>>, vector<16xi32>,
      %get3A_2473 = arith.constant 128 : index
      %get3A_2474 = tpu.vector_load %arg9[%get3A_2473] {strides = array<i32>} : memref<384xf32, #tpu.memory_space<vmem>>, vector<16xf32>,
      %get3A_2475 = arith.constant 128 : index
      %get3A_2476 = tpu.vector_load %arg11[%get3A_2475] {strides = array<i32>} : memref<384xf32, #tpu.memory_space<vmem>>, vector<16xf32>,
      %add3A_2477 = arith.addf %get3A_2474, %get3A_2476 : vector<16xf32>
      %swap3A_2478 = arith.constant 128 : index
      %swap3A_2479 = tpu.vector_load %arg9[%swap3A_2478] {strides = array<i32>} : memref<384xf32, #tpu.memory_space<vmem>>, vector<16xf32>,
      tpu.vector_store %arg9[%swap3A_2478], %add3A_2477 {strides = array<i32>} : memref<384xf32, #tpu.memory_space<vmem>>, vector<16xf32>,
      %get3A_2480 = arith.constant 144 : index
      %get3A_2481 = tpu.vector_load %arg8[%get3A_2480] {strides = array<i32>} : memref<384xi32, #tpu.memory_space<vmem>>, vector<16xi32>,
      %get3A_2482 = arith.constant 144 : index
      %get3A_2483 = tpu.vector_load %arg10[%get3A_2482] {strides = array<i32>} : memref<384xi32, #tpu.memory_space<vmem>>, vector<16xi32>,
      %add3A_2484 = arith.addi %get3A_2481, %get3A_2483 : vector<16xi32>
      %swap3A_2485 = arith.constant 144 : index
      %swap3A_2486 = tpu.vector_load %arg8[%swap3A_2485] {strides = array<i32>} : memref<384xi32, #tpu.memory_space<vmem>>, vector<16xi32>,
      tpu.vector_store %arg8[%swap3A_2485], %add3A_2484 {strides = array<i32>} : memref<384xi32, #tpu.memory_space<vmem>>, vector<16xi32>,
      %get3A_2487 = arith.constant 144 : index
      %get3A_2488 = tpu.vector_load %arg9[%get3A_2487] {strides = array<i32>} : memref<384xf32, #tpu.memory_space<vmem>>, vector<16xf32>,
      %get3A_2489 = arith.constant 144 : index
      %get3A_2490 = tpu.vector_load %arg11[%get3A_2489] {strides = array<i32>} : memref<384xf32, #tpu.memory_space<vmem>>, vector<16xf32>,
      %add3A_2491 = arith.addf %get3A_2488, %get3A_2490 : vector<16xf32>
      %swap3A_2492 = arith.constant 144 : index
      %swap3A_2493 = tpu.vector_load %arg9[%swap3A_2492] {strides = array<i32>} : memref<384xf32, #tpu.memory_space<vmem>>, vector<16xf32>,
      tpu.vector_store %arg9[%swap3A_2492], %add3A_2491 {strides = array<i32>} : memref<384xf32, #tpu.memory_space<vmem>>, vector<16xf32>,
      %get3A_2494 = arith.constant 160 : index
      %get3A_2495 = tpu.vector_load %arg8[%get3A_2494] {strides = array<i32>} : memref<384xi32, #tpu.memory_space<vmem>>, vector<16xi32>,
      %get3A_2496 = arith.constant 160 : index
      %get3A_2497 = tpu.vector_load %arg10[%get3A_2496] {strides = array<i32>} : memref<384xi32, #tpu.memory_space<vmem>>, vector<16xi32>,
      %add3A_2498 = arith.addi %get3A_2495, %get3A_2497 : vector<16xi32>
      %swap3A_2499 = arith.constant 160 : index
      %swap3A_2500 = tpu.vector_load %arg8[%swap3A_2499] {strides = array<i32>} : memref<384xi32, #tpu.memory_space<vmem>>, vector<16xi32>,
      tpu.vector_store %arg8[%swap3A_2499], %add3A_2498 {strides = array<i32>} : memref<384xi32, #tpu.memory_space<vmem>>, vector<16xi32>,
      %get3A_2501 = arith.constant 160 : index
      %get3A_2502 = tpu.vector_load %arg9[%get3A_2501] {strides = array<i32>} : memref<384xf32, #tpu.memory_space<vmem>>, vector<16xf32>,
      %get3A_2503 = arith.constant 160 : index
      %get3A_2504 = tpu.vector_load %arg11[%get3A_2503] {strides = array<i32>} : memref<384xf32, #tpu.memory_space<vmem>>, vector<16xf32>,
      %add3A_2505 = arith.addf %get3A_2502, %get3A_2504 : vector<16xf32>
      %swap3A_2506 = arith.constant 160 : index
      %swap3A_2507 = tpu.vector_load %arg9[%swap3A_2506] {strides = array<i32>} : memref<384xf32, #tpu.memory_space<vmem>>, vector<16xf32>,
      tpu.vector_store %arg9[%swap3A_2506], %add3A_2505 {strides = array<i32>} : memref<384xf32, #tpu.memory_space<vmem>>, vector<16xf32>,
      %get3A_2508 = arith.constant 176 : index
      %get3A_2509 = tpu.vector_load %arg8[%get3A_2508] {strides = array<i32>} : memref<384xi32, #tpu.memory_space<vmem>>, vector<16xi32>,
      %get3A_2510 = arith.constant 176 : index
      %get3A_2511 = tpu.vector_load %arg10[%get3A_2510] {strides = array<i32>} : memref<384xi32, #tpu.memory_space<vmem>>, vector<16xi32>,
      %add3A_2512 = arith.addi %get3A_2509, %get3A_2511 : vector<16xi32>
      %swap3A_2513 = arith.constant 176 : index
      %swap3A_2514 = tpu.vector_load %arg8[%swap3A_2513] {strides = array<i32>} : memref<384xi32, #tpu.memory_space<vmem>>, vector<16xi32>,
      tpu.vector_store %arg8[%swap3A_2513], %add3A_2512 {strides = array<i32>} : memref<384xi32, #tpu.memory_space<vmem>>, vector<16xi32>,
      %get3A_2515 = arith.constant 176 : index
      %get3A_2516 = tpu.vector_load %arg9[%get3A_2515] {strides = array<i32>} : memref<384xf32, #tpu.memory_space<vmem>>, vector<16xf32>,
      %get3A_2517 = arith.constant 176 : index
      %get3A_2518 = tpu.vector_load %arg11[%get3A_2517] {strides = array<i32>} : memref<384xf32, #tpu.memory_space<vmem>>, vector<16xf32>,
      %add3A_2519 = arith.addf %get3A_2516, %get3A_2518 : vector<16xf32>
      %swap3A_2520 = arith.constant 176 : index
      %swap3A_2521 = tpu.vector_load %arg9[%swap3A_2520] {strides = array<i32>} : memref<384xf32, #tpu.memory_space<vmem>>, vector<16xf32>,
      tpu.vector_store %arg9[%swap3A_2520], %add3A_2519 {strides = array<i32>} : memref<384xf32, #tpu.memory_space<vmem>>, vector<16xf32>,
      %get3A_2522 = arith.constant 192 : index
      %get3A_2523 = tpu.vector_load %arg8[%get3A_2522] {strides = array<i32>} : memref<384xi32, #tpu.memory_space<vmem>>, vector<16xi32>,
      %get3A_2524 = arith.constant 192 : index
      %get3A_2525 = tpu.vector_load %arg10[%get3A_2524] {strides = array<i32>} : memref<384xi32, #tpu.memory_space<vmem>>, vector<16xi32>,
      %add3A_2526 = arith.addi %get3A_2523, %get3A_2525 : vector<16xi32>
      %swap3A_2527 = arith.constant 192 : index
      %swap3A_2528 = tpu.vector_load %arg8[%swap3A_2527] {strides = array<i32>} : memref<384xi32, #tpu.memory_space<vmem>>, vector<16xi32>,
      tpu.vector_store %arg8[%swap3A_2527], %add3A_2526 {strides = array<i32>} : memref<384xi32, #tpu.memory_space<vmem>>, vector<16xi32>,
      %get3A_2529 = arith.constant 192 : index
      %get3A_2530 = tpu.vector_load %arg9[%get3A_2529] {strides = array<i32>} : memref<384xf32, #tpu.memory_space<vmem>>, vector<16xf32>,
      %get3A_2531 = arith.constant 192 : index
      %get3A_2532 = tpu.vector_load %arg11[%get3A_2531] {strides = array<i32>} : memref<384xf32, #tpu.memory_space<vmem>>, vector<16xf32>,
      %add3A_2533 = arith.addf %get3A_2530, %get3A_2532 : vector<16xf32>
      %swap3A_2534 = arith.constant 192 : index
      %swap3A_2535 = tpu.vector_load %arg9[%swap3A_2534] {strides = array<i32>} : memref<384xf32, #tpu.memory_space<vmem>>, vector<16xf32>,
      tpu.vector_store %arg9[%swap3A_2534], %add3A_2533 {strides = array<i32>} : memref<384xf32, #tpu.memory_space<vmem>>, vector<16xf32>,
      %get3A_2536 = arith.constant 208 : index
      %get3A_2537 = tpu.vector_load %arg8[%get3A_2536] {strides = array<i32>} : memref<384xi32, #tpu.memory_space<vmem>>, vector<16xi32>,
      %get3A_2538 = arith.constant 208 : index
      %get3A_2539 = tpu.vector_load %arg10[%get3A_2538] {strides = array<i32>} : memref<384xi32, #tpu.memory_space<vmem>>, vector<16xi32>,
      %add3A_2540 = arith.addi %get3A_2537, %get3A_2539 : vector<16xi32>
      %swap3A_2541 = arith.constant 208 : index
      %swap3A_2542 = tpu.vector_load %arg8[%swap3A_2541] {strides = array<i32>} : memref<384xi32, #tpu.memory_space<vmem>>, vector<16xi32>,
      tpu.vector_store %arg8[%swap3A_2541], %add3A_2540 {strides = array<i32>} : memref<384xi32, #tpu.memory_space<vmem>>, vector<16xi32>,
      %get3A_2543 = arith.constant 208 : index
      %get3A_2544 = tpu.vector_load %arg9[%get3A_2543] {strides = array<i32>} : memref<384xf32, #tpu.memory_space<vmem>>, vector<16xf32>,
      %get3A_2545 = arith.constant 208 : index
      %get3A_2546 = tpu.vector_load %arg11[%get3A_2545] {strides = array<i32>} : memref<384xf32, #tpu.memory_space<vmem>>, vector<16xf32>,
      %add3A_2547 = arith.addf %get3A_2544, %get3A_2546 : vector<16xf32>
      %swap3A_2548 = arith.constant 208 : index
      %swap3A_2549 = tpu.vector_load %arg9[%swap3A_2548] {strides = array<i32>} : memref<384xf32, #tpu.memory_space<vmem>>, vector<16xf32>,
      tpu.vector_store %arg9[%swap3A_2548], %add3A_2547 {strides = array<i32>} : memref<384xf32, #tpu.memory_space<vmem>>, vector<16xf32>,
      %get3A_2550 = arith.constant 224 : index
      %get3A_2551 = tpu.vector_load %arg8[%get3A_2550] {strides = array<i32>} : memref<384xi32, #tpu.memory_space<vmem>>, vector<16xi32>,
      %get3A_2552 = arith.constant 224 : index
      %get3A_2553 = tpu.vector_load %arg10[%get3A_2552] {strides = array<i32>} : memref<384xi32, #tpu.memory_space<vmem>>, vector<16xi32>,
      %add3A_2554 = arith.addi %get3A_2551, %get3A_2553 : vector<16xi32>
      %swap3A_2555 = arith.constant 224 : index
      %swap3A_2556 = tpu.vector_load %arg8[%swap3A_2555] {strides = array<i32>} : memref<384xi32, #tpu.memory_space<vmem>>, vector<16xi32>,
      tpu.vector_store %arg8[%swap3A_2555], %add3A_2554 {strides = array<i32>} : memref<384xi32, #tpu.memory_space<vmem>>, vector<16xi32>,
      %get3A_2557 = arith.constant 224 : index
      %get3A_2558 = tpu.vector_load %arg9[%get3A_2557] {strides = array<i32>} : memref<384xf32, #tpu.memory_space<vmem>>, vector<16xf32>,
      %get3A_2559 = arith.constant 224 : index
      %get3A_2560 = tpu.vector_load %arg11[%get3A_2559] {strides = array<i32>} : memref<384xf32, #tpu.memory_space<vmem>>, vector<16xf32>,
      %add3A_2561 = arith.addf %get3A_2558, %get3A_2560 : vector<16xf32>
      %swap3A_2562 = arith.constant 224 : index
      %swap3A_2563 = tpu.vector_load %arg9[%swap3A_2562] {strides = array<i32>} : memref<384xf32, #tpu.memory_space<vmem>>, vector<16xf32>,
      tpu.vector_store %arg9[%swap3A_2562], %add3A_2561 {strides = array<i32>} : memref<384xf32, #tpu.memory_space<vmem>>, vector<16xf32>,
      %get3A_2564 = arith.constant 240 : index
      %get3A_2565 = tpu.vector_load %arg8[%get3A_2564] {strides = array<i32>} : memref<384xi32, #tpu.memory_space<vmem>>, vector<16xi32>,
      %get3A_2566 = arith.constant 240 : index
      %get3A_2567 = tpu.vector_load %arg10[%get3A_2566] {strides = array<i32>} : memref<384xi32, #tpu.memory_space<vmem>>, vector<16xi32>,
      %add3A_2568 = arith.addi %get3A_2565, %get3A_2567 : vector<16xi32>
      %swap3A_2569 = arith.constant 240 : index
      %swap3A_2570 = tpu.vector_load %arg8[%swap3A_2569] {strides = array<i32>} : memref<384xi32, #tpu.memory_space<vmem>>, vector<16xi32>,
      tpu.vector_store %arg8[%swap3A_2569], %add3A_2568 {strides = array<i32>} : memref<384xi32, #tpu.memory_space<vmem>>, vector<16xi32>,
      %get3A_2571 = arith.constant 240 : index
      %get3A_2572 = tpu.vector_load %arg9[%get3A_2571] {strides = array<i32>} : memref<384xf32, #tpu.memory_space<vmem>>, vector<16xf32>,
      %get3A_2573 = arith.constant 240 : index
      %get3A_2574 = tpu.vector_load %arg11[%get3A_2573] {strides = array<i32>} : memref<384xf32, #tpu.memory_space<vmem>>, vector<16xf32>,
      %add3A_2575 = arith.addf %get3A_2572, %get3A_2574 : vector<16xf32>
      %swap3A_2576 = arith.constant 240 : index
      %swap3A_2577 = tpu.vector_load %arg9[%swap3A_2576] {strides = array<i32>} : memref<384xf32, #tpu.memory_space<vmem>>, vector<16xf32>,
      tpu.vector_store %arg9[%swap3A_2576], %add3A_2575 {strides = array<i32>} : memref<384xf32, #tpu.memory_space<vmem>>, vector<16xf32>,
      %get3A_2578 = arith.constant 256 : index
      %get3A_2579 = tpu.vector_load %arg8[%get3A_2578] {strides = array<i32>} : memref<384xi32, #tpu.memory_space<vmem>>, vector<16xi32>,
      %get3A_2580 = arith.constant 256 : index
      %get3A_2581 = tpu.vector_load %arg10[%get3A_2580] {strides = array<i32>} : memref<384xi32, #tpu.memory_space<vmem>>, vector<16xi32>,
      %add3A_2582 = arith.addi %get3A_2579, %get3A_2581 : vector<16xi32>
      %swap3A_2583 = arith.constant 256 : index
      %swap3A_2584 = tpu.vector_load %arg8[%swap3A_2583] {strides = array<i32>} : memref<384xi32, #tpu.memory_space<vmem>>, vector<16xi32>,
      tpu.vector_store %arg8[%swap3A_2583], %add3A_2582 {strides = array<i32>} : memref<384xi32, #tpu.memory_space<vmem>>, vector<16xi32>,
      %get3A_2585 = arith.constant 256 : index
      %get3A_2586 = tpu.vector_load %arg9[%get3A_2585] {strides = array<i32>} : memref<384xf32, #tpu.memory_space<vmem>>, vector<16xf32>,
      %get3A_2587 = arith.constant 256 : index
      %get3A_2588 = tpu.vector_load %arg11[%get3A_2587] {strides = array<i32>} : memref<384xf32, #tpu.memory_space<vmem>>, vector<16xf32>,
      %add3A_2589 = arith.addf %get3A_2586, %get3A_2588 : vector<16xf32>
      %swap3A_2590 = arith.constant 256 : index
      %swap3A_2591 = tpu.vector_load %arg9[%swap3A_2590] {strides = array<i32>} : memref<384xf32, #tpu.memory_space<vmem>>, vector<16xf32>,
      tpu.vector_store %arg9[%swap3A_2590], %add3A_2589 {strides = array<i32>} : memref<384xf32, #tpu.memory_space<vmem>>, vector<16xf32>,
      %get3A_2592 = arith.constant 272 : index
      %get3A_2593 = tpu.vector_load %arg8[%get3A_2592] {strides = array<i32>} : memref<384xi32, #tpu.memory_space<vmem>>, vector<16xi32>,
      %get3A_2594 = arith.constant 272 : index
      %get3A_2595 = tpu.vector_load %arg10[%get3A_2594] {strides = array<i32>} : memref<384xi32, #tpu.memory_space<vmem>>, vector<16xi32>,
      %add3A_2596 = arith.addi %get3A_2593, %get3A_2595 : vector<16xi32>
      %swap3A_2597 = arith.constant 272 : index
      %swap3A_2598 = tpu.vector_load %arg8[%swap3A_2597] {strides = array<i32>} : memref<384xi32, #tpu.memory_space<vmem>>, vector<16xi32>,
      tpu.vector_store %arg8[%swap3A_2597], %add3A_2596 {strides = array<i32>} : memref<384xi32, #tpu.memory_space<vmem>>, vector<16xi32>,
      %get3A_2599 = arith.constant 272 : index
      %get3A_2600 = tpu.vector_load %arg9[%get3A_2599] {strides = array<i32>} : memref<384xf32, #tpu.memory_space<vmem>>, vector<16xf32>,
      %get3A_2601 = arith.constant 272 : index
      %get3A_2602 = tpu.vector_load %arg11[%get3A_2601] {strides = array<i32>} : memref<384xf32, #tpu.memory_space<vmem>>, vector<16xf32>,
      %add3A_2603 = arith.addf %get3A_2600, %get3A_2602 : vector<16xf32>
      %swap3A_2604 = arith.constant 272 : index
      %swap3A_2605 = tpu.vector_load %arg9[%swap3A_2604] {strides = array<i32>} : memref<384xf32, #tpu.memory_space<vmem>>, vector<16xf32>,
      tpu.vector_store %arg9[%swap3A_2604], %add3A_2603 {strides = array<i32>} : memref<384xf32, #tpu.memory_space<vmem>>, vector<16xf32>,
      %get3A_2606 = arith.constant 288 : index
      %get3A_2607 = tpu.vector_load %arg8[%get3A_2606] {strides = array<i32>} : memref<384xi32, #tpu.memory_space<vmem>>, vector<16xi32>,
      %get3A_2608 = arith.constant 288 : index
      %get3A_2609 = tpu.vector_load %arg10[%get3A_2608] {strides = array<i32>} : memref<384xi32, #tpu.memory_space<vmem>>, vector<16xi32>,
      %add3A_2610 = arith.addi %get3A_2607, %get3A_2609 : vector<16xi32>
      %swap3A_2611 = arith.constant 288 : index
      %swap3A_2612 = tpu.vector_load %arg8[%swap3A_2611] {strides = array<i32>} : memref<384xi32, #tpu.memory_space<vmem>>, vector<16xi32>,
      tpu.vector_store %arg8[%swap3A_2611], %add3A_2610 {strides = array<i32>} : memref<384xi32, #tpu.memory_space<vmem>>, vector<16xi32>,
      %get3A_2613 = arith.constant 288 : index
      %get3A_2614 = tpu.vector_load %arg9[%get3A_2613] {strides = array<i32>} : memref<384xf32, #tpu.memory_space<vmem>>, vector<16xf32>,
      %get3A_2615 = arith.constant 288 : index
      %get3A_2616 = tpu.vector_load %arg11[%get3A_2615] {strides = array<i32>} : memref<384xf32, #tpu.memory_space<vmem>>, vector<16xf32>,
      %add3A_2617 = arith.addf %get3A_2614, %get3A_2616 : vector<16xf32>
      %swap3A_2618 = arith.constant 288 : index
      %swap3A_2619 = tpu.vector_load %arg9[%swap3A_2618] {strides = array<i32>} : memref<384xf32, #tpu.memory_space<vmem>>, vector<16xf32>,
      tpu.vector_store %arg9[%swap3A_2618], %add3A_2617 {strides = array<i32>} : memref<384xf32, #tpu.memory_space<vmem>>, vector<16xf32>,
      %get3A_2620 = arith.constant 304 : index
      %get3A_2621 = tpu.vector_load %arg8[%get3A_2620] {strides = array<i32>} : memref<384xi32, #tpu.memory_space<vmem>>, vector<16xi32>,
      %get3A_2622 = arith.constant 304 : index
      %get3A_2623 = tpu.vector_load %arg10[%get3A_2622] {strides = array<i32>} : memref<384xi32, #tpu.memory_space<vmem>>, vector<16xi32>,
      %add3A_2624 = arith.addi %get3A_2621, %get3A_2623 : vector<16xi32>
      %swap3A_2625 = arith.constant 304 : index
      %swap3A_2626 = tpu.vector_load %arg8[%swap3A_2625] {strides = array<i32>} : memref<384xi32, #tpu.memory_space<vmem>>, vector<16xi32>,
      tpu.vector_store %arg8[%swap3A_2625], %add3A_2624 {strides = array<i32>} : memref<384xi32, #tpu.memory_space<vmem>>, vector<16xi32>,
      %get3A_2627 = arith.constant 304 : index
      %get3A_2628 = tpu.vector_load %arg9[%get3A_2627] {strides = array<i32>} : memref<384xf32, #tpu.memory_space<vmem>>, vector<16xf32>,
      %get3A_2629 = arith.constant 304 : index
      %get3A_2630 = tpu.vector_load %arg11[%get3A_2629] {strides = array<i32>} : memref<384xf32, #tpu.memory_space<vmem>>, vector<16xf32>,
      %add3A_2631 = arith.addf %get3A_2628, %get3A_2630 : vector<16xf32>
      %swap3A_2632 = arith.constant 304 : index
      %swap3A_2633 = tpu.vector_load %arg9[%swap3A_2632] {strides = array<i32>} : memref<384xf32, #tpu.memory_space<vmem>>, vector<16xf32>,
      tpu.vector_store %arg9[%swap3A_2632], %add3A_2631 {strides = array<i32>} : memref<384xf32, #tpu.memory_space<vmem>>, vector<16xf32>,
      %get3A_2634 = arith.constant 320 : index
      %get3A_2635 = tpu.vector_load %arg8[%get3A_2634] {strides = array<i32>} : memref<384xi32, #tpu.memory_space<vmem>>, vector<16xi32>,
      %get3A_2636 = arith.constant 320 : index
      %get3A_2637 = tpu.vector_load %arg10[%get3A_2636] {strides = array<i32>} : memref<384xi32, #tpu.memory_space<vmem>>, vector<16xi32>,
      %add3A_2638 = arith.addi %get3A_2635, %get3A_2637 : vector<16xi32>
      %swap3A_2639 = arith.constant 320 : index
      %swap3A_2640 = tpu.vector_load %arg8[%swap3A_2639] {strides = array<i32>} : memref<384xi32, #tpu.memory_space<vmem>>, vector<16xi32>,
      tpu.vector_store %arg8[%swap3A_2639], %add3A_2638 {strides = array<i32>} : memref<384xi32, #tpu.memory_space<vmem>>, vector<16xi32>,
      %get3A_2641 = arith.constant 320 : index
      %get3A_2642 = tpu.vector_load %arg9[%get3A_2641] {strides = array<i32>} : memref<384xf32, #tpu.memory_space<vmem>>, vector<16xf32>,
      %get3A_2643 = arith.constant 320 : index
      %get3A_2644 = tpu.vector_load %arg11[%get3A_2643] {strides = array<i32>} : memref<384xf32, #tpu.memory_space<vmem>>, vector<16xf32>,
      %add3A_2645 = arith.addf %get3A_2642, %get3A_2644 : vector<16xf32>
      %swap3A_2646 = arith.constant 320 : index
      %swap3A_2647 = tpu.vector_load %arg9[%swap3A_2646] {strides = array<i32>} : memref<384xf32, #tpu.memory_space<vmem>>, vector<16xf32>,
      tpu.vector_store %arg9[%swap3A_2646], %add3A_2645 {strides = array<i32>} : memref<384xf32, #tpu.memory_space<vmem>>, vector<16xf32>,
      %get3A_2648 = arith.constant 336 : index
      %get3A_2649 = tpu.vector_load %arg8[%get3A_2648] {strides = array<i32>} : memref<384xi32, #tpu.memory_space<vmem>>, vector<16xi32>,
      %get3A_2650 = arith.constant 336 : index
      %get3A_2651 = tpu.vector_load %arg10[%get3A_2650] {strides = array<i32>} : memref<384xi32, #tpu.memory_space<vmem>>, vector<16xi32>,
      %add3A_2652 = arith.addi %get3A_2649, %get3A_2651 : vector<16xi32>
      %swap3A_2653 = arith.constant 336 : index
      %swap3A_2654 = tpu.vector_load %arg8[%swap3A_2653] {strides = array<i32>} : memref<384xi32, #tpu.memory_space<vmem>>, vector<16xi32>,
      tpu.vector_store %arg8[%swap3A_2653], %add3A_2652 {strides = array<i32>} : memref<384xi32, #tpu.memory_space<vmem>>, vector<16xi32>,
      %get3A_2655 = arith.constant 336 : index
      %get3A_2656 = tpu.vector_load %arg9[%get3A_2655] {strides = array<i32>} : memref<384xf32, #tpu.memory_space<vmem>>, vector<16xf32>,
      %get3A_2657 = arith.constant 336 : index
      %get3A_2658 = tpu.vector_load %arg11[%get3A_2657] {strides = array<i32>} : memref<384xf32, #tpu.memory_space<vmem>>, vector<16xf32>,
      %add3A_2659 = arith.addf %get3A_2656, %get3A_2658 : vector<16xf32>
      %swap3A_2660 = arith.constant 336 : index
      %swap3A_2661 = tpu.vector_load %arg9[%swap3A_2660] {strides = array<i32>} : memref<384xf32, #tpu.memory_space<vmem>>, vector<16xf32>,
      tpu.vector_store %arg9[%swap3A_2660], %add3A_2659 {strides = array<i32>} : memref<384xf32, #tpu.memory_space<vmem>>, vector<16xf32>,
      %get3A_2662 = arith.constant 352 : index
      %get3A_2663 = tpu.vector_load %arg8[%get3A_2662] {strides = array<i32>} : memref<384xi32, #tpu.memory_space<vmem>>, vector<16xi32>,
      %get3A_2664 = arith.constant 352 : index
      %get3A_2665 = tpu.vector_load %arg10[%get3A_2664] {strides = array<i32>} : memref<384xi32, #tpu.memory_space<vmem>>, vector<16xi32>,
      %add3A_2666 = arith.addi %get3A_2663, %get3A_2665 : vector<16xi32>
      %swap3A_2667 = arith.constant 352 : index
      %swap3A_2668 = tpu.vector_load %arg8[%swap3A_2667] {strides = array<i32>} : memref<384xi32, #tpu.memory_space<vmem>>, vector<16xi32>,
      tpu.vector_store %arg8[%swap3A_2667], %add3A_2666 {strides = array<i32>} : memref<384xi32, #tpu.memory_space<vmem>>, vector<16xi32>,
      %get3A_2669 = arith.constant 352 : index
      %get3A_2670 = tpu.vector_load %arg9[%get3A_2669] {strides = array<i32>} : memref<384xf32, #tpu.memory_space<vmem>>, vector<16xf32>,
      %get3A_2671 = arith.constant 352 : index
      %get3A_2672 = tpu.vector_load %arg11[%get3A_2671] {strides = array<i32>} : memref<384xf32, #tpu.memory_space<vmem>>, vector<16xf32>,
      %add3A_2673 = arith.addf %get3A_2670, %get3A_2672 : vector<16xf32>
      %swap3A_2674 = arith.constant 352 : index
      %swap3A_2675 = tpu.vector_load %arg9[%swap3A_2674] {strides = array<i32>} : memref<384xf32, #tpu.memory_space<vmem>>, vector<16xf32>,
      tpu.vector_store %arg9[%swap3A_2674], %add3A_2673 {strides = array<i32>} : memref<384xf32, #tpu.memory_space<vmem>>, vector<16xf32>,
      %get3A_2676 = arith.constant 368 : index
      %get3A_2677 = tpu.vector_load %arg8[%get3A_2676] {strides = array<i32>} : memref<384xi32, #tpu.memory_space<vmem>>, vector<16xi32>,
      %get3A_2678 = arith.constant 368 : index
      %get3A_2679 = tpu.vector_load %arg10[%get3A_2678] {strides = array<i32>} : memref<384xi32, #tpu.memory_space<vmem>>, vector<16xi32>,
      %add3A_2680 = arith.addi %get3A_2677, %get3A_2679 : vector<16xi32>
      %swap3A_2681 = arith.constant 368 : index
      %swap3A_2682 = tpu.vector_load %arg8[%swap3A_2681] {strides = array<i32>} : memref<384xi32, #tpu.memory_space<vmem>>, vector<16xi32>,
      tpu.vector_store %arg8[%swap3A_2681], %add3A_2680 {strides = array<i32>} : memref<384xi32, #tpu.memory_space<vmem>>, vector<16xi32>,
      %get3A_2683 = arith.constant 368 : index
      %get3A_2684 = tpu.vector_load %arg9[%get3A_2683] {strides = array<i32>} : memref<384xf32, #tpu.memory_space<vmem>>, vector<16xf32>,
      %get3A_2685 = arith.constant 368 : index
      %get3A_2686 = tpu.vector_load %arg11[%get3A_2685] {strides = array<i32>} : memref<384xf32, #tpu.memory_space<vmem>>, vector<16xf32>,
      %add3A_2687 = arith.addf %get3A_2684, %get3A_2686 : vector<16xf32>
      %swap3A_2688 = arith.constant 368 : index
      %swap3A_2689 = tpu.vector_load %arg9[%swap3A_2688] {strides = array<i32>} : memref<384xf32, #tpu.memory_space<vmem>>, vector<16xf32>,
      tpu.vector_store %arg9[%swap3A_2688], %add3A_2687 {strides = array<i32>} : memref<384xf32, #tpu.memory_space<vmem>>, vector<16xf32>,
      %mul3A_2690 = arith.constant 8 : i32
      %mul3A_2691 = arith.muli %select_n3A_30, %mul3A_2690 : i32
      %add3A_2692 = arith.constant 7 : i32
      %add3A_2693 = arith.addi %mul3A_2691, %add3A_2692 : i32
      %mul3A_2694 = arith.constant 384 : i32
      %mul3A_2695 = arith.muli %add3A_2693, %mul3A_2694 : i32
      "tpu.region"() ({
        %run_scoped3A = tpu.sem_alloc : memref<!tpu.dma_semaphore, #tpu.memory_space<semaphore_mem>>
        %dma_start3A = tpu.memref_slice %arg12[%mul3A_2695] : memref<6144xi32, #tpu.memory_space<vmem_shared>> -> memref<384xi32, #tpu.memory_space<vmem_shared>>
        %dma_start3A_3032 = tpu.memref_slice %arg12[%mul3A_2695] : memref<6144xi32, #tpu.memory_space<vmem_shared>> -> memref<384xi32, #tpu.memory_space<vmem_shared>>
        tpu.enqueue_dma source(%dma_start3A_3032 : memref<384xi32, #tpu.memory_space<vmem_shared>>) target(%arg10 : memref<384xi32, #tpu.memory_space<vmem>>) target_semaphore(%run_scoped3A : memref<!tpu.dma_semaphore, #tpu.memory_space<semaphore_mem>>)
        %dma_wait3A = tpu.memref_slice %arg12[%mul3A_2695] : memref<6144xi32, #tpu.memory_space<vmem_shared>> -> memref<384xi32, #tpu.memory_space<vmem_shared>>
        %dma_wait3A_3033 = tpu.memref_slice %arg12[%mul3A_2695] : memref<6144xi32, #tpu.memory_space<vmem_shared>> -> memref<384xi32, #tpu.memory_space<vmem_shared>>
        tpu.wait_dma2 semaphore(%run_scoped3A : memref<!tpu.dma_semaphore, #tpu.memory_space<semaphore_mem>>) src(%dma_wait3A_3033 : memref<384xi32, #tpu.memory_space<vmem_shared>>) dst(%arg10 : memref<384xi32, #tpu.memory_space<vmem>>)
        tpu.yield
      }) : () -> ()
      "tpu.region"() ({
        %run_scoped3A = tpu.sem_alloc : memref<!tpu.dma_semaphore, #tpu.memory_space<semaphore_mem>>
        %dma_start3A = tpu.memref_slice %arg13[%mul3A_2695] : memref<6144xf32, #tpu.memory_space<vmem_shared>> -> memref<384xf32, #tpu.memory_space<vmem_shared>>
        %dma_start3A_3032 = tpu.memref_slice %arg13[%mul3A_2695] : memref<6144xf32, #tpu.memory_space<vmem_shared>> -> memref<384xf32, #tpu.memory_space<vmem_shared>>
        tpu.enqueue_dma source(%dma_start3A_3032 : memref<384xf32, #tpu.memory_space<vmem_shared>>) target(%arg11 : memref<384xf32, #tpu.memory_space<vmem>>) target_semaphore(%run_scoped3A : memref<!tpu.dma_semaphore, #tpu.memory_space<semaphore_mem>>)
        %dma_wait3A = tpu.memref_slice %arg13[%mul3A_2695] : memref<6144xf32, #tpu.memory_space<vmem_shared>> -> memref<384xf32, #tpu.memory_space<vmem_shared>>
        %dma_wait3A_3033 = tpu.memref_slice %arg13[%mul3A_2695] : memref<6144xf32, #tpu.memory_space<vmem_shared>> -> memref<384xf32, #tpu.memory_space<vmem_shared>>
        tpu.wait_dma2 semaphore(%run_scoped3A : memref<!tpu.dma_semaphore, #tpu.memory_space<semaphore_mem>>) src(%dma_wait3A_3033 : memref<384xf32, #tpu.memory_space<vmem_shared>>) dst(%arg11 : memref<384xf32, #tpu.memory_space<vmem>>)
        tpu.yield
      }) : () -> ()
      %get3A_2696 = arith.constant 0 : index
      %get3A_2697 = tpu.vector_load %arg8[%get3A_2696] {strides = array<i32>} : memref<384xi32, #tpu.memory_space<vmem>>, vector<16xi32>,
      %get3A_2698 = arith.constant 0 : index
      %get3A_2699 = tpu.vector_load %arg10[%get3A_2698] {strides = array<i32>} : memref<384xi32, #tpu.memory_space<vmem>>, vector<16xi32>,
      %add3A_2700 = arith.addi %get3A_2697, %get3A_2699 : vector<16xi32>
      %swap3A_2701 = arith.constant 0 : index
      %swap3A_2702 = tpu.vector_load %arg8[%swap3A_2701] {strides = array<i32>} : memref<384xi32, #tpu.memory_space<vmem>>, vector<16xi32>,
      tpu.vector_store %arg8[%swap3A_2701], %add3A_2700 {strides = array<i32>} : memref<384xi32, #tpu.memory_space<vmem>>, vector<16xi32>,
      %get3A_2703 = arith.constant 0 : index
      %get3A_2704 = tpu.vector_load %arg9[%get3A_2703] {strides = array<i32>} : memref<384xf32, #tpu.memory_space<vmem>>, vector<16xf32>,
      %get3A_2705 = arith.constant 0 : index
      %get3A_2706 = tpu.vector_load %arg11[%get3A_2705] {strides = array<i32>} : memref<384xf32, #tpu.memory_space<vmem>>, vector<16xf32>,
      %add3A_2707 = arith.addf %get3A_2704, %get3A_2706 : vector<16xf32>
      %swap3A_2708 = arith.constant 0 : index
      %swap3A_2709 = tpu.vector_load %arg9[%swap3A_2708] {strides = array<i32>} : memref<384xf32, #tpu.memory_space<vmem>>, vector<16xf32>,
      tpu.vector_store %arg9[%swap3A_2708], %add3A_2707 {strides = array<i32>} : memref<384xf32, #tpu.memory_space<vmem>>, vector<16xf32>,
      %get3A_2710 = arith.constant 16 : index
      %get3A_2711 = tpu.vector_load %arg8[%get3A_2710] {strides = array<i32>} : memref<384xi32, #tpu.memory_space<vmem>>, vector<16xi32>,
      %get3A_2712 = arith.constant 16 : index
      %get3A_2713 = tpu.vector_load %arg10[%get3A_2712] {strides = array<i32>} : memref<384xi32, #tpu.memory_space<vmem>>, vector<16xi32>,
      %add3A_2714 = arith.addi %get3A_2711, %get3A_2713 : vector<16xi32>
      %swap3A_2715 = arith.constant 16 : index
      %swap3A_2716 = tpu.vector_load %arg8[%swap3A_2715] {strides = array<i32>} : memref<384xi32, #tpu.memory_space<vmem>>, vector<16xi32>,
      tpu.vector_store %arg8[%swap3A_2715], %add3A_2714 {strides = array<i32>} : memref<384xi32, #tpu.memory_space<vmem>>, vector<16xi32>,
      %get3A_2717 = arith.constant 16 : index
      %get3A_2718 = tpu.vector_load %arg9[%get3A_2717] {strides = array<i32>} : memref<384xf32, #tpu.memory_space<vmem>>, vector<16xf32>,
      %get3A_2719 = arith.constant 16 : index
      %get3A_2720 = tpu.vector_load %arg11[%get3A_2719] {strides = array<i32>} : memref<384xf32, #tpu.memory_space<vmem>>, vector<16xf32>,
      %add3A_2721 = arith.addf %get3A_2718, %get3A_2720 : vector<16xf32>
      %swap3A_2722 = arith.constant 16 : index
      %swap3A_2723 = tpu.vector_load %arg9[%swap3A_2722] {strides = array<i32>} : memref<384xf32, #tpu.memory_space<vmem>>, vector<16xf32>,
      tpu.vector_store %arg9[%swap3A_2722], %add3A_2721 {strides = array<i32>} : memref<384xf32, #tpu.memory_space<vmem>>, vector<16xf32>,
      %get3A_2724 = arith.constant 32 : index
      %get3A_2725 = tpu.vector_load %arg8[%get3A_2724] {strides = array<i32>} : memref<384xi32, #tpu.memory_space<vmem>>, vector<16xi32>,
      %get3A_2726 = arith.constant 32 : index
      %get3A_2727 = tpu.vector_load %arg10[%get3A_2726] {strides = array<i32>} : memref<384xi32, #tpu.memory_space<vmem>>, vector<16xi32>,
      %add3A_2728 = arith.addi %get3A_2725, %get3A_2727 : vector<16xi32>
      %swap3A_2729 = arith.constant 32 : index
      %swap3A_2730 = tpu.vector_load %arg8[%swap3A_2729] {strides = array<i32>} : memref<384xi32, #tpu.memory_space<vmem>>, vector<16xi32>,
      tpu.vector_store %arg8[%swap3A_2729], %add3A_2728 {strides = array<i32>} : memref<384xi32, #tpu.memory_space<vmem>>, vector<16xi32>,
      %get3A_2731 = arith.constant 32 : index
      %get3A_2732 = tpu.vector_load %arg9[%get3A_2731] {strides = array<i32>} : memref<384xf32, #tpu.memory_space<vmem>>, vector<16xf32>,
      %get3A_2733 = arith.constant 32 : index
      %get3A_2734 = tpu.vector_load %arg11[%get3A_2733] {strides = array<i32>} : memref<384xf32, #tpu.memory_space<vmem>>, vector<16xf32>,
      %add3A_2735 = arith.addf %get3A_2732, %get3A_2734 : vector<16xf32>
      %swap3A_2736 = arith.constant 32 : index
      %swap3A_2737 = tpu.vector_load %arg9[%swap3A_2736] {strides = array<i32>} : memref<384xf32, #tpu.memory_space<vmem>>, vector<16xf32>,
      tpu.vector_store %arg9[%swap3A_2736], %add3A_2735 {strides = array<i32>} : memref<384xf32, #tpu.memory_space<vmem>>, vector<16xf32>,
      %get3A_2738 = arith.constant 48 : index
      %get3A_2739 = tpu.vector_load %arg8[%get3A_2738] {strides = array<i32>} : memref<384xi32, #tpu.memory_space<vmem>>, vector<16xi32>,
      %get3A_2740 = arith.constant 48 : index
      %get3A_2741 = tpu.vector_load %arg10[%get3A_2740] {strides = array<i32>} : memref<384xi32, #tpu.memory_space<vmem>>, vector<16xi32>,
      %add3A_2742 = arith.addi %get3A_2739, %get3A_2741 : vector<16xi32>
      %swap3A_2743 = arith.constant 48 : index
      %swap3A_2744 = tpu.vector_load %arg8[%swap3A_2743] {strides = array<i32>} : memref<384xi32, #tpu.memory_space<vmem>>, vector<16xi32>,
      tpu.vector_store %arg8[%swap3A_2743], %add3A_2742 {strides = array<i32>} : memref<384xi32, #tpu.memory_space<vmem>>, vector<16xi32>,
      %get3A_2745 = arith.constant 48 : index
      %get3A_2746 = tpu.vector_load %arg9[%get3A_2745] {strides = array<i32>} : memref<384xf32, #tpu.memory_space<vmem>>, vector<16xf32>,
      %get3A_2747 = arith.constant 48 : index
      %get3A_2748 = tpu.vector_load %arg11[%get3A_2747] {strides = array<i32>} : memref<384xf32, #tpu.memory_space<vmem>>, vector<16xf32>,
      %add3A_2749 = arith.addf %get3A_2746, %get3A_2748 : vector<16xf32>
      %swap3A_2750 = arith.constant 48 : index
      %swap3A_2751 = tpu.vector_load %arg9[%swap3A_2750] {strides = array<i32>} : memref<384xf32, #tpu.memory_space<vmem>>, vector<16xf32>,
      tpu.vector_store %arg9[%swap3A_2750], %add3A_2749 {strides = array<i32>} : memref<384xf32, #tpu.memory_space<vmem>>, vector<16xf32>,
      %get3A_2752 = arith.constant 64 : index
      %get3A_2753 = tpu.vector_load %arg8[%get3A_2752] {strides = array<i32>} : memref<384xi32, #tpu.memory_space<vmem>>, vector<16xi32>,
      %get3A_2754 = arith.constant 64 : index
      %get3A_2755 = tpu.vector_load %arg10[%get3A_2754] {strides = array<i32>} : memref<384xi32, #tpu.memory_space<vmem>>, vector<16xi32>,
      %add3A_2756 = arith.addi %get3A_2753, %get3A_2755 : vector<16xi32>
      %swap3A_2757 = arith.constant 64 : index
      %swap3A_2758 = tpu.vector_load %arg8[%swap3A_2757] {strides = array<i32>} : memref<384xi32, #tpu.memory_space<vmem>>, vector<16xi32>,
      tpu.vector_store %arg8[%swap3A_2757], %add3A_2756 {strides = array<i32>} : memref<384xi32, #tpu.memory_space<vmem>>, vector<16xi32>,
      %get3A_2759 = arith.constant 64 : index
      %get3A_2760 = tpu.vector_load %arg9[%get3A_2759] {strides = array<i32>} : memref<384xf32, #tpu.memory_space<vmem>>, vector<16xf32>,
      %get3A_2761 = arith.constant 64 : index
      %get3A_2762 = tpu.vector_load %arg11[%get3A_2761] {strides = array<i32>} : memref<384xf32, #tpu.memory_space<vmem>>, vector<16xf32>,
      %add3A_2763 = arith.addf %get3A_2760, %get3A_2762 : vector<16xf32>
      %swap3A_2764 = arith.constant 64 : index
      %swap3A_2765 = tpu.vector_load %arg9[%swap3A_2764] {strides = array<i32>} : memref<384xf32, #tpu.memory_space<vmem>>, vector<16xf32>,
      tpu.vector_store %arg9[%swap3A_2764], %add3A_2763 {strides = array<i32>} : memref<384xf32, #tpu.memory_space<vmem>>, vector<16xf32>,
      %get3A_2766 = arith.constant 80 : index
      %get3A_2767 = tpu.vector_load %arg8[%get3A_2766] {strides = array<i32>} : memref<384xi32, #tpu.memory_space<vmem>>, vector<16xi32>,
      %get3A_2768 = arith.constant 80 : index
      %get3A_2769 = tpu.vector_load %arg10[%get3A_2768] {strides = array<i32>} : memref<384xi32, #tpu.memory_space<vmem>>, vector<16xi32>,
      %add3A_2770 = arith.addi %get3A_2767, %get3A_2769 : vector<16xi32>
      %swap3A_2771 = arith.constant 80 : index
      %swap3A_2772 = tpu.vector_load %arg8[%swap3A_2771] {strides = array<i32>} : memref<384xi32, #tpu.memory_space<vmem>>, vector<16xi32>,
      tpu.vector_store %arg8[%swap3A_2771], %add3A_2770 {strides = array<i32>} : memref<384xi32, #tpu.memory_space<vmem>>, vector<16xi32>,
      %get3A_2773 = arith.constant 80 : index
      %get3A_2774 = tpu.vector_load %arg9[%get3A_2773] {strides = array<i32>} : memref<384xf32, #tpu.memory_space<vmem>>, vector<16xf32>,
      %get3A_2775 = arith.constant 80 : index
      %get3A_2776 = tpu.vector_load %arg11[%get3A_2775] {strides = array<i32>} : memref<384xf32, #tpu.memory_space<vmem>>, vector<16xf32>,
      %add3A_2777 = arith.addf %get3A_2774, %get3A_2776 : vector<16xf32>
      %swap3A_2778 = arith.constant 80 : index
      %swap3A_2779 = tpu.vector_load %arg9[%swap3A_2778] {strides = array<i32>} : memref<384xf32, #tpu.memory_space<vmem>>, vector<16xf32>,
      tpu.vector_store %arg9[%swap3A_2778], %add3A_2777 {strides = array<i32>} : memref<384xf32, #tpu.memory_space<vmem>>, vector<16xf32>,
      %get3A_2780 = arith.constant 96 : index
      %get3A_2781 = tpu.vector_load %arg8[%get3A_2780] {strides = array<i32>} : memref<384xi32, #tpu.memory_space<vmem>>, vector<16xi32>,
      %get3A_2782 = arith.constant 96 : index
      %get3A_2783 = tpu.vector_load %arg10[%get3A_2782] {strides = array<i32>} : memref<384xi32, #tpu.memory_space<vmem>>, vector<16xi32>,
      %add3A_2784 = arith.addi %get3A_2781, %get3A_2783 : vector<16xi32>
      %swap3A_2785 = arith.constant 96 : index
      %swap3A_2786 = tpu.vector_load %arg8[%swap3A_2785] {strides = array<i32>} : memref<384xi32, #tpu.memory_space<vmem>>, vector<16xi32>,
      tpu.vector_store %arg8[%swap3A_2785], %add3A_2784 {strides = array<i32>} : memref<384xi32, #tpu.memory_space<vmem>>, vector<16xi32>,
      %get3A_2787 = arith.constant 96 : index
      %get3A_2788 = tpu.vector_load %arg9[%get3A_2787] {strides = array<i32>} : memref<384xf32, #tpu.memory_space<vmem>>, vector<16xf32>,
      %get3A_2789 = arith.constant 96 : index
      %get3A_2790 = tpu.vector_load %arg11[%get3A_2789] {strides = array<i32>} : memref<384xf32, #tpu.memory_space<vmem>>, vector<16xf32>,
      %add3A_2791 = arith.addf %get3A_2788, %get3A_2790 : vector<16xf32>
      %swap3A_2792 = arith.constant 96 : index
      %swap3A_2793 = tpu.vector_load %arg9[%swap3A_2792] {strides = array<i32>} : memref<384xf32, #tpu.memory_space<vmem>>, vector<16xf32>,
      tpu.vector_store %arg9[%swap3A_2792], %add3A_2791 {strides = array<i32>} : memref<384xf32, #tpu.memory_space<vmem>>, vector<16xf32>,
      %get3A_2794 = arith.constant 112 : index
      %get3A_2795 = tpu.vector_load %arg8[%get3A_2794] {strides = array<i32>} : memref<384xi32, #tpu.memory_space<vmem>>, vector<16xi32>,
      %get3A_2796 = arith.constant 112 : index
      %get3A_2797 = tpu.vector_load %arg10[%get3A_2796] {strides = array<i32>} : memref<384xi32, #tpu.memory_space<vmem>>, vector<16xi32>,
      %add3A_2798 = arith.addi %get3A_2795, %get3A_2797 : vector<16xi32>
      %swap3A_2799 = arith.constant 112 : index
      %swap3A_2800 = tpu.vector_load %arg8[%swap3A_2799] {strides = array<i32>} : memref<384xi32, #tpu.memory_space<vmem>>, vector<16xi32>,
      tpu.vector_store %arg8[%swap3A_2799], %add3A_2798 {strides = array<i32>} : memref<384xi32, #tpu.memory_space<vmem>>, vector<16xi32>,
      %get3A_2801 = arith.constant 112 : index
      %get3A_2802 = tpu.vector_load %arg9[%get3A_2801] {strides = array<i32>} : memref<384xf32, #tpu.memory_space<vmem>>, vector<16xf32>,
      %get3A_2803 = arith.constant 112 : index
      %get3A_2804 = tpu.vector_load %arg11[%get3A_2803] {strides = array<i32>} : memref<384xf32, #tpu.memory_space<vmem>>, vector<16xf32>,
      %add3A_2805 = arith.addf %get3A_2802, %get3A_2804 : vector<16xf32>
      %swap3A_2806 = arith.constant 112 : index
      %swap3A_2807 = tpu.vector_load %arg9[%swap3A_2806] {strides = array<i32>} : memref<384xf32, #tpu.memory_space<vmem>>, vector<16xf32>,
      tpu.vector_store %arg9[%swap3A_2806], %add3A_2805 {strides = array<i32>} : memref<384xf32, #tpu.memory_space<vmem>>, vector<16xf32>,
      %get3A_2808 = arith.constant 128 : index
      %get3A_2809 = tpu.vector_load %arg8[%get3A_2808] {strides = array<i32>} : memref<384xi32, #tpu.memory_space<vmem>>, vector<16xi32>,
      %get3A_2810 = arith.constant 128 : index
      %get3A_2811 = tpu.vector_load %arg10[%get3A_2810] {strides = array<i32>} : memref<384xi32, #tpu.memory_space<vmem>>, vector<16xi32>,
      %add3A_2812 = arith.addi %get3A_2809, %get3A_2811 : vector<16xi32>
      %swap3A_2813 = arith.constant 128 : index
      %swap3A_2814 = tpu.vector_load %arg8[%swap3A_2813] {strides = array<i32>} : memref<384xi32, #tpu.memory_space<vmem>>, vector<16xi32>,
      tpu.vector_store %arg8[%swap3A_2813], %add3A_2812 {strides = array<i32>} : memref<384xi32, #tpu.memory_space<vmem>>, vector<16xi32>,
      %get3A_2815 = arith.constant 128 : index
      %get3A_2816 = tpu.vector_load %arg9[%get3A_2815] {strides = array<i32>} : memref<384xf32, #tpu.memory_space<vmem>>, vector<16xf32>,
      %get3A_2817 = arith.constant 128 : index
      %get3A_2818 = tpu.vector_load %arg11[%get3A_2817] {strides = array<i32>} : memref<384xf32, #tpu.memory_space<vmem>>, vector<16xf32>,
      %add3A_2819 = arith.addf %get3A_2816, %get3A_2818 : vector<16xf32>
      %swap3A_2820 = arith.constant 128 : index
      %swap3A_2821 = tpu.vector_load %arg9[%swap3A_2820] {strides = array<i32>} : memref<384xf32, #tpu.memory_space<vmem>>, vector<16xf32>,
      tpu.vector_store %arg9[%swap3A_2820], %add3A_2819 {strides = array<i32>} : memref<384xf32, #tpu.memory_space<vmem>>, vector<16xf32>,
      %get3A_2822 = arith.constant 144 : index
      %get3A_2823 = tpu.vector_load %arg8[%get3A_2822] {strides = array<i32>} : memref<384xi32, #tpu.memory_space<vmem>>, vector<16xi32>,
      %get3A_2824 = arith.constant 144 : index
      %get3A_2825 = tpu.vector_load %arg10[%get3A_2824] {strides = array<i32>} : memref<384xi32, #tpu.memory_space<vmem>>, vector<16xi32>,
      %add3A_2826 = arith.addi %get3A_2823, %get3A_2825 : vector<16xi32>
      %swap3A_2827 = arith.constant 144 : index
      %swap3A_2828 = tpu.vector_load %arg8[%swap3A_2827] {strides = array<i32>} : memref<384xi32, #tpu.memory_space<vmem>>, vector<16xi32>,
      tpu.vector_store %arg8[%swap3A_2827], %add3A_2826 {strides = array<i32>} : memref<384xi32, #tpu.memory_space<vmem>>, vector<16xi32>,
      %get3A_2829 = arith.constant 144 : index
      %get3A_2830 = tpu.vector_load %arg9[%get3A_2829] {strides = array<i32>} : memref<384xf32, #tpu.memory_space<vmem>>, vector<16xf32>,
      %get3A_2831 = arith.constant 144 : index
      %get3A_2832 = tpu.vector_load %arg11[%get3A_2831] {strides = array<i32>} : memref<384xf32, #tpu.memory_space<vmem>>, vector<16xf32>,
      %add3A_2833 = arith.addf %get3A_2830, %get3A_2832 : vector<16xf32>
      %swap3A_2834 = arith.constant 144 : index
      %swap3A_2835 = tpu.vector_load %arg9[%swap3A_2834] {strides = array<i32>} : memref<384xf32, #tpu.memory_space<vmem>>, vector<16xf32>,
      tpu.vector_store %arg9[%swap3A_2834], %add3A_2833 {strides = array<i32>} : memref<384xf32, #tpu.memory_space<vmem>>, vector<16xf32>,
      %get3A_2836 = arith.constant 160 : index
      %get3A_2837 = tpu.vector_load %arg8[%get3A_2836] {strides = array<i32>} : memref<384xi32, #tpu.memory_space<vmem>>, vector<16xi32>,
      %get3A_2838 = arith.constant 160 : index
      %get3A_2839 = tpu.vector_load %arg10[%get3A_2838] {strides = array<i32>} : memref<384xi32, #tpu.memory_space<vmem>>, vector<16xi32>,
      %add3A_2840 = arith.addi %get3A_2837, %get3A_2839 : vector<16xi32>
      %swap3A_2841 = arith.constant 160 : index
      %swap3A_2842 = tpu.vector_load %arg8[%swap3A_2841] {strides = array<i32>} : memref<384xi32, #tpu.memory_space<vmem>>, vector<16xi32>,
      tpu.vector_store %arg8[%swap3A_2841], %add3A_2840 {strides = array<i32>} : memref<384xi32, #tpu.memory_space<vmem>>, vector<16xi32>,
      %get3A_2843 = arith.constant 160 : index
      %get3A_2844 = tpu.vector_load %arg9[%get3A_2843] {strides = array<i32>} : memref<384xf32, #tpu.memory_space<vmem>>, vector<16xf32>,
      %get3A_2845 = arith.constant 160 : index
      %get3A_2846 = tpu.vector_load %arg11[%get3A_2845] {strides = array<i32>} : memref<384xf32, #tpu.memory_space<vmem>>, vector<16xf32>,
      %add3A_2847 = arith.addf %get3A_2844, %get3A_2846 : vector<16xf32>
      %swap3A_2848 = arith.constant 160 : index
      %swap3A_2849 = tpu.vector_load %arg9[%swap3A_2848] {strides = array<i32>} : memref<384xf32, #tpu.memory_space<vmem>>, vector<16xf32>,
      tpu.vector_store %arg9[%swap3A_2848], %add3A_2847 {strides = array<i32>} : memref<384xf32, #tpu.memory_space<vmem>>, vector<16xf32>,
      %get3A_2850 = arith.constant 176 : index
      %get3A_2851 = tpu.vector_load %arg8[%get3A_2850] {strides = array<i32>} : memref<384xi32, #tpu.memory_space<vmem>>, vector<16xi32>,
      %get3A_2852 = arith.constant 176 : index
      %get3A_2853 = tpu.vector_load %arg10[%get3A_2852] {strides = array<i32>} : memref<384xi32, #tpu.memory_space<vmem>>, vector<16xi32>,
      %add3A_2854 = arith.addi %get3A_2851, %get3A_2853 : vector<16xi32>
      %swap3A_2855 = arith.constant 176 : index
      %swap3A_2856 = tpu.vector_load %arg8[%swap3A_2855] {strides = array<i32>} : memref<384xi32, #tpu.memory_space<vmem>>, vector<16xi32>,
      tpu.vector_store %arg8[%swap3A_2855], %add3A_2854 {strides = array<i32>} : memref<384xi32, #tpu.memory_space<vmem>>, vector<16xi32>,
      %get3A_2857 = arith.constant 176 : index
      %get3A_2858 = tpu.vector_load %arg9[%get3A_2857] {strides = array<i32>} : memref<384xf32, #tpu.memory_space<vmem>>, vector<16xf32>,
      %get3A_2859 = arith.constant 176 : index
      %get3A_2860 = tpu.vector_load %arg11[%get3A_2859] {strides = array<i32>} : memref<384xf32, #tpu.memory_space<vmem>>, vector<16xf32>,
      %add3A_2861 = arith.addf %get3A_2858, %get3A_2860 : vector<16xf32>
      %swap3A_2862 = arith.constant 176 : index
      %swap3A_2863 = tpu.vector_load %arg9[%swap3A_2862] {strides = array<i32>} : memref<384xf32, #tpu.memory_space<vmem>>, vector<16xf32>,
      tpu.vector_store %arg9[%swap3A_2862], %add3A_2861 {strides = array<i32>} : memref<384xf32, #tpu.memory_space<vmem>>, vector<16xf32>,
      %get3A_2864 = arith.constant 192 : index
      %get3A_2865 = tpu.vector_load %arg8[%get3A_2864] {strides = array<i32>} : memref<384xi32, #tpu.memory_space<vmem>>, vector<16xi32>,
      %get3A_2866 = arith.constant 192 : index
      %get3A_2867 = tpu.vector_load %arg10[%get3A_2866] {strides = array<i32>} : memref<384xi32, #tpu.memory_space<vmem>>, vector<16xi32>,
      %add3A_2868 = arith.addi %get3A_2865, %get3A_2867 : vector<16xi32>
      %swap3A_2869 = arith.constant 192 : index
      %swap3A_2870 = tpu.vector_load %arg8[%swap3A_2869] {strides = array<i32>} : memref<384xi32, #tpu.memory_space<vmem>>, vector<16xi32>,
      tpu.vector_store %arg8[%swap3A_2869], %add3A_2868 {strides = array<i32>} : memref<384xi32, #tpu.memory_space<vmem>>, vector<16xi32>,
      %get3A_2871 = arith.constant 192 : index
      %get3A_2872 = tpu.vector_load %arg9[%get3A_2871] {strides = array<i32>} : memref<384xf32, #tpu.memory_space<vmem>>, vector<16xf32>,
      %get3A_2873 = arith.constant 192 : index
      %get3A_2874 = tpu.vector_load %arg11[%get3A_2873] {strides = array<i32>} : memref<384xf32, #tpu.memory_space<vmem>>, vector<16xf32>,
      %add3A_2875 = arith.addf %get3A_2872, %get3A_2874 : vector<16xf32>
      %swap3A_2876 = arith.constant 192 : index
      %swap3A_2877 = tpu.vector_load %arg9[%swap3A_2876] {strides = array<i32>} : memref<384xf32, #tpu.memory_space<vmem>>, vector<16xf32>,
      tpu.vector_store %arg9[%swap3A_2876], %add3A_2875 {strides = array<i32>} : memref<384xf32, #tpu.memory_space<vmem>>, vector<16xf32>,
      %get3A_2878 = arith.constant 208 : index
      %get3A_2879 = tpu.vector_load %arg8[%get3A_2878] {strides = array<i32>} : memref<384xi32, #tpu.memory_space<vmem>>, vector<16xi32>,
      %get3A_2880 = arith.constant 208 : index
      %get3A_2881 = tpu.vector_load %arg10[%get3A_2880] {strides = array<i32>} : memref<384xi32, #tpu.memory_space<vmem>>, vector<16xi32>,
      %add3A_2882 = arith.addi %get3A_2879, %get3A_2881 : vector<16xi32>
      %swap3A_2883 = arith.constant 208 : index
      %swap3A_2884 = tpu.vector_load %arg8[%swap3A_2883] {strides = array<i32>} : memref<384xi32, #tpu.memory_space<vmem>>, vector<16xi32>,
      tpu.vector_store %arg8[%swap3A_2883], %add3A_2882 {strides = array<i32>} : memref<384xi32, #tpu.memory_space<vmem>>, vector<16xi32>,
      %get3A_2885 = arith.constant 208 : index
      %get3A_2886 = tpu.vector_load %arg9[%get3A_2885] {strides = array<i32>} : memref<384xf32, #tpu.memory_space<vmem>>, vector<16xf32>,
      %get3A_2887 = arith.constant 208 : index
      %get3A_2888 = tpu.vector_load %arg11[%get3A_2887] {strides = array<i32>} : memref<384xf32, #tpu.memory_space<vmem>>, vector<16xf32>,
      %add3A_2889 = arith.addf %get3A_2886, %get3A_2888 : vector<16xf32>
      %swap3A_2890 = arith.constant 208 : index
      %swap3A_2891 = tpu.vector_load %arg9[%swap3A_2890] {strides = array<i32>} : memref<384xf32, #tpu.memory_space<vmem>>, vector<16xf32>,
      tpu.vector_store %arg9[%swap3A_2890], %add3A_2889 {strides = array<i32>} : memref<384xf32, #tpu.memory_space<vmem>>, vector<16xf32>,
      %get3A_2892 = arith.constant 224 : index
      %get3A_2893 = tpu.vector_load %arg8[%get3A_2892] {strides = array<i32>} : memref<384xi32, #tpu.memory_space<vmem>>, vector<16xi32>,
      %get3A_2894 = arith.constant 224 : index
      %get3A_2895 = tpu.vector_load %arg10[%get3A_2894] {strides = array<i32>} : memref<384xi32, #tpu.memory_space<vmem>>, vector<16xi32>,
      %add3A_2896 = arith.addi %get3A_2893, %get3A_2895 : vector<16xi32>
      %swap3A_2897 = arith.constant 224 : index
      %swap3A_2898 = tpu.vector_load %arg8[%swap3A_2897] {strides = array<i32>} : memref<384xi32, #tpu.memory_space<vmem>>, vector<16xi32>,
      tpu.vector_store %arg8[%swap3A_2897], %add3A_2896 {strides = array<i32>} : memref<384xi32, #tpu.memory_space<vmem>>, vector<16xi32>,
      %get3A_2899 = arith.constant 224 : index
      %get3A_2900 = tpu.vector_load %arg9[%get3A_2899] {strides = array<i32>} : memref<384xf32, #tpu.memory_space<vmem>>, vector<16xf32>,
      %get3A_2901 = arith.constant 224 : index
      %get3A_2902 = tpu.vector_load %arg11[%get3A_2901] {strides = array<i32>} : memref<384xf32, #tpu.memory_space<vmem>>, vector<16xf32>,
      %add3A_2903 = arith.addf %get3A_2900, %get3A_2902 : vector<16xf32>
      %swap3A_2904 = arith.constant 224 : index
      %swap3A_2905 = tpu.vector_load %arg9[%swap3A_2904] {strides = array<i32>} : memref<384xf32, #tpu.memory_space<vmem>>, vector<16xf32>,
      tpu.vector_store %arg9[%swap3A_2904], %add3A_2903 {strides = array<i32>} : memref<384xf32, #tpu.memory_space<vmem>>, vector<16xf32>,
      %get3A_2906 = arith.constant 240 : index
      %get3A_2907 = tpu.vector_load %arg8[%get3A_2906] {strides = array<i32>} : memref<384xi32, #tpu.memory_space<vmem>>, vector<16xi32>,
      %get3A_2908 = arith.constant 240 : index
      %get3A_2909 = tpu.vector_load %arg10[%get3A_2908] {strides = array<i32>} : memref<384xi32, #tpu.memory_space<vmem>>, vector<16xi32>,
      %add3A_2910 = arith.addi %get3A_2907, %get3A_2909 : vector<16xi32>
      %swap3A_2911 = arith.constant 240 : index
      %swap3A_2912 = tpu.vector_load %arg8[%swap3A_2911] {strides = array<i32>} : memref<384xi32, #tpu.memory_space<vmem>>, vector<16xi32>,
      tpu.vector_store %arg8[%swap3A_2911], %add3A_2910 {strides = array<i32>} : memref<384xi32, #tpu.memory_space<vmem>>, vector<16xi32>,
      %get3A_2913 = arith.constant 240 : index
      %get3A_2914 = tpu.vector_load %arg9[%get3A_2913] {strides = array<i32>} : memref<384xf32, #tpu.memory_space<vmem>>, vector<16xf32>,
      %get3A_2915 = arith.constant 240 : index
      %get3A_2916 = tpu.vector_load %arg11[%get3A_2915] {strides = array<i32>} : memref<384xf32, #tpu.memory_space<vmem>>, vector<16xf32>,
      %add3A_2917 = arith.addf %get3A_2914, %get3A_2916 : vector<16xf32>
      %swap3A_2918 = arith.constant 240 : index
      %swap3A_2919 = tpu.vector_load %arg9[%swap3A_2918] {strides = array<i32>} : memref<384xf32, #tpu.memory_space<vmem>>, vector<16xf32>,
      tpu.vector_store %arg9[%swap3A_2918], %add3A_2917 {strides = array<i32>} : memref<384xf32, #tpu.memory_space<vmem>>, vector<16xf32>,
      %get3A_2920 = arith.constant 256 : index
      %get3A_2921 = tpu.vector_load %arg8[%get3A_2920] {strides = array<i32>} : memref<384xi32, #tpu.memory_space<vmem>>, vector<16xi32>,
      %get3A_2922 = arith.constant 256 : index
      %get3A_2923 = tpu.vector_load %arg10[%get3A_2922] {strides = array<i32>} : memref<384xi32, #tpu.memory_space<vmem>>, vector<16xi32>,
      %add3A_2924 = arith.addi %get3A_2921, %get3A_2923 : vector<16xi32>
      %swap3A_2925 = arith.constant 256 : index
      %swap3A_2926 = tpu.vector_load %arg8[%swap3A_2925] {strides = array<i32>} : memref<384xi32, #tpu.memory_space<vmem>>, vector<16xi32>,
      tpu.vector_store %arg8[%swap3A_2925], %add3A_2924 {strides = array<i32>} : memref<384xi32, #tpu.memory_space<vmem>>, vector<16xi32>,
      %get3A_2927 = arith.constant 256 : index
      %get3A_2928 = tpu.vector_load %arg9[%get3A_2927] {strides = array<i32>} : memref<384xf32, #tpu.memory_space<vmem>>, vector<16xf32>,
      %get3A_2929 = arith.constant 256 : index
      %get3A_2930 = tpu.vector_load %arg11[%get3A_2929] {strides = array<i32>} : memref<384xf32, #tpu.memory_space<vmem>>, vector<16xf32>,
      %add3A_2931 = arith.addf %get3A_2928, %get3A_2930 : vector<16xf32>
      %swap3A_2932 = arith.constant 256 : index
      %swap3A_2933 = tpu.vector_load %arg9[%swap3A_2932] {strides = array<i32>} : memref<384xf32, #tpu.memory_space<vmem>>, vector<16xf32>,
      tpu.vector_store %arg9[%swap3A_2932], %add3A_2931 {strides = array<i32>} : memref<384xf32, #tpu.memory_space<vmem>>, vector<16xf32>,
      %get3A_2934 = arith.constant 272 : index
      %get3A_2935 = tpu.vector_load %arg8[%get3A_2934] {strides = array<i32>} : memref<384xi32, #tpu.memory_space<vmem>>, vector<16xi32>,
      %get3A_2936 = arith.constant 272 : index
      %get3A_2937 = tpu.vector_load %arg10[%get3A_2936] {strides = array<i32>} : memref<384xi32, #tpu.memory_space<vmem>>, vector<16xi32>,
      %add3A_2938 = arith.addi %get3A_2935, %get3A_2937 : vector<16xi32>
      %swap3A_2939 = arith.constant 272 : index
      %swap3A_2940 = tpu.vector_load %arg8[%swap3A_2939] {strides = array<i32>} : memref<384xi32, #tpu.memory_space<vmem>>, vector<16xi32>,
      tpu.vector_store %arg8[%swap3A_2939], %add3A_2938 {strides = array<i32>} : memref<384xi32, #tpu.memory_space<vmem>>, vector<16xi32>,
      %get3A_2941 = arith.constant 272 : index
      %get3A_2942 = tpu.vector_load %arg9[%get3A_2941] {strides = array<i32>} : memref<384xf32, #tpu.memory_space<vmem>>, vector<16xf32>,
      %get3A_2943 = arith.constant 272 : index
      %get3A_2944 = tpu.vector_load %arg11[%get3A_2943] {strides = array<i32>} : memref<384xf32, #tpu.memory_space<vmem>>, vector<16xf32>,
      %add3A_2945 = arith.addf %get3A_2942, %get3A_2944 : vector<16xf32>
      %swap3A_2946 = arith.constant 272 : index
      %swap3A_2947 = tpu.vector_load %arg9[%swap3A_2946] {strides = array<i32>} : memref<384xf32, #tpu.memory_space<vmem>>, vector<16xf32>,
      tpu.vector_store %arg9[%swap3A_2946], %add3A_2945 {strides = array<i32>} : memref<384xf32, #tpu.memory_space<vmem>>, vector<16xf32>,
      %get3A_2948 = arith.constant 288 : index
      %get3A_2949 = tpu.vector_load %arg8[%get3A_2948] {strides = array<i32>} : memref<384xi32, #tpu.memory_space<vmem>>, vector<16xi32>,
      %get3A_2950 = arith.constant 288 : index
      %get3A_2951 = tpu.vector_load %arg10[%get3A_2950] {strides = array<i32>} : memref<384xi32, #tpu.memory_space<vmem>>, vector<16xi32>,
      %add3A_2952 = arith.addi %get3A_2949, %get3A_2951 : vector<16xi32>
      %swap3A_2953 = arith.constant 288 : index
      %swap3A_2954 = tpu.vector_load %arg8[%swap3A_2953] {strides = array<i32>} : memref<384xi32, #tpu.memory_space<vmem>>, vector<16xi32>,
      tpu.vector_store %arg8[%swap3A_2953], %add3A_2952 {strides = array<i32>} : memref<384xi32, #tpu.memory_space<vmem>>, vector<16xi32>,
      %get3A_2955 = arith.constant 288 : index
      %get3A_2956 = tpu.vector_load %arg9[%get3A_2955] {strides = array<i32>} : memref<384xf32, #tpu.memory_space<vmem>>, vector<16xf32>,
      %get3A_2957 = arith.constant 288 : index
      %get3A_2958 = tpu.vector_load %arg11[%get3A_2957] {strides = array<i32>} : memref<384xf32, #tpu.memory_space<vmem>>, vector<16xf32>,
      %add3A_2959 = arith.addf %get3A_2956, %get3A_2958 : vector<16xf32>
      %swap3A_2960 = arith.constant 288 : index
      %swap3A_2961 = tpu.vector_load %arg9[%swap3A_2960] {strides = array<i32>} : memref<384xf32, #tpu.memory_space<vmem>>, vector<16xf32>,
      tpu.vector_store %arg9[%swap3A_2960], %add3A_2959 {strides = array<i32>} : memref<384xf32, #tpu.memory_space<vmem>>, vector<16xf32>,
      %get3A_2962 = arith.constant 304 : index
      %get3A_2963 = tpu.vector_load %arg8[%get3A_2962] {strides = array<i32>} : memref<384xi32, #tpu.memory_space<vmem>>, vector<16xi32>,
      %get3A_2964 = arith.constant 304 : index
      %get3A_2965 = tpu.vector_load %arg10[%get3A_2964] {strides = array<i32>} : memref<384xi32, #tpu.memory_space<vmem>>, vector<16xi32>,
      %add3A_2966 = arith.addi %get3A_2963, %get3A_2965 : vector<16xi32>
      %swap3A_2967 = arith.constant 304 : index
      %swap3A_2968 = tpu.vector_load %arg8[%swap3A_2967] {strides = array<i32>} : memref<384xi32, #tpu.memory_space<vmem>>, vector<16xi32>,
      tpu.vector_store %arg8[%swap3A_2967], %add3A_2966 {strides = array<i32>} : memref<384xi32, #tpu.memory_space<vmem>>, vector<16xi32>,
      %get3A_2969 = arith.constant 304 : index
      %get3A_2970 = tpu.vector_load %arg9[%get3A_2969] {strides = array<i32>} : memref<384xf32, #tpu.memory_space<vmem>>, vector<16xf32>,
      %get3A_2971 = arith.constant 304 : index
      %get3A_2972 = tpu.vector_load %arg11[%get3A_2971] {strides = array<i32>} : memref<384xf32, #tpu.memory_space<vmem>>, vector<16xf32>,
      %add3A_2973 = arith.addf %get3A_2970, %get3A_2972 : vector<16xf32>
      %swap3A_2974 = arith.constant 304 : index
      %swap3A_2975 = tpu.vector_load %arg9[%swap3A_2974] {strides = array<i32>} : memref<384xf32, #tpu.memory_space<vmem>>, vector<16xf32>,
      tpu.vector_store %arg9[%swap3A_2974], %add3A_2973 {strides = array<i32>} : memref<384xf32, #tpu.memory_space<vmem>>, vector<16xf32>,
      %get3A_2976 = arith.constant 320 : index
      %get3A_2977 = tpu.vector_load %arg8[%get3A_2976] {strides = array<i32>} : memref<384xi32, #tpu.memory_space<vmem>>, vector<16xi32>,
      %get3A_2978 = arith.constant 320 : index
      %get3A_2979 = tpu.vector_load %arg10[%get3A_2978] {strides = array<i32>} : memref<384xi32, #tpu.memory_space<vmem>>, vector<16xi32>,
      %add3A_2980 = arith.addi %get3A_2977, %get3A_2979 : vector<16xi32>
      %swap3A_2981 = arith.constant 320 : index
      %swap3A_2982 = tpu.vector_load %arg8[%swap3A_2981] {strides = array<i32>} : memref<384xi32, #tpu.memory_space<vmem>>, vector<16xi32>,
      tpu.vector_store %arg8[%swap3A_2981], %add3A_2980 {strides = array<i32>} : memref<384xi32, #tpu.memory_space<vmem>>, vector<16xi32>,
      %get3A_2983 = arith.constant 320 : index
      %get3A_2984 = tpu.vector_load %arg9[%get3A_2983] {strides = array<i32>} : memref<384xf32, #tpu.memory_space<vmem>>, vector<16xf32>,
      %get3A_2985 = arith.constant 320 : index
      %get3A_2986 = tpu.vector_load %arg11[%get3A_2985] {strides = array<i32>} : memref<384xf32, #tpu.memory_space<vmem>>, vector<16xf32>,
      %add3A_2987 = arith.addf %get3A_2984, %get3A_2986 : vector<16xf32>
      %swap3A_2988 = arith.constant 320 : index
      %swap3A_2989 = tpu.vector_load %arg9[%swap3A_2988] {strides = array<i32>} : memref<384xf32, #tpu.memory_space<vmem>>, vector<16xf32>,
      tpu.vector_store %arg9[%swap3A_2988], %add3A_2987 {strides = array<i32>} : memref<384xf32, #tpu.memory_space<vmem>>, vector<16xf32>,
      %get3A_2990 = arith.constant 336 : index
      %get3A_2991 = tpu.vector_load %arg8[%get3A_2990] {strides = array<i32>} : memref<384xi32, #tpu.memory_space<vmem>>, vector<16xi32>,
      %get3A_2992 = arith.constant 336 : index
      %get3A_2993 = tpu.vector_load %arg10[%get3A_2992] {strides = array<i32>} : memref<384xi32, #tpu.memory_space<vmem>>, vector<16xi32>,
      %add3A_2994 = arith.addi %get3A_2991, %get3A_2993 : vector<16xi32>
      %swap3A_2995 = arith.constant 336 : index
      %swap3A_2996 = tpu.vector_load %arg8[%swap3A_2995] {strides = array<i32>} : memref<384xi32, #tpu.memory_space<vmem>>, vector<16xi32>,
      tpu.vector_store %arg8[%swap3A_2995], %add3A_2994 {strides = array<i32>} : memref<384xi32, #tpu.memory_space<vmem>>, vector<16xi32>,
      %get3A_2997 = arith.constant 336 : index
      %get3A_2998 = tpu.vector_load %arg9[%get3A_2997] {strides = array<i32>} : memref<384xf32, #tpu.memory_space<vmem>>, vector<16xf32>,
      %get3A_2999 = arith.constant 336 : index
      %get3A_3000 = tpu.vector_load %arg11[%get3A_2999] {strides = array<i32>} : memref<384xf32, #tpu.memory_space<vmem>>, vector<16xf32>,
      %add3A_3001 = arith.addf %get3A_2998, %get3A_3000 : vector<16xf32>
      %swap3A_3002 = arith.constant 336 : index
      %swap3A_3003 = tpu.vector_load %arg9[%swap3A_3002] {strides = array<i32>} : memref<384xf32, #tpu.memory_space<vmem>>, vector<16xf32>,
      tpu.vector_store %arg9[%swap3A_3002], %add3A_3001 {strides = array<i32>} : memref<384xf32, #tpu.memory_space<vmem>>, vector<16xf32>,
      %get3A_3004 = arith.constant 352 : index
      %get3A_3005 = tpu.vector_load %arg8[%get3A_3004] {strides = array<i32>} : memref<384xi32, #tpu.memory_space<vmem>>, vector<16xi32>,
      %get3A_3006 = arith.constant 352 : index
      %get3A_3007 = tpu.vector_load %arg10[%get3A_3006] {strides = array<i32>} : memref<384xi32, #tpu.memory_space<vmem>>, vector<16xi32>,
      %add3A_3008 = arith.addi %get3A_3005, %get3A_3007 : vector<16xi32>
      %swap3A_3009 = arith.constant 352 : index
      %swap3A_3010 = tpu.vector_load %arg8[%swap3A_3009] {strides = array<i32>} : memref<384xi32, #tpu.memory_space<vmem>>, vector<16xi32>,
      tpu.vector_store %arg8[%swap3A_3009], %add3A_3008 {strides = array<i32>} : memref<384xi32, #tpu.memory_space<vmem>>, vector<16xi32>,
      %get3A_3011 = arith.constant 352 : index
      %get3A_3012 = tpu.vector_load %arg9[%get3A_3011] {strides = array<i32>} : memref<384xf32, #tpu.memory_space<vmem>>, vector<16xf32>,
      %get3A_3013 = arith.constant 352 : index
      %get3A_3014 = tpu.vector_load %arg11[%get3A_3013] {strides = array<i32>} : memref<384xf32, #tpu.memory_space<vmem>>, vector<16xf32>,
      %add3A_3015 = arith.addf %get3A_3012, %get3A_3014 : vector<16xf32>
      %swap3A_3016 = arith.constant 352 : index
      %swap3A_3017 = tpu.vector_load %arg9[%swap3A_3016] {strides = array<i32>} : memref<384xf32, #tpu.memory_space<vmem>>, vector<16xf32>,
      tpu.vector_store %arg9[%swap3A_3016], %add3A_3015 {strides = array<i32>} : memref<384xf32, #tpu.memory_space<vmem>>, vector<16xf32>,
      %get3A_3018 = arith.constant 368 : index
      %get3A_3019 = tpu.vector_load %arg8[%get3A_3018] {strides = array<i32>} : memref<384xi32, #tpu.memory_space<vmem>>, vector<16xi32>,
      %get3A_3020 = arith.constant 368 : index
      %get3A_3021 = tpu.vector_load %arg10[%get3A_3020] {strides = array<i32>} : memref<384xi32, #tpu.memory_space<vmem>>, vector<16xi32>,
      %add3A_3022 = arith.addi %get3A_3019, %get3A_3021 : vector<16xi32>
      %swap3A_3023 = arith.constant 368 : index
      %swap3A_3024 = tpu.vector_load %arg8[%swap3A_3023] {strides = array<i32>} : memref<384xi32, #tpu.memory_space<vmem>>, vector<16xi32>,
      tpu.vector_store %arg8[%swap3A_3023], %add3A_3022 {strides = array<i32>} : memref<384xi32, #tpu.memory_space<vmem>>, vector<16xi32>,
      %get3A_3025 = arith.constant 368 : index
      %get3A_3026 = tpu.vector_load %arg9[%get3A_3025] {strides = array<i32>} : memref<384xf32, #tpu.memory_space<vmem>>, vector<16xf32>,
      %get3A_3027 = arith.constant 368 : index
      %get3A_3028 = tpu.vector_load %arg11[%get3A_3027] {strides = array<i32>} : memref<384xf32, #tpu.memory_space<vmem>>, vector<16xf32>,
      %add3A_3029 = arith.addf %get3A_3026, %get3A_3028 : vector<16xf32>
      %swap3A_3030 = arith.constant 368 : index
      %swap3A_3031 = tpu.vector_load %arg9[%swap3A_3030] {strides = array<i32>} : memref<384xf32, #tpu.memory_space<vmem>>, vector<16xf32>,
      tpu.vector_store %arg9[%swap3A_3030], %add3A_3029 {strides = array<i32>} : memref<384xf32, #tpu.memory_space<vmem>>, vector<16xf32>,
      "tpu.region"() ({
        %run_scoped3A = tpu.sem_alloc : memref<!tpu.dma_semaphore, #tpu.memory_space<semaphore_mem>>
        %dma_start3A = arith.constant 0 : i32
        %dma_start3A_3032 = tpu.memref_slice %arg8[%dma_start3A] : memref<384xi32, #tpu.memory_space<vmem>> -> memref<192xi32, #tpu.memory_space<vmem>>
        %dma_start3A_3033 = arith.constant 0 : i32
        %dma_start3A_3034 = tpu.memref_slice %arg4[%select_n3A, %dma_start3A_3033] : memref<4x192xi32, #tpu.memory_space<hbm>> -> memref<1x192xi32, #tpu.memory_space<hbm>>
        %dma_start3A_3035 = tpu.memref_squeeze %dma_start3A_3034 : memref<1x192xi32, #tpu.memory_space<hbm>> -> memref<192xi32, #tpu.memory_space<hbm>>
        %dma_start3A_3036 = arith.constant 0 : i32
        %dma_start3A_3037 = tpu.memref_slice %arg4[%select_n3A, %dma_start3A_3036] : memref<4x192xi32, #tpu.memory_space<hbm>> -> memref<1x192xi32, #tpu.memory_space<hbm>>
        %dma_start3A_3038 = tpu.memref_squeeze %dma_start3A_3037 : memref<1x192xi32, #tpu.memory_space<hbm>> -> memref<192xi32, #tpu.memory_space<hbm>>
        %dma_start3A_3039 = arith.constant 0 : i32
        %dma_start3A_3040 = tpu.memref_slice %arg8[%dma_start3A_3039] : memref<384xi32, #tpu.memory_space<vmem>> -> memref<192xi32, #tpu.memory_space<vmem>>
        tpu.enqueue_dma source(%dma_start3A_3040 : memref<192xi32, #tpu.memory_space<vmem>>) target(%dma_start3A_3038 : memref<192xi32, #tpu.memory_space<hbm>>) target_semaphore(%run_scoped3A : memref<!tpu.dma_semaphore, #tpu.memory_space<semaphore_mem>>)
        %dma_wait3A = arith.constant 0 : i32
        %dma_wait3A_3041 = tpu.memref_slice %arg8[%dma_wait3A] : memref<384xi32, #tpu.memory_space<vmem>> -> memref<192xi32, #tpu.memory_space<vmem>>
        %dma_wait3A_3042 = arith.constant 0 : i32
        %dma_wait3A_3043 = tpu.memref_slice %arg4[%select_n3A, %dma_wait3A_3042] : memref<4x192xi32, #tpu.memory_space<hbm>> -> memref<1x192xi32, #tpu.memory_space<hbm>>
        %dma_wait3A_3044 = tpu.memref_squeeze %dma_wait3A_3043 : memref<1x192xi32, #tpu.memory_space<hbm>> -> memref<192xi32, #tpu.memory_space<hbm>>
        %dma_wait3A_3045 = arith.constant 0 : i32
        %dma_wait3A_3046 = tpu.memref_slice %arg4[%select_n3A, %dma_wait3A_3045] : memref<4x192xi32, #tpu.memory_space<hbm>> -> memref<1x192xi32, #tpu.memory_space<hbm>>
        %dma_wait3A_3047 = tpu.memref_squeeze %dma_wait3A_3046 : memref<1x192xi32, #tpu.memory_space<hbm>> -> memref<192xi32, #tpu.memory_space<hbm>>
        %dma_wait3A_3048 = arith.constant 0 : i32
        %dma_wait3A_3049 = tpu.memref_slice %arg8[%dma_wait3A_3048] : memref<384xi32, #tpu.memory_space<vmem>> -> memref<192xi32, #tpu.memory_space<vmem>>
        tpu.wait_dma2 semaphore(%run_scoped3A : memref<!tpu.dma_semaphore, #tpu.memory_space<semaphore_mem>>) src(%dma_wait3A_3049 : memref<192xi32, #tpu.memory_space<vmem>>) dst(%dma_wait3A_3047 : memref<192xi32, #tpu.memory_space<hbm>>)
        tpu.yield
      }) : () -> ()
      "tpu.region"() ({
        %run_scoped3A = tpu.sem_alloc : memref<!tpu.dma_semaphore, #tpu.memory_space<semaphore_mem>>
        %dma_start3A = arith.constant 0 : i32
        %dma_start3A_3032 = tpu.memref_slice %arg9[%dma_start3A] : memref<384xf32, #tpu.memory_space<vmem>> -> memref<192xf32, #tpu.memory_space<vmem>>
        %dma_start3A_3033 = arith.constant 0 : i32
        %dma_start3A_3034 = tpu.memref_slice %arg5[%select_n3A, %dma_start3A_3033] : memref<4x192xf32, #tpu.memory_space<hbm>> -> memref<1x192xf32, #tpu.memory_space<hbm>>
        %dma_start3A_3035 = tpu.memref_squeeze %dma_start3A_3034 : memref<1x192xf32, #tpu.memory_space<hbm>> -> memref<192xf32, #tpu.memory_space<hbm>>
        %dma_start3A_3036 = arith.constant 0 : i32
        %dma_start3A_3037 = tpu.memref_slice %arg5[%select_n3A, %dma_start3A_3036] : memref<4x192xf32, #tpu.memory_space<hbm>> -> memref<1x192xf32, #tpu.memory_space<hbm>>
        %dma_start3A_3038 = tpu.memref_squeeze %dma_start3A_3037 : memref<1x192xf32, #tpu.memory_space<hbm>> -> memref<192xf32, #tpu.memory_space<hbm>>
        %dma_start3A_3039 = arith.constant 0 : i32
        %dma_start3A_3040 = tpu.memref_slice %arg9[%dma_start3A_3039] : memref<384xf32, #tpu.memory_space<vmem>> -> memref<192xf32, #tpu.memory_space<vmem>>
        tpu.enqueue_dma source(%dma_start3A_3040 : memref<192xf32, #tpu.memory_space<vmem>>) target(%dma_start3A_3038 : memref<192xf32, #tpu.memory_space<hbm>>) target_semaphore(%run_scoped3A : memref<!tpu.dma_semaphore, #tpu.memory_space<semaphore_mem>>)
        %dma_wait3A = arith.constant 0 : i32
        %dma_wait3A_3041 = tpu.memref_slice %arg9[%dma_wait3A] : memref<384xf32, #tpu.memory_space<vmem>> -> memref<192xf32, #tpu.memory_space<vmem>>
        %dma_wait3A_3042 = arith.constant 0 : i32
        %dma_wait3A_3043 = tpu.memref_slice %arg5[%select_n3A, %dma_wait3A_3042] : memref<4x192xf32, #tpu.memory_space<hbm>> -> memref<1x192xf32, #tpu.memory_space<hbm>>
        %dma_wait3A_3044 = tpu.memref_squeeze %dma_wait3A_3043 : memref<1x192xf32, #tpu.memory_space<hbm>> -> memref<192xf32, #tpu.memory_space<hbm>>
        %dma_wait3A_3045 = arith.constant 0 : i32
        %dma_wait3A_3046 = tpu.memref_slice %arg5[%select_n3A, %dma_wait3A_3045] : memref<4x192xf32, #tpu.memory_space<hbm>> -> memref<1x192xf32, #tpu.memory_space<hbm>>
        %dma_wait3A_3047 = tpu.memref_squeeze %dma_wait3A_3046 : memref<1x192xf32, #tpu.memory_space<hbm>> -> memref<192xf32, #tpu.memory_space<hbm>>
        %dma_wait3A_3048 = arith.constant 0 : i32
        %dma_wait3A_3049 = tpu.memref_slice %arg9[%dma_wait3A_3048] : memref<384xf32, #tpu.memory_space<vmem>> -> memref<192xf32, #tpu.memory_space<vmem>>
        tpu.wait_dma2 semaphore(%run_scoped3A : memref<!tpu.dma_semaphore, #tpu.memory_space<semaphore_mem>>) src(%dma_wait3A_3049 : memref<192xf32, #tpu.memory_space<vmem>>) dst(%dma_wait3A_3047 : memref<192xf32, #tpu.memory_space<hbm>>)
        tpu.yield
      }) : () -> ()
    } else {
    }
    return
  }
}

module attributes {stable_mosaic.version = 14 : i64} {
  func.func @_gather_scale_body(%arg0: i32, %arg1: i32, %arg2: memref<4x192xi32, #tpu.memory_space<smem>>, %arg3: memref<4x192xf32, #tpu.memory_space<smem>>, %arg4: memref<1x1x224x224xf32, #tpu.memory_space<vmem>>, %arg5: memref<1x1x224x224xf32, #tpu.memory_space<vmem>>, %arg6: memref<1x1x224x224xf32, #tpu.memory_space<vmem>>, %arg7: memref<1x1x224x224xf32, #tpu.memory_space<vmem>>, %arg8: memref<1x1x224x224xf32, #tpu.memory_space<vmem>>, %arg9: memref<1x1x224x224xf32, #tpu.memory_space<vmem>>, %arg10: memref<1x1x224x224xf32, #tpu.memory_space<vmem>>, %arg11: memref<1x1x224x224xf32, #tpu.memory_space<vmem>>, %arg12: memref<1x1x224x224xf32, #tpu.memory_space<vmem>>, %arg13: memref<1x1x224x224xf32, #tpu.memory_space<vmem>>, %arg14: memref<1x1x224x224xf32, #tpu.memory_space<vmem>>, %arg15: memref<1x1x224x224xf32, #tpu.memory_space<vmem>>, %arg16: memref<1x1x224x224xf32, #tpu.memory_space<vmem>>, %arg17: memref<1x1x224x224xf32, #tpu.memory_space<vmem>>, %arg18: memref<1x1x224x224xf32, #tpu.memory_space<vmem>>, %arg19: memref<1x1x224x224xf32, #tpu.memory_space<vmem>>, %arg20: memref<1x1x224x224xf32, #tpu.memory_space<vmem>>, %arg21: memref<1x1x224x224xf32, #tpu.memory_space<vmem>>, %arg22: memref<1x1x224x224xf32, #tpu.memory_space<vmem>>, %arg23: memref<1x1x224x224xf32, #tpu.memory_space<vmem>>, %arg24: memref<1x1x224x224xf32, #tpu.memory_space<vmem>>, %arg25: memref<1x1x224x224xf32, #tpu.memory_space<vmem>>, %arg26: memref<1x1x224x224xf32, #tpu.memory_space<vmem>>, %arg27: memref<1x1x224x224xf32, #tpu.memory_space<vmem>>, %arg28: memref<1x1x224x224xf32, #tpu.memory_space<vmem>>, %arg29: memref<1x1x224x224xf32, #tpu.memory_space<vmem>>, %arg30: memref<1x1x224x224xf32, #tpu.memory_space<vmem>>, %arg31: memref<1x1x224x224xf32, #tpu.memory_space<vmem>>, %arg32: memref<1x1x224x224xf32, #tpu.memory_space<vmem>>, %arg33: memref<1x1x224x224xf32, #tpu.memory_space<vmem>>, %arg34: memref<1x1x224x224xf32, #tpu.memory_space<vmem>>, %arg35: memref<1x1x224x224xf32, #tpu.memory_space<vmem>>, %arg36: memref<1x32x224x224xf32, #tpu.memory_space<vmem>>) attributes {dimension_semantics = [#tpu.dimension_semantics<arbitrary>, #tpu.dimension_semantics<arbitrary>], iteration_bounds = array<i64: 4, 6>, scalar_prefetch = 2 : i64, scratch_operands = 0 : i64, tpu.core_type = #tpu.core_type<tc>, window_params = [{transform_indices = @transform_0, window_bounds = array<i64: 1, 1, 224, 224>}, {transform_indices = @transform_1, window_bounds = array<i64: 1, 1, 224, 224>}, {transform_indices = @transform_2, window_bounds = array<i64: 1, 1, 224, 224>}, {transform_indices = @transform_3, window_bounds = array<i64: 1, 1, 224, 224>}, {transform_indices = @transform_4, window_bounds = array<i64: 1, 1, 224, 224>}, {transform_indices = @transform_5, window_bounds = array<i64: 1, 1, 224, 224>}, {transform_indices = @transform_6, window_bounds = array<i64: 1, 1, 224, 224>}, {transform_indices = @transform_7, window_bounds = array<i64: 1, 1, 224, 224>}, {transform_indices = @transform_8, window_bounds = array<i64: 1, 1, 224, 224>}, {transform_indices = @transform_9, window_bounds = array<i64: 1, 1, 224, 224>}, {transform_indices = @transform_10, window_bounds = array<i64: 1, 1, 224, 224>}, {transform_indices = @transform_11, window_bounds = array<i64: 1, 1, 224, 224>}, {transform_indices = @transform_12, window_bounds = array<i64: 1, 1, 224, 224>}, {transform_indices = @transform_13, window_bounds = array<i64: 1, 1, 224, 224>}, {transform_indices = @transform_14, window_bounds = array<i64: 1, 1, 224, 224>}, {transform_indices = @transform_15, window_bounds = array<i64: 1, 1, 224, 224>}, {transform_indices = @transform_16, window_bounds = array<i64: 1, 1, 224, 224>}, {transform_indices = @transform_17, window_bounds = array<i64: 1, 1, 224, 224>}, {transform_indices = @transform_18, window_bounds = array<i64: 1, 1, 224, 224>}, {transform_indices = @transform_19, window_bounds = array<i64: 1, 1, 224, 224>}, {transform_indices = @transform_20, window_bounds = array<i64: 1, 1, 224, 224>}, {transform_indices = @transform_21, window_bounds = array<i64: 1, 1, 224, 224>}, {transform_indices = @transform_22, window_bounds = array<i64: 1, 1, 224, 224>}, {transform_indices = @transform_23, window_bounds = array<i64: 1, 1, 224, 224>}, {transform_indices = @transform_24, window_bounds = array<i64: 1, 1, 224, 224>}, {transform_indices = @transform_25, window_bounds = array<i64: 1, 1, 224, 224>}, {transform_indices = @transform_26, window_bounds = array<i64: 1, 1, 224, 224>}, {transform_indices = @transform_27, window_bounds = array<i64: 1, 1, 224, 224>}, {transform_indices = @transform_28, window_bounds = array<i64: 1, 1, 224, 224>}, {transform_indices = @transform_29, window_bounds = array<i64: 1, 1, 224, 224>}, {transform_indices = @transform_30, window_bounds = array<i64: 1, 1, 224, 224>}, {transform_indices = @transform_31, window_bounds = array<i64: 1, 1, 224, 224>}, {transform_indices = @transform_32, window_bounds = array<i64: 1, 32, 224, 224>}]} {
    %get3A = arith.constant 0 : index
    %get3A_0 = arith.constant 0 : index
    %get3A_1 = arith.constant 0 : index
    %get3A_2 = arith.constant 0 : index
    %get3A_3 = vector.load %arg4[%get3A, %get3A_0, %get3A_1, %get3A_2] : memref<1x1x224x224xf32, #tpu.memory_space<vmem>>, vector<1x1x224x224xf32>
    %get3A_4 = vector.shape_cast %get3A_3 : vector<1x1x224x224xf32> to vector<224x224xf32>
    %mul3A = arith.constant 32 : i32
    %mul3A_5 = arith.muli %arg1, %mul3A : i32
    %add3A = arith.constant 0 : i32
    %add3A_6 = arith.addi %mul3A_5, %add3A : i32
    %get3A_7 = arith.index_cast %arg0 : i32 to index
    %get3A_8 = arith.index_cast %add3A_6 : i32 to index
    %get3A_9 = memref.load %arg3[%get3A_7, %get3A_8] : memref<4x192xf32, #tpu.memory_space<smem>>
    %mul3A_10 = vector.broadcast %get3A_9 : f32 to vector<224x224xf32>
    %mul3A_11 = arith.mulf %get3A_4, %mul3A_10 : vector<224x224xf32>
    %swap3A = arith.constant 0 : index
    %swap3A_12 = arith.constant 0 : index
    %swap3A_13 = arith.constant 0 : index
    %swap3A_14 = arith.constant 0 : index
    %swap3A_15 = vector.load %arg36[%swap3A, %swap3A_12, %swap3A_13, %swap3A_14] : memref<1x32x224x224xf32, #tpu.memory_space<vmem>>, vector<1x1x224x224xf32>
    %swap3A_16 = vector.shape_cast %swap3A_15 : vector<1x1x224x224xf32> to vector<224x224xf32>
    %swap3A_17 = vector.shape_cast %mul3A_11 : vector<224x224xf32> to vector<1x1x224x224xf32>
    tpu.vector_store %arg36[%swap3A, %swap3A_12, %swap3A_13, %swap3A_14], %swap3A_17 {strides = array<i32>} : memref<1x32x224x224xf32, #tpu.memory_space<vmem>>, vector<1x1x224x224xf32>,
    %get3A_18 = arith.constant 0 : index
    %get3A_19 = arith.constant 0 : index
    %get3A_20 = arith.constant 0 : index
    %get3A_21 = arith.constant 0 : index
    %get3A_22 = vector.load %arg5[%get3A_18, %get3A_19, %get3A_20, %get3A_21] : memref<1x1x224x224xf32, #tpu.memory_space<vmem>>, vector<1x1x224x224xf32>
    %get3A_23 = vector.shape_cast %get3A_22 : vector<1x1x224x224xf32> to vector<224x224xf32>
    %mul3A_24 = arith.constant 32 : i32
    %mul3A_25 = arith.muli %arg1, %mul3A_24 : i32
    %add3A_26 = arith.constant 1 : i32
    %add3A_27 = arith.addi %mul3A_25, %add3A_26 : i32
    %get3A_28 = arith.index_cast %arg0 : i32 to index
    %get3A_29 = arith.index_cast %add3A_27 : i32 to index
    %get3A_30 = memref.load %arg3[%get3A_28, %get3A_29] : memref<4x192xf32, #tpu.memory_space<smem>>
    %mul3A_31 = vector.broadcast %get3A_30 : f32 to vector<224x224xf32>
    %mul3A_32 = arith.mulf %get3A_23, %mul3A_31 : vector<224x224xf32>
    %swap3A_33 = arith.constant 0 : index
    %swap3A_34 = arith.constant 1 : index
    %swap3A_35 = arith.constant 0 : index
    %swap3A_36 = arith.constant 0 : index
    %swap3A_37 = vector.load %arg36[%swap3A_33, %swap3A_34, %swap3A_35, %swap3A_36] : memref<1x32x224x224xf32, #tpu.memory_space<vmem>>, vector<1x1x224x224xf32>
    %swap3A_38 = vector.shape_cast %swap3A_37 : vector<1x1x224x224xf32> to vector<224x224xf32>
    %swap3A_39 = vector.shape_cast %mul3A_32 : vector<224x224xf32> to vector<1x1x224x224xf32>
    tpu.vector_store %arg36[%swap3A_33, %swap3A_34, %swap3A_35, %swap3A_36], %swap3A_39 {strides = array<i32>} : memref<1x32x224x224xf32, #tpu.memory_space<vmem>>, vector<1x1x224x224xf32>,
    %get3A_40 = arith.constant 0 : index
    %get3A_41 = arith.constant 0 : index
    %get3A_42 = arith.constant 0 : index
    %get3A_43 = arith.constant 0 : index
    %get3A_44 = vector.load %arg6[%get3A_40, %get3A_41, %get3A_42, %get3A_43] : memref<1x1x224x224xf32, #tpu.memory_space<vmem>>, vector<1x1x224x224xf32>
    %get3A_45 = vector.shape_cast %get3A_44 : vector<1x1x224x224xf32> to vector<224x224xf32>
    %mul3A_46 = arith.constant 32 : i32
    %mul3A_47 = arith.muli %arg1, %mul3A_46 : i32
    %add3A_48 = arith.constant 2 : i32
    %add3A_49 = arith.addi %mul3A_47, %add3A_48 : i32
    %get3A_50 = arith.index_cast %arg0 : i32 to index
    %get3A_51 = arith.index_cast %add3A_49 : i32 to index
    %get3A_52 = memref.load %arg3[%get3A_50, %get3A_51] : memref<4x192xf32, #tpu.memory_space<smem>>
    %mul3A_53 = vector.broadcast %get3A_52 : f32 to vector<224x224xf32>
    %mul3A_54 = arith.mulf %get3A_45, %mul3A_53 : vector<224x224xf32>
    %swap3A_55 = arith.constant 0 : index
    %swap3A_56 = arith.constant 2 : index
    %swap3A_57 = arith.constant 0 : index
    %swap3A_58 = arith.constant 0 : index
    %swap3A_59 = vector.load %arg36[%swap3A_55, %swap3A_56, %swap3A_57, %swap3A_58] : memref<1x32x224x224xf32, #tpu.memory_space<vmem>>, vector<1x1x224x224xf32>
    %swap3A_60 = vector.shape_cast %swap3A_59 : vector<1x1x224x224xf32> to vector<224x224xf32>
    %swap3A_61 = vector.shape_cast %mul3A_54 : vector<224x224xf32> to vector<1x1x224x224xf32>
    tpu.vector_store %arg36[%swap3A_55, %swap3A_56, %swap3A_57, %swap3A_58], %swap3A_61 {strides = array<i32>} : memref<1x32x224x224xf32, #tpu.memory_space<vmem>>, vector<1x1x224x224xf32>,
    %get3A_62 = arith.constant 0 : index
    %get3A_63 = arith.constant 0 : index
    %get3A_64 = arith.constant 0 : index
    %get3A_65 = arith.constant 0 : index
    %get3A_66 = vector.load %arg7[%get3A_62, %get3A_63, %get3A_64, %get3A_65] : memref<1x1x224x224xf32, #tpu.memory_space<vmem>>, vector<1x1x224x224xf32>
    %get3A_67 = vector.shape_cast %get3A_66 : vector<1x1x224x224xf32> to vector<224x224xf32>
    %mul3A_68 = arith.constant 32 : i32
    %mul3A_69 = arith.muli %arg1, %mul3A_68 : i32
    %add3A_70 = arith.constant 3 : i32
    %add3A_71 = arith.addi %mul3A_69, %add3A_70 : i32
    %get3A_72 = arith.index_cast %arg0 : i32 to index
    %get3A_73 = arith.index_cast %add3A_71 : i32 to index
    %get3A_74 = memref.load %arg3[%get3A_72, %get3A_73] : memref<4x192xf32, #tpu.memory_space<smem>>
    %mul3A_75 = vector.broadcast %get3A_74 : f32 to vector<224x224xf32>
    %mul3A_76 = arith.mulf %get3A_67, %mul3A_75 : vector<224x224xf32>
    %swap3A_77 = arith.constant 0 : index
    %swap3A_78 = arith.constant 3 : index
    %swap3A_79 = arith.constant 0 : index
    %swap3A_80 = arith.constant 0 : index
    %swap3A_81 = vector.load %arg36[%swap3A_77, %swap3A_78, %swap3A_79, %swap3A_80] : memref<1x32x224x224xf32, #tpu.memory_space<vmem>>, vector<1x1x224x224xf32>
    %swap3A_82 = vector.shape_cast %swap3A_81 : vector<1x1x224x224xf32> to vector<224x224xf32>
    %swap3A_83 = vector.shape_cast %mul3A_76 : vector<224x224xf32> to vector<1x1x224x224xf32>
    tpu.vector_store %arg36[%swap3A_77, %swap3A_78, %swap3A_79, %swap3A_80], %swap3A_83 {strides = array<i32>} : memref<1x32x224x224xf32, #tpu.memory_space<vmem>>, vector<1x1x224x224xf32>,
    %get3A_84 = arith.constant 0 : index
    %get3A_85 = arith.constant 0 : index
    %get3A_86 = arith.constant 0 : index
    %get3A_87 = arith.constant 0 : index
    %get3A_88 = vector.load %arg8[%get3A_84, %get3A_85, %get3A_86, %get3A_87] : memref<1x1x224x224xf32, #tpu.memory_space<vmem>>, vector<1x1x224x224xf32>
    %get3A_89 = vector.shape_cast %get3A_88 : vector<1x1x224x224xf32> to vector<224x224xf32>
    %mul3A_90 = arith.constant 32 : i32
    %mul3A_91 = arith.muli %arg1, %mul3A_90 : i32
    %add3A_92 = arith.constant 4 : i32
    %add3A_93 = arith.addi %mul3A_91, %add3A_92 : i32
    %get3A_94 = arith.index_cast %arg0 : i32 to index
    %get3A_95 = arith.index_cast %add3A_93 : i32 to index
    %get3A_96 = memref.load %arg3[%get3A_94, %get3A_95] : memref<4x192xf32, #tpu.memory_space<smem>>
    %mul3A_97 = vector.broadcast %get3A_96 : f32 to vector<224x224xf32>
    %mul3A_98 = arith.mulf %get3A_89, %mul3A_97 : vector<224x224xf32>
    %swap3A_99 = arith.constant 0 : index
    %swap3A_100 = arith.constant 4 : index
    %swap3A_101 = arith.constant 0 : index
    %swap3A_102 = arith.constant 0 : index
    %swap3A_103 = vector.load %arg36[%swap3A_99, %swap3A_100, %swap3A_101, %swap3A_102] : memref<1x32x224x224xf32, #tpu.memory_space<vmem>>, vector<1x1x224x224xf32>
    %swap3A_104 = vector.shape_cast %swap3A_103 : vector<1x1x224x224xf32> to vector<224x224xf32>
    %swap3A_105 = vector.shape_cast %mul3A_98 : vector<224x224xf32> to vector<1x1x224x224xf32>
    tpu.vector_store %arg36[%swap3A_99, %swap3A_100, %swap3A_101, %swap3A_102], %swap3A_105 {strides = array<i32>} : memref<1x32x224x224xf32, #tpu.memory_space<vmem>>, vector<1x1x224x224xf32>,
    %get3A_106 = arith.constant 0 : index
    %get3A_107 = arith.constant 0 : index
    %get3A_108 = arith.constant 0 : index
    %get3A_109 = arith.constant 0 : index
    %get3A_110 = vector.load %arg9[%get3A_106, %get3A_107, %get3A_108, %get3A_109] : memref<1x1x224x224xf32, #tpu.memory_space<vmem>>, vector<1x1x224x224xf32>
    %get3A_111 = vector.shape_cast %get3A_110 : vector<1x1x224x224xf32> to vector<224x224xf32>
    %mul3A_112 = arith.constant 32 : i32
    %mul3A_113 = arith.muli %arg1, %mul3A_112 : i32
    %add3A_114 = arith.constant 5 : i32
    %add3A_115 = arith.addi %mul3A_113, %add3A_114 : i32
    %get3A_116 = arith.index_cast %arg0 : i32 to index
    %get3A_117 = arith.index_cast %add3A_115 : i32 to index
    %get3A_118 = memref.load %arg3[%get3A_116, %get3A_117] : memref<4x192xf32, #tpu.memory_space<smem>>
    %mul3A_119 = vector.broadcast %get3A_118 : f32 to vector<224x224xf32>
    %mul3A_120 = arith.mulf %get3A_111, %mul3A_119 : vector<224x224xf32>
    %swap3A_121 = arith.constant 0 : index
    %swap3A_122 = arith.constant 5 : index
    %swap3A_123 = arith.constant 0 : index
    %swap3A_124 = arith.constant 0 : index
    %swap3A_125 = vector.load %arg36[%swap3A_121, %swap3A_122, %swap3A_123, %swap3A_124] : memref<1x32x224x224xf32, #tpu.memory_space<vmem>>, vector<1x1x224x224xf32>
    %swap3A_126 = vector.shape_cast %swap3A_125 : vector<1x1x224x224xf32> to vector<224x224xf32>
    %swap3A_127 = vector.shape_cast %mul3A_120 : vector<224x224xf32> to vector<1x1x224x224xf32>
    tpu.vector_store %arg36[%swap3A_121, %swap3A_122, %swap3A_123, %swap3A_124], %swap3A_127 {strides = array<i32>} : memref<1x32x224x224xf32, #tpu.memory_space<vmem>>, vector<1x1x224x224xf32>,
    %get3A_128 = arith.constant 0 : index
    %get3A_129 = arith.constant 0 : index
    %get3A_130 = arith.constant 0 : index
    %get3A_131 = arith.constant 0 : index
    %get3A_132 = vector.load %arg10[%get3A_128, %get3A_129, %get3A_130, %get3A_131] : memref<1x1x224x224xf32, #tpu.memory_space<vmem>>, vector<1x1x224x224xf32>
    %get3A_133 = vector.shape_cast %get3A_132 : vector<1x1x224x224xf32> to vector<224x224xf32>
    %mul3A_134 = arith.constant 32 : i32
    %mul3A_135 = arith.muli %arg1, %mul3A_134 : i32
    %add3A_136 = arith.constant 6 : i32
    %add3A_137 = arith.addi %mul3A_135, %add3A_136 : i32
    %get3A_138 = arith.index_cast %arg0 : i32 to index
    %get3A_139 = arith.index_cast %add3A_137 : i32 to index
    %get3A_140 = memref.load %arg3[%get3A_138, %get3A_139] : memref<4x192xf32, #tpu.memory_space<smem>>
    %mul3A_141 = vector.broadcast %get3A_140 : f32 to vector<224x224xf32>
    %mul3A_142 = arith.mulf %get3A_133, %mul3A_141 : vector<224x224xf32>
    %swap3A_143 = arith.constant 0 : index
    %swap3A_144 = arith.constant 6 : index
    %swap3A_145 = arith.constant 0 : index
    %swap3A_146 = arith.constant 0 : index
    %swap3A_147 = vector.load %arg36[%swap3A_143, %swap3A_144, %swap3A_145, %swap3A_146] : memref<1x32x224x224xf32, #tpu.memory_space<vmem>>, vector<1x1x224x224xf32>
    %swap3A_148 = vector.shape_cast %swap3A_147 : vector<1x1x224x224xf32> to vector<224x224xf32>
    %swap3A_149 = vector.shape_cast %mul3A_142 : vector<224x224xf32> to vector<1x1x224x224xf32>
    tpu.vector_store %arg36[%swap3A_143, %swap3A_144, %swap3A_145, %swap3A_146], %swap3A_149 {strides = array<i32>} : memref<1x32x224x224xf32, #tpu.memory_space<vmem>>, vector<1x1x224x224xf32>,
    %get3A_150 = arith.constant 0 : index
    %get3A_151 = arith.constant 0 : index
    %get3A_152 = arith.constant 0 : index
    %get3A_153 = arith.constant 0 : index
    %get3A_154 = vector.load %arg11[%get3A_150, %get3A_151, %get3A_152, %get3A_153] : memref<1x1x224x224xf32, #tpu.memory_space<vmem>>, vector<1x1x224x224xf32>
    %get3A_155 = vector.shape_cast %get3A_154 : vector<1x1x224x224xf32> to vector<224x224xf32>
    %mul3A_156 = arith.constant 32 : i32
    %mul3A_157 = arith.muli %arg1, %mul3A_156 : i32
    %add3A_158 = arith.constant 7 : i32
    %add3A_159 = arith.addi %mul3A_157, %add3A_158 : i32
    %get3A_160 = arith.index_cast %arg0 : i32 to index
    %get3A_161 = arith.index_cast %add3A_159 : i32 to index
    %get3A_162 = memref.load %arg3[%get3A_160, %get3A_161] : memref<4x192xf32, #tpu.memory_space<smem>>
    %mul3A_163 = vector.broadcast %get3A_162 : f32 to vector<224x224xf32>
    %mul3A_164 = arith.mulf %get3A_155, %mul3A_163 : vector<224x224xf32>
    %swap3A_165 = arith.constant 0 : index
    %swap3A_166 = arith.constant 7 : index
    %swap3A_167 = arith.constant 0 : index
    %swap3A_168 = arith.constant 0 : index
    %swap3A_169 = vector.load %arg36[%swap3A_165, %swap3A_166, %swap3A_167, %swap3A_168] : memref<1x32x224x224xf32, #tpu.memory_space<vmem>>, vector<1x1x224x224xf32>
    %swap3A_170 = vector.shape_cast %swap3A_169 : vector<1x1x224x224xf32> to vector<224x224xf32>
    %swap3A_171 = vector.shape_cast %mul3A_164 : vector<224x224xf32> to vector<1x1x224x224xf32>
    tpu.vector_store %arg36[%swap3A_165, %swap3A_166, %swap3A_167, %swap3A_168], %swap3A_171 {strides = array<i32>} : memref<1x32x224x224xf32, #tpu.memory_space<vmem>>, vector<1x1x224x224xf32>,
    %get3A_172 = arith.constant 0 : index
    %get3A_173 = arith.constant 0 : index
    %get3A_174 = arith.constant 0 : index
    %get3A_175 = arith.constant 0 : index
    %get3A_176 = vector.load %arg12[%get3A_172, %get3A_173, %get3A_174, %get3A_175] : memref<1x1x224x224xf32, #tpu.memory_space<vmem>>, vector<1x1x224x224xf32>
    %get3A_177 = vector.shape_cast %get3A_176 : vector<1x1x224x224xf32> to vector<224x224xf32>
    %mul3A_178 = arith.constant 32 : i32
    %mul3A_179 = arith.muli %arg1, %mul3A_178 : i32
    %add3A_180 = arith.constant 8 : i32
    %add3A_181 = arith.addi %mul3A_179, %add3A_180 : i32
    %get3A_182 = arith.index_cast %arg0 : i32 to index
    %get3A_183 = arith.index_cast %add3A_181 : i32 to index
    %get3A_184 = memref.load %arg3[%get3A_182, %get3A_183] : memref<4x192xf32, #tpu.memory_space<smem>>
    %mul3A_185 = vector.broadcast %get3A_184 : f32 to vector<224x224xf32>
    %mul3A_186 = arith.mulf %get3A_177, %mul3A_185 : vector<224x224xf32>
    %swap3A_187 = arith.constant 0 : index
    %swap3A_188 = arith.constant 8 : index
    %swap3A_189 = arith.constant 0 : index
    %swap3A_190 = arith.constant 0 : index
    %swap3A_191 = vector.load %arg36[%swap3A_187, %swap3A_188, %swap3A_189, %swap3A_190] : memref<1x32x224x224xf32, #tpu.memory_space<vmem>>, vector<1x1x224x224xf32>
    %swap3A_192 = vector.shape_cast %swap3A_191 : vector<1x1x224x224xf32> to vector<224x224xf32>
    %swap3A_193 = vector.shape_cast %mul3A_186 : vector<224x224xf32> to vector<1x1x224x224xf32>
    tpu.vector_store %arg36[%swap3A_187, %swap3A_188, %swap3A_189, %swap3A_190], %swap3A_193 {strides = array<i32>} : memref<1x32x224x224xf32, #tpu.memory_space<vmem>>, vector<1x1x224x224xf32>,
    %get3A_194 = arith.constant 0 : index
    %get3A_195 = arith.constant 0 : index
    %get3A_196 = arith.constant 0 : index
    %get3A_197 = arith.constant 0 : index
    %get3A_198 = vector.load %arg13[%get3A_194, %get3A_195, %get3A_196, %get3A_197] : memref<1x1x224x224xf32, #tpu.memory_space<vmem>>, vector<1x1x224x224xf32>
    %get3A_199 = vector.shape_cast %get3A_198 : vector<1x1x224x224xf32> to vector<224x224xf32>
    %mul3A_200 = arith.constant 32 : i32
    %mul3A_201 = arith.muli %arg1, %mul3A_200 : i32
    %add3A_202 = arith.constant 9 : i32
    %add3A_203 = arith.addi %mul3A_201, %add3A_202 : i32
    %get3A_204 = arith.index_cast %arg0 : i32 to index
    %get3A_205 = arith.index_cast %add3A_203 : i32 to index
    %get3A_206 = memref.load %arg3[%get3A_204, %get3A_205] : memref<4x192xf32, #tpu.memory_space<smem>>
    %mul3A_207 = vector.broadcast %get3A_206 : f32 to vector<224x224xf32>
    %mul3A_208 = arith.mulf %get3A_199, %mul3A_207 : vector<224x224xf32>
    %swap3A_209 = arith.constant 0 : index
    %swap3A_210 = arith.constant 9 : index
    %swap3A_211 = arith.constant 0 : index
    %swap3A_212 = arith.constant 0 : index
    %swap3A_213 = vector.load %arg36[%swap3A_209, %swap3A_210, %swap3A_211, %swap3A_212] : memref<1x32x224x224xf32, #tpu.memory_space<vmem>>, vector<1x1x224x224xf32>
    %swap3A_214 = vector.shape_cast %swap3A_213 : vector<1x1x224x224xf32> to vector<224x224xf32>
    %swap3A_215 = vector.shape_cast %mul3A_208 : vector<224x224xf32> to vector<1x1x224x224xf32>
    tpu.vector_store %arg36[%swap3A_209, %swap3A_210, %swap3A_211, %swap3A_212], %swap3A_215 {strides = array<i32>} : memref<1x32x224x224xf32, #tpu.memory_space<vmem>>, vector<1x1x224x224xf32>,
    %get3A_216 = arith.constant 0 : index
    %get3A_217 = arith.constant 0 : index
    %get3A_218 = arith.constant 0 : index
    %get3A_219 = arith.constant 0 : index
    %get3A_220 = vector.load %arg14[%get3A_216, %get3A_217, %get3A_218, %get3A_219] : memref<1x1x224x224xf32, #tpu.memory_space<vmem>>, vector<1x1x224x224xf32>
    %get3A_221 = vector.shape_cast %get3A_220 : vector<1x1x224x224xf32> to vector<224x224xf32>
    %mul3A_222 = arith.constant 32 : i32
    %mul3A_223 = arith.muli %arg1, %mul3A_222 : i32
    %add3A_224 = arith.constant 10 : i32
    %add3A_225 = arith.addi %mul3A_223, %add3A_224 : i32
    %get3A_226 = arith.index_cast %arg0 : i32 to index
    %get3A_227 = arith.index_cast %add3A_225 : i32 to index
    %get3A_228 = memref.load %arg3[%get3A_226, %get3A_227] : memref<4x192xf32, #tpu.memory_space<smem>>
    %mul3A_229 = vector.broadcast %get3A_228 : f32 to vector<224x224xf32>
    %mul3A_230 = arith.mulf %get3A_221, %mul3A_229 : vector<224x224xf32>
    %swap3A_231 = arith.constant 0 : index
    %swap3A_232 = arith.constant 10 : index
    %swap3A_233 = arith.constant 0 : index
    %swap3A_234 = arith.constant 0 : index
    %swap3A_235 = vector.load %arg36[%swap3A_231, %swap3A_232, %swap3A_233, %swap3A_234] : memref<1x32x224x224xf32, #tpu.memory_space<vmem>>, vector<1x1x224x224xf32>
    %swap3A_236 = vector.shape_cast %swap3A_235 : vector<1x1x224x224xf32> to vector<224x224xf32>
    %swap3A_237 = vector.shape_cast %mul3A_230 : vector<224x224xf32> to vector<1x1x224x224xf32>
    tpu.vector_store %arg36[%swap3A_231, %swap3A_232, %swap3A_233, %swap3A_234], %swap3A_237 {strides = array<i32>} : memref<1x32x224x224xf32, #tpu.memory_space<vmem>>, vector<1x1x224x224xf32>,
    %get3A_238 = arith.constant 0 : index
    %get3A_239 = arith.constant 0 : index
    %get3A_240 = arith.constant 0 : index
    %get3A_241 = arith.constant 0 : index
    %get3A_242 = vector.load %arg15[%get3A_238, %get3A_239, %get3A_240, %get3A_241] : memref<1x1x224x224xf32, #tpu.memory_space<vmem>>, vector<1x1x224x224xf32>
    %get3A_243 = vector.shape_cast %get3A_242 : vector<1x1x224x224xf32> to vector<224x224xf32>
    %mul3A_244 = arith.constant 32 : i32
    %mul3A_245 = arith.muli %arg1, %mul3A_244 : i32
    %add3A_246 = arith.constant 11 : i32
    %add3A_247 = arith.addi %mul3A_245, %add3A_246 : i32
    %get3A_248 = arith.index_cast %arg0 : i32 to index
    %get3A_249 = arith.index_cast %add3A_247 : i32 to index
    %get3A_250 = memref.load %arg3[%get3A_248, %get3A_249] : memref<4x192xf32, #tpu.memory_space<smem>>
    %mul3A_251 = vector.broadcast %get3A_250 : f32 to vector<224x224xf32>
    %mul3A_252 = arith.mulf %get3A_243, %mul3A_251 : vector<224x224xf32>
    %swap3A_253 = arith.constant 0 : index
    %swap3A_254 = arith.constant 11 : index
    %swap3A_255 = arith.constant 0 : index
    %swap3A_256 = arith.constant 0 : index
    %swap3A_257 = vector.load %arg36[%swap3A_253, %swap3A_254, %swap3A_255, %swap3A_256] : memref<1x32x224x224xf32, #tpu.memory_space<vmem>>, vector<1x1x224x224xf32>
    %swap3A_258 = vector.shape_cast %swap3A_257 : vector<1x1x224x224xf32> to vector<224x224xf32>
    %swap3A_259 = vector.shape_cast %mul3A_252 : vector<224x224xf32> to vector<1x1x224x224xf32>
    tpu.vector_store %arg36[%swap3A_253, %swap3A_254, %swap3A_255, %swap3A_256], %swap3A_259 {strides = array<i32>} : memref<1x32x224x224xf32, #tpu.memory_space<vmem>>, vector<1x1x224x224xf32>,
    %get3A_260 = arith.constant 0 : index
    %get3A_261 = arith.constant 0 : index
    %get3A_262 = arith.constant 0 : index
    %get3A_263 = arith.constant 0 : index
    %get3A_264 = vector.load %arg16[%get3A_260, %get3A_261, %get3A_262, %get3A_263] : memref<1x1x224x224xf32, #tpu.memory_space<vmem>>, vector<1x1x224x224xf32>
    %get3A_265 = vector.shape_cast %get3A_264 : vector<1x1x224x224xf32> to vector<224x224xf32>
    %mul3A_266 = arith.constant 32 : i32
    %mul3A_267 = arith.muli %arg1, %mul3A_266 : i32
    %add3A_268 = arith.constant 12 : i32
    %add3A_269 = arith.addi %mul3A_267, %add3A_268 : i32
    %get3A_270 = arith.index_cast %arg0 : i32 to index
    %get3A_271 = arith.index_cast %add3A_269 : i32 to index
    %get3A_272 = memref.load %arg3[%get3A_270, %get3A_271] : memref<4x192xf32, #tpu.memory_space<smem>>
    %mul3A_273 = vector.broadcast %get3A_272 : f32 to vector<224x224xf32>
    %mul3A_274 = arith.mulf %get3A_265, %mul3A_273 : vector<224x224xf32>
    %swap3A_275 = arith.constant 0 : index
    %swap3A_276 = arith.constant 12 : index
    %swap3A_277 = arith.constant 0 : index
    %swap3A_278 = arith.constant 0 : index
    %swap3A_279 = vector.load %arg36[%swap3A_275, %swap3A_276, %swap3A_277, %swap3A_278] : memref<1x32x224x224xf32, #tpu.memory_space<vmem>>, vector<1x1x224x224xf32>
    %swap3A_280 = vector.shape_cast %swap3A_279 : vector<1x1x224x224xf32> to vector<224x224xf32>
    %swap3A_281 = vector.shape_cast %mul3A_274 : vector<224x224xf32> to vector<1x1x224x224xf32>
    tpu.vector_store %arg36[%swap3A_275, %swap3A_276, %swap3A_277, %swap3A_278], %swap3A_281 {strides = array<i32>} : memref<1x32x224x224xf32, #tpu.memory_space<vmem>>, vector<1x1x224x224xf32>,
    %get3A_282 = arith.constant 0 : index
    %get3A_283 = arith.constant 0 : index
    %get3A_284 = arith.constant 0 : index
    %get3A_285 = arith.constant 0 : index
    %get3A_286 = vector.load %arg17[%get3A_282, %get3A_283, %get3A_284, %get3A_285] : memref<1x1x224x224xf32, #tpu.memory_space<vmem>>, vector<1x1x224x224xf32>
    %get3A_287 = vector.shape_cast %get3A_286 : vector<1x1x224x224xf32> to vector<224x224xf32>
    %mul3A_288 = arith.constant 32 : i32
    %mul3A_289 = arith.muli %arg1, %mul3A_288 : i32
    %add3A_290 = arith.constant 13 : i32
    %add3A_291 = arith.addi %mul3A_289, %add3A_290 : i32
    %get3A_292 = arith.index_cast %arg0 : i32 to index
    %get3A_293 = arith.index_cast %add3A_291 : i32 to index
    %get3A_294 = memref.load %arg3[%get3A_292, %get3A_293] : memref<4x192xf32, #tpu.memory_space<smem>>
    %mul3A_295 = vector.broadcast %get3A_294 : f32 to vector<224x224xf32>
    %mul3A_296 = arith.mulf %get3A_287, %mul3A_295 : vector<224x224xf32>
    %swap3A_297 = arith.constant 0 : index
    %swap3A_298 = arith.constant 13 : index
    %swap3A_299 = arith.constant 0 : index
    %swap3A_300 = arith.constant 0 : index
    %swap3A_301 = vector.load %arg36[%swap3A_297, %swap3A_298, %swap3A_299, %swap3A_300] : memref<1x32x224x224xf32, #tpu.memory_space<vmem>>, vector<1x1x224x224xf32>
    %swap3A_302 = vector.shape_cast %swap3A_301 : vector<1x1x224x224xf32> to vector<224x224xf32>
    %swap3A_303 = vector.shape_cast %mul3A_296 : vector<224x224xf32> to vector<1x1x224x224xf32>
    tpu.vector_store %arg36[%swap3A_297, %swap3A_298, %swap3A_299, %swap3A_300], %swap3A_303 {strides = array<i32>} : memref<1x32x224x224xf32, #tpu.memory_space<vmem>>, vector<1x1x224x224xf32>,
    %get3A_304 = arith.constant 0 : index
    %get3A_305 = arith.constant 0 : index
    %get3A_306 = arith.constant 0 : index
    %get3A_307 = arith.constant 0 : index
    %get3A_308 = vector.load %arg18[%get3A_304, %get3A_305, %get3A_306, %get3A_307] : memref<1x1x224x224xf32, #tpu.memory_space<vmem>>, vector<1x1x224x224xf32>
    %get3A_309 = vector.shape_cast %get3A_308 : vector<1x1x224x224xf32> to vector<224x224xf32>
    %mul3A_310 = arith.constant 32 : i32
    %mul3A_311 = arith.muli %arg1, %mul3A_310 : i32
    %add3A_312 = arith.constant 14 : i32
    %add3A_313 = arith.addi %mul3A_311, %add3A_312 : i32
    %get3A_314 = arith.index_cast %arg0 : i32 to index
    %get3A_315 = arith.index_cast %add3A_313 : i32 to index
    %get3A_316 = memref.load %arg3[%get3A_314, %get3A_315] : memref<4x192xf32, #tpu.memory_space<smem>>
    %mul3A_317 = vector.broadcast %get3A_316 : f32 to vector<224x224xf32>
    %mul3A_318 = arith.mulf %get3A_309, %mul3A_317 : vector<224x224xf32>
    %swap3A_319 = arith.constant 0 : index
    %swap3A_320 = arith.constant 14 : index
    %swap3A_321 = arith.constant 0 : index
    %swap3A_322 = arith.constant 0 : index
    %swap3A_323 = vector.load %arg36[%swap3A_319, %swap3A_320, %swap3A_321, %swap3A_322] : memref<1x32x224x224xf32, #tpu.memory_space<vmem>>, vector<1x1x224x224xf32>
    %swap3A_324 = vector.shape_cast %swap3A_323 : vector<1x1x224x224xf32> to vector<224x224xf32>
    %swap3A_325 = vector.shape_cast %mul3A_318 : vector<224x224xf32> to vector<1x1x224x224xf32>
    tpu.vector_store %arg36[%swap3A_319, %swap3A_320, %swap3A_321, %swap3A_322], %swap3A_325 {strides = array<i32>} : memref<1x32x224x224xf32, #tpu.memory_space<vmem>>, vector<1x1x224x224xf32>,
    %get3A_326 = arith.constant 0 : index
    %get3A_327 = arith.constant 0 : index
    %get3A_328 = arith.constant 0 : index
    %get3A_329 = arith.constant 0 : index
    %get3A_330 = vector.load %arg19[%get3A_326, %get3A_327, %get3A_328, %get3A_329] : memref<1x1x224x224xf32, #tpu.memory_space<vmem>>, vector<1x1x224x224xf32>
    %get3A_331 = vector.shape_cast %get3A_330 : vector<1x1x224x224xf32> to vector<224x224xf32>
    %mul3A_332 = arith.constant 32 : i32
    %mul3A_333 = arith.muli %arg1, %mul3A_332 : i32
    %add3A_334 = arith.constant 15 : i32
    %add3A_335 = arith.addi %mul3A_333, %add3A_334 : i32
    %get3A_336 = arith.index_cast %arg0 : i32 to index
    %get3A_337 = arith.index_cast %add3A_335 : i32 to index
    %get3A_338 = memref.load %arg3[%get3A_336, %get3A_337] : memref<4x192xf32, #tpu.memory_space<smem>>
    %mul3A_339 = vector.broadcast %get3A_338 : f32 to vector<224x224xf32>
    %mul3A_340 = arith.mulf %get3A_331, %mul3A_339 : vector<224x224xf32>
    %swap3A_341 = arith.constant 0 : index
    %swap3A_342 = arith.constant 15 : index
    %swap3A_343 = arith.constant 0 : index
    %swap3A_344 = arith.constant 0 : index
    %swap3A_345 = vector.load %arg36[%swap3A_341, %swap3A_342, %swap3A_343, %swap3A_344] : memref<1x32x224x224xf32, #tpu.memory_space<vmem>>, vector<1x1x224x224xf32>
    %swap3A_346 = vector.shape_cast %swap3A_345 : vector<1x1x224x224xf32> to vector<224x224xf32>
    %swap3A_347 = vector.shape_cast %mul3A_340 : vector<224x224xf32> to vector<1x1x224x224xf32>
    tpu.vector_store %arg36[%swap3A_341, %swap3A_342, %swap3A_343, %swap3A_344], %swap3A_347 {strides = array<i32>} : memref<1x32x224x224xf32, #tpu.memory_space<vmem>>, vector<1x1x224x224xf32>,
    %get3A_348 = arith.constant 0 : index
    %get3A_349 = arith.constant 0 : index
    %get3A_350 = arith.constant 0 : index
    %get3A_351 = arith.constant 0 : index
    %get3A_352 = vector.load %arg20[%get3A_348, %get3A_349, %get3A_350, %get3A_351] : memref<1x1x224x224xf32, #tpu.memory_space<vmem>>, vector<1x1x224x224xf32>
    %get3A_353 = vector.shape_cast %get3A_352 : vector<1x1x224x224xf32> to vector<224x224xf32>
    %mul3A_354 = arith.constant 32 : i32
    %mul3A_355 = arith.muli %arg1, %mul3A_354 : i32
    %add3A_356 = arith.constant 16 : i32
    %add3A_357 = arith.addi %mul3A_355, %add3A_356 : i32
    %get3A_358 = arith.index_cast %arg0 : i32 to index
    %get3A_359 = arith.index_cast %add3A_357 : i32 to index
    %get3A_360 = memref.load %arg3[%get3A_358, %get3A_359] : memref<4x192xf32, #tpu.memory_space<smem>>
    %mul3A_361 = vector.broadcast %get3A_360 : f32 to vector<224x224xf32>
    %mul3A_362 = arith.mulf %get3A_353, %mul3A_361 : vector<224x224xf32>
    %swap3A_363 = arith.constant 0 : index
    %swap3A_364 = arith.constant 16 : index
    %swap3A_365 = arith.constant 0 : index
    %swap3A_366 = arith.constant 0 : index
    %swap3A_367 = vector.load %arg36[%swap3A_363, %swap3A_364, %swap3A_365, %swap3A_366] : memref<1x32x224x224xf32, #tpu.memory_space<vmem>>, vector<1x1x224x224xf32>
    %swap3A_368 = vector.shape_cast %swap3A_367 : vector<1x1x224x224xf32> to vector<224x224xf32>
    %swap3A_369 = vector.shape_cast %mul3A_362 : vector<224x224xf32> to vector<1x1x224x224xf32>
    tpu.vector_store %arg36[%swap3A_363, %swap3A_364, %swap3A_365, %swap3A_366], %swap3A_369 {strides = array<i32>} : memref<1x32x224x224xf32, #tpu.memory_space<vmem>>, vector<1x1x224x224xf32>,
    %get3A_370 = arith.constant 0 : index
    %get3A_371 = arith.constant 0 : index
    %get3A_372 = arith.constant 0 : index
    %get3A_373 = arith.constant 0 : index
    %get3A_374 = vector.load %arg21[%get3A_370, %get3A_371, %get3A_372, %get3A_373] : memref<1x1x224x224xf32, #tpu.memory_space<vmem>>, vector<1x1x224x224xf32>
    %get3A_375 = vector.shape_cast %get3A_374 : vector<1x1x224x224xf32> to vector<224x224xf32>
    %mul3A_376 = arith.constant 32 : i32
    %mul3A_377 = arith.muli %arg1, %mul3A_376 : i32
    %add3A_378 = arith.constant 17 : i32
    %add3A_379 = arith.addi %mul3A_377, %add3A_378 : i32
    %get3A_380 = arith.index_cast %arg0 : i32 to index
    %get3A_381 = arith.index_cast %add3A_379 : i32 to index
    %get3A_382 = memref.load %arg3[%get3A_380, %get3A_381] : memref<4x192xf32, #tpu.memory_space<smem>>
    %mul3A_383 = vector.broadcast %get3A_382 : f32 to vector<224x224xf32>
    %mul3A_384 = arith.mulf %get3A_375, %mul3A_383 : vector<224x224xf32>
    %swap3A_385 = arith.constant 0 : index
    %swap3A_386 = arith.constant 17 : index
    %swap3A_387 = arith.constant 0 : index
    %swap3A_388 = arith.constant 0 : index
    %swap3A_389 = vector.load %arg36[%swap3A_385, %swap3A_386, %swap3A_387, %swap3A_388] : memref<1x32x224x224xf32, #tpu.memory_space<vmem>>, vector<1x1x224x224xf32>
    %swap3A_390 = vector.shape_cast %swap3A_389 : vector<1x1x224x224xf32> to vector<224x224xf32>
    %swap3A_391 = vector.shape_cast %mul3A_384 : vector<224x224xf32> to vector<1x1x224x224xf32>
    tpu.vector_store %arg36[%swap3A_385, %swap3A_386, %swap3A_387, %swap3A_388], %swap3A_391 {strides = array<i32>} : memref<1x32x224x224xf32, #tpu.memory_space<vmem>>, vector<1x1x224x224xf32>,
    %get3A_392 = arith.constant 0 : index
    %get3A_393 = arith.constant 0 : index
    %get3A_394 = arith.constant 0 : index
    %get3A_395 = arith.constant 0 : index
    %get3A_396 = vector.load %arg22[%get3A_392, %get3A_393, %get3A_394, %get3A_395] : memref<1x1x224x224xf32, #tpu.memory_space<vmem>>, vector<1x1x224x224xf32>
    %get3A_397 = vector.shape_cast %get3A_396 : vector<1x1x224x224xf32> to vector<224x224xf32>
    %mul3A_398 = arith.constant 32 : i32
    %mul3A_399 = arith.muli %arg1, %mul3A_398 : i32
    %add3A_400 = arith.constant 18 : i32
    %add3A_401 = arith.addi %mul3A_399, %add3A_400 : i32
    %get3A_402 = arith.index_cast %arg0 : i32 to index
    %get3A_403 = arith.index_cast %add3A_401 : i32 to index
    %get3A_404 = memref.load %arg3[%get3A_402, %get3A_403] : memref<4x192xf32, #tpu.memory_space<smem>>
    %mul3A_405 = vector.broadcast %get3A_404 : f32 to vector<224x224xf32>
    %mul3A_406 = arith.mulf %get3A_397, %mul3A_405 : vector<224x224xf32>
    %swap3A_407 = arith.constant 0 : index
    %swap3A_408 = arith.constant 18 : index
    %swap3A_409 = arith.constant 0 : index
    %swap3A_410 = arith.constant 0 : index
    %swap3A_411 = vector.load %arg36[%swap3A_407, %swap3A_408, %swap3A_409, %swap3A_410] : memref<1x32x224x224xf32, #tpu.memory_space<vmem>>, vector<1x1x224x224xf32>
    %swap3A_412 = vector.shape_cast %swap3A_411 : vector<1x1x224x224xf32> to vector<224x224xf32>
    %swap3A_413 = vector.shape_cast %mul3A_406 : vector<224x224xf32> to vector<1x1x224x224xf32>
    tpu.vector_store %arg36[%swap3A_407, %swap3A_408, %swap3A_409, %swap3A_410], %swap3A_413 {strides = array<i32>} : memref<1x32x224x224xf32, #tpu.memory_space<vmem>>, vector<1x1x224x224xf32>,
    %get3A_414 = arith.constant 0 : index
    %get3A_415 = arith.constant 0 : index
    %get3A_416 = arith.constant 0 : index
    %get3A_417 = arith.constant 0 : index
    %get3A_418 = vector.load %arg23[%get3A_414, %get3A_415, %get3A_416, %get3A_417] : memref<1x1x224x224xf32, #tpu.memory_space<vmem>>, vector<1x1x224x224xf32>
    %get3A_419 = vector.shape_cast %get3A_418 : vector<1x1x224x224xf32> to vector<224x224xf32>
    %mul3A_420 = arith.constant 32 : i32
    %mul3A_421 = arith.muli %arg1, %mul3A_420 : i32
    %add3A_422 = arith.constant 19 : i32
    %add3A_423 = arith.addi %mul3A_421, %add3A_422 : i32
    %get3A_424 = arith.index_cast %arg0 : i32 to index
    %get3A_425 = arith.index_cast %add3A_423 : i32 to index
    %get3A_426 = memref.load %arg3[%get3A_424, %get3A_425] : memref<4x192xf32, #tpu.memory_space<smem>>
    %mul3A_427 = vector.broadcast %get3A_426 : f32 to vector<224x224xf32>
    %mul3A_428 = arith.mulf %get3A_419, %mul3A_427 : vector<224x224xf32>
    %swap3A_429 = arith.constant 0 : index
    %swap3A_430 = arith.constant 19 : index
    %swap3A_431 = arith.constant 0 : index
    %swap3A_432 = arith.constant 0 : index
    %swap3A_433 = vector.load %arg36[%swap3A_429, %swap3A_430, %swap3A_431, %swap3A_432] : memref<1x32x224x224xf32, #tpu.memory_space<vmem>>, vector<1x1x224x224xf32>
    %swap3A_434 = vector.shape_cast %swap3A_433 : vector<1x1x224x224xf32> to vector<224x224xf32>
    %swap3A_435 = vector.shape_cast %mul3A_428 : vector<224x224xf32> to vector<1x1x224x224xf32>
    tpu.vector_store %arg36[%swap3A_429, %swap3A_430, %swap3A_431, %swap3A_432], %swap3A_435 {strides = array<i32>} : memref<1x32x224x224xf32, #tpu.memory_space<vmem>>, vector<1x1x224x224xf32>,
    %get3A_436 = arith.constant 0 : index
    %get3A_437 = arith.constant 0 : index
    %get3A_438 = arith.constant 0 : index
    %get3A_439 = arith.constant 0 : index
    %get3A_440 = vector.load %arg24[%get3A_436, %get3A_437, %get3A_438, %get3A_439] : memref<1x1x224x224xf32, #tpu.memory_space<vmem>>, vector<1x1x224x224xf32>
    %get3A_441 = vector.shape_cast %get3A_440 : vector<1x1x224x224xf32> to vector<224x224xf32>
    %mul3A_442 = arith.constant 32 : i32
    %mul3A_443 = arith.muli %arg1, %mul3A_442 : i32
    %add3A_444 = arith.constant 20 : i32
    %add3A_445 = arith.addi %mul3A_443, %add3A_444 : i32
    %get3A_446 = arith.index_cast %arg0 : i32 to index
    %get3A_447 = arith.index_cast %add3A_445 : i32 to index
    %get3A_448 = memref.load %arg3[%get3A_446, %get3A_447] : memref<4x192xf32, #tpu.memory_space<smem>>
    %mul3A_449 = vector.broadcast %get3A_448 : f32 to vector<224x224xf32>
    %mul3A_450 = arith.mulf %get3A_441, %mul3A_449 : vector<224x224xf32>
    %swap3A_451 = arith.constant 0 : index
    %swap3A_452 = arith.constant 20 : index
    %swap3A_453 = arith.constant 0 : index
    %swap3A_454 = arith.constant 0 : index
    %swap3A_455 = vector.load %arg36[%swap3A_451, %swap3A_452, %swap3A_453, %swap3A_454] : memref<1x32x224x224xf32, #tpu.memory_space<vmem>>, vector<1x1x224x224xf32>
    %swap3A_456 = vector.shape_cast %swap3A_455 : vector<1x1x224x224xf32> to vector<224x224xf32>
    %swap3A_457 = vector.shape_cast %mul3A_450 : vector<224x224xf32> to vector<1x1x224x224xf32>
    tpu.vector_store %arg36[%swap3A_451, %swap3A_452, %swap3A_453, %swap3A_454], %swap3A_457 {strides = array<i32>} : memref<1x32x224x224xf32, #tpu.memory_space<vmem>>, vector<1x1x224x224xf32>,
    %get3A_458 = arith.constant 0 : index
    %get3A_459 = arith.constant 0 : index
    %get3A_460 = arith.constant 0 : index
    %get3A_461 = arith.constant 0 : index
    %get3A_462 = vector.load %arg25[%get3A_458, %get3A_459, %get3A_460, %get3A_461] : memref<1x1x224x224xf32, #tpu.memory_space<vmem>>, vector<1x1x224x224xf32>
    %get3A_463 = vector.shape_cast %get3A_462 : vector<1x1x224x224xf32> to vector<224x224xf32>
    %mul3A_464 = arith.constant 32 : i32
    %mul3A_465 = arith.muli %arg1, %mul3A_464 : i32
    %add3A_466 = arith.constant 21 : i32
    %add3A_467 = arith.addi %mul3A_465, %add3A_466 : i32
    %get3A_468 = arith.index_cast %arg0 : i32 to index
    %get3A_469 = arith.index_cast %add3A_467 : i32 to index
    %get3A_470 = memref.load %arg3[%get3A_468, %get3A_469] : memref<4x192xf32, #tpu.memory_space<smem>>
    %mul3A_471 = vector.broadcast %get3A_470 : f32 to vector<224x224xf32>
    %mul3A_472 = arith.mulf %get3A_463, %mul3A_471 : vector<224x224xf32>
    %swap3A_473 = arith.constant 0 : index
    %swap3A_474 = arith.constant 21 : index
    %swap3A_475 = arith.constant 0 : index
    %swap3A_476 = arith.constant 0 : index
    %swap3A_477 = vector.load %arg36[%swap3A_473, %swap3A_474, %swap3A_475, %swap3A_476] : memref<1x32x224x224xf32, #tpu.memory_space<vmem>>, vector<1x1x224x224xf32>
    %swap3A_478 = vector.shape_cast %swap3A_477 : vector<1x1x224x224xf32> to vector<224x224xf32>
    %swap3A_479 = vector.shape_cast %mul3A_472 : vector<224x224xf32> to vector<1x1x224x224xf32>
    tpu.vector_store %arg36[%swap3A_473, %swap3A_474, %swap3A_475, %swap3A_476], %swap3A_479 {strides = array<i32>} : memref<1x32x224x224xf32, #tpu.memory_space<vmem>>, vector<1x1x224x224xf32>,
    %get3A_480 = arith.constant 0 : index
    %get3A_481 = arith.constant 0 : index
    %get3A_482 = arith.constant 0 : index
    %get3A_483 = arith.constant 0 : index
    %get3A_484 = vector.load %arg26[%get3A_480, %get3A_481, %get3A_482, %get3A_483] : memref<1x1x224x224xf32, #tpu.memory_space<vmem>>, vector<1x1x224x224xf32>
    %get3A_485 = vector.shape_cast %get3A_484 : vector<1x1x224x224xf32> to vector<224x224xf32>
    %mul3A_486 = arith.constant 32 : i32
    %mul3A_487 = arith.muli %arg1, %mul3A_486 : i32
    %add3A_488 = arith.constant 22 : i32
    %add3A_489 = arith.addi %mul3A_487, %add3A_488 : i32
    %get3A_490 = arith.index_cast %arg0 : i32 to index
    %get3A_491 = arith.index_cast %add3A_489 : i32 to index
    %get3A_492 = memref.load %arg3[%get3A_490, %get3A_491] : memref<4x192xf32, #tpu.memory_space<smem>>
    %mul3A_493 = vector.broadcast %get3A_492 : f32 to vector<224x224xf32>
    %mul3A_494 = arith.mulf %get3A_485, %mul3A_493 : vector<224x224xf32>
    %swap3A_495 = arith.constant 0 : index
    %swap3A_496 = arith.constant 22 : index
    %swap3A_497 = arith.constant 0 : index
    %swap3A_498 = arith.constant 0 : index
    %swap3A_499 = vector.load %arg36[%swap3A_495, %swap3A_496, %swap3A_497, %swap3A_498] : memref<1x32x224x224xf32, #tpu.memory_space<vmem>>, vector<1x1x224x224xf32>
    %swap3A_500 = vector.shape_cast %swap3A_499 : vector<1x1x224x224xf32> to vector<224x224xf32>
    %swap3A_501 = vector.shape_cast %mul3A_494 : vector<224x224xf32> to vector<1x1x224x224xf32>
    tpu.vector_store %arg36[%swap3A_495, %swap3A_496, %swap3A_497, %swap3A_498], %swap3A_501 {strides = array<i32>} : memref<1x32x224x224xf32, #tpu.memory_space<vmem>>, vector<1x1x224x224xf32>,
    %get3A_502 = arith.constant 0 : index
    %get3A_503 = arith.constant 0 : index
    %get3A_504 = arith.constant 0 : index
    %get3A_505 = arith.constant 0 : index
    %get3A_506 = vector.load %arg27[%get3A_502, %get3A_503, %get3A_504, %get3A_505] : memref<1x1x224x224xf32, #tpu.memory_space<vmem>>, vector<1x1x224x224xf32>
    %get3A_507 = vector.shape_cast %get3A_506 : vector<1x1x224x224xf32> to vector<224x224xf32>
    %mul3A_508 = arith.constant 32 : i32
    %mul3A_509 = arith.muli %arg1, %mul3A_508 : i32
    %add3A_510 = arith.constant 23 : i32
    %add3A_511 = arith.addi %mul3A_509, %add3A_510 : i32
    %get3A_512 = arith.index_cast %arg0 : i32 to index
    %get3A_513 = arith.index_cast %add3A_511 : i32 to index
    %get3A_514 = memref.load %arg3[%get3A_512, %get3A_513] : memref<4x192xf32, #tpu.memory_space<smem>>
    %mul3A_515 = vector.broadcast %get3A_514 : f32 to vector<224x224xf32>
    %mul3A_516 = arith.mulf %get3A_507, %mul3A_515 : vector<224x224xf32>
    %swap3A_517 = arith.constant 0 : index
    %swap3A_518 = arith.constant 23 : index
    %swap3A_519 = arith.constant 0 : index
    %swap3A_520 = arith.constant 0 : index
    %swap3A_521 = vector.load %arg36[%swap3A_517, %swap3A_518, %swap3A_519, %swap3A_520] : memref<1x32x224x224xf32, #tpu.memory_space<vmem>>, vector<1x1x224x224xf32>
    %swap3A_522 = vector.shape_cast %swap3A_521 : vector<1x1x224x224xf32> to vector<224x224xf32>
    %swap3A_523 = vector.shape_cast %mul3A_516 : vector<224x224xf32> to vector<1x1x224x224xf32>
    tpu.vector_store %arg36[%swap3A_517, %swap3A_518, %swap3A_519, %swap3A_520], %swap3A_523 {strides = array<i32>} : memref<1x32x224x224xf32, #tpu.memory_space<vmem>>, vector<1x1x224x224xf32>,
    %get3A_524 = arith.constant 0 : index
    %get3A_525 = arith.constant 0 : index
    %get3A_526 = arith.constant 0 : index
    %get3A_527 = arith.constant 0 : index
    %get3A_528 = vector.load %arg28[%get3A_524, %get3A_525, %get3A_526, %get3A_527] : memref<1x1x224x224xf32, #tpu.memory_space<vmem>>, vector<1x1x224x224xf32>
    %get3A_529 = vector.shape_cast %get3A_528 : vector<1x1x224x224xf32> to vector<224x224xf32>
    %mul3A_530 = arith.constant 32 : i32
    %mul3A_531 = arith.muli %arg1, %mul3A_530 : i32
    %add3A_532 = arith.constant 24 : i32
    %add3A_533 = arith.addi %mul3A_531, %add3A_532 : i32
    %get3A_534 = arith.index_cast %arg0 : i32 to index
    %get3A_535 = arith.index_cast %add3A_533 : i32 to index
    %get3A_536 = memref.load %arg3[%get3A_534, %get3A_535] : memref<4x192xf32, #tpu.memory_space<smem>>
    %mul3A_537 = vector.broadcast %get3A_536 : f32 to vector<224x224xf32>
    %mul3A_538 = arith.mulf %get3A_529, %mul3A_537 : vector<224x224xf32>
    %swap3A_539 = arith.constant 0 : index
    %swap3A_540 = arith.constant 24 : index
    %swap3A_541 = arith.constant 0 : index
    %swap3A_542 = arith.constant 0 : index
    %swap3A_543 = vector.load %arg36[%swap3A_539, %swap3A_540, %swap3A_541, %swap3A_542] : memref<1x32x224x224xf32, #tpu.memory_space<vmem>>, vector<1x1x224x224xf32>
    %swap3A_544 = vector.shape_cast %swap3A_543 : vector<1x1x224x224xf32> to vector<224x224xf32>
    %swap3A_545 = vector.shape_cast %mul3A_538 : vector<224x224xf32> to vector<1x1x224x224xf32>
    tpu.vector_store %arg36[%swap3A_539, %swap3A_540, %swap3A_541, %swap3A_542], %swap3A_545 {strides = array<i32>} : memref<1x32x224x224xf32, #tpu.memory_space<vmem>>, vector<1x1x224x224xf32>,
    %get3A_546 = arith.constant 0 : index
    %get3A_547 = arith.constant 0 : index
    %get3A_548 = arith.constant 0 : index
    %get3A_549 = arith.constant 0 : index
    %get3A_550 = vector.load %arg29[%get3A_546, %get3A_547, %get3A_548, %get3A_549] : memref<1x1x224x224xf32, #tpu.memory_space<vmem>>, vector<1x1x224x224xf32>
    %get3A_551 = vector.shape_cast %get3A_550 : vector<1x1x224x224xf32> to vector<224x224xf32>
    %mul3A_552 = arith.constant 32 : i32
    %mul3A_553 = arith.muli %arg1, %mul3A_552 : i32
    %add3A_554 = arith.constant 25 : i32
    %add3A_555 = arith.addi %mul3A_553, %add3A_554 : i32
    %get3A_556 = arith.index_cast %arg0 : i32 to index
    %get3A_557 = arith.index_cast %add3A_555 : i32 to index
    %get3A_558 = memref.load %arg3[%get3A_556, %get3A_557] : memref<4x192xf32, #tpu.memory_space<smem>>
    %mul3A_559 = vector.broadcast %get3A_558 : f32 to vector<224x224xf32>
    %mul3A_560 = arith.mulf %get3A_551, %mul3A_559 : vector<224x224xf32>
    %swap3A_561 = arith.constant 0 : index
    %swap3A_562 = arith.constant 25 : index
    %swap3A_563 = arith.constant 0 : index
    %swap3A_564 = arith.constant 0 : index
    %swap3A_565 = vector.load %arg36[%swap3A_561, %swap3A_562, %swap3A_563, %swap3A_564] : memref<1x32x224x224xf32, #tpu.memory_space<vmem>>, vector<1x1x224x224xf32>
    %swap3A_566 = vector.shape_cast %swap3A_565 : vector<1x1x224x224xf32> to vector<224x224xf32>
    %swap3A_567 = vector.shape_cast %mul3A_560 : vector<224x224xf32> to vector<1x1x224x224xf32>
    tpu.vector_store %arg36[%swap3A_561, %swap3A_562, %swap3A_563, %swap3A_564], %swap3A_567 {strides = array<i32>} : memref<1x32x224x224xf32, #tpu.memory_space<vmem>>, vector<1x1x224x224xf32>,
    %get3A_568 = arith.constant 0 : index
    %get3A_569 = arith.constant 0 : index
    %get3A_570 = arith.constant 0 : index
    %get3A_571 = arith.constant 0 : index
    %get3A_572 = vector.load %arg30[%get3A_568, %get3A_569, %get3A_570, %get3A_571] : memref<1x1x224x224xf32, #tpu.memory_space<vmem>>, vector<1x1x224x224xf32>
    %get3A_573 = vector.shape_cast %get3A_572 : vector<1x1x224x224xf32> to vector<224x224xf32>
    %mul3A_574 = arith.constant 32 : i32
    %mul3A_575 = arith.muli %arg1, %mul3A_574 : i32
    %add3A_576 = arith.constant 26 : i32
    %add3A_577 = arith.addi %mul3A_575, %add3A_576 : i32
    %get3A_578 = arith.index_cast %arg0 : i32 to index
    %get3A_579 = arith.index_cast %add3A_577 : i32 to index
    %get3A_580 = memref.load %arg3[%get3A_578, %get3A_579] : memref<4x192xf32, #tpu.memory_space<smem>>
    %mul3A_581 = vector.broadcast %get3A_580 : f32 to vector<224x224xf32>
    %mul3A_582 = arith.mulf %get3A_573, %mul3A_581 : vector<224x224xf32>
    %swap3A_583 = arith.constant 0 : index
    %swap3A_584 = arith.constant 26 : index
    %swap3A_585 = arith.constant 0 : index
    %swap3A_586 = arith.constant 0 : index
    %swap3A_587 = vector.load %arg36[%swap3A_583, %swap3A_584, %swap3A_585, %swap3A_586] : memref<1x32x224x224xf32, #tpu.memory_space<vmem>>, vector<1x1x224x224xf32>
    %swap3A_588 = vector.shape_cast %swap3A_587 : vector<1x1x224x224xf32> to vector<224x224xf32>
    %swap3A_589 = vector.shape_cast %mul3A_582 : vector<224x224xf32> to vector<1x1x224x224xf32>
    tpu.vector_store %arg36[%swap3A_583, %swap3A_584, %swap3A_585, %swap3A_586], %swap3A_589 {strides = array<i32>} : memref<1x32x224x224xf32, #tpu.memory_space<vmem>>, vector<1x1x224x224xf32>,
    %get3A_590 = arith.constant 0 : index
    %get3A_591 = arith.constant 0 : index
    %get3A_592 = arith.constant 0 : index
    %get3A_593 = arith.constant 0 : index
    %get3A_594 = vector.load %arg31[%get3A_590, %get3A_591, %get3A_592, %get3A_593] : memref<1x1x224x224xf32, #tpu.memory_space<vmem>>, vector<1x1x224x224xf32>
    %get3A_595 = vector.shape_cast %get3A_594 : vector<1x1x224x224xf32> to vector<224x224xf32>
    %mul3A_596 = arith.constant 32 : i32
    %mul3A_597 = arith.muli %arg1, %mul3A_596 : i32
    %add3A_598 = arith.constant 27 : i32
    %add3A_599 = arith.addi %mul3A_597, %add3A_598 : i32
    %get3A_600 = arith.index_cast %arg0 : i32 to index
    %get3A_601 = arith.index_cast %add3A_599 : i32 to index
    %get3A_602 = memref.load %arg3[%get3A_600, %get3A_601] : memref<4x192xf32, #tpu.memory_space<smem>>
    %mul3A_603 = vector.broadcast %get3A_602 : f32 to vector<224x224xf32>
    %mul3A_604 = arith.mulf %get3A_595, %mul3A_603 : vector<224x224xf32>
    %swap3A_605 = arith.constant 0 : index
    %swap3A_606 = arith.constant 27 : index
    %swap3A_607 = arith.constant 0 : index
    %swap3A_608 = arith.constant 0 : index
    %swap3A_609 = vector.load %arg36[%swap3A_605, %swap3A_606, %swap3A_607, %swap3A_608] : memref<1x32x224x224xf32, #tpu.memory_space<vmem>>, vector<1x1x224x224xf32>
    %swap3A_610 = vector.shape_cast %swap3A_609 : vector<1x1x224x224xf32> to vector<224x224xf32>
    %swap3A_611 = vector.shape_cast %mul3A_604 : vector<224x224xf32> to vector<1x1x224x224xf32>
    tpu.vector_store %arg36[%swap3A_605, %swap3A_606, %swap3A_607, %swap3A_608], %swap3A_611 {strides = array<i32>} : memref<1x32x224x224xf32, #tpu.memory_space<vmem>>, vector<1x1x224x224xf32>,
    %get3A_612 = arith.constant 0 : index
    %get3A_613 = arith.constant 0 : index
    %get3A_614 = arith.constant 0 : index
    %get3A_615 = arith.constant 0 : index
    %get3A_616 = vector.load %arg32[%get3A_612, %get3A_613, %get3A_614, %get3A_615] : memref<1x1x224x224xf32, #tpu.memory_space<vmem>>, vector<1x1x224x224xf32>
    %get3A_617 = vector.shape_cast %get3A_616 : vector<1x1x224x224xf32> to vector<224x224xf32>
    %mul3A_618 = arith.constant 32 : i32
    %mul3A_619 = arith.muli %arg1, %mul3A_618 : i32
    %add3A_620 = arith.constant 28 : i32
    %add3A_621 = arith.addi %mul3A_619, %add3A_620 : i32
    %get3A_622 = arith.index_cast %arg0 : i32 to index
    %get3A_623 = arith.index_cast %add3A_621 : i32 to index
    %get3A_624 = memref.load %arg3[%get3A_622, %get3A_623] : memref<4x192xf32, #tpu.memory_space<smem>>
    %mul3A_625 = vector.broadcast %get3A_624 : f32 to vector<224x224xf32>
    %mul3A_626 = arith.mulf %get3A_617, %mul3A_625 : vector<224x224xf32>
    %swap3A_627 = arith.constant 0 : index
    %swap3A_628 = arith.constant 28 : index
    %swap3A_629 = arith.constant 0 : index
    %swap3A_630 = arith.constant 0 : index
    %swap3A_631 = vector.load %arg36[%swap3A_627, %swap3A_628, %swap3A_629, %swap3A_630] : memref<1x32x224x224xf32, #tpu.memory_space<vmem>>, vector<1x1x224x224xf32>
    %swap3A_632 = vector.shape_cast %swap3A_631 : vector<1x1x224x224xf32> to vector<224x224xf32>
    %swap3A_633 = vector.shape_cast %mul3A_626 : vector<224x224xf32> to vector<1x1x224x224xf32>
    tpu.vector_store %arg36[%swap3A_627, %swap3A_628, %swap3A_629, %swap3A_630], %swap3A_633 {strides = array<i32>} : memref<1x32x224x224xf32, #tpu.memory_space<vmem>>, vector<1x1x224x224xf32>,
    %get3A_634 = arith.constant 0 : index
    %get3A_635 = arith.constant 0 : index
    %get3A_636 = arith.constant 0 : index
    %get3A_637 = arith.constant 0 : index
    %get3A_638 = vector.load %arg33[%get3A_634, %get3A_635, %get3A_636, %get3A_637] : memref<1x1x224x224xf32, #tpu.memory_space<vmem>>, vector<1x1x224x224xf32>
    %get3A_639 = vector.shape_cast %get3A_638 : vector<1x1x224x224xf32> to vector<224x224xf32>
    %mul3A_640 = arith.constant 32 : i32
    %mul3A_641 = arith.muli %arg1, %mul3A_640 : i32
    %add3A_642 = arith.constant 29 : i32
    %add3A_643 = arith.addi %mul3A_641, %add3A_642 : i32
    %get3A_644 = arith.index_cast %arg0 : i32 to index
    %get3A_645 = arith.index_cast %add3A_643 : i32 to index
    %get3A_646 = memref.load %arg3[%get3A_644, %get3A_645] : memref<4x192xf32, #tpu.memory_space<smem>>
    %mul3A_647 = vector.broadcast %get3A_646 : f32 to vector<224x224xf32>
    %mul3A_648 = arith.mulf %get3A_639, %mul3A_647 : vector<224x224xf32>
    %swap3A_649 = arith.constant 0 : index
    %swap3A_650 = arith.constant 29 : index
    %swap3A_651 = arith.constant 0 : index
    %swap3A_652 = arith.constant 0 : index
    %swap3A_653 = vector.load %arg36[%swap3A_649, %swap3A_650, %swap3A_651, %swap3A_652] : memref<1x32x224x224xf32, #tpu.memory_space<vmem>>, vector<1x1x224x224xf32>
    %swap3A_654 = vector.shape_cast %swap3A_653 : vector<1x1x224x224xf32> to vector<224x224xf32>
    %swap3A_655 = vector.shape_cast %mul3A_648 : vector<224x224xf32> to vector<1x1x224x224xf32>
    tpu.vector_store %arg36[%swap3A_649, %swap3A_650, %swap3A_651, %swap3A_652], %swap3A_655 {strides = array<i32>} : memref<1x32x224x224xf32, #tpu.memory_space<vmem>>, vector<1x1x224x224xf32>,
    %get3A_656 = arith.constant 0 : index
    %get3A_657 = arith.constant 0 : index
    %get3A_658 = arith.constant 0 : index
    %get3A_659 = arith.constant 0 : index
    %get3A_660 = vector.load %arg34[%get3A_656, %get3A_657, %get3A_658, %get3A_659] : memref<1x1x224x224xf32, #tpu.memory_space<vmem>>, vector<1x1x224x224xf32>
    %get3A_661 = vector.shape_cast %get3A_660 : vector<1x1x224x224xf32> to vector<224x224xf32>
    %mul3A_662 = arith.constant 32 : i32
    %mul3A_663 = arith.muli %arg1, %mul3A_662 : i32
    %add3A_664 = arith.constant 30 : i32
    %add3A_665 = arith.addi %mul3A_663, %add3A_664 : i32
    %get3A_666 = arith.index_cast %arg0 : i32 to index
    %get3A_667 = arith.index_cast %add3A_665 : i32 to index
    %get3A_668 = memref.load %arg3[%get3A_666, %get3A_667] : memref<4x192xf32, #tpu.memory_space<smem>>
    %mul3A_669 = vector.broadcast %get3A_668 : f32 to vector<224x224xf32>
    %mul3A_670 = arith.mulf %get3A_661, %mul3A_669 : vector<224x224xf32>
    %swap3A_671 = arith.constant 0 : index
    %swap3A_672 = arith.constant 30 : index
    %swap3A_673 = arith.constant 0 : index
    %swap3A_674 = arith.constant 0 : index
    %swap3A_675 = vector.load %arg36[%swap3A_671, %swap3A_672, %swap3A_673, %swap3A_674] : memref<1x32x224x224xf32, #tpu.memory_space<vmem>>, vector<1x1x224x224xf32>
    %swap3A_676 = vector.shape_cast %swap3A_675 : vector<1x1x224x224xf32> to vector<224x224xf32>
    %swap3A_677 = vector.shape_cast %mul3A_670 : vector<224x224xf32> to vector<1x1x224x224xf32>
    tpu.vector_store %arg36[%swap3A_671, %swap3A_672, %swap3A_673, %swap3A_674], %swap3A_677 {strides = array<i32>} : memref<1x32x224x224xf32, #tpu.memory_space<vmem>>, vector<1x1x224x224xf32>,
    %get3A_678 = arith.constant 0 : index
    %get3A_679 = arith.constant 0 : index
    %get3A_680 = arith.constant 0 : index
    %get3A_681 = arith.constant 0 : index
    %get3A_682 = vector.load %arg35[%get3A_678, %get3A_679, %get3A_680, %get3A_681] : memref<1x1x224x224xf32, #tpu.memory_space<vmem>>, vector<1x1x224x224xf32>
    %get3A_683 = vector.shape_cast %get3A_682 : vector<1x1x224x224xf32> to vector<224x224xf32>
    %mul3A_684 = arith.constant 32 : i32
    %mul3A_685 = arith.muli %arg1, %mul3A_684 : i32
    %add3A_686 = arith.constant 31 : i32
    %add3A_687 = arith.addi %mul3A_685, %add3A_686 : i32
    %get3A_688 = arith.index_cast %arg0 : i32 to index
    %get3A_689 = arith.index_cast %add3A_687 : i32 to index
    %get3A_690 = memref.load %arg3[%get3A_688, %get3A_689] : memref<4x192xf32, #tpu.memory_space<smem>>
    %mul3A_691 = vector.broadcast %get3A_690 : f32 to vector<224x224xf32>
    %mul3A_692 = arith.mulf %get3A_683, %mul3A_691 : vector<224x224xf32>
    %swap3A_693 = arith.constant 0 : index
    %swap3A_694 = arith.constant 31 : index
    %swap3A_695 = arith.constant 0 : index
    %swap3A_696 = arith.constant 0 : index
    %swap3A_697 = vector.load %arg36[%swap3A_693, %swap3A_694, %swap3A_695, %swap3A_696] : memref<1x32x224x224xf32, #tpu.memory_space<vmem>>, vector<1x1x224x224xf32>
    %swap3A_698 = vector.shape_cast %swap3A_697 : vector<1x1x224x224xf32> to vector<224x224xf32>
    %swap3A_699 = vector.shape_cast %mul3A_692 : vector<224x224xf32> to vector<1x1x224x224xf32>
    tpu.vector_store %arg36[%swap3A_693, %swap3A_694, %swap3A_695, %swap3A_696], %swap3A_699 {strides = array<i32>} : memref<1x32x224x224xf32, #tpu.memory_space<vmem>>, vector<1x1x224x224xf32>,
    return
  }
  func.func @transform_0(%arg0: i32, %arg1: i32, %arg2: memref<4x192xi32, #tpu.memory_space<smem>>, %arg3: memref<4x192xf32, #tpu.memory_space<smem>>) -> (i32, i32, i32, i32) {
    %mul3A = arith.constant 32 : i32
    %mul3A_0 = arith.muli %arg1, %mul3A : i32
    %add3A = arith.constant 0 : i32
    %add3A_1 = arith.addi %mul3A_0, %add3A : i32
    %get3A = arith.index_cast %arg0 : i32 to index
    %get3A_2 = arith.index_cast %add3A_1 : i32 to index
    %get3A_3 = memref.load %arg2[%get3A, %get3A_2] : memref<4x192xi32, #tpu.memory_space<smem>>
    %c0_i32 = arith.constant 0 : i32
    %c0_i32_4 = arith.constant 0 : i32
    %c0_i32_5 = arith.constant 0 : i32
    return %arg0, %get3A_3, %c0_i32, %c0_i32_4 : i32, i32, i32, i32
  }
  func.func @transform_1(%arg0: i32, %arg1: i32, %arg2: memref<4x192xi32, #tpu.memory_space<smem>>, %arg3: memref<4x192xf32, #tpu.memory_space<smem>>) -> (i32, i32, i32, i32) {
    %mul3A = arith.constant 32 : i32
    %mul3A_0 = arith.muli %arg1, %mul3A : i32
    %add3A = arith.constant 1 : i32
    %add3A_1 = arith.addi %mul3A_0, %add3A : i32
    %get3A = arith.index_cast %arg0 : i32 to index
    %get3A_2 = arith.index_cast %add3A_1 : i32 to index
    %get3A_3 = memref.load %arg2[%get3A, %get3A_2] : memref<4x192xi32, #tpu.memory_space<smem>>
    %c0_i32 = arith.constant 0 : i32
    %c0_i32_4 = arith.constant 0 : i32
    %c0_i32_5 = arith.constant 0 : i32
    return %arg0, %get3A_3, %c0_i32, %c0_i32_4 : i32, i32, i32, i32
  }
  func.func @transform_2(%arg0: i32, %arg1: i32, %arg2: memref<4x192xi32, #tpu.memory_space<smem>>, %arg3: memref<4x192xf32, #tpu.memory_space<smem>>) -> (i32, i32, i32, i32) {
    %mul3A = arith.constant 32 : i32
    %mul3A_0 = arith.muli %arg1, %mul3A : i32
    %add3A = arith.constant 2 : i32
    %add3A_1 = arith.addi %mul3A_0, %add3A : i32
    %get3A = arith.index_cast %arg0 : i32 to index
    %get3A_2 = arith.index_cast %add3A_1 : i32 to index
    %get3A_3 = memref.load %arg2[%get3A, %get3A_2] : memref<4x192xi32, #tpu.memory_space<smem>>
    %c0_i32 = arith.constant 0 : i32
    %c0_i32_4 = arith.constant 0 : i32
    %c0_i32_5 = arith.constant 0 : i32
    return %arg0, %get3A_3, %c0_i32, %c0_i32_4 : i32, i32, i32, i32
  }
  func.func @transform_3(%arg0: i32, %arg1: i32, %arg2: memref<4x192xi32, #tpu.memory_space<smem>>, %arg3: memref<4x192xf32, #tpu.memory_space<smem>>) -> (i32, i32, i32, i32) {
    %mul3A = arith.constant 32 : i32
    %mul3A_0 = arith.muli %arg1, %mul3A : i32
    %add3A = arith.constant 3 : i32
    %add3A_1 = arith.addi %mul3A_0, %add3A : i32
    %get3A = arith.index_cast %arg0 : i32 to index
    %get3A_2 = arith.index_cast %add3A_1 : i32 to index
    %get3A_3 = memref.load %arg2[%get3A, %get3A_2] : memref<4x192xi32, #tpu.memory_space<smem>>
    %c0_i32 = arith.constant 0 : i32
    %c0_i32_4 = arith.constant 0 : i32
    %c0_i32_5 = arith.constant 0 : i32
    return %arg0, %get3A_3, %c0_i32, %c0_i32_4 : i32, i32, i32, i32
  }
  func.func @transform_4(%arg0: i32, %arg1: i32, %arg2: memref<4x192xi32, #tpu.memory_space<smem>>, %arg3: memref<4x192xf32, #tpu.memory_space<smem>>) -> (i32, i32, i32, i32) {
    %mul3A = arith.constant 32 : i32
    %mul3A_0 = arith.muli %arg1, %mul3A : i32
    %add3A = arith.constant 4 : i32
    %add3A_1 = arith.addi %mul3A_0, %add3A : i32
    %get3A = arith.index_cast %arg0 : i32 to index
    %get3A_2 = arith.index_cast %add3A_1 : i32 to index
    %get3A_3 = memref.load %arg2[%get3A, %get3A_2] : memref<4x192xi32, #tpu.memory_space<smem>>
    %c0_i32 = arith.constant 0 : i32
    %c0_i32_4 = arith.constant 0 : i32
    %c0_i32_5 = arith.constant 0 : i32
    return %arg0, %get3A_3, %c0_i32, %c0_i32_4 : i32, i32, i32, i32
  }
  func.func @transform_5(%arg0: i32, %arg1: i32, %arg2: memref<4x192xi32, #tpu.memory_space<smem>>, %arg3: memref<4x192xf32, #tpu.memory_space<smem>>) -> (i32, i32, i32, i32) {
    %mul3A = arith.constant 32 : i32
    %mul3A_0 = arith.muli %arg1, %mul3A : i32
    %add3A = arith.constant 5 : i32
    %add3A_1 = arith.addi %mul3A_0, %add3A : i32
    %get3A = arith.index_cast %arg0 : i32 to index
    %get3A_2 = arith.index_cast %add3A_1 : i32 to index
    %get3A_3 = memref.load %arg2[%get3A, %get3A_2] : memref<4x192xi32, #tpu.memory_space<smem>>
    %c0_i32 = arith.constant 0 : i32
    %c0_i32_4 = arith.constant 0 : i32
    %c0_i32_5 = arith.constant 0 : i32
    return %arg0, %get3A_3, %c0_i32, %c0_i32_4 : i32, i32, i32, i32
  }
  func.func @transform_6(%arg0: i32, %arg1: i32, %arg2: memref<4x192xi32, #tpu.memory_space<smem>>, %arg3: memref<4x192xf32, #tpu.memory_space<smem>>) -> (i32, i32, i32, i32) {
    %mul3A = arith.constant 32 : i32
    %mul3A_0 = arith.muli %arg1, %mul3A : i32
    %add3A = arith.constant 6 : i32
    %add3A_1 = arith.addi %mul3A_0, %add3A : i32
    %get3A = arith.index_cast %arg0 : i32 to index
    %get3A_2 = arith.index_cast %add3A_1 : i32 to index
    %get3A_3 = memref.load %arg2[%get3A, %get3A_2] : memref<4x192xi32, #tpu.memory_space<smem>>
    %c0_i32 = arith.constant 0 : i32
    %c0_i32_4 = arith.constant 0 : i32
    %c0_i32_5 = arith.constant 0 : i32
    return %arg0, %get3A_3, %c0_i32, %c0_i32_4 : i32, i32, i32, i32
  }
  func.func @transform_7(%arg0: i32, %arg1: i32, %arg2: memref<4x192xi32, #tpu.memory_space<smem>>, %arg3: memref<4x192xf32, #tpu.memory_space<smem>>) -> (i32, i32, i32, i32) {
    %mul3A = arith.constant 32 : i32
    %mul3A_0 = arith.muli %arg1, %mul3A : i32
    %add3A = arith.constant 7 : i32
    %add3A_1 = arith.addi %mul3A_0, %add3A : i32
    %get3A = arith.index_cast %arg0 : i32 to index
    %get3A_2 = arith.index_cast %add3A_1 : i32 to index
    %get3A_3 = memref.load %arg2[%get3A, %get3A_2] : memref<4x192xi32, #tpu.memory_space<smem>>
    %c0_i32 = arith.constant 0 : i32
    %c0_i32_4 = arith.constant 0 : i32
    %c0_i32_5 = arith.constant 0 : i32
    return %arg0, %get3A_3, %c0_i32, %c0_i32_4 : i32, i32, i32, i32
  }
  func.func @transform_8(%arg0: i32, %arg1: i32, %arg2: memref<4x192xi32, #tpu.memory_space<smem>>, %arg3: memref<4x192xf32, #tpu.memory_space<smem>>) -> (i32, i32, i32, i32) {
    %mul3A = arith.constant 32 : i32
    %mul3A_0 = arith.muli %arg1, %mul3A : i32
    %add3A = arith.constant 8 : i32
    %add3A_1 = arith.addi %mul3A_0, %add3A : i32
    %get3A = arith.index_cast %arg0 : i32 to index
    %get3A_2 = arith.index_cast %add3A_1 : i32 to index
    %get3A_3 = memref.load %arg2[%get3A, %get3A_2] : memref<4x192xi32, #tpu.memory_space<smem>>
    %c0_i32 = arith.constant 0 : i32
    %c0_i32_4 = arith.constant 0 : i32
    %c0_i32_5 = arith.constant 0 : i32
    return %arg0, %get3A_3, %c0_i32, %c0_i32_4 : i32, i32, i32, i32
  }
  func.func @transform_9(%arg0: i32, %arg1: i32, %arg2: memref<4x192xi32, #tpu.memory_space<smem>>, %arg3: memref<4x192xf32, #tpu.memory_space<smem>>) -> (i32, i32, i32, i32) {
    %mul3A = arith.constant 32 : i32
    %mul3A_0 = arith.muli %arg1, %mul3A : i32
    %add3A = arith.constant 9 : i32
    %add3A_1 = arith.addi %mul3A_0, %add3A : i32
    %get3A = arith.index_cast %arg0 : i32 to index
    %get3A_2 = arith.index_cast %add3A_1 : i32 to index
    %get3A_3 = memref.load %arg2[%get3A, %get3A_2] : memref<4x192xi32, #tpu.memory_space<smem>>
    %c0_i32 = arith.constant 0 : i32
    %c0_i32_4 = arith.constant 0 : i32
    %c0_i32_5 = arith.constant 0 : i32
    return %arg0, %get3A_3, %c0_i32, %c0_i32_4 : i32, i32, i32, i32
  }
  func.func @transform_10(%arg0: i32, %arg1: i32, %arg2: memref<4x192xi32, #tpu.memory_space<smem>>, %arg3: memref<4x192xf32, #tpu.memory_space<smem>>) -> (i32, i32, i32, i32) {
    %mul3A = arith.constant 32 : i32
    %mul3A_0 = arith.muli %arg1, %mul3A : i32
    %add3A = arith.constant 10 : i32
    %add3A_1 = arith.addi %mul3A_0, %add3A : i32
    %get3A = arith.index_cast %arg0 : i32 to index
    %get3A_2 = arith.index_cast %add3A_1 : i32 to index
    %get3A_3 = memref.load %arg2[%get3A, %get3A_2] : memref<4x192xi32, #tpu.memory_space<smem>>
    %c0_i32 = arith.constant 0 : i32
    %c0_i32_4 = arith.constant 0 : i32
    %c0_i32_5 = arith.constant 0 : i32
    return %arg0, %get3A_3, %c0_i32, %c0_i32_4 : i32, i32, i32, i32
  }
  func.func @transform_11(%arg0: i32, %arg1: i32, %arg2: memref<4x192xi32, #tpu.memory_space<smem>>, %arg3: memref<4x192xf32, #tpu.memory_space<smem>>) -> (i32, i32, i32, i32) {
    %mul3A = arith.constant 32 : i32
    %mul3A_0 = arith.muli %arg1, %mul3A : i32
    %add3A = arith.constant 11 : i32
    %add3A_1 = arith.addi %mul3A_0, %add3A : i32
    %get3A = arith.index_cast %arg0 : i32 to index
    %get3A_2 = arith.index_cast %add3A_1 : i32 to index
    %get3A_3 = memref.load %arg2[%get3A, %get3A_2] : memref<4x192xi32, #tpu.memory_space<smem>>
    %c0_i32 = arith.constant 0 : i32
    %c0_i32_4 = arith.constant 0 : i32
    %c0_i32_5 = arith.constant 0 : i32
    return %arg0, %get3A_3, %c0_i32, %c0_i32_4 : i32, i32, i32, i32
  }
  func.func @transform_12(%arg0: i32, %arg1: i32, %arg2: memref<4x192xi32, #tpu.memory_space<smem>>, %arg3: memref<4x192xf32, #tpu.memory_space<smem>>) -> (i32, i32, i32, i32) {
    %mul3A = arith.constant 32 : i32
    %mul3A_0 = arith.muli %arg1, %mul3A : i32
    %add3A = arith.constant 12 : i32
    %add3A_1 = arith.addi %mul3A_0, %add3A : i32
    %get3A = arith.index_cast %arg0 : i32 to index
    %get3A_2 = arith.index_cast %add3A_1 : i32 to index
    %get3A_3 = memref.load %arg2[%get3A, %get3A_2] : memref<4x192xi32, #tpu.memory_space<smem>>
    %c0_i32 = arith.constant 0 : i32
    %c0_i32_4 = arith.constant 0 : i32
    %c0_i32_5 = arith.constant 0 : i32
    return %arg0, %get3A_3, %c0_i32, %c0_i32_4 : i32, i32, i32, i32
  }
  func.func @transform_13(%arg0: i32, %arg1: i32, %arg2: memref<4x192xi32, #tpu.memory_space<smem>>, %arg3: memref<4x192xf32, #tpu.memory_space<smem>>) -> (i32, i32, i32, i32) {
    %mul3A = arith.constant 32 : i32
    %mul3A_0 = arith.muli %arg1, %mul3A : i32
    %add3A = arith.constant 13 : i32
    %add3A_1 = arith.addi %mul3A_0, %add3A : i32
    %get3A = arith.index_cast %arg0 : i32 to index
    %get3A_2 = arith.index_cast %add3A_1 : i32 to index
    %get3A_3 = memref.load %arg2[%get3A, %get3A_2] : memref<4x192xi32, #tpu.memory_space<smem>>
    %c0_i32 = arith.constant 0 : i32
    %c0_i32_4 = arith.constant 0 : i32
    %c0_i32_5 = arith.constant 0 : i32
    return %arg0, %get3A_3, %c0_i32, %c0_i32_4 : i32, i32, i32, i32
  }
  func.func @transform_14(%arg0: i32, %arg1: i32, %arg2: memref<4x192xi32, #tpu.memory_space<smem>>, %arg3: memref<4x192xf32, #tpu.memory_space<smem>>) -> (i32, i32, i32, i32) {
    %mul3A = arith.constant 32 : i32
    %mul3A_0 = arith.muli %arg1, %mul3A : i32
    %add3A = arith.constant 14 : i32
    %add3A_1 = arith.addi %mul3A_0, %add3A : i32
    %get3A = arith.index_cast %arg0 : i32 to index
    %get3A_2 = arith.index_cast %add3A_1 : i32 to index
    %get3A_3 = memref.load %arg2[%get3A, %get3A_2] : memref<4x192xi32, #tpu.memory_space<smem>>
    %c0_i32 = arith.constant 0 : i32
    %c0_i32_4 = arith.constant 0 : i32
    %c0_i32_5 = arith.constant 0 : i32
    return %arg0, %get3A_3, %c0_i32, %c0_i32_4 : i32, i32, i32, i32
  }
  func.func @transform_15(%arg0: i32, %arg1: i32, %arg2: memref<4x192xi32, #tpu.memory_space<smem>>, %arg3: memref<4x192xf32, #tpu.memory_space<smem>>) -> (i32, i32, i32, i32) {
    %mul3A = arith.constant 32 : i32
    %mul3A_0 = arith.muli %arg1, %mul3A : i32
    %add3A = arith.constant 15 : i32
    %add3A_1 = arith.addi %mul3A_0, %add3A : i32
    %get3A = arith.index_cast %arg0 : i32 to index
    %get3A_2 = arith.index_cast %add3A_1 : i32 to index
    %get3A_3 = memref.load %arg2[%get3A, %get3A_2] : memref<4x192xi32, #tpu.memory_space<smem>>
    %c0_i32 = arith.constant 0 : i32
    %c0_i32_4 = arith.constant 0 : i32
    %c0_i32_5 = arith.constant 0 : i32
    return %arg0, %get3A_3, %c0_i32, %c0_i32_4 : i32, i32, i32, i32
  }
  func.func @transform_16(%arg0: i32, %arg1: i32, %arg2: memref<4x192xi32, #tpu.memory_space<smem>>, %arg3: memref<4x192xf32, #tpu.memory_space<smem>>) -> (i32, i32, i32, i32) {
    %mul3A = arith.constant 32 : i32
    %mul3A_0 = arith.muli %arg1, %mul3A : i32
    %add3A = arith.constant 16 : i32
    %add3A_1 = arith.addi %mul3A_0, %add3A : i32
    %get3A = arith.index_cast %arg0 : i32 to index
    %get3A_2 = arith.index_cast %add3A_1 : i32 to index
    %get3A_3 = memref.load %arg2[%get3A, %get3A_2] : memref<4x192xi32, #tpu.memory_space<smem>>
    %c0_i32 = arith.constant 0 : i32
    %c0_i32_4 = arith.constant 0 : i32
    %c0_i32_5 = arith.constant 0 : i32
    return %arg0, %get3A_3, %c0_i32, %c0_i32_4 : i32, i32, i32, i32
  }
  func.func @transform_17(%arg0: i32, %arg1: i32, %arg2: memref<4x192xi32, #tpu.memory_space<smem>>, %arg3: memref<4x192xf32, #tpu.memory_space<smem>>) -> (i32, i32, i32, i32) {
    %mul3A = arith.constant 32 : i32
    %mul3A_0 = arith.muli %arg1, %mul3A : i32
    %add3A = arith.constant 17 : i32
    %add3A_1 = arith.addi %mul3A_0, %add3A : i32
    %get3A = arith.index_cast %arg0 : i32 to index
    %get3A_2 = arith.index_cast %add3A_1 : i32 to index
    %get3A_3 = memref.load %arg2[%get3A, %get3A_2] : memref<4x192xi32, #tpu.memory_space<smem>>
    %c0_i32 = arith.constant 0 : i32
    %c0_i32_4 = arith.constant 0 : i32
    %c0_i32_5 = arith.constant 0 : i32
    return %arg0, %get3A_3, %c0_i32, %c0_i32_4 : i32, i32, i32, i32
  }
  func.func @transform_18(%arg0: i32, %arg1: i32, %arg2: memref<4x192xi32, #tpu.memory_space<smem>>, %arg3: memref<4x192xf32, #tpu.memory_space<smem>>) -> (i32, i32, i32, i32) {
    %mul3A = arith.constant 32 : i32
    %mul3A_0 = arith.muli %arg1, %mul3A : i32
    %add3A = arith.constant 18 : i32
    %add3A_1 = arith.addi %mul3A_0, %add3A : i32
    %get3A = arith.index_cast %arg0 : i32 to index
    %get3A_2 = arith.index_cast %add3A_1 : i32 to index
    %get3A_3 = memref.load %arg2[%get3A, %get3A_2] : memref<4x192xi32, #tpu.memory_space<smem>>
    %c0_i32 = arith.constant 0 : i32
    %c0_i32_4 = arith.constant 0 : i32
    %c0_i32_5 = arith.constant 0 : i32
    return %arg0, %get3A_3, %c0_i32, %c0_i32_4 : i32, i32, i32, i32
  }
  func.func @transform_19(%arg0: i32, %arg1: i32, %arg2: memref<4x192xi32, #tpu.memory_space<smem>>, %arg3: memref<4x192xf32, #tpu.memory_space<smem>>) -> (i32, i32, i32, i32) {
    %mul3A = arith.constant 32 : i32
    %mul3A_0 = arith.muli %arg1, %mul3A : i32
    %add3A = arith.constant 19 : i32
    %add3A_1 = arith.addi %mul3A_0, %add3A : i32
    %get3A = arith.index_cast %arg0 : i32 to index
    %get3A_2 = arith.index_cast %add3A_1 : i32 to index
    %get3A_3 = memref.load %arg2[%get3A, %get3A_2] : memref<4x192xi32, #tpu.memory_space<smem>>
    %c0_i32 = arith.constant 0 : i32
    %c0_i32_4 = arith.constant 0 : i32
    %c0_i32_5 = arith.constant 0 : i32
    return %arg0, %get3A_3, %c0_i32, %c0_i32_4 : i32, i32, i32, i32
  }
  func.func @transform_20(%arg0: i32, %arg1: i32, %arg2: memref<4x192xi32, #tpu.memory_space<smem>>, %arg3: memref<4x192xf32, #tpu.memory_space<smem>>) -> (i32, i32, i32, i32) {
    %mul3A = arith.constant 32 : i32
    %mul3A_0 = arith.muli %arg1, %mul3A : i32
    %add3A = arith.constant 20 : i32
    %add3A_1 = arith.addi %mul3A_0, %add3A : i32
    %get3A = arith.index_cast %arg0 : i32 to index
    %get3A_2 = arith.index_cast %add3A_1 : i32 to index
    %get3A_3 = memref.load %arg2[%get3A, %get3A_2] : memref<4x192xi32, #tpu.memory_space<smem>>
    %c0_i32 = arith.constant 0 : i32
    %c0_i32_4 = arith.constant 0 : i32
    %c0_i32_5 = arith.constant 0 : i32
    return %arg0, %get3A_3, %c0_i32, %c0_i32_4 : i32, i32, i32, i32
  }
  func.func @transform_21(%arg0: i32, %arg1: i32, %arg2: memref<4x192xi32, #tpu.memory_space<smem>>, %arg3: memref<4x192xf32, #tpu.memory_space<smem>>) -> (i32, i32, i32, i32) {
    %mul3A = arith.constant 32 : i32
    %mul3A_0 = arith.muli %arg1, %mul3A : i32
    %add3A = arith.constant 21 : i32
    %add3A_1 = arith.addi %mul3A_0, %add3A : i32
    %get3A = arith.index_cast %arg0 : i32 to index
    %get3A_2 = arith.index_cast %add3A_1 : i32 to index
    %get3A_3 = memref.load %arg2[%get3A, %get3A_2] : memref<4x192xi32, #tpu.memory_space<smem>>
    %c0_i32 = arith.constant 0 : i32
    %c0_i32_4 = arith.constant 0 : i32
    %c0_i32_5 = arith.constant 0 : i32
    return %arg0, %get3A_3, %c0_i32, %c0_i32_4 : i32, i32, i32, i32
  }
  func.func @transform_22(%arg0: i32, %arg1: i32, %arg2: memref<4x192xi32, #tpu.memory_space<smem>>, %arg3: memref<4x192xf32, #tpu.memory_space<smem>>) -> (i32, i32, i32, i32) {
    %mul3A = arith.constant 32 : i32
    %mul3A_0 = arith.muli %arg1, %mul3A : i32
    %add3A = arith.constant 22 : i32
    %add3A_1 = arith.addi %mul3A_0, %add3A : i32
    %get3A = arith.index_cast %arg0 : i32 to index
    %get3A_2 = arith.index_cast %add3A_1 : i32 to index
    %get3A_3 = memref.load %arg2[%get3A, %get3A_2] : memref<4x192xi32, #tpu.memory_space<smem>>
    %c0_i32 = arith.constant 0 : i32
    %c0_i32_4 = arith.constant 0 : i32
    %c0_i32_5 = arith.constant 0 : i32
    return %arg0, %get3A_3, %c0_i32, %c0_i32_4 : i32, i32, i32, i32
  }
  func.func @transform_23(%arg0: i32, %arg1: i32, %arg2: memref<4x192xi32, #tpu.memory_space<smem>>, %arg3: memref<4x192xf32, #tpu.memory_space<smem>>) -> (i32, i32, i32, i32) {
    %mul3A = arith.constant 32 : i32
    %mul3A_0 = arith.muli %arg1, %mul3A : i32
    %add3A = arith.constant 23 : i32
    %add3A_1 = arith.addi %mul3A_0, %add3A : i32
    %get3A = arith.index_cast %arg0 : i32 to index
    %get3A_2 = arith.index_cast %add3A_1 : i32 to index
    %get3A_3 = memref.load %arg2[%get3A, %get3A_2] : memref<4x192xi32, #tpu.memory_space<smem>>
    %c0_i32 = arith.constant 0 : i32
    %c0_i32_4 = arith.constant 0 : i32
    %c0_i32_5 = arith.constant 0 : i32
    return %arg0, %get3A_3, %c0_i32, %c0_i32_4 : i32, i32, i32, i32
  }
  func.func @transform_24(%arg0: i32, %arg1: i32, %arg2: memref<4x192xi32, #tpu.memory_space<smem>>, %arg3: memref<4x192xf32, #tpu.memory_space<smem>>) -> (i32, i32, i32, i32) {
    %mul3A = arith.constant 32 : i32
    %mul3A_0 = arith.muli %arg1, %mul3A : i32
    %add3A = arith.constant 24 : i32
    %add3A_1 = arith.addi %mul3A_0, %add3A : i32
    %get3A = arith.index_cast %arg0 : i32 to index
    %get3A_2 = arith.index_cast %add3A_1 : i32 to index
    %get3A_3 = memref.load %arg2[%get3A, %get3A_2] : memref<4x192xi32, #tpu.memory_space<smem>>
    %c0_i32 = arith.constant 0 : i32
    %c0_i32_4 = arith.constant 0 : i32
    %c0_i32_5 = arith.constant 0 : i32
    return %arg0, %get3A_3, %c0_i32, %c0_i32_4 : i32, i32, i32, i32
  }
  func.func @transform_25(%arg0: i32, %arg1: i32, %arg2: memref<4x192xi32, #tpu.memory_space<smem>>, %arg3: memref<4x192xf32, #tpu.memory_space<smem>>) -> (i32, i32, i32, i32) {
    %mul3A = arith.constant 32 : i32
    %mul3A_0 = arith.muli %arg1, %mul3A : i32
    %add3A = arith.constant 25 : i32
    %add3A_1 = arith.addi %mul3A_0, %add3A : i32
    %get3A = arith.index_cast %arg0 : i32 to index
    %get3A_2 = arith.index_cast %add3A_1 : i32 to index
    %get3A_3 = memref.load %arg2[%get3A, %get3A_2] : memref<4x192xi32, #tpu.memory_space<smem>>
    %c0_i32 = arith.constant 0 : i32
    %c0_i32_4 = arith.constant 0 : i32
    %c0_i32_5 = arith.constant 0 : i32
    return %arg0, %get3A_3, %c0_i32, %c0_i32_4 : i32, i32, i32, i32
  }
  func.func @transform_26(%arg0: i32, %arg1: i32, %arg2: memref<4x192xi32, #tpu.memory_space<smem>>, %arg3: memref<4x192xf32, #tpu.memory_space<smem>>) -> (i32, i32, i32, i32) {
    %mul3A = arith.constant 32 : i32
    %mul3A_0 = arith.muli %arg1, %mul3A : i32
    %add3A = arith.constant 26 : i32
    %add3A_1 = arith.addi %mul3A_0, %add3A : i32
    %get3A = arith.index_cast %arg0 : i32 to index
    %get3A_2 = arith.index_cast %add3A_1 : i32 to index
    %get3A_3 = memref.load %arg2[%get3A, %get3A_2] : memref<4x192xi32, #tpu.memory_space<smem>>
    %c0_i32 = arith.constant 0 : i32
    %c0_i32_4 = arith.constant 0 : i32
    %c0_i32_5 = arith.constant 0 : i32
    return %arg0, %get3A_3, %c0_i32, %c0_i32_4 : i32, i32, i32, i32
  }
  func.func @transform_27(%arg0: i32, %arg1: i32, %arg2: memref<4x192xi32, #tpu.memory_space<smem>>, %arg3: memref<4x192xf32, #tpu.memory_space<smem>>) -> (i32, i32, i32, i32) {
    %mul3A = arith.constant 32 : i32
    %mul3A_0 = arith.muli %arg1, %mul3A : i32
    %add3A = arith.constant 27 : i32
    %add3A_1 = arith.addi %mul3A_0, %add3A : i32
    %get3A = arith.index_cast %arg0 : i32 to index
    %get3A_2 = arith.index_cast %add3A_1 : i32 to index
    %get3A_3 = memref.load %arg2[%get3A, %get3A_2] : memref<4x192xi32, #tpu.memory_space<smem>>
    %c0_i32 = arith.constant 0 : i32
    %c0_i32_4 = arith.constant 0 : i32
    %c0_i32_5 = arith.constant 0 : i32
    return %arg0, %get3A_3, %c0_i32, %c0_i32_4 : i32, i32, i32, i32
  }
  func.func @transform_28(%arg0: i32, %arg1: i32, %arg2: memref<4x192xi32, #tpu.memory_space<smem>>, %arg3: memref<4x192xf32, #tpu.memory_space<smem>>) -> (i32, i32, i32, i32) {
    %mul3A = arith.constant 32 : i32
    %mul3A_0 = arith.muli %arg1, %mul3A : i32
    %add3A = arith.constant 28 : i32
    %add3A_1 = arith.addi %mul3A_0, %add3A : i32
    %get3A = arith.index_cast %arg0 : i32 to index
    %get3A_2 = arith.index_cast %add3A_1 : i32 to index
    %get3A_3 = memref.load %arg2[%get3A, %get3A_2] : memref<4x192xi32, #tpu.memory_space<smem>>
    %c0_i32 = arith.constant 0 : i32
    %c0_i32_4 = arith.constant 0 : i32
    %c0_i32_5 = arith.constant 0 : i32
    return %arg0, %get3A_3, %c0_i32, %c0_i32_4 : i32, i32, i32, i32
  }
  func.func @transform_29(%arg0: i32, %arg1: i32, %arg2: memref<4x192xi32, #tpu.memory_space<smem>>, %arg3: memref<4x192xf32, #tpu.memory_space<smem>>) -> (i32, i32, i32, i32) {
    %mul3A = arith.constant 32 : i32
    %mul3A_0 = arith.muli %arg1, %mul3A : i32
    %add3A = arith.constant 29 : i32
    %add3A_1 = arith.addi %mul3A_0, %add3A : i32
    %get3A = arith.index_cast %arg0 : i32 to index
    %get3A_2 = arith.index_cast %add3A_1 : i32 to index
    %get3A_3 = memref.load %arg2[%get3A, %get3A_2] : memref<4x192xi32, #tpu.memory_space<smem>>
    %c0_i32 = arith.constant 0 : i32
    %c0_i32_4 = arith.constant 0 : i32
    %c0_i32_5 = arith.constant 0 : i32
    return %arg0, %get3A_3, %c0_i32, %c0_i32_4 : i32, i32, i32, i32
  }
  func.func @transform_30(%arg0: i32, %arg1: i32, %arg2: memref<4x192xi32, #tpu.memory_space<smem>>, %arg3: memref<4x192xf32, #tpu.memory_space<smem>>) -> (i32, i32, i32, i32) {
    %mul3A = arith.constant 32 : i32
    %mul3A_0 = arith.muli %arg1, %mul3A : i32
    %add3A = arith.constant 30 : i32
    %add3A_1 = arith.addi %mul3A_0, %add3A : i32
    %get3A = arith.index_cast %arg0 : i32 to index
    %get3A_2 = arith.index_cast %add3A_1 : i32 to index
    %get3A_3 = memref.load %arg2[%get3A, %get3A_2] : memref<4x192xi32, #tpu.memory_space<smem>>
    %c0_i32 = arith.constant 0 : i32
    %c0_i32_4 = arith.constant 0 : i32
    %c0_i32_5 = arith.constant 0 : i32
    return %arg0, %get3A_3, %c0_i32, %c0_i32_4 : i32, i32, i32, i32
  }
  func.func @transform_31(%arg0: i32, %arg1: i32, %arg2: memref<4x192xi32, #tpu.memory_space<smem>>, %arg3: memref<4x192xf32, #tpu.memory_space<smem>>) -> (i32, i32, i32, i32) {
    %mul3A = arith.constant 32 : i32
    %mul3A_0 = arith.muli %arg1, %mul3A : i32
    %add3A = arith.constant 31 : i32
    %add3A_1 = arith.addi %mul3A_0, %add3A : i32
    %get3A = arith.index_cast %arg0 : i32 to index
    %get3A_2 = arith.index_cast %add3A_1 : i32 to index
    %get3A_3 = memref.load %arg2[%get3A, %get3A_2] : memref<4x192xi32, #tpu.memory_space<smem>>
    %c0_i32 = arith.constant 0 : i32
    %c0_i32_4 = arith.constant 0 : i32
    %c0_i32_5 = arith.constant 0 : i32
    return %arg0, %get3A_3, %c0_i32, %c0_i32_4 : i32, i32, i32, i32
  }
  func.func @transform_32(%arg0: i32, %arg1: i32, %arg2: memref<4x192xi32, #tpu.memory_space<smem>>, %arg3: memref<4x192xf32, #tpu.memory_space<smem>>) -> (i32, i32, i32, i32) {
    %c0_i32 = arith.constant 0 : i32
    %c0_i32_0 = arith.constant 0 : i32
    %c0_i32_1 = arith.constant 0 : i32
    return %arg0, %arg1, %c0_i32, %c0_i32_0 : i32, i32, i32, i32
  }
}

</mosaic_0001>

<sc_bundles>
// kernel: kernel.4.cloned.1.call-start
scs
__scs_entry_jumppad:
0x0: {  	(pc) =	sbr.rel $0x88, $3  }
0x1: {  	(tag) =	ssettag $0x0;
	lr =	simm.s32 $0x1  }
0x2: {  	[smem:$0x3F9E] =	sst lr;
	_ =	strace $0xD0000000  }
0x3: {  	_ = 	snop  }
0x4: {  	_ = 	snop  }
0x5: {  	_ = 	snop  }
0x6: {  	_ = 	snop  }
0x7: {  	_ = 	snop  }
__scs_overlays_trampoline_lowered:
0x8: {  	[smem:$0x3FAD] =	sst s0  }
0x9: {  	[smem:$0x3FAE] =	sst s1  }
0xa: {  	[smem:$0x3FAF] =	sst s2  }
0xb: {  	[smem:$0x3FB0] =	sst s3  }
0xc: {  	[smem:$0x3FB1] =	sst s4  }
0xd: {  	[smem:$0x3FB2] =	sst s5  }
0xe: {  	[smem:$0x3FB3] =	sst s6  }
0xf: {  	[smem:$0x3FB4] =	sst s7  }
0x10: {  	[smem:$0x3FB5] =	sst s8  }
0x11: {  	[smem:$0x3FB6] =	sst s9;
	s0 =	simm.s32 @!p0 $0x0  }
0x12: {  	s1 =	sld [smem:$0x3F9C];
	s0 =	simm.s32 @p0 $0x1  }
0x13: {  	[smem:$0x3FB7] =	sst s0;
	s0 =	simm.s32 @!p1 $0x0  }
0x14: {  	s2 =	sld [smem:$0x3F9B];
	s0 =	simm.s32 @p1 $0x1  }
0x15: {  	[smem:$0x3FB8] =	sst s0;
	s0 =	simm.s32 @!p2 $0x0  }
0x16: {  	s3 =	sld [smem:$0x3FDB];
	s0 =	simm.s32 @p2 $0x1  }
0x17: {  	s4 =	simm.s32 $0x1BF5;
	[smem:$0x3FBA] =	sst s0  }
0x18: {  	s0 =	sld [smem:$0x3F9D];
	_ =	swait.ge [sflag:s4], $0x0  }
0x19: {  	s7 =	sld [smem:$0x3F9E]  }
0x1a: {  	s8 =	sadd.s32 $0xFFFFE003, lr  }
0x1b: {  	s9 =	sadd.s32 $0xFFFFFEF7, lr;
	s5 =	simm.s32 $0xFFFFFFFF;
	p2 =	slt.u32 s8, $0xFFFFF086  }
0x1c: {  	p1 =	slt.u32 s9, $0xF7A;
	s5 =	simm.s32 @!p2 $0x0  }
0x1d: {  	s5 =	simm.s32 @p1 $0x1;
	p0 =	seq.s32 s7, s2  }
0x1e: {  	s7 =	smul.u32 @!p0 $0xF7A, s2;
	p2 =	seq.s32 @!p0 s5, $0x0  }
0x1f: {  	s9 =	smul.u32 $0xF7A, s1;
	s8 =	simm.s32 @!p0 $0x1BF5;
	p2 =	por !p2, p0  }
0x20: {  	[sflag:s8] =	ssyncset.s32 @!p0 $0xFFFFF086;
	s6 =	sadd.s32 @!p0 s3, s7;
	s7 =	simm.s32 @!p0 $0x108  }
0x21: {  	s3 =	sadd.s32 s3, s9;
	s6 =	sadd.s32 @!p0 $0x88, s6;
	s7 =	simm.s32 @p2 $0x1082  }
0x22: {  	[simem:s7], [sflag:s8] =	dma.local @!p0 [hbm:s6], $0xF7A  }
0x23: {  	s9 =	sor.u32 $0xD0000000, s2;
	s6 =	simm.s32 $0x108;
	_ =	swait.ge @!p0 [sflag:s8], $0x0  }
0x24: {  	s3 =	sadd.s32 $0x88, s3;
	s6 =	simm.s32 @!p1 $0x1082;
	[sflag:s4] =	ssyncset.s32 $0xFFFFF086  }
0x25: {  	[simem:s6], [sflag:s4] =	dma.local [hbm:s3], $0xF7A  }
0x26: {  	[smem:$0x3F9E] =	sst s1;
	(tag) =	ssettag s2;
	_ =	strace s9  }
0x27: {  	s1 =	sld [smem:$0x3FAE]  }
0x28: {  	s2 =	sld [smem:$0x3FAF]  }
0x29: {  	s4 =	sld [smem:$0x3FB1]  }
0x2a: {  	p0 =	seq.s32 s5, $0x0;
	s5 =	sld [smem:$0x3FB2]  }
0x2b: {  	s6 =	sld [smem:$0x3FB3]  }
0x2c: {  	s7 =	sld [smem:$0x3FB4]  }
0x2d: {  	s3 =	simm.s32 $0x108;
	s8 =	sld [smem:$0x3FB5]  }
0x2e: {  	s3 =	simm.s32 @!p0 $0x1082;
	s9 =	sld [smem:$0x3FB6]  }
0x2f: {  	lr =	sadd.s32 s0, s3;
	s0 =	sld [smem:$0x3FAD]  }
0x30: {  	s3 =	sld [smem:$0x3FB0]  }
0x31: {  	[smem:$0x3FB9] =	sst s10  }
0x32: {  	s10 =	sld [smem:$0x3FB7];
	_ =	sdelay $0x3  }
0x33: {  	p0 =	seq.s32 s10, $0x1;
	s10 =	sld [smem:$0x3FB9];
	_ =	sdelay $0x3  }
0x34: {  	[smem:$0x3FB9] =	sst s10  }
0x35: {  	s10 =	sld [smem:$0x3FB8];
	_ =	sdelay $0x3  }
0x36: {  	p1 =	seq.s32 s10, $0x1;
	s10 =	sld [smem:$0x3FB9];
	_ =	sdelay $0x3  }
0x37: {  	[smem:$0x3FB9] =	sst s10  }
0x38: {  	s10 =	sld [smem:$0x3FBA]  }
0x39: {  	_ = 	snop;
	(pc) =	sbr.ind lr, $3  }
0x3a: {  	_ = 	snop  }
0x3b: {  	_ = 	snop  }
0x3c: {  	p2 =	seq.s32 s10, $0x1;
	s10 =	sld [smem:$0x3FB9]  }
0x3d: {  	_ =	shalt  }
0x3e: {  	_ =	shalt  }
0x3f: {  	_ =	shalt  }
0x40: {  	_ =	shalt  }
0x41: {  	_ =	shalt  }
0x42: {  	_ =	shalt  }
0x43: {  	_ =	shalt  }
0x44: {  	_ =	shalt  }
0x45: {  	_ =	shalt  }
0x46: {  	_ =	shalt  }
0x47: {  	_ =	shalt  }
0x48: {  	_ =	shalt  }
0x49: {  	_ =	shalt  }
0x4a: {  	_ =	shalt  }
0x4b: {  	_ =	shalt  }
0x4c: {  	_ =	shalt  }
0x4d: {  	_ =	shalt  }
0x4e: {  	_ =	shalt  }
0x4f: {  	_ =	shalt  }
0x50: {  	_ =	shalt  }
0x51: {  	_ =	shalt  }
0x52: {  	_ =	shalt  }
0x53: {  	_ =	shalt  }
0x54: {  	_ =	shalt  }
0x55: {  	_ =	shalt  }
0x56: {  	_ =	shalt  }
0x57: {  	_ =	shalt  }
0x58: {  	_ =	shalt  }
0x59: {  	_ =	shalt  }
0x5a: {  	_ =	shalt  }
0x5b: {  	_ =	shalt  }
0x5c: {  	_ =	shalt  }
0x5d: {  	_ =	shalt  }
0x5e: {  	_ =	shalt  }
0x5f: {  	_ =	shalt  }
0x60: {  	_ =	shalt  }
0x61: {  	_ =	shalt  }
0x62: {  	_ =	shalt  }
0x63: {  	_ =	shalt  }
0x64: {  	_ =	shalt  }
0x65: {  	_ =	shalt  }
0x66: {  	_ =	shalt  }
0x67: {  	_ =	shalt  }
0x68: {  	_ =	shalt  }
0x69: {  	_ =	shalt  }
0x6a: {  	_ =	shalt  }
0x6b: {  	_ =	shalt  }
0x6c: {  	_ =	shalt  }
0x6d: {  	_ =	shalt  }
0x6e: {  	_ =	shalt  }
0x6f: {  	_ =	shalt  }
0x70: {  	_ =	shalt  }
0x71: {  	_ =	shalt  }
0x72: {  	_ =	shalt  }
0x73: {  	_ =	shalt  }
0x74: {  	_ =	shalt  }
0x75: {  	_ =	shalt  }
0x76: {  	_ =	shalt  }
0x77: {  	_ =	shalt  }
0x78: {  	_ =	shalt  }
0x79: {  	_ =	shalt  }
0x7a: {  	_ =	shalt  }
0x7b: {  	_ =	shalt  }
0x7c: {  	_ =	shalt  }
0x7d: {  	_ =	shalt  }
0x7e: {  	_ =	shalt  }
0x7f: {  	_ =	shalt  }
0x80: {  	_ =	shalt  }
0x81: {  	_ =	shalt  }
0x82: {  	_ =	shalt  }
0x83: {  	_ =	shalt  }
0x84: {  	_ =	shalt  }
0x85: {  	_ =	shalt  }
0x86: {  	_ =	shalt  }
0x87: {  	_ =	shalt  }
.Lfunc_end0:
.L_simem_size_0:
called_computation_lowered:
.L_overlay_start_0:
0x88: {  	s2 =	sld [smem:$0x3FD9]  }
0x89: {  	s3 =	sld [smem:$0x3FFE];
	_ =	sdelay $0x1  }
0x8a: {  	s1 =	srdreg.scid  }
0x8b: {  	s0 =	sand.u32 $0x1, s1  }
0x8c: {  	s17 =	sshll.u32 s0, $0xA;
	s2 =	sadd.s32 s3, s2  }
0x8d: {  	s2 =	sadd.s32 s2, s17  }
0x8e: {  	[smem:$0x3FC5] =	sst s2  }
0x8f: {  	_ = 	snop  }
0x90: {  	s2 =	sld [smem:$0x3FD0];
	(tm) =	ssettm $0x1  }
0x91: {  	s18 =	sld [smem:$0x3FFB];
	_ =	sdelay $0x3  }
0x92: {  	_ =	strace s18  }
0x93: {  	s3 =	sld [smem:$0x3FFC];
	_ =	sdelay $0x3  }
0x94: {  	_ =	strace s3  }
0x95: {  	s3 =	sld [smem:$0x3FFD];
	_ =	sdelay $0x3  }
0x96: {  	_ =	strace s3  }
0x97: {  	_ =	strace $0x8FFFFFFF  }
0x98: {  	s19 =	sld [smem:$0x3FDB];
	_ =	sdelay $0x1  }
0x99: {  	s4 =	simm.s32 $_scs_section_size  }
0x9a: {  	s5 =	simm.s32 $_size__tile_overlayer_lowered;
	s6 =	simm.s32 $_tile_overlayer_lowered  }
0x9b: {  	s22 =	simm.s32 $0x1BFF;
	s21 =	sshll.u32 s6, $0x1;
	s3 =	sadd.s32 s4, s19  }
0x9c: {  	s7 =	simm.s32 $0x0;
	s20 =	sshll.u32 s5, $0x1;
	s5 =	sadd.s32 s21, s3  }
0x9d: {  	[timem:s7], [sflag:s22] =	dma.local [hbm:s5], s20  }
0x9e: {  	_ =	swait.ge [sflag:s22], s20  }
0x9f: {  	s4 =	ssub.s32 $0x0, s20;
	[sflag:s22] =	ssyncset.done $0x0  }
0xa0: {  	[sflag:s22] =	ssyncadd.s32 s4;
	_ =	sdelay $0x1  }
0xa1: {  	s23 =	simm.s32 $0x1B8B  }
0xa2: {  	_ =	swait.ge [sflag:s23], $0x1  }
0xa3: {  	[sflag:s23] =	ssyncset.done $0x0  }
0xa4: {  	s25 =	simm.s32 $0x1B8E;
	s24 =	sld [smem:$0x3FFE];
	[sflag:s23] =	ssyncadd.s32 $0xFFFFFFFF  }
0xa5: {  	s26 =	simm.s32 $execute0_lowered;
	[smem:$0x3FD2] =	sst s25  }
0xa6: {  	s5 =	sshll.u32 s26, $0x1;
	_ =	strace $0x80000046;
	[dreg:$0x1] =	wrdreg $0xFFFFFFFF  }
0xa7: {  	s28 =	simm.s32 $_size_execute0_lowered;
	s3 =	sadd.s32 s3, s5;
	[dreg:$0x0] =	wrdreg $0x0  }
0xa8: {  	s5 =	sshll.u32 s28, $0x1;
	[dreg:$0x2] =	wrdreg s3  }
0xa9: {  	[dreg:$0x3] =	wrdreg s5  }
0xaa: {  	[dreg:$0x4] =	wrdreg $0xC0  }
0xab: {  	_ =	task [dreg:s7], $0x5FFFF  }
0xac: {  	[dreg:$0x1] =	wrdreg $0xFFFFFFFF  }
0xad: {  	[dreg:$0x0] =	wrdreg $0x60  }
0xae: {  	[dreg:$0x2] =	wrdreg s2  }
0xaf: {  	[dreg:$0x3] =	wrdreg s24  }
0xb0: {  	[dreg:$0x4] =	wrdreg $0x36000  }
0xb1: {  	[dreg:$0x5] =	wrdreg $0x37800  }
0xb2: {  	[dreg:$0x6] =	wrdreg $0x9  }
0xb3: {  	_ =	task.clear_ibuf [dreg:s7], $0x7FFFF;
	_ =	strace $0x90000046  }
0xb4: {  	s29 =	simm.s32 $0x9;
	_ =	strace $0x80000048  }
0xb5: {  	_ =	swait.ge [sflag:s29], $0x1  }
0xb6: {  	[sflag:s29] =	ssyncadd.s32 $0xFFFFFFFF  }
0xb7: {  	_ =	strace $0x90000048  }
0xb8: {  	_ =	sfence  }
0xb9: {  	s30 =	sld [smem:$0x0];
	_ =	sdelay $0x2  }
0xba: {  	s31 =	sshll.u32 s1, $0xD;
	s1 =	sshrl.u32 s1, $0x2  }
0xbb: {  	s3 =	sand.u32 $0x4000, s31;
	s1 =	sadd.s32 s1, s30  }
0xbc: {  	s0 =	sor.u32 s3, s0;
	s1 =	sshll.u32 s1, $0x11  }
0xbd: {  	s0 =	sor.u32 s1, s0  }
0xbe: {  	s0 =	sadd.s32 $0x8F2B, s0  }
0xbf: {  	[sflag:s0] =	ssyncadd.remote.s32 $0x1  }
0xc0: {  	_ =	sfence.sel $0xFFFF  }
0xc1: {  	[dreg:$0x0] =	wrdreg $0xFFFFFFFF;
	(pc) =	sbr.abs _section_cstart, $3  }
0xc2: {  	[dreg:$0x1] =	wrdreg $0xFFFFFFFF  }
0xc3: {  	_ =	task.clear_ibuf [dreg:s7], $0x2FFFF;
	_ =	strace $0x9FFFFFFF  }
0xc4: {  	(tm) =	ssettm $0x7FFFFFFF  }
0xc5: {  	_ =	shalt  }
tec
execute0_lowered:
.L_overlay_start_1:
0x0: {  	(tag) =	ssettag $0x1  }
0x1: {  	s0 =	srdreg.scid;
	s2 =	rddreg [dreg:$0x0]  }
0x2: {  	s10 =	stileid.u32;
	s6 =	rddreg [dreg:$0x1];
	s0 =	sand.u32 $0x1, s0  }
0x3: {  	s3 =	simm.s32 $0x1;
	s7 =	rddreg [dreg:$0x2];
	s1 =	sshll.u32 s0, $0x4  }
0x4: {  	s16 =	rddreg [dreg:$0x3];
	s5 =	sand.u32 $0x7, s10;
	s1 =	sor.u32 s10, s1  }
0x5: {  	s20 =	simm.s32 $0xC00;
	p0 =	sne.s32 s5, $0x0;
	p1 =	seq.s32 s1, $0x0  }
0x6: {  	s28 =	simm.s32 $0x1;
	s29 =	simm.s32 $0x1800;
	p1 =	por !p0, !p1  }
0x7: {  	s30 =	simm.s32 $0x3000;
	s17 =	smul.u32 $0x180, s10;
	p1 =	por !p1, !p1  }
0x8: {  	s25 =	smul.u32 $0xC0, s5;
	s1 =	sshrl.u32 s1, $0x3;
	s3 =	simm.s32 @!p1 $0x0  }
0x9: {  	s0 =	ssub.s32 $0x2, s0;
	s5 =	smul.u32 $0x30, s5;
	s3 =	ssub.s32 s1, s3  }
0xa: {  	s31 =	simm.s32 $0x3180;
	s8 =	sshrl.u32 s0, $0x1;
	s4 =	smul.u32 $0xC0, s3  }
0xb: {  	s1 =	simm.s32 $0x0;
	s9 =	smul.u32 $0x1800, s3;
	s3 =	sand.u32 $0x1, s3  }
0xc: {  	s0 =	ssub.s32 s0, s8;
	[smem:$0x7FF] =	sst s1;
	p1 =	seq.s32 s3, $0x1  }
0xd: {  	s3 =	sadd.s32 s17, s7;
	s22 =	sshrl.u32 s4, $0x3;
	s15 =	sshrl.u32 s9, $0x3  }
0xe: {  	s4 =	sadd.s32 s17, s16;
	s20 =	simm.s32 @!p1 $0x0;
	s2 =	sadd.s32 s2, s15  }
0xf: {  	s18 =	sadd.s32 s20, s7;
	s19 =	sadd.s32 s20, s16;
	s21 =	sor.u32 $0x180, s20  }
0x10: {  	s24 =	sor.u32 $0x300, s20;
	s12 =	sadd.s32 $0x480, s20;
	s14 =	sadd.s32 $0x600, s20  }
0x11: {  	s17 =	sadd.s32 $0x780, s20;
	s26 =	sadd.s32 s22, s6;
	[dreg:$0x5] =	wrdreg s18  }
0x12: {  	s22 =	sadd.s32 $0x3400, s6;
	[dreg:$0x6] =	wrdreg s19;
	s23 =	sadd.s32 s21, s7  }
0x13: {  	s8 =	sadd.s32 s21, s16;
	s9 =	sadd.s32 s24, s7;
	s10 =	sadd.s32 s24, s16  }
0x14: {  	s11 =	sadd.s32 s12, s7;
	s12 =	sadd.s32 s12, s16;
	s13 =	sadd.s32 s14, s7  }
0x15: {  	s14 =	sadd.s32 s14, s16;
	s15 =	sadd.s32 s17, s7;
	s17 =	sadd.s32 s17, s16  }
0x16: {  	s19 =	sadd.s32 $0x900, s20;
	s21 =	sadd.s32 $0xA80, s20;
	s24 =	sadd.s32 $0x3800, s26  }
.Ltmp0:
0x17: {  	[dreg:$0x7] =	wrdreg s23;
	s18 =	sadd.s32 s19, s7;
	(pc) =	sbr.rel .LBB2_1-.Ltmp0, $4  }
0x18: {  	s19 =	sadd.s32 s19, s16;
	s20 =	sadd.s32 s21, s7;
	s21 =	sadd.s32 s21, s16  }
0x19: {  	s23 =	sshrl.u32 s25, $0x2;
	s25 =	sadd.s32 $0x3A00, s26;
	s26 =	smax.u32 s0, $0x1  }
0x1a: {  	v2 =	vlaneseq.u32;
	v3 =	vimm.s32 $0x0;
	v4 =	vimm.f32 $0.0e+00;
	s7 =	sadd.s32 $0x10, s5;
	s16 =	sadd.s32 $0x20, s5;
	s0 =	simm.s32 $0x3480  }
0x1b: {  	v0 =	vor.u32 s5, v2;
	s5 =	simm.s32 $0x0;
	_ =	strace $0x80000047;
	v1 =	vor.u32 s7, v2;
	v2 =	vor.u32 s16, v2;
	s16 =	simm.s32 $0x3300  }
.LBB2_5:
0x1c: {  	s5 =	sadd.s32 $0x1, s5  }
0x1d: {  	p1 =	sne.s32 s5, s26  }
.Ltmp1:
0x1e: {  	_ = 	snop;
	(pc) =	sbr.rel @!p1 .LBB2_6-.Ltmp1, $1  }
0x1f: {  	_ =	sdelay $0x3  }
.LBB2_1:
0x20: {  	[tilespmem:s1], [sflag:$0x1] =	stream.linear.gather [hbm4b:s2+s1], $0x1800, $0x38;
	[tilespmem:$0x3900] =	vst v63  }
0x21: {  	_ =	swait.ge [sflag:s28], $0x1800  }
0x22: {  	[sflag:s28] =	ssyncset.done $0x0  }
0x23: {  	[sflag:s28] =	ssyncadd.s32 $0xFFFFE800  }
0x24: {  	[tilespmem:s29], [sflag:$0x1] =	stream.linear.gather [hbm4b:s22+s1], $0x1800, $0x38;
	[tilespmem:$0x3900] =	vst v63  }
0x25: {  	_ =	swait.ge [sflag:s28], $0x1800  }
0x26: {  	[sflag:s28] =	ssyncset.done $0x0  }
0x27: {  	[sflag:s28] =	ssyncadd.s32 $0xFFFFE800  }
0x28: {  	v7 =	vld [tilespmem:s23+$0x0]  }
0x29: {  	v6 =	vld [tilespmem:s23+$0x10]  }
0x2a: {  	s6 =	simm.s32 $0x0;
	v5 =	vld [tilespmem:s23+$0x20]  }
0x2b: {  	v8 =	vld [tilespmem:s6+$0x0]  }
0x2c: {  	v9 =	vld [tilespmem:s6+$0x1800];
	_ =	sdelay $0x1  }
0x2d: {  	s7 =	simm.s32 $0x10  }
0x2e: {  	v12 =	vld [tilespmem:s7+$0x0]  }
0x2f: {  	v13 =	vimm.s32 $0x0;
	vm0 =	vgt.f32 v8, v7;
	vm1 =	veq.f32 v8, v7  }
0x30: {  	vm2 =	veq.f32 v8, v6;
	vm3 =	vlt.s32 v9, v0;
	vm4 =	veq.f32 v8, v5  }
0x31: {  	vm5 =	vlt.s32 v9, v2;
	vm6 =	vlt.s32 v9, v1;
	vm7 =	vgt.f32 v8, v5  }
0x32: {  	v9 =	vld [tilespmem:s7+$0x1800];
	vm4 =	vmand vm4, vm5;
	vm1 =	vmand vm1, vm3;
	vm2 =	vmand vm2, vm6  }
0x33: {  	vm6 =	veq.f32 v12, v5;
	vm3 =	vmor vm7, vm4;
	vm0 =	vmor vm0, vm1  }
0x34: {  	vm1 =	vgt.f32 v8, v6;
	vm4 =	vgt.f32 v12, v5;
	v8 =	vsel vm3, $0x1, v3  }
0x35: {  	v10 =	vsel vm0, $0x1, v3;
	vm0 =	vmor vm1, vm2;
	vm2 =	veq.f32 v12, v7  }
0x36: {  	vm1 =	veq.f32 v12, v6;
	v8 =	vadd.s32 v8, v3;
	v10 =	vadd.s32 v10, v3  }
0x37: {  	s7 =	simm.s32 $0x20;
	v11 =	vsel vm0, $0x1, v3;
	vm0 =	vgt.f32 v12, v7;
	vm7 =	vlt.s32 v9, v2  }
0x38: {  	s6 =	simm.s32 $0xC0;
	vm3 =	vlt.s32 v9, v0;
	vm5 =	vlt.s32 v9, v1;
	v9 =	vld [tilespmem:s7+$0x0];
	vm6 =	vmand vm6, vm7  }
.LBB2_2:
0x39: {  	p1 =	sne.s32 s6, $0x5FC0;
	v14 =	vld [tilespmem:s7+$0x1800];
	vm2 =	vmand vm2, vm3;
	vm1 =	vmand vm1, vm5;
	vm3 =	vmor vm4, vm6  }
0x3a: {  	vm0 =	vmor vm0, vm2;
	vm2 =	vgt.f32 v12, v6;
	v12 =	vsel vm3, $0x1, v3  }
.Ltmp2:
0x3b: {  	v15 =	vsel vm0, $0x1, v3;
	vm0 =	vmor vm2, vm1;
	v8 =	vadd.s32 v12, v8;
	(pc) =	sbr.rel @p1 .LBB2_2-.Ltmp2, $4  }
0x3c: {  	v13 =	vadd.s32 v11, v13;
	v10 =	vadd.s32 v15, v10;
	v11 =	vsel vm0, $0x1, v3  }
0x3d: {  	vm0 =	vgt.f32 v9, v7;
	vm2 =	veq.f32 v9, v7;
	vm1 =	veq.f32 v9, v6;
	v12 =	vmovc v9  }
0x3e: {  	s7 =	sshra.s32 s6, $0x2;
	vm3 =	vlt.s32 v14, v0;
	vm6 =	veq.f32 v12, v5;
	vm7 =	vlt.s32 v14, v2  }
0x3f: {  	s6 =	sadd.s32 $0x40, s6;
	vm5 =	vlt.s32 v14, v1;
	vm4 =	vgt.f32 v12, v5;
	v9 =	vld [tilespmem:s7+$0x0];
	vm6 =	vmand vm6, vm7  }
0x40: {  	v14 =	vld [tilespmem:s7+$0x1800];
	[tilespmem:$0x3000] =	vst v3  }
0x41: {  	[tilespmem:$0x3180] =	vst v4  }
0x42: {  	[tilespmem:$0x3010] =	vst v3  }
0x43: {  	[tilespmem:$0x3190] =	vst v4  }
0x44: {  	[tilespmem:$0x3020] =	vst v3  }
0x45: {  	[tilespmem:$0x31A0] =	vst v4  }
0x46: {  	[tilespmem:$0x3030] =	vst v3  }
0x47: {  	[tilespmem:$0x31B0] =	vst v4  }
0x48: {  	[tilespmem:$0x3040] =	vst v3  }
0x49: {  	[tilespmem:$0x31C0] =	vst v4  }
0x4a: {  	[tilespmem:$0x3050] =	vst v3  }
0x4b: {  	[tilespmem:$0x31D0] =	vst v4  }
0x4c: {  	[tilespmem:$0x3060] =	vst v3  }
0x4d: {  	[tilespmem:$0x31E0] =	vst v4  }
0x4e: {  	[tilespmem:$0x3070] =	vst v3  }
0x4f: {  	[tilespmem:$0x31F0] =	vst v4  }
0x50: {  	[tilespmem:$0x3080] =	vst v3  }
0x51: {  	[tilespmem:$0x3200] =	vst v4  }
0x52: {  	[tilespmem:$0x3090] =	vst v3  }
0x53: {  	[tilespmem:$0x3210] =	vst v4  }
0x54: {  	[tilespmem:$0x30A0] =	vst v3  }
0x55: {  	[tilespmem:$0x3220] =	vst v4  }
0x56: {  	[tilespmem:$0x30B0] =	vst v3  }
0x57: {  	[tilespmem:$0x3230] =	vst v4  }
0x58: {  	[tilespmem:$0x30C0] =	vst v3  }
0x59: {  	[tilespmem:$0x3240] =	vst v4  }
0x5a: {  	[tilespmem:$0x30D0] =	vst v3  }
0x5b: {  	[tilespmem:$0x3250] =	vst v4  }
0x5c: {  	[tilespmem:$0x30E0] =	vst v3  }
0x5d: {  	[tilespmem:$0x3260] =	vst v4  }
0x5e: {  	[tilespmem:$0x30F0] =	vst v3  }
0x5f: {  	[tilespmem:$0x3270] =	vst v4  }
0x60: {  	[tilespmem:$0x3100] =	vst v3  }
0x61: {  	[tilespmem:$0x3280] =	vst v4  }
0x62: {  	[tilespmem:$0x3110] =	vst v3  }
0x63: {  	vm2 =	vmand vm2, vm3;
	[tilespmem:$0x3290] =	vst v4  }
0x64: {  	vm1 =	vmand vm1, vm5;
	vm12 =	vgt.f32 v12, v6;
	[tilespmem:$0x3120] =	vst v3;
	vm0 =	vmor vm0, vm2  }
0x65: {  	vm3 =	vmor vm4, vm6;
	[tilespmem:$0x32A0] =	vst v4;
	vm13 =	vmor vm12, vm1;
	v57 =	vsel vm0, $0x1, v3  }
0x66: {  	v11 =	vadd.s32 v11, v13;
	[tilespmem:$0x3130] =	vst v3;
	v58 =	vsel vm13, $0x1, v3;
	v10 =	vadd.s32 v57, v10  }
0x67: {  	[tilespmem:$0x32B0] =	vst v4;
	v11 =	vadd.s32 v58, v11;
	vm15 =	veq.f32 v9, v7;
	vm8 =	vlt.s32 v14, v0  }
0x68: {  	[tilespmem:$0x3140] =	vst v3;
	vm14 =	vgt.f32 v9, v7;
	vm9 =	veq.f32 v9, v6;
	vm1 =	vmand vm15, vm8  }
0x69: {  	[tilespmem:$0x32C0] =	vst v4;
	vm10 =	veq.f32 v9, v5;
	vm12 =	vlt.s32 v14, v1;
	vm0 =	vmor vm14, vm1  }
0x6a: {  	[tilespmem:$0x3150] =	vst v3;
	vm13 =	vmand vm9, vm12;
	vm14 =	vgt.f32 v9, v6;
	v59 =	vsel vm0, $0x1, v3  }
0x6b: {  	[tilespmem:$0x32D0] =	vst v4;
	vm11 =	vlt.s32 v14, v2;
	vm1 =	vmor vm14, vm13;
	v60 =	vadd.s32 v59, v10  }
0x6c: {  	[tilespmem:$0x3160] =	vst v3;
	vm15 =	vgt.f32 v9, v5;
	vm2 =	vmand vm10, vm11;
	v61 =	vsel vm1, $0x1, v3  }
0x6d: {  	[tilespmem:$0x32E0] =	vst v4;
	v62 =	vsel vm3, $0x1, v3;
	vm0 =	vmor vm15, vm2;
	v10 =	vadd.s32 v61, v11  }
0x6e: {  	[tilespmem:$0x3170] =	vst v3;
	v8 =	vadd.s32 v62, v8;
	v63 =	vsel vm0, $0x1, v3  }
0x6f: {  	[tilespmem:$0x32F0] =	vst v4;
	v8 =	vadd.s32 v63, v8  }
0x70: {  	[tilespmem:v60+s30+$0x0] =	vst.idx.msk $0xffff, v0  }
0x71: {  	[tilespmem:v60+s31+$0x0] =	vst.idx.msk $0xffff, v7  }
0x72: {  	[tilespmem:v10+s30+$0x0] =	vst.idx.msk $0xffff, v1  }
0x73: {  	[tilespmem:v10+s31+$0x0] =	vst.idx.msk $0xffff, v6  }
0x74: {  	[tilespmem:v8+s30+$0x0] =	vst.idx.msk $0xffff, v2  }
0x75: {  	[tilespmem:v8+s31+$0x0] =	vst.idx.msk $0xffff, v5  }
0x76: {  	[spmem:s3] =	stream.linear.scatter [tilespmem:s30], [sflag:$0x1], $0x180, $0x38;
	[tilespmem:$0x3900] =	vst v63  }
0x77: {  	_ =	swait.ge [sflag:s28], $0x180  }
0x78: {  	[sflag:s28] =	ssyncset.done $0x0  }
0x79: {  	[sflag:s28] =	ssyncadd.s32 $0xFFFFFE80  }
0x7a: {  	[spmem:s4] =	stream.linear.scatter [tilespmem:s31], [sflag:$0x1], $0x180, $0x38;
	[tilespmem:$0x3900] =	vst v63  }
.Ltmp3:
0x7b: {  	_ =	swait.ge [sflag:s28], $0x180;
	(pc) =	sbr.rel @p0 .LBB2_5-.Ltmp3, $3  }
0x7c: {  	[sflag:s28] =	ssyncset.done $0x0  }
0x7d: {  	[sflag:s28] =	ssyncadd.s32 $0xFFFFFE80  }
0x7e: {  	[bflag:$0x0] =	sbarrier.arrive $0xFFFF;
	_ =	sdelay $0x1  }
0x7f: {  	[tilespmem:$0x3000] =	vst v3  }
0x80: {  	[tilespmem:$0x3180] =	vst v4  }
0x81: {  	[tilespmem:$0x3010] =	vst v3  }
0x82: {  	[tilespmem:$0x3190] =	vst v4  }
0x83: {  	[tilespmem:$0x3020] =	vst v3  }
0x84: {  	[tilespmem:$0x31A0] =	vst v4  }
0x85: {  	[tilespmem:$0x3030] =	vst v3  }
0x86: {  	[tilespmem:$0x31B0] =	vst v4  }
0x87: {  	[tilespmem:$0x3040] =	vst v3  }
0x88: {  	[tilespmem:$0x31C0] =	vst v4  }
0x89: {  	[tilespmem:$0x3050] =	vst v3  }
0x8a: {  	[tilespmem:$0x31D0] =	vst v4  }
0x8b: {  	[tilespmem:$0x3060] =	vst v3  }
0x8c: {  	[tilespmem:$0x31E0] =	vst v4  }
0x8d: {  	[tilespmem:$0x3070] =	vst v3  }
0x8e: {  	[tilespmem:$0x31F0] =	vst v4  }
0x8f: {  	[tilespmem:$0x3080] =	vst v3  }
0x90: {  	[tilespmem:$0x3200] =	vst v4  }
0x91: {  	[tilespmem:$0x3090] =	vst v3  }
0x92: {  	[tilespmem:$0x3210] =	vst v4  }
0x93: {  	[tilespmem:$0x30A0] =	vst v3  }
0x94: {  	[tilespmem:$0x3220] =	vst v4  }
0x95: {  	[tilespmem:$0x30B0] =	vst v3  }
0x96: {  	[tilespmem:$0x3230] =	vst v4  }
0x97: {  	[tilespmem:$0x30C0] =	vst v3  }
0x98: {  	[tilespmem:$0x3240] =	vst v4  }
0x99: {  	[tilespmem:$0x30D0] =	vst v3  }
0x9a: {  	[tilespmem:$0x3250] =	vst v4  }
0x9b: {  	[tilespmem:$0x30E0] =	vst v3  }
0x9c: {  	[tilespmem:$0x3260] =	vst v4  }
0x9d: {  	[tilespmem:$0x30F0] =	vst v3  }
0x9e: {  	[tilespmem:$0x3270] =	vst v4  }
0x9f: {  	[tilespmem:$0x3100] =	vst v3  }
0xa0: {  	[tilespmem:$0x3280] =	vst v4  }
0xa1: {  	[tilespmem:$0x3110] =	vst v3  }
0xa2: {  	[tilespmem:$0x3290] =	vst v4  }
0xa3: {  	[tilespmem:$0x3120] =	vst v3  }
0xa4: {  	[tilespmem:$0x32A0] =	vst v4  }
0xa5: {  	[tilespmem:$0x3130] =	vst v3  }
0xa6: {  	[tilespmem:$0x32B0] =	vst v4  }
0xa7: {  	[tilespmem:$0x3140] =	vst v3  }
0xa8: {  	[tilespmem:$0x32C0] =	vst v4  }
0xa9: {  	[tilespmem:$0x3150] =	vst v3  }
0xaa: {  	[tilespmem:$0x32D0] =	vst v4  }
0xab: {  	[tilespmem:$0x3160] =	vst v3  }
0xac: {  	[tilespmem:$0x32E0] =	vst v4  }
0xad: {  	[tilespmem:$0x3170] =	vst v3  }
0xae: {  	[tilespmem:$0x32F0] =	vst v4;
	s6 =	rddreg [dreg:$0x5]  }
0xaf: {  	[tilespmem:s16], [sflag:$0x1] =	stream.linear.gather [spmem:s6], $0x180, $0x38;
	[tilespmem:$0x3900] =	vst v63  }
0xb0: {  	_ =	swait.ge [sflag:s28], $0x180  }
0xb1: {  	[sflag:s28] =	ssyncset.done $0x0  }
0xb2: {  	s7 =	rddreg [dreg:$0x6];
	[sflag:s28] =	ssyncadd.s32 $0xFFFFFE80  }
0xb3: {  	[tilespmem:s0], [sflag:$0x1] =	stream.linear.gather [spmem:s7], $0x180, $0x38;
	[tilespmem:$0x3900] =	vst v63  }
0xb4: {  	_ =	swait.ge [sflag:s28], $0x180  }
0xb5: {  	[sflag:s28] =	ssyncset.done $0x0  }
0xb6: {  	[sflag:s28] =	ssyncadd.s32 $0xFFFFFE80  }
0xb7: {  	v5 =	vld [tilespmem:$0x3000]  }
0xb8: {  	v6 =	vld [tilespmem:$0x3300]  }
0xb9: {  	v7 =	vld [tilespmem:$0x3180]  }
0xba: {  	v8 =	vld [tilespmem:$0x3480]  }
0xbb: {  	v9 =	vld [tilespmem:$0x3010]  }
0xbc: {  	v10 =	vld [tilespmem:$0x3310]  }
0xbd: {  	v11 =	vld [tilespmem:$0x3190]  }
0xbe: {  	v12 =	vld [tilespmem:$0x3490]  }
0xbf: {  	v13 =	vld [tilespmem:$0x3020]  }
0xc0: {  	v14 =	vld [tilespmem:$0x3320]  }
0xc1: {  	v15 =	vld [tilespmem:$0x31A0]  }
0xc2: {  	v16 =	vld [tilespmem:$0x34A0]  }
0xc3: {  	v17 =	vld [tilespmem:$0x3030]  }
0xc4: {  	v18 =	vld [tilespmem:$0x3330]  }
0xc5: {  	v19 =	vld [tilespmem:$0x31B0]  }
0xc6: {  	v20 =	vld [tilespmem:$0x34B0]  }
0xc7: {  	v21 =	vld [tilespmem:$0x3040]  }
0xc8: {  	v22 =	vld [tilespmem:$0x3340]  }
0xc9: {  	v23 =	vld [tilespmem:$0x31C0]  }
0xca: {  	v24 =	vld [tilespmem:$0x34C0]  }
0xcb: {  	v25 =	vld [tilespmem:$0x3050]  }
0xcc: {  	v26 =	vld [tilespmem:$0x3350]  }
0xcd: {  	v27 =	vld [tilespmem:$0x31D0]  }
0xce: {  	v28 =	vld [tilespmem:$0x34D0]  }
0xcf: {  	v29 =	vld [tilespmem:$0x3060]  }
0xd0: {  	v30 =	vld [tilespmem:$0x3360]  }
0xd1: {  	v31 =	vld [tilespmem:$0x31E0]  }
0xd2: {  	v32 =	vld [tilespmem:$0x34E0]  }
0xd3: {  	v33 =	vld [tilespmem:$0x3070]  }
0xd4: {  	v34 =	vld [tilespmem:$0x3370]  }
0xd5: {  	v35 =	vld [tilespmem:$0x31F0]  }
0xd6: {  	v36 =	vld [tilespmem:$0x34F0]  }
0xd7: {  	v37 =	vld [tilespmem:$0x3080]  }
0xd8: {  	v38 =	vld [tilespmem:$0x3380]  }
0xd9: {  	v39 =	vld [tilespmem:$0x3200]  }
0xda: {  	v40 =	vld [tilespmem:$0x3500]  }
0xdb: {  	v41 =	vld [tilespmem:$0x3090]  }
0xdc: {  	v42 =	vld [tilespmem:$0x3390]  }
0xdd: {  	v43 =	vld [tilespmem:$0x3210]  }
0xde: {  	v44 =	vld [tilespmem:$0x3510]  }
0xdf: {  	v45 =	vld [tilespmem:$0x30A0]  }
0xe0: {  	v46 =	vld [tilespmem:$0x33A0]  }
0xe1: {  	v47 =	vld [tilespmem:$0x3220]  }
0xe2: {  	v48 =	vld [tilespmem:$0x3520]  }
0xe3: {  	v49 =	vld [tilespmem:$0x30B0]  }
0xe4: {  	v50 =	vld [tilespmem:$0x33B0]  }
0xe5: {  	v51 =	vld [tilespmem:$0x3230]  }
0xe6: {  	v52 =	vld [tilespmem:$0x3530]  }
0xe7: {  	v53 =	vld [tilespmem:$0x30C0]  }
0xe8: {  	v54 =	vld [tilespmem:$0x33C0]  }
0xe9: {  	v55 =	vld [tilespmem:$0x3240]  }
0xea: {  	v56 =	vld [tilespmem:$0x3540]  }
0xeb: {  	v57 =	vld [tilespmem:$0x30D0]  }
0xec: {  	v58 =	vld [tilespmem:$0x33D0]  }
0xed: {  	v61 =	vld [tilespmem:$0x32B0];
	v5 =	vadd.s32 v5, v6  }
0xee: {  	v62 =	vld [tilespmem:$0x35B0];
	v14 =	vadd.s32 v13, v14;
	[tilespmem:$0x3000] =	vst v5  }
0xef: {  	v6 =	vadd.f32 v8, v7;
	v7 =	vld [tilespmem:$0x3250];
	v18 =	vadd.s32 v17, v18;
	[tilespmem:$0x3020] =	vst v14  }
0xf0: {  	v12 =	vadd.f32 v12, v11;
	v11 =	vld [tilespmem:$0x3260];
	v22 =	vadd.s32 v21, v22;
	[tilespmem:$0x3030] =	vst v18  }
0xf1: {  	v8 =	vld [tilespmem:$0x3560];
	v26 =	vadd.s32 v25, v26;
	[tilespmem:$0x3040] =	vst v22  }
0xf2: {  	v13 =	vld [tilespmem:$0x30F0];
	v30 =	vadd.s32 v29, v30;
	[tilespmem:$0x3050] =	vst v26  }
0xf3: {  	v16 =	vadd.f32 v16, v15;
	v15 =	vld [tilespmem:$0x3270];
	v34 =	vadd.s32 v33, v34;
	[tilespmem:$0x3060] =	vst v30  }
0xf4: {  	v17 =	vld [tilespmem:$0x3100];
	v38 =	vadd.s32 v37, v38;
	[tilespmem:$0x3070] =	vst v34  }
0xf5: {  	v20 =	vadd.f32 v20, v19;
	v19 =	vld [tilespmem:$0x3280];
	v42 =	vadd.s32 v41, v42;
	[tilespmem:$0x3080] =	vst v38  }
0xf6: {  	v21 =	vld [tilespmem:$0x3110];
	v45 =	vadd.s32 v45, v46;
	[tilespmem:$0x3090] =	vst v42  }
0xf7: {  	v24 =	vadd.f32 v24, v23;
	v23 =	vld [tilespmem:$0x3290];
	v49 =	vadd.s32 v49, v50;
	[tilespmem:$0x30A0] =	vst v45  }
0xf8: {  	v25 =	vld [tilespmem:$0x3120];
	v59 =	vadd.s32 v53, v54;
	[tilespmem:$0x30B0] =	vst v49  }
0xf9: {  	v46 =	vadd.f32 v48, v47;
	v47 =	vld [tilespmem:$0x32A0];
	v63 =	vadd.s32 v57, v58;
	[tilespmem:$0x30C0] =	vst v59  }
0xfa: {  	v48 =	vld [tilespmem:$0x35A0];
	[tilespmem:$0x30D0] =	vst v63  }
0xfb: {  	v50 =	vadd.f32 v52, v51;
	v51 =	vld [tilespmem:$0x3130];
	[tilespmem:$0x3180] =	vst v6  }
0xfc: {  	v52 =	vld [tilespmem:$0x3430];
	[tilespmem:$0x3190] =	vst v12  }
0xfd: {  	v33 =	vld [tilespmem:$0x3440];
	[tilespmem:$0x31A0] =	vst v16  }
0xfe: {  	v28 =	vadd.f32 v28, v27;
	v40 =	vadd.f32 v40, v39;
	v39 =	vld [tilespmem:$0x32D0];
	[tilespmem:$0x31B0] =	vst v20  }
0xff: {  	v32 =	vadd.f32 v32, v31;
	v44 =	vadd.f32 v44, v43;
	v43 =	vld [tilespmem:$0x3160];
	[tilespmem:$0x31C0] =	vst v24  }
0x100: {  	v36 =	vadd.f32 v36, v35;
	v53 =	vld [tilespmem:$0x32F0];
	[tilespmem:$0x31D0] =	vst v28  }
0x101: {  	v5 =	vld [tilespmem:$0x3550];
	[tilespmem:$0x31E0] =	vst v32  }
0x102: {  	v14 =	vld [tilespmem:$0x3400];
	[tilespmem:$0x31F0] =	vst v36  }
0x103: {  	v18 =	vld [tilespmem:$0x3410];
	[tilespmem:$0x3200] =	vst v40  }
0x104: {  	v22 =	vld [tilespmem:$0x3420];
	[tilespmem:$0x3210] =	vst v44  }
0x105: {  	v60 =	vadd.f32 v56, v55;
	v34 =	vld [tilespmem:$0x32C0];
	[tilespmem:$0x3220] =	vst v46  }
0x106: {  	v6 =	vadd.s32 v9, v10;
	v9 =	vld [tilespmem:$0x30E0];
	[tilespmem:$0x3230] =	vst v50  }
0x107: {  	v10 =	vld [tilespmem:$0x33F0];
	[tilespmem:$0x3240] =	vst v60;
	v50 =	vadd.f32 v62, v61  }
0x108: {  	v12 =	vld [tilespmem:$0x3570];
	[tilespmem:$0x3010] =	vst v6  }
0x109: {  	v16 =	vld [tilespmem:$0x3580];
	[tilespmem:$0x32B0] =	vst v50;
	v49 =	vadd.s32 v51, v52  }
0x10a: {  	v6 =	vld [tilespmem:$0x33E0];
	v37 =	vadd.s32 v17, v14;
	[tilespmem:$0x3130] =	vst v49  }
0x10b: {  	v20 =	vld [tilespmem:$0x3590];
	v41 =	vadd.s32 v21, v18;
	[tilespmem:$0x3100] =	vst v37  }
0x10c: {  	v36 =	vld [tilespmem:$0x3150];
	v46 =	vadd.f32 v48, v47;
	v45 =	vadd.s32 v25, v22;
	[tilespmem:$0x3110] =	vst v41  }
0x10d: {  	v40 =	vld [tilespmem:$0x35D0];
	v5 =	vadd.f32 v5, v7;
	[tilespmem:$0x3120] =	vst v45  }
0x10e: {  	v44 =	vld [tilespmem:$0x3460];
	[tilespmem:$0x32A0] =	vst v46  }
0x10f: {  	v7 =	vld [tilespmem:$0x3140];
	[tilespmem:$0x3250] =	vst v5;
	v5 =	vadd.s32 v9, v6;
	v6 =	vadd.f32 v8, v11  }
0x110: {  	[tilespmem:$0x30E0] =	vst v5;
	v5 =	vld [tilespmem:$0x35C0]  }
0x111: {  	v47 =	vld [tilespmem:$0x32E0];
	v35 =	vadd.f32 v12, v15;
	[tilespmem:$0x3260] =	vst v6;
	v6 =	vadd.s32 v13, v10  }
0x112: {  	v38 =	vadd.f32 v16, v19;
	[tilespmem:$0x30F0] =	vst v6;
	v6 =	vld [tilespmem:$0x3450]  }
0x113: {  	v48 =	vld [tilespmem:$0x35E0];
	v42 =	vadd.f32 v20, v23;
	[tilespmem:$0x3270] =	vst v35  }
0x114: {  	v51 =	vld [tilespmem:$0x3170];
	[tilespmem:$0x3280] =	vst v38  }
0x115: {  	v52 =	vld [tilespmem:$0x3470];
	[tilespmem:$0x3290] =	vst v42;
	v7 =	vadd.s32 v7, v33;
	v5 =	vadd.f32 v5, v34  }
0x116: {  	[tilespmem:$0x3140] =	vst v7;
	v7 =	vld [tilespmem:$0x35F0]  }
0x117: {  	[tilespmem:$0x32C0] =	vst v5;
	v5 =	vadd.s32 v36, v6;
	v6 =	vadd.f32 v40, v39  }
0x118: {  	[tilespmem:$0x3150] =	vst v5  }
0x119: {  	v5 =	vadd.s32 v43, v44;
	[tilespmem:$0x32D0] =	vst v6;
	v6 =	vadd.f32 v48, v47  }
0x11a: {  	[tilespmem:$0x3160] =	vst v5  }
0x11b: {  	v5 =	vadd.s32 v51, v52;
	[tilespmem:$0x32E0] =	vst v6;
	v6 =	vadd.f32 v7, v53  }
0x11c: {  	[tilespmem:$0x3170] =	vst v5  }
0x11d: {  	s7 =	rddreg [dreg:$0x7];
	[tilespmem:$0x32F0] =	vst v6  }
0x11e: {  	[tilespmem:s16], [sflag:$0x1] =	stream.linear.gather [spmem:s7], $0x180, $0x38;
	[tilespmem:$0x3900] =	vst v63  }
0x11f: {  	_ =	swait.ge [sflag:s28], $0x180  }
0x120: {  	[sflag:s28] =	ssyncset.done $0x0  }
0x121: {  	[sflag:s28] =	ssyncadd.s32 $0xFFFFFE80  }
0x122: {  	[tilespmem:s0], [sflag:$0x1] =	stream.linear.gather [spmem:s8], $0x180, $0x38;
	[tilespmem:$0x3900] =	vst v63  }
0x123: {  	_ =	swait.ge [sflag:s28], $0x180  }
0x124: {  	[sflag:s28] =	ssyncset.done $0x0  }
0x125: {  	[sflag:s28] =	ssyncadd.s32 $0xFFFFFE80  }
0x126: {  	v5 =	vld [tilespmem:$0x3000]  }
0x127: {  	v6 =	vld [tilespmem:$0x3300]  }
0x128: {  	v7 =	vld [tilespmem:$0x3180]  }
0x129: {  	v54 =	vld [tilespmem:$0x3480]  }
0x12a: {  	v55 =	vld [tilespmem:$0x3010]  }
0x12b: {  	v56 =	vld [tilespmem:$0x3310]  }
0x12c: {  	v57 =	vld [tilespmem:$0x3190]  }
0x12d: {  	v58 =	vld [tilespmem:$0x3490]  }
0x12e: {  	v59 =	vld [tilespmem:$0x3020]  }
0x12f: {  	v60 =	vld [tilespmem:$0x3320]  }
0x130: {  	v61 =	vld [tilespmem:$0x31A0]  }
0x131: {  	v62 =	vld [tilespmem:$0x34A0]  }
0x132: {  	v63 =	vld [tilespmem:$0x3030]  }
0x133: {  	v28 =	vld [tilespmem:$0x3330]  }
0x134: {  	v29 =	vld [tilespmem:$0x31B0]  }
0x135: {  	v30 =	vld [tilespmem:$0x34B0]  }
0x136: {  	v31 =	vld [tilespmem:$0x3040]  }
0x137: {  	v32 =	vld [tilespmem:$0x3340]  }
0x138: {  	v33 =	vld [tilespmem:$0x31C0]  }
0x139: {  	v34 =	vld [tilespmem:$0x34C0]  }
0x13a: {  	v35 =	vld [tilespmem:$0x3050]  }
0x13b: {  	v36 =	vld [tilespmem:$0x3350]  }
0x13c: {  	v38 =	vld [tilespmem:$0x3060];
	v5 =	vadd.s32 v5, v6  }
0x13d: {  	v41 =	vld [tilespmem:$0x31E0];
	v39 =	vadd.s32 v59, v60;
	[tilespmem:$0x3000] =	vst v5  }
0x13e: {  	v42 =	vld [tilespmem:$0x34E0];
	v43 =	vadd.s32 v63, v28;
	[tilespmem:$0x3020] =	vst v39  }
0x13f: {  	v45 =	vld [tilespmem:$0x3070];
	v47 =	vadd.s32 v31, v32;
	[tilespmem:$0x3030] =	vst v43  }
0x140: {  	v6 =	vadd.f32 v54, v7;
	v7 =	vld [tilespmem:$0x31D0];
	v51 =	vadd.s32 v35, v36;
	[tilespmem:$0x3040] =	vst v47  }
0x141: {  	v5 =	vld [tilespmem:$0x34D0];
	[tilespmem:$0x3050] =	vst v51  }
0x142: {  	v46 =	vld [tilespmem:$0x3370];
	v37 =	vadd.f32 v58, v57;
	[tilespmem:$0x3180] =	vst v6;
	v6 =	vadd.s32 v55, v56  }
0x143: {  	v40 =	vadd.f32 v62, v61;
	[tilespmem:$0x3010] =	vst v6;
	v6 =	vld [tilespmem:$0x3360]  }
0x144: {  	v49 =	vld [tilespmem:$0x31F0];
	v44 =	vadd.f32 v30, v29;
	[tilespmem:$0x3190] =	vst v37  }
0x145: {  	v50 =	vld [tilespmem:$0x34F0];
	v48 =	vadd.f32 v34, v33;
	[tilespmem:$0x31A0] =	vst v40  }
0x146: {  	v52 =	vld [tilespmem:$0x3380];
	[tilespmem:$0x31B0] =	vst v44;
	v5 =	vadd.f32 v5, v7  }
0x147: {  	[tilespmem:$0x31C0] =	vst v48;
	v7 =	vld [tilespmem:$0x3080]  }
0x148: {  	[tilespmem:$0x31D0] =	vst v5;
	v5 =	vadd.s32 v38, v6;
	v6 =	vadd.f32 v42, v41  }
0x149: {  	[tilespmem:$0x3060] =	vst v5  }
0x14a: {  	v5 =	vadd.s32 v45, v46;
	[tilespmem:$0x31E0] =	vst v6;
	v6 =	vadd.f32 v50, v49  }
0x14b: {  	[tilespmem:$0x3070] =	vst v5  }
0x14c: {  	v5 =	vadd.s32 v7, v52;
	[tilespmem:$0x31F0] =	vst v6  }
0x14d: {  	[tilespmem:$0x3080] =	vst v5  }
0x14e: {  	v5 =	vld [tilespmem:$0x3200]  }
0x14f: {  	v6 =	vld [tilespmem:$0x3500]  }
0x150: {  	v7 =	vld [tilespmem:$0x3090]  }
0x151: {  	v8 =	vld [tilespmem:$0x3390]  }
0x152: {  	v9 =	vld [tilespmem:$0x3210]  }
0x153: {  	v53 =	vld [tilespmem:$0x3510]  }
0x154: {  	v11 =	vld [tilespmem:$0x30A0]  }
0x155: {  	v12 =	vld [tilespmem:$0x33A0]  }
0x156: {  	v54 =	vld [tilespmem:$0x3220]  }
0x157: {  	v55 =	vld [tilespmem:$0x3520]  }
0x158: {  	v56 =	vld [tilespmem:$0x30B0]  }
0x159: {  	v57 =	vld [tilespmem:$0x33B0]  }
0x15a: {  	v58 =	vld [tilespmem:$0x3230]  }
0x15b: {  	v59 =	vld [tilespmem:$0x3530]  }
0x15c: {  	v60 =	vld [tilespmem:$0x30C0]  }
0x15d: {  	v61 =	vld [tilespmem:$0x33C0]  }
0x15e: {  	v62 =	vld [tilespmem:$0x3240]  }
0x15f: {  	v63 =	vld [tilespmem:$0x3540]  }
0x160: {  	v23 =	vld [tilespmem:$0x30D0]  }
0x161: {  	v24 =	vld [tilespmem:$0x33D0]  }
0x162: {  	v25 =	vld [tilespmem:$0x3250]  }
0x163: {  	v26 =	vld [tilespmem:$0x3550]  }
0x164: {  	v27 =	vld [tilespmem:$0x30E0]  }
0x165: {  	v28 =	vld [tilespmem:$0x33E0]  }
0x166: {  	v29 =	vld [tilespmem:$0x3260]  }
0x167: {  	v30 =	vld [tilespmem:$0x3560]  }
0x168: {  	v31 =	vld [tilespmem:$0x30F0]  }
0x169: {  	v32 =	vld [tilespmem:$0x33F0]  }
0x16a: {  	v44 =	vld [tilespmem:$0x3270]  }
0x16b: {  	v45 =	vld [tilespmem:$0x3570]  }
0x16c: {  	v46 =	vld [tilespmem:$0x3100]  }
0x16d: {  	v47 =	vld [tilespmem:$0x3400]  }
0x16e: {  	v48 =	vld [tilespmem:$0x3280]  }
0x16f: {  	v49 =	vld [tilespmem:$0x3580]  }
0x170: {  	v50 =	vld [tilespmem:$0x3110]  }
0x171: {  	v51 =	vld [tilespmem:$0x3410]  }
0x172: {  	v52 =	vld [tilespmem:$0x3590]  }
0x173: {  	v42 =	vld [tilespmem:$0x3150];
	v56 =	vadd.s32 v56, v57  }
0x174: {  	v43 =	vld [tilespmem:$0x3450];
	v60 =	vadd.s32 v60, v61;
	[tilespmem:$0x30B0] =	vst v56  }
0x175: {  	v5 =	vadd.f32 v6, v5;
	v6 =	vld [tilespmem:$0x3290];
	v23 =	vadd.s32 v23, v24;
	[tilespmem:$0x30C0] =	vst v60  }
0x176: {  	v54 =	vadd.f32 v55, v54;
	v55 =	vld [tilespmem:$0x32A0];
	v27 =	vadd.s32 v27, v28;
	[tilespmem:$0x30D0] =	vst v23  }
0x177: {  	v57 =	vadd.f32 v59, v58;
	v58 =	vld [tilespmem:$0x3130];
	v32 =	vadd.s32 v31, v32;
	[tilespmem:$0x30E0] =	vst v27  }
0x178: {  	v59 =	vld [tilespmem:$0x3430];
	v34 =	vadd.f32 v45, v44;
	v44 =	vadd.s32 v46, v47;
	[tilespmem:$0x30F0] =	vst v32  }
0x179: {  	v61 =	vadd.f32 v63, v62;
	v62 =	vld [tilespmem:$0x32B0];
	v45 =	vadd.f32 v49, v48;
	v48 =	vadd.s32 v50, v51;
	[tilespmem:$0x3100] =	vst v44  }
0x17a: {  	v63 =	vld [tilespmem:$0x35B0];
	[tilespmem:$0x3110] =	vst v48  }
0x17b: {  	v24 =	vadd.f32 v26, v25;
	v25 =	vld [tilespmem:$0x3140];
	[tilespmem:$0x3200] =	vst v5  }
0x17c: {  	v26 =	vld [tilespmem:$0x3440];
	[tilespmem:$0x3220] =	vst v54  }
0x17d: {  	v28 =	vadd.f32 v30, v29;
	v29 =	vld [tilespmem:$0x32C0];
	[tilespmem:$0x3230] =	vst v57  }
0x17e: {  	v30 =	vld [tilespmem:$0x35C0];
	[tilespmem:$0x3240] =	vst v61  }
0x17f: {  	v46 =	vld [tilespmem:$0x32D0];
	[tilespmem:$0x3250] =	vst v24  }
0x180: {  	v47 =	vld [tilespmem:$0x35D0];
	v5 =	vadd.s32 v7, v8;
	v7 =	vadd.f32 v53, v9;
	[tilespmem:$0x3260] =	vst v28  }
0x181: {  	v53 =	vld [tilespmem:$0x3120];
	[tilespmem:$0x3090] =	vst v5  }
0x182: {  	v5 =	vld [tilespmem:$0x3420];
	[tilespmem:$0x3210] =	vst v7;
	v7 =	vadd.s32 v11, v12  }
0x183: {  	[tilespmem:$0x30A0] =	vst v7;
	v7 =	vld [tilespmem:$0x35A0]  }
0x184: {  	v49 =	vld [tilespmem:$0x3160];
	[tilespmem:$0x3270] =	vst v34  }
0x185: {  	v50 =	vld [tilespmem:$0x3460];
	[tilespmem:$0x3280] =	vst v45;
	v57 =	vadd.s32 v42, v43;
	v6 =	vadd.f32 v52, v6  }
0x186: {  	v56 =	vld [tilespmem:$0x35F0];
	[tilespmem:$0x3150] =	vst v57  }
0x187: {  	v51 =	vadd.f32 v63, v62;
	v52 =	vld [tilespmem:$0x3170];
	[tilespmem:$0x3290] =	vst v6;
	v5 =	vadd.s32 v53, v5  }
0x188: {  	[tilespmem:$0x3120] =	vst v5;
	v5 =	vld [tilespmem:$0x35E0];
	v6 =	vadd.f32 v7, v55  }
0x189: {  	[tilespmem:$0x32B0] =	vst v51;
	v7 =	vld [tilespmem:$0x32E0]  }
0x18a: {  	v54 =	vadd.f32 v30, v29;
	v55 =	vld [tilespmem:$0x32F0];
	[tilespmem:$0x32A0] =	vst v6;
	v6 =	vadd.s32 v58, v59  }
0x18b: {  	[tilespmem:$0x3130] =	vst v6;
	v6 =	vld [tilespmem:$0x3470]  }
0x18c: {  	[tilespmem:$0x32C0] =	vst v54;
	v53 =	vadd.s32 v25, v26  }
0x18d: {  	[tilespmem:$0x3140] =	vst v53;
	v58 =	vadd.f32 v47, v46;
	v59 =	vadd.s32 v49, v50  }
0x18e: {  	[tilespmem:$0x3160] =	vst v59;
	v5 =	vadd.f32 v5, v7  }
0x18f: {  	[tilespmem:$0x32D0] =	vst v58  }
0x190: {  	[tilespmem:$0x32E0] =	vst v5;
	v5 =	vadd.s32 v52, v6;
	v6 =	vadd.f32 v56, v55  }
0x191: {  	[tilespmem:$0x3170] =	vst v5  }
0x192: {  	[tilespmem:$0x32F0] =	vst v6  }
0x193: {  	[tilespmem:s16], [sflag:$0x1] =	stream.linear.gather [spmem:s9], $0x180, $0x38;
	[tilespmem:$0x3900] =	vst v63  }
0x194: {  	_ =	swait.ge [sflag:s28], $0x180  }
0x195: {  	[sflag:s28] =	ssyncset.done $0x0  }
0x196: {  	[sflag:s28] =	ssyncadd.s32 $0xFFFFFE80  }
0x197: {  	[tilespmem:s0], [sflag:$0x1] =	stream.linear.gather [spmem:s10], $0x180, $0x38;
	[tilespmem:$0x3900] =	vst v63  }
0x198: {  	_ =	swait.ge [sflag:s28], $0x180  }
0x199: {  	[sflag:s28] =	ssyncset.done $0x0  }
0x19a: {  	[sflag:s28] =	ssyncadd.s32 $0xFFFFFE80  }
0x19b: {  	v5 =	vld [tilespmem:$0x3000]  }
0x19c: {  	v6 =	vld [tilespmem:$0x3300]  }
0x19d: {  	v7 =	vld [tilespmem:$0x3180]  }
0x19e: {  	v8 =	vld [tilespmem:$0x3480]  }
0x19f: {  	v9 =	vld [tilespmem:$0x3010]  }
0x1a0: {  	v10 =	vld [tilespmem:$0x3310]  }
0x1a1: {  	v11 =	vld [tilespmem:$0x3190]  }
0x1a2: {  	v12 =	vld [tilespmem:$0x3490]  }
0x1a3: {  	v13 =	vld [tilespmem:$0x3020]  }
0x1a4: {  	v14 =	vld [tilespmem:$0x3320]  }
0x1a5: {  	v15 =	vld [tilespmem:$0x31A0]  }
0x1a6: {  	v16 =	vld [tilespmem:$0x34A0]  }
0x1a7: {  	v17 =	vld [tilespmem:$0x3030]  }
0x1a8: {  	v18 =	vld [tilespmem:$0x3330]  }
0x1a9: {  	v19 =	vld [tilespmem:$0x31B0]  }
0x1aa: {  	v20 =	vld [tilespmem:$0x34B0]  }
0x1ab: {  	v21 =	vld [tilespmem:$0x3040]  }
0x1ac: {  	v22 =	vld [tilespmem:$0x3340]  }
0x1ad: {  	v23 =	vld [tilespmem:$0x31C0]  }
0x1ae: {  	v24 =	vld [tilespmem:$0x34C0]  }
0x1af: {  	v25 =	vld [tilespmem:$0x3050]  }
0x1b0: {  	v26 =	vld [tilespmem:$0x3350]  }
0x1b1: {  	v27 =	vld [tilespmem:$0x31D0]  }
0x1b2: {  	v28 =	vld [tilespmem:$0x34D0]  }
0x1b3: {  	v29 =	vld [tilespmem:$0x3060]  }
0x1b4: {  	v30 =	vld [tilespmem:$0x3360]  }
0x1b5: {  	v31 =	vld [tilespmem:$0x31E0]  }
0x1b6: {  	v32 =	vld [tilespmem:$0x34E0]  }
0x1b7: {  	v33 =	vld [tilespmem:$0x3070]  }
0x1b8: {  	v34 =	vld [tilespmem:$0x3370]  }
0x1b9: {  	v35 =	vld [tilespmem:$0x31F0]  }
0x1ba: {  	v36 =	vld [tilespmem:$0x34F0]  }
0x1bb: {  	v37 =	vld [tilespmem:$0x3080]  }
0x1bc: {  	v38 =	vld [tilespmem:$0x3380]  }
0x1bd: {  	v39 =	vld [tilespmem:$0x3200]  }
0x1be: {  	v40 =	vld [tilespmem:$0x3500]  }
0x1bf: {  	v41 =	vld [tilespmem:$0x3090]  }
0x1c0: {  	v42 =	vld [tilespmem:$0x3390]  }
0x1c1: {  	v43 =	vld [tilespmem:$0x3210]  }
0x1c2: {  	v44 =	vld [tilespmem:$0x3510]  }
0x1c3: {  	v45 =	vld [tilespmem:$0x30A0]  }
0x1c4: {  	v46 =	vld [tilespmem:$0x33A0]  }
0x1c5: {  	v47 =	vld [tilespmem:$0x3220]  }
0x1c6: {  	v60 =	vld [tilespmem:$0x3520]  }
0x1c7: {  	v49 =	vld [tilespmem:$0x30B0]  }
0x1c8: {  	v61 =	vld [tilespmem:$0x33B0]  }
0x1c9: {  	v62 =	vld [tilespmem:$0x3230]  }
0x1ca: {  	v63 =	vld [tilespmem:$0x3530]  }
0x1cb: {  	v53 =	vld [tilespmem:$0x30C0]  }
0x1cc: {  	v54 =	vld [tilespmem:$0x33C0]  }
0x1cd: {  	v55 =	vld [tilespmem:$0x3240]  }
0x1ce: {  	v56 =	vld [tilespmem:$0x3540]  }
0x1cf: {  	v57 =	vld [tilespmem:$0x30D0]  }
0x1d0: {  	v58 =	vld [tilespmem:$0x33D0]  }
0x1d1: {  	v59 =	vld [tilespmem:$0x32A0];
	v5 =	vadd.s32 v5, v6  }
0x1d2: {  	v50 =	vld [tilespmem:$0x3460];
	v14 =	vadd.s32 v13, v14;
	[tilespmem:$0x3000] =	vst v5  }
0x1d3: {  	v6 =	vadd.f32 v8, v7;
	v7 =	vld [tilespmem:$0x3250];
	v18 =	vadd.s32 v17, v18;
	[tilespmem:$0x3020] =	vst v14  }
0x1d4: {  	v12 =	vadd.f32 v12, v11;
	v11 =	vld [tilespmem:$0x3260];
	v22 =	vadd.s32 v21, v22;
	[tilespmem:$0x3030] =	vst v18  }
0x1d5: {  	v8 =	vld [tilespmem:$0x3560];
	v26 =	vadd.s32 v25, v26;
	[tilespmem:$0x3040] =	vst v22  }
0x1d6: {  	v13 =	vld [tilespmem:$0x30F0];
	v30 =	vadd.s32 v29, v30;
	[tilespmem:$0x3050] =	vst v26  }
0x1d7: {  	v16 =	vadd.f32 v16, v15;
	v15 =	vld [tilespmem:$0x3270];
	v34 =	vadd.s32 v33, v34;
	[tilespmem:$0x3060] =	vst v30  }
0x1d8: {  	v17 =	vld [tilespmem:$0x3100];
	v38 =	vadd.s32 v37, v38;
	[tilespmem:$0x3070] =	vst v34  }
0x1d9: {  	v20 =	vadd.f32 v20, v19;
	v19 =	vld [tilespmem:$0x3280];
	v42 =	vadd.s32 v41, v42;
	[tilespmem:$0x3080] =	vst v38  }
0x1da: {  	v21 =	vld [tilespmem:$0x3110];
	v46 =	vadd.s32 v45, v46;
	[tilespmem:$0x3090] =	vst v42  }
0x1db: {  	v24 =	vadd.f32 v24, v23;
	v23 =	vld [tilespmem:$0x3290];
	v61 =	vadd.s32 v49, v61;
	[tilespmem:$0x30A0] =	vst v46  }
0x1dc: {  	v25 =	vld [tilespmem:$0x3120];
	[tilespmem:$0x30B0] =	vst v61  }
0x1dd: {  	v48 =	vadd.f32 v60, v47;
	v60 =	vld [tilespmem:$0x35A0];
	[tilespmem:$0x3180] =	vst v6  }
0x1de: {  	v62 =	vadd.f32 v63, v62;
	v63 =	vld [tilespmem:$0x3130];
	[tilespmem:$0x3190] =	vst v12  }
0x1df: {  	v33 =	vld [tilespmem:$0x3430];
	[tilespmem:$0x31A0] =	vst v16  }
0x1e0: {  	v28 =	vadd.f32 v28, v27;
	v37 =	vld [tilespmem:$0x35B0];
	[tilespmem:$0x31B0] =	vst v20  }
0x1e1: {  	v32 =	vadd.f32 v32, v31;
	v40 =	vadd.f32 v40, v39;
	v39 =	vld [tilespmem:$0x3440];
	[tilespmem:$0x31C0] =	vst v24  }
0x1e2: {  	v36 =	vadd.f32 v36, v35;
	v45 =	vld [tilespmem:$0x32D0];
	[tilespmem:$0x31D0] =	vst v28  }
0x1e3: {  	v49 =	vld [tilespmem:$0x3160];
	[tilespmem:$0x31E0] =	vst v32  }
0x1e4: {  	v44 =	vadd.f32 v44, v43;
	v5 =	vld [tilespmem:$0x3550];
	[tilespmem:$0x31F0] =	vst v36  }
0x1e5: {  	v14 =	vld [tilespmem:$0x3400];
	[tilespmem:$0x3200] =	vst v40  }
0x1e6: {  	v18 =	vld [tilespmem:$0x3410];
	[tilespmem:$0x3210] =	vst v44  }
0x1e7: {  	v22 =	vld [tilespmem:$0x3420];
	[tilespmem:$0x3220] =	vst v48  }
0x1e8: {  	v35 =	vadd.f32 v56, v55;
	v34 =	vadd.s32 v53, v54;
	v42 =	vld [tilespmem:$0x3150];
	[tilespmem:$0x3230] =	vst v62  }
0x1e9: {  	v46 =	vld [tilespmem:$0x35D0];
	[tilespmem:$0x30C0] =	vst v34  }
0x1ea: {  	v38 =	vadd.s32 v57, v58;
	v53 =	vld [tilespmem:$0x32E0];
	[tilespmem:$0x3240] =	vst v35  }
0x1eb: {  	v6 =	vadd.s32 v9, v10;
	v9 =	vld [tilespmem:$0x30E0];
	[tilespmem:$0x30D0] =	vst v38  }
0x1ec: {  	v12 =	vld [tilespmem:$0x3570];
	[tilespmem:$0x3010] =	vst v6;
	v55 =	vadd.s32 v63, v33  }
0x1ed: {  	v6 =	vld [tilespmem:$0x33E0];
	v43 =	vadd.s32 v17, v14;
	[tilespmem:$0x3130] =	vst v55  }
0x1ee: {  	v10 =	vld [tilespmem:$0x33F0];
	v47 =	vadd.s32 v21, v18;
	[tilespmem:$0x3100] =	vst v43  }
0x1ef: {  	v16 =	vld [tilespmem:$0x3580];
	v52 =	vadd.f32 v60, v59;
	v51 =	vadd.s32 v25, v22;
	[tilespmem:$0x3110] =	vst v47  }
0x1f0: {  	v20 =	vld [tilespmem:$0x3590];
	v5 =	vadd.f32 v5, v7;
	[tilespmem:$0x3120] =	vst v51  }
0x1f1: {  	v36 =	vld [tilespmem:$0x32B0];
	[tilespmem:$0x32A0] =	vst v52  }
0x1f2: {  	v40 =	vld [tilespmem:$0x32C0];
	v41 =	vadd.f32 v12, v15;
	[tilespmem:$0x3250] =	vst v5;
	v5 =	vadd.s32 v9, v6  }
0x1f3: {  	v7 =	vld [tilespmem:$0x3140];
	v6 =	vadd.f32 v8, v11;
	[tilespmem:$0x30E0] =	vst v5  }
0x1f4: {  	v5 =	vld [tilespmem:$0x35C0];
	[tilespmem:$0x3270] =	vst v41  }
0x1f5: {  	v54 =	vld [tilespmem:$0x35E0];
	v44 =	vadd.f32 v16, v19;
	[tilespmem:$0x3260] =	vst v6;
	v6 =	vadd.s32 v13, v10  }
0x1f6: {  	v48 =	vadd.f32 v20, v23;
	[tilespmem:$0x30F0] =	vst v6;
	v6 =	vld [tilespmem:$0x3450]  }
0x1f7: {  	v57 =	vld [tilespmem:$0x3170];
	v56 =	vadd.f32 v37, v36;
	[tilespmem:$0x3280] =	vst v44  }
0x1f8: {  	v58 =	vld [tilespmem:$0x3470];
	[tilespmem:$0x3290] =	vst v48  }
0x1f9: {  	v59 =	vld [tilespmem:$0x32F0];
	[tilespmem:$0x32B0] =	vst v56;
	v7 =	vadd.s32 v7, v39;
	v5 =	vadd.f32 v5, v40  }
0x1fa: {  	[tilespmem:$0x3140] =	vst v7;
	v7 =	vld [tilespmem:$0x35F0]  }
0x1fb: {  	[tilespmem:$0x32C0] =	vst v5;
	v5 =	vadd.s32 v42, v6;
	v6 =	vadd.f32 v46, v45  }
0x1fc: {  	[tilespmem:$0x3150] =	vst v5  }
0x1fd: {  	v5 =	vadd.s32 v49, v50;
	[tilespmem:$0x32D0] =	vst v6;
	v6 =	vadd.f32 v54, v53  }
0x1fe: {  	[tilespmem:$0x3160] =	vst v5  }
0x1ff: {  	v5 =	vadd.s32 v57, v58;
	[tilespmem:$0x32E0] =	vst v6;
	v6 =	vadd.f32 v7, v59  }
0x200: {  	[tilespmem:$0x3170] =	vst v5  }
0x201: {  	[tilespmem:$0x32F0] =	vst v6  }
0x202: {  	[tilespmem:s16], [sflag:$0x1] =	stream.linear.gather [spmem:s11], $0x180, $0x38;
	[tilespmem:$0x3900] =	vst v63  }
0x203: {  	_ =	swait.ge [sflag:s28], $0x180  }
0x204: {  	[sflag:s28] =	ssyncset.done $0x0  }
0x205: {  	[sflag:s28] =	ssyncadd.s32 $0xFFFFFE80  }
0x206: {  	[tilespmem:s0], [sflag:$0x1] =	stream.linear.gather [spmem:s12], $0x180, $0x38;
	[tilespmem:$0x3900] =	vst v63  }
0x207: {  	_ =	swait.ge [sflag:s28], $0x180  }
0x208: {  	[sflag:s28] =	ssyncset.done $0x0  }
0x209: {  	[sflag:s28] =	ssyncadd.s32 $0xFFFFFE80  }
0x20a: {  	v5 =	vld [tilespmem:$0x3000]  }
0x20b: {  	v6 =	vld [tilespmem:$0x3300]  }
0x20c: {  	v7 =	vld [tilespmem:$0x3180]  }
0x20d: {  	v8 =	vld [tilespmem:$0x3480]  }
0x20e: {  	v9 =	vld [tilespmem:$0x3010]  }
0x20f: {  	v10 =	vld [tilespmem:$0x3310]  }
0x210: {  	v11 =	vld [tilespmem:$0x3190]  }
0x211: {  	v12 =	vld [tilespmem:$0x3490]  }
0x212: {  	v13 =	vld [tilespmem:$0x3020]  }
0x213: {  	v14 =	vld [tilespmem:$0x3320]  }
0x214: {  	v15 =	vld [tilespmem:$0x31A0]  }
0x215: {  	v16 =	vld [tilespmem:$0x34A0]  }
0x216: {  	v17 =	vld [tilespmem:$0x3030]  }
0x217: {  	v18 =	vld [tilespmem:$0x3330]  }
0x218: {  	v19 =	vld [tilespmem:$0x31B0]  }
0x219: {  	v20 =	vld [tilespmem:$0x34B0]  }
0x21a: {  	v21 =	vld [tilespmem:$0x3040]  }
0x21b: {  	v22 =	vld [tilespmem:$0x3340]  }
0x21c: {  	v23 =	vld [tilespmem:$0x31C0]  }
0x21d: {  	v24 =	vld [tilespmem:$0x34C0]  }
0x21e: {  	v25 =	vld [tilespmem:$0x3050]  }
0x21f: {  	v26 =	vld [tilespmem:$0x3350]  }
0x220: {  	v27 =	vld [tilespmem:$0x31D0]  }
0x221: {  	v28 =	vld [tilespmem:$0x34D0]  }
0x222: {  	v29 =	vld [tilespmem:$0x3060]  }
0x223: {  	v30 =	vld [tilespmem:$0x3360]  }
0x224: {  	v31 =	vld [tilespmem:$0x31E0]  }
0x225: {  	v32 =	vld [tilespmem:$0x34E0]  }
0x226: {  	v33 =	vld [tilespmem:$0x3070]  }
0x227: {  	v34 =	vld [tilespmem:$0x3370]  }
0x228: {  	v35 =	vld [tilespmem:$0x31F0]  }
0x229: {  	v36 =	vld [tilespmem:$0x34F0]  }
0x22a: {  	v37 =	vld [tilespmem:$0x3080]  }
0x22b: {  	v38 =	vld [tilespmem:$0x3380]  }
0x22c: {  	v39 =	vld [tilespmem:$0x3200]  }
0x22d: {  	v40 =	vld [tilespmem:$0x3500]  }
0x22e: {  	v41 =	vld [tilespmem:$0x3090]  }
0x22f: {  	v42 =	vld [tilespmem:$0x3390]  }
0x230: {  	v43 =	vld [tilespmem:$0x3210]  }
0x231: {  	v44 =	vld [tilespmem:$0x3510]  }
0x232: {  	v45 =	vld [tilespmem:$0x30A0]  }
0x233: {  	v46 =	vld [tilespmem:$0x33A0]  }
0x234: {  	v47 =	vld [tilespmem:$0x3220]  }
0x235: {  	v48 =	vld [tilespmem:$0x3520]  }
0x236: {  	v49 =	vld [tilespmem:$0x30B0]  }
0x237: {  	v50 =	vld [tilespmem:$0x33B0]  }
0x238: {  	v51 =	vld [tilespmem:$0x3230]  }
0x239: {  	v60 =	vld [tilespmem:$0x3530]  }
0x23a: {  	v53 =	vld [tilespmem:$0x30C0]  }
0x23b: {  	v61 =	vld [tilespmem:$0x33C0]  }
0x23c: {  	v62 =	vld [tilespmem:$0x3240]  }
0x23d: {  	v63 =	vld [tilespmem:$0x3540]  }
0x23e: {  	v57 =	vld [tilespmem:$0x30D0]  }
0x23f: {  	v58 =	vld [tilespmem:$0x33D0]  }
0x240: {  	v59 =	vld [tilespmem:$0x3130];
	v5 =	vadd.s32 v5, v6  }
0x241: {  	v54 =	vld [tilespmem:$0x3470];
	v14 =	vadd.s32 v13, v14;
	[tilespmem:$0x3000] =	vst v5  }
0x242: {  	v55 =	vld [tilespmem:$0x32F0];
	v18 =	vadd.s32 v17, v18;
	[tilespmem:$0x3020] =	vst v14  }
0x243: {  	v6 =	vadd.f32 v8, v7;
	v7 =	vld [tilespmem:$0x3250];
	v22 =	vadd.s32 v21, v22;
	[tilespmem:$0x3030] =	vst v18  }
0x244: {  	v12 =	vadd.f32 v12, v11;
	v11 =	vld [tilespmem:$0x3260];
	v26 =	vadd.s32 v25, v26;
	[tilespmem:$0x3040] =	vst v22  }
0x245: {  	v8 =	vld [tilespmem:$0x3560];
	v30 =	vadd.s32 v29, v30;
	[tilespmem:$0x3050] =	vst v26  }
0x246: {  	v13 =	vld [tilespmem:$0x30F0];
	v34 =	vadd.s32 v33, v34;
	[tilespmem:$0x3060] =	vst v30  }
0x247: {  	v16 =	vadd.f32 v16, v15;
	v15 =	vld [tilespmem:$0x3270];
	v38 =	vadd.s32 v37, v38;
	[tilespmem:$0x3070] =	vst v34  }
0x248: {  	v17 =	vld [tilespmem:$0x3100];
	v42 =	vadd.s32 v41, v42;
	[tilespmem:$0x3080] =	vst v38  }
0x249: {  	v20 =	vadd.f32 v20, v19;
	v19 =	vld [tilespmem:$0x3280];
	v46 =	vadd.s32 v45, v46;
	[tilespmem:$0x3090] =	vst v42  }
0x24a: {  	v21 =	vld [tilespmem:$0x3110];
	v50 =	vadd.s32 v49, v50;
	[tilespmem:$0x30A0] =	vst v46  }
0x24b: {  	v24 =	vadd.f32 v24, v23;
	v23 =	vld [tilespmem:$0x3290];
	v61 =	vadd.s32 v53, v61;
	[tilespmem:$0x30B0] =	vst v50  }
0x24c: {  	v25 =	vld [tilespmem:$0x3120];
	[tilespmem:$0x30C0] =	vst v61  }
0x24d: {  	v28 =	vadd.f32 v28, v27;
	v27 =	vld [tilespmem:$0x32A0];
	[tilespmem:$0x3180] =	vst v6  }
0x24e: {  	v47 =	vadd.f32 v48, v47;
	v48 =	vld [tilespmem:$0x35A0];
	[tilespmem:$0x3190] =	vst v12  }
0x24f: {  	v52 =	vadd.f32 v60, v51;
	v60 =	vld [tilespmem:$0x3430];
	[tilespmem:$0x31A0] =	vst v16  }
0x250: {  	v62 =	vadd.f32 v63, v62;
	v63 =	vld [tilespmem:$0x32B0];
	[tilespmem:$0x31B0] =	vst v20  }
0x251: {  	v32 =	vadd.f32 v32, v31;
	v33 =	vld [tilespmem:$0x35B0];
	[tilespmem:$0x31C0] =	vst v24  }
0x252: {  	v36 =	vadd.f32 v36, v35;
	v35 =	vld [tilespmem:$0x3440];
	[tilespmem:$0x31D0] =	vst v28  }
0x253: {  	v40 =	vadd.f32 v40, v39;
	v41 =	vld [tilespmem:$0x32D0];
	[tilespmem:$0x31E0] =	vst v32  }
0x254: {  	v44 =	vadd.f32 v44, v43;
	v45 =	vld [tilespmem:$0x3160];
	[tilespmem:$0x31F0] =	vst v36  }
0x255: {  	v49 =	vld [tilespmem:$0x32E0];
	[tilespmem:$0x3200] =	vst v40  }
0x256: {  	v5 =	vld [tilespmem:$0x3550];
	[tilespmem:$0x3210] =	vst v44  }
0x257: {  	v14 =	vld [tilespmem:$0x3400];
	[tilespmem:$0x3220] =	vst v47  }
0x258: {  	v18 =	vld [tilespmem:$0x3410];
	[tilespmem:$0x3230] =	vst v52  }
0x259: {  	v22 =	vld [tilespmem:$0x3420];
	v34 =	vadd.s32 v57, v58;
	[tilespmem:$0x3240] =	vst v62  }
0x25a: {  	v38 =	vld [tilespmem:$0x3150];
	v6 =	vadd.s32 v9, v10;
	[tilespmem:$0x30D0] =	vst v34  }
0x25b: {  	v9 =	vld [tilespmem:$0x30E0];
	[tilespmem:$0x3010] =	vst v6;
	v51 =	vadd.s32 v59, v60  }
0x25c: {  	v10 =	vld [tilespmem:$0x33F0];
	v39 =	vadd.s32 v17, v14;
	[tilespmem:$0x3130] =	vst v51  }
0x25d: {  	v6 =	vld [tilespmem:$0x33E0];
	v43 =	vadd.s32 v21, v18;
	[tilespmem:$0x3100] =	vst v39  }
0x25e: {  	v12 =	vld [tilespmem:$0x3570];
	v48 =	vadd.f32 v48, v27;
	v47 =	vadd.s32 v25, v22;
	[tilespmem:$0x3110] =	vst v43  }
0x25f: {  	v16 =	vld [tilespmem:$0x3580];
	v52 =	vadd.f32 v33, v63;
	[tilespmem:$0x3120] =	vst v47  }
0x260: {  	v20 =	vld [tilespmem:$0x3590];
	v5 =	vadd.f32 v5, v7;
	[tilespmem:$0x32A0] =	vst v48  }
0x261: {  	v36 =	vld [tilespmem:$0x32C0];
	[tilespmem:$0x32B0] =	vst v52  }
0x262: {  	v7 =	vld [tilespmem:$0x3140];
	[tilespmem:$0x3250] =	vst v5;
	v5 =	vadd.s32 v9, v6;
	v6 =	vadd.f32 v8, v11  }
0x263: {  	[tilespmem:$0x30E0] =	vst v5;
	v5 =	vld [tilespmem:$0x35C0]  }
0x264: {  	v42 =	vld [tilespmem:$0x35D0];
	v37 =	vadd.f32 v12, v15;
	[tilespmem:$0x3260] =	vst v6;
	v6 =	vadd.s32 v13, v10  }
0x265: {  	v40 =	vadd.f32 v16, v19;
	[tilespmem:$0x30F0] =	vst v6;
	v6 =	vld [tilespmem:$0x3450]  }
0x266: {  	v46 =	vld [tilespmem:$0x3460];
	v44 =	vadd.f32 v20, v23;
	[tilespmem:$0x3270] =	vst v37  }
0x267: {  	v50 =	vld [tilespmem:$0x35E0];
	[tilespmem:$0x3280] =	vst v40  }
0x268: {  	v53 =	vld [tilespmem:$0x3170];
	[tilespmem:$0x3290] =	vst v44;
	v7 =	vadd.s32 v7, v35;
	v5 =	vadd.f32 v5, v36  }
0x269: {  	[tilespmem:$0x3140] =	vst v7;
	v7 =	vld [tilespmem:$0x35F0]  }
0x26a: {  	[tilespmem:$0x32C0] =	vst v5;
	v5 =	vadd.s32 v38, v6;
	v6 =	vadd.f32 v42, v41  }
0x26b: {  	[tilespmem:$0x3150] =	vst v5  }
0x26c: {  	v5 =	vadd.s32 v45, v46;
	[tilespmem:$0x32D0] =	vst v6;
	v6 =	vadd.f32 v50, v49  }
0x26d: {  	[tilespmem:$0x3160] =	vst v5  }
0x26e: {  	v5 =	vadd.s32 v53, v54;
	[tilespmem:$0x32E0] =	vst v6;
	v6 =	vadd.f32 v7, v55  }
0x26f: {  	[tilespmem:$0x3170] =	vst v5  }
0x270: {  	[tilespmem:$0x32F0] =	vst v6  }
0x271: {  	[tilespmem:s16], [sflag:$0x1] =	stream.linear.gather [spmem:s13], $0x180, $0x38;
	[tilespmem:$0x3900] =	vst v63  }
0x272: {  	_ =	swait.ge [sflag:s28], $0x180  }
0x273: {  	[sflag:s28] =	ssyncset.done $0x0  }
0x274: {  	[sflag:s28] =	ssyncadd.s32 $0xFFFFFE80  }
0x275: {  	[tilespmem:s0], [sflag:$0x1] =	stream.linear.gather [spmem:s14], $0x180, $0x38;
	[tilespmem:$0x3900] =	vst v63  }
0x276: {  	_ =	swait.ge [sflag:s28], $0x180  }
0x277: {  	[sflag:s28] =	ssyncset.done $0x0  }
0x278: {  	[sflag:s28] =	ssyncadd.s32 $0xFFFFFE80  }
0x279: {  	v5 =	vld [tilespmem:$0x3000]  }
0x27a: {  	v6 =	vld [tilespmem:$0x3300]  }
0x27b: {  	v7 =	vld [tilespmem:$0x3180]  }
0x27c: {  	v8 =	vld [tilespmem:$0x3480]  }
0x27d: {  	v9 =	vld [tilespmem:$0x3010]  }
0x27e: {  	v10 =	vld [tilespmem:$0x3310]  }
0x27f: {  	v11 =	vld [tilespmem:$0x3190]  }
0x280: {  	v56 =	vld [tilespmem:$0x3490]  }
0x281: {  	v13 =	vld [tilespmem:$0x3020]  }
0x282: {  	v57 =	vld [tilespmem:$0x3320]  }
0x283: {  	v15 =	vld [tilespmem:$0x31A0]  }
0x284: {  	v58 =	vld [tilespmem:$0x34A0]  }
0x285: {  	v17 =	vld [tilespmem:$0x3030]  }
0x286: {  	v59 =	vld [tilespmem:$0x3330]  }
0x287: {  	v19 =	vld [tilespmem:$0x31B0]  }
0x288: {  	v60 =	vld [tilespmem:$0x34B0]  }
0x289: {  	v21 =	vld [tilespmem:$0x3040]  }
0x28a: {  	v61 =	vld [tilespmem:$0x3340]  }
0x28b: {  	v62 =	vld [tilespmem:$0x31C0]  }
0x28c: {  	v63 =	vld [tilespmem:$0x34C0]  }
0x28d: {  	v25 =	vld [tilespmem:$0x3050]  }
0x28e: {  	v26 =	vld [tilespmem:$0x3350]  }
0x28f: {  	v45 =	vld [tilespmem:$0x31D0]  }
0x290: {  	v46 =	vld [tilespmem:$0x34D0]  }
0x291: {  	v47 =	vld [tilespmem:$0x3060]  }
0x292: {  	v48 =	vld [tilespmem:$0x3360]  }
0x293: {  	v49 =	vld [tilespmem:$0x31E0]  }
0x294: {  	v50 =	vld [tilespmem:$0x34E0]  }
0x295: {  	v51 =	vld [tilespmem:$0x3070]  }
0x296: {  	v52 =	vld [tilespmem:$0x3370]  }
0x297: {  	v53 =	vld [tilespmem:$0x31F0]  }
0x298: {  	v54 =	vld [tilespmem:$0x34F0]  }
0x299: {  	v37 =	vld [tilespmem:$0x3080]  }
0x29a: {  	v55 =	vld [tilespmem:$0x3380]  }
0x29b: {  	v39 =	vld [tilespmem:$0x3200]  }
0x29c: {  	v40 =	vld [tilespmem:$0x3500]  }
0x29d: {  	v41 =	vld [tilespmem:$0x3090]  }
0x29e: {  	v42 =	vld [tilespmem:$0x3390]  }
0x29f: {  	v24 =	vld [tilespmem:$0x3530];
	v5 =	vadd.s32 v5, v6  }
0x2a0: {  	v6 =	vadd.f32 v8, v7;
	v7 =	vld [tilespmem:$0x3210];
	v57 =	vadd.s32 v13, v57;
	[tilespmem:$0x3000] =	vst v5  }
0x2a1: {  	v56 =	vadd.f32 v56, v11;
	v11 =	vld [tilespmem:$0x3220];
	v59 =	vadd.s32 v17, v59;
	[tilespmem:$0x3020] =	vst v57  }
0x2a2: {  	v8 =	vld [tilespmem:$0x3520];
	v61 =	vadd.s32 v21, v61;
	[tilespmem:$0x3030] =	vst v59  }
0x2a3: {  	v13 =	vld [tilespmem:$0x30B0];
	v43 =	vadd.s32 v25, v26;
	[tilespmem:$0x3040] =	vst v61  }
0x2a4: {  	v62 =	vadd.f32 v63, v62;
	v63 =	vld [tilespmem:$0x3230];
	v47 =	vadd.s32 v47, v48;
	[tilespmem:$0x3050] =	vst v43  }
0x2a5: {  	v44 =	vadd.f32 v46, v45;
	v45 =	vld [tilespmem:$0x30C0];
	v51 =	vadd.s32 v51, v52;
	[tilespmem:$0x3060] =	vst v47  }
0x2a6: {  	v46 =	vld [tilespmem:$0x33C0];
	v55 =	vadd.s32 v37, v55;
	[tilespmem:$0x3070] =	vst v51  }
0x2a7: {  	v48 =	vadd.f32 v50, v49;
	v49 =	vld [tilespmem:$0x3240];
	[tilespmem:$0x3080] =	vst v55  }
0x2a8: {  	v58 =	vadd.f32 v58, v15;
	v50 =	vld [tilespmem:$0x3540];
	[tilespmem:$0x3180] =	vst v6  }
0x2a9: {  	v60 =	vadd.f32 v60, v19;
	v52 =	vadd.f32 v54, v53;
	v53 =	vld [tilespmem:$0x30D0];
	[tilespmem:$0x3190] =	vst v56  }
0x2aa: {  	v54 =	vld [tilespmem:$0x33D0];
	[tilespmem:$0x31A0] =	vst v58  }
0x2ab: {  	v25 =	vld [tilespmem:$0x3570];
	[tilespmem:$0x31B0] =	vst v60  }
0x2ac: {  	v5 =	vld [tilespmem:$0x3510];
	[tilespmem:$0x31C0] =	vst v62  }
0x2ad: {  	v57 =	vld [tilespmem:$0x3250];
	[tilespmem:$0x31D0] =	vst v44  }
0x2ae: {  	v61 =	vld [tilespmem:$0x3260];
	[tilespmem:$0x31E0] =	vst v48  }
0x2af: {  	v6 =	vadd.s32 v9, v10;
	v9 =	vld [tilespmem:$0x30A0];
	[tilespmem:$0x31F0] =	vst v52  }
0x2b0: {  	v59 =	vadd.s32 v41, v42;
	v56 =	vadd.f32 v40, v39;
	[tilespmem:$0x3010] =	vst v6;
	v6 =	vld [tilespmem:$0x33A0]  }
0x2b1: {  	v10 =	vld [tilespmem:$0x33B0];
	[tilespmem:$0x3090] =	vst v59  }
0x2b2: {  	v58 =	vld [tilespmem:$0x3550];
	[tilespmem:$0x3200] =	vst v56;
	v17 =	vadd.s32 v45, v46  }
0x2b3: {  	v60 =	vld [tilespmem:$0x33E0];
	v26 =	vadd.s32 v53, v54;
	v5 =	vadd.f32 v5, v7;
	[tilespmem:$0x30C0] =	vst v17  }
0x2b4: {  	v62 =	vadd.f32 v24, v63;
	v63 =	vld [tilespmem:$0x30F0];
	[tilespmem:$0x30D0] =	vst v26  }
0x2b5: {  	v7 =	vld [tilespmem:$0x30E0];
	[tilespmem:$0x3210] =	vst v5;
	v5 =	vadd.s32 v9, v6;
	v6 =	vadd.f32 v8, v11  }
0x2b6: {  	[tilespmem:$0x30A0] =	vst v5;
	v5 =	vld [tilespmem:$0x3560]  }
0x2b7: {  	v24 =	vld [tilespmem:$0x3270];
	[tilespmem:$0x3220] =	vst v6;
	v6 =	vadd.s32 v13, v10  }
0x2b8: {  	v19 =	vadd.f32 v50, v49;
	[tilespmem:$0x30B0] =	vst v6;
	v6 =	vld [tilespmem:$0x33F0]  }
0x2b9: {  	v28 =	vld [tilespmem:$0x3100];
	[tilespmem:$0x3230] =	vst v62;
	v27 =	vadd.f32 v58, v57  }
0x2ba: {  	v29 =	vld [tilespmem:$0x3400];
	[tilespmem:$0x3240] =	vst v19  }
0x2bb: {  	[tilespmem:$0x3250] =	vst v27;
	v7 =	vadd.s32 v7, v60;
	v5 =	vadd.f32 v5, v61  }
0x2bc: {  	[tilespmem:$0x30E0] =	vst v7  }
0x2bd: {  	[tilespmem:$0x3260] =	vst v5;
	v5 =	vadd.s32 v63, v6;
	v6 =	vadd.f32 v25, v24  }
0x2be: {  	[tilespmem:$0x30F0] =	vst v5  }
0x2bf: {  	v5 =	vadd.s32 v28, v29;
	[tilespmem:$0x3270] =	vst v6  }
0x2c0: {  	[tilespmem:$0x3100] =	vst v5;
	v5 =	vld [tilespmem:$0x3280]  }
0x2c1: {  	v6 =	vld [tilespmem:$0x3580]  }
0x2c2: {  	v7 =	vld [tilespmem:$0x3110]  }
0x2c3: {  	v30 =	vld [tilespmem:$0x3410]  }
0x2c4: {  	v31 =	vld [tilespmem:$0x3290]  }
0x2c5: {  	v32 =	vld [tilespmem:$0x3590]  }
0x2c6: {  	v33 =	vld [tilespmem:$0x3120]  }
0x2c7: {  	v34 =	vld [tilespmem:$0x3420]  }
0x2c8: {  	v35 =	vld [tilespmem:$0x32A0]  }
0x2c9: {  	v36 =	vld [tilespmem:$0x35A0]  }
0x2ca: {  	v37 =	vld [tilespmem:$0x3130]  }
0x2cb: {  	v38 =	vld [tilespmem:$0x3430]  }
0x2cc: {  	v39 =	vld [tilespmem:$0x32B0]  }
0x2cd: {  	v40 =	vld [tilespmem:$0x35B0]  }
0x2ce: {  	v41 =	vld [tilespmem:$0x3140]  }
0x2cf: {  	v42 =	vld [tilespmem:$0x3440]  }
0x2d0: {  	v43 =	vld [tilespmem:$0x32C0]  }
0x2d1: {  	v44 =	vld [tilespmem:$0x35C0]  }
0x2d2: {  	v45 =	vld [tilespmem:$0x3150]  }
0x2d3: {  	v46 =	vld [tilespmem:$0x3450]  }
0x2d4: {  	v47 =	vld [tilespmem:$0x35D0]  }
0x2d5: {  	v48 =	vld [tilespmem:$0x3160];
	v51 =	vadd.s32 v37, v38  }
0x2d6: {  	v50 =	vld [tilespmem:$0x32E0];
	v5 =	vadd.f32 v6, v5;
	v55 =	vadd.s32 v41, v42;
	[tilespmem:$0x3130] =	vst v51  }
0x2d7: {  	v53 =	vld [tilespmem:$0x3170];
	[tilespmem:$0x3140] =	vst v55  }
0x2d8: {  	v54 =	vld [tilespmem:$0x3470];
	[tilespmem:$0x3280] =	vst v5;
	v5 =	vadd.s32 v7, v30;
	v7 =	vadd.f32 v32, v31  }
0x2d9: {  	v6 =	vld [tilespmem:$0x32D0];
	[tilespmem:$0x3110] =	vst v5  }
0x2da: {  	v5 =	vld [tilespmem:$0x3460];
	[tilespmem:$0x3290] =	vst v7;
	v7 =	vadd.s32 v33, v34  }
0x2db: {  	v49 =	vadd.f32 v36, v35;
	v59 =	vadd.s32 v45, v46;
	[tilespmem:$0x3120] =	vst v7;
	v7 =	vld [tilespmem:$0x35E0]  }
0x2dc: {  	v57 =	vld [tilespmem:$0x32F0];
	v52 =	vadd.f32 v40, v39;
	[tilespmem:$0x3150] =	vst v59  }
0x2dd: {  	v58 =	vld [tilespmem:$0x35F0];
	v56 =	vadd.f32 v44, v43;
	[tilespmem:$0x32A0] =	vst v49  }
0x2de: {  	[tilespmem:$0x32B0] =	vst v52;
	v6 =	vadd.f32 v47, v6  }
0x2df: {  	[tilespmem:$0x32C0] =	vst v56  }
0x2e0: {  	[tilespmem:$0x32D0] =	vst v6;
	v5 =	vadd.s32 v48, v5;
	v6 =	vadd.f32 v7, v50  }
0x2e1: {  	[tilespmem:$0x3160] =	vst v5  }
0x2e2: {  	v5 =	vadd.s32 v53, v54;
	[tilespmem:$0x32E0] =	vst v6;
	v6 =	vadd.f32 v58, v57  }
0x2e3: {  	[tilespmem:$0x3170] =	vst v5  }
0x2e4: {  	[tilespmem:$0x32F0] =	vst v6  }
0x2e5: {  	[tilespmem:s16], [sflag:$0x1] =	stream.linear.gather [spmem:s15], $0x180, $0x38;
	[tilespmem:$0x3900] =	vst v63  }
0x2e6: {  	_ =	swait.ge [sflag:s28], $0x180  }
0x2e7: {  	[sflag:s28] =	ssyncset.done $0x0  }
0x2e8: {  	[sflag:s28] =	ssyncadd.s32 $0xFFFFFE80  }
0x2e9: {  	[tilespmem:s0], [sflag:$0x1] =	stream.linear.gather [spmem:s17], $0x180, $0x38;
	[tilespmem:$0x3900] =	vst v63  }
0x2ea: {  	_ =	swait.ge [sflag:s28], $0x180  }
0x2eb: {  	[sflag:s28] =	ssyncset.done $0x0  }
0x2ec: {  	[sflag:s28] =	ssyncadd.s32 $0xFFFFFE80  }
0x2ed: {  	v5 =	vld [tilespmem:$0x3000]  }
0x2ee: {  	v6 =	vld [tilespmem:$0x3300]  }
0x2ef: {  	v7 =	vld [tilespmem:$0x3180]  }
0x2f0: {  	v8 =	vld [tilespmem:$0x3480]  }
0x2f1: {  	v9 =	vld [tilespmem:$0x3010]  }
0x2f2: {  	v10 =	vld [tilespmem:$0x3310]  }
0x2f3: {  	v11 =	vld [tilespmem:$0x3190]  }
0x2f4: {  	v12 =	vld [tilespmem:$0x3490]  }
0x2f5: {  	v13 =	vld [tilespmem:$0x3020]  }
0x2f6: {  	v14 =	vld [tilespmem:$0x3320]  }
0x2f7: {  	v15 =	vld [tilespmem:$0x31A0]  }
0x2f8: {  	v16 =	vld [tilespmem:$0x34A0]  }
0x2f9: {  	v17 =	vld [tilespmem:$0x3030]  }
0x2fa: {  	v18 =	vld [tilespmem:$0x3330]  }
0x2fb: {  	v19 =	vld [tilespmem:$0x31B0]  }
0x2fc: {  	v20 =	vld [tilespmem:$0x34B0]  }
0x2fd: {  	v21 =	vld [tilespmem:$0x3040]  }
0x2fe: {  	v22 =	vld [tilespmem:$0x3340]  }
0x2ff: {  	v23 =	vld [tilespmem:$0x31C0]  }
0x300: {  	v24 =	vld [tilespmem:$0x34C0]  }
0x301: {  	v25 =	vld [tilespmem:$0x3050]  }
0x302: {  	v26 =	vld [tilespmem:$0x3350]  }
0x303: {  	v27 =	vld [tilespmem:$0x31D0]  }
0x304: {  	v28 =	vld [tilespmem:$0x34D0]  }
0x305: {  	v29 =	vld [tilespmem:$0x3060]  }
0x306: {  	v30 =	vld [tilespmem:$0x3360]  }
0x307: {  	v31 =	vld [tilespmem:$0x31E0]  }
0x308: {  	v32 =	vld [tilespmem:$0x34E0]  }
0x309: {  	v33 =	vld [tilespmem:$0x3070]  }
0x30a: {  	v34 =	vld [tilespmem:$0x3370]  }
0x30b: {  	v35 =	vld [tilespmem:$0x31F0]  }
0x30c: {  	v36 =	vld [tilespmem:$0x34F0]  }
0x30d: {  	v37 =	vld [tilespmem:$0x3080]  }
0x30e: {  	v38 =	vld [tilespmem:$0x3380]  }
0x30f: {  	v39 =	vld [tilespmem:$0x3200]  }
0x310: {  	v40 =	vld [tilespmem:$0x3500]  }
0x311: {  	v41 =	vld [tilespmem:$0x3090]  }
0x312: {  	v42 =	vld [tilespmem:$0x3390]  }
0x313: {  	v43 =	vld [tilespmem:$0x3210]  }
0x314: {  	v44 =	vld [tilespmem:$0x3510]  }
0x315: {  	v45 =	vld [tilespmem:$0x30A0]  }
0x316: {  	v46 =	vld [tilespmem:$0x33A0]  }
0x317: {  	v47 =	vld [tilespmem:$0x3220]  }
0x318: {  	v60 =	vld [tilespmem:$0x3520]  }
0x319: {  	v49 =	vld [tilespmem:$0x30B0]  }
0x31a: {  	v61 =	vld [tilespmem:$0x33B0]  }
0x31b: {  	v62 =	vld [tilespmem:$0x3230]  }
0x31c: {  	v63 =	vld [tilespmem:$0x3530]  }
0x31d: {  	v53 =	vld [tilespmem:$0x30C0]  }
0x31e: {  	v54 =	vld [tilespmem:$0x33C0]  }
0x31f: {  	v55 =	vld [tilespmem:$0x3240]  }
0x320: {  	v56 =	vld [tilespmem:$0x3540]  }
0x321: {  	v57 =	vld [tilespmem:$0x30D0]  }
0x322: {  	v58 =	vld [tilespmem:$0x33D0]  }
0x323: {  	v59 =	vld [tilespmem:$0x32A0];
	v5 =	vadd.s32 v5, v6  }
0x324: {  	v50 =	vld [tilespmem:$0x3460];
	v14 =	vadd.s32 v13, v14;
	[tilespmem:$0x3000] =	vst v5  }
0x325: {  	v6 =	vadd.f32 v8, v7;
	v7 =	vld [tilespmem:$0x3250];
	v18 =	vadd.s32 v17, v18;
	[tilespmem:$0x3020] =	vst v14  }
0x326: {  	v12 =	vadd.f32 v12, v11;
	v11 =	vld [tilespmem:$0x3260];
	v22 =	vadd.s32 v21, v22;
	[tilespmem:$0x3030] =	vst v18  }
0x327: {  	v8 =	vld [tilespmem:$0x3560];
	v26 =	vadd.s32 v25, v26;
	[tilespmem:$0x3040] =	vst v22  }
0x328: {  	v13 =	vld [tilespmem:$0x30F0];
	v30 =	vadd.s32 v29, v30;
	[tilespmem:$0x3050] =	vst v26  }
0x329: {  	v16 =	vadd.f32 v16, v15;
	v15 =	vld [tilespmem:$0x3270];
	v34 =	vadd.s32 v33, v34;
	[tilespmem:$0x3060] =	vst v30  }
0x32a: {  	v17 =	vld [tilespmem:$0x3100];
	v38 =	vadd.s32 v37, v38;
	[tilespmem:$0x3070] =	vst v34  }
0x32b: {  	v20 =	vadd.f32 v20, v19;
	v19 =	vld [tilespmem:$0x3280];
	v42 =	vadd.s32 v41, v42;
	[tilespmem:$0x3080] =	vst v38  }
0x32c: {  	v21 =	vld [tilespmem:$0x3110];
	v46 =	vadd.s32 v45, v46;
	[tilespmem:$0x3090] =	vst v42  }
0x32d: {  	v24 =	vadd.f32 v24, v23;
	v23 =	vld [tilespmem:$0x3290];
	v61 =	vadd.s32 v49, v61;
	[tilespmem:$0x30A0] =	vst v46  }
0x32e: {  	v25 =	vld [tilespmem:$0x3120];
	[tilespmem:$0x30B0] =	vst v61  }
0x32f: {  	v48 =	vadd.f32 v60, v47;
	v60 =	vld [tilespmem:$0x35A0];
	[tilespmem:$0x3180] =	vst v6  }
0x330: {  	v62 =	vadd.f32 v63, v62;
	v63 =	vld [tilespmem:$0x3130];
	[tilespmem:$0x3190] =	vst v12  }
0x331: {  	v33 =	vld [tilespmem:$0x3430];
	[tilespmem:$0x31A0] =	vst v16  }
0x332: {  	v28 =	vadd.f32 v28, v27;
	v37 =	vld [tilespmem:$0x35B0];
	[tilespmem:$0x31B0] =	vst v20  }
0x333: {  	v32 =	vadd.f32 v32, v31;
	v40 =	vadd.f32 v40, v39;
	v39 =	vld [tilespmem:$0x3440];
	[tilespmem:$0x31C0] =	vst v24  }
0x334: {  	v36 =	vadd.f32 v36, v35;
	v45 =	vld [tilespmem:$0x32D0];
	[tilespmem:$0x31D0] =	vst v28  }
0x335: {  	v49 =	vld [tilespmem:$0x3160];
	[tilespmem:$0x31E0] =	vst v32  }
0x336: {  	v44 =	vadd.f32 v44, v43;
	v5 =	vld [tilespmem:$0x3550];
	[tilespmem:$0x31F0] =	vst v36  }
0x337: {  	v14 =	vld [tilespmem:$0x3400];
	[tilespmem:$0x3200] =	vst v40  }
0x338: {  	v18 =	vld [tilespmem:$0x3410];
	[tilespmem:$0x3210] =	vst v44  }
0x339: {  	v22 =	vld [tilespmem:$0x3420];
	[tilespmem:$0x3220] =	vst v48  }
0x33a: {  	v35 =	vadd.f32 v56, v55;
	v34 =	vadd.s32 v53, v54;
	v42 =	vld [tilespmem:$0x3150];
	[tilespmem:$0x3230] =	vst v62  }
0x33b: {  	v46 =	vld [tilespmem:$0x35D0];
	[tilespmem:$0x30C0] =	vst v34  }
0x33c: {  	v38 =	vadd.s32 v57, v58;
	v53 =	vld [tilespmem:$0x32E0];
	[tilespmem:$0x3240] =	vst v35  }
0x33d: {  	v6 =	vadd.s32 v9, v10;
	v9 =	vld [tilespmem:$0x30E0];
	[tilespmem:$0x30D0] =	vst v38  }
0x33e: {  	v12 =	vld [tilespmem:$0x3570];
	[tilespmem:$0x3010] =	vst v6;
	v55 =	vadd.s32 v63, v33  }
0x33f: {  	v6 =	vld [tilespmem:$0x33E0];
	v43 =	vadd.s32 v17, v14;
	[tilespmem:$0x3130] =	vst v55  }
0x340: {  	v10 =	vld [tilespmem:$0x33F0];
	v47 =	vadd.s32 v21, v18;
	[tilespmem:$0x3100] =	vst v43  }
0x341: {  	v16 =	vld [tilespmem:$0x3580];
	v52 =	vadd.f32 v60, v59;
	v51 =	vadd.s32 v25, v22;
	[tilespmem:$0x3110] =	vst v47  }
0x342: {  	v20 =	vld [tilespmem:$0x3590];
	v5 =	vadd.f32 v5, v7;
	[tilespmem:$0x3120] =	vst v51  }
0x343: {  	v36 =	vld [tilespmem:$0x32B0];
	[tilespmem:$0x32A0] =	vst v52  }
0x344: {  	v40 =	vld [tilespmem:$0x32C0];
	v41 =	vadd.f32 v12, v15;
	[tilespmem:$0x3250] =	vst v5;
	v5 =	vadd.s32 v9, v6  }
0x345: {  	v7 =	vld [tilespmem:$0x3140];
	v6 =	vadd.f32 v8, v11;
	[tilespmem:$0x30E0] =	vst v5  }
0x346: {  	v5 =	vld [tilespmem:$0x35C0];
	[tilespmem:$0x3270] =	vst v41  }
0x347: {  	v54 =	vld [tilespmem:$0x35E0];
	v44 =	vadd.f32 v16, v19;
	[tilespmem:$0x3260] =	vst v6;
	v6 =	vadd.s32 v13, v10  }
0x348: {  	v48 =	vadd.f32 v20, v23;
	[tilespmem:$0x30F0] =	vst v6;
	v6 =	vld [tilespmem:$0x3450]  }
0x349: {  	v57 =	vld [tilespmem:$0x3170];
	v56 =	vadd.f32 v37, v36;
	[tilespmem:$0x3280] =	vst v44  }
0x34a: {  	v58 =	vld [tilespmem:$0x3470];
	[tilespmem:$0x3290] =	vst v48  }
0x34b: {  	v59 =	vld [tilespmem:$0x32F0];
	[tilespmem:$0x32B0] =	vst v56;
	v7 =	vadd.s32 v7, v39;
	v5 =	vadd.f32 v5, v40  }
0x34c: {  	[tilespmem:$0x3140] =	vst v7;
	v7 =	vld [tilespmem:$0x35F0]  }
0x34d: {  	[tilespmem:$0x32C0] =	vst v5;
	v5 =	vadd.s32 v42, v6;
	v6 =	vadd.f32 v46, v45  }
0x34e: {  	[tilespmem:$0x3150] =	vst v5  }
0x34f: {  	v5 =	vadd.s32 v49, v50;
	[tilespmem:$0x32D0] =	vst v6;
	v6 =	vadd.f32 v54, v53  }
0x350: {  	[tilespmem:$0x3160] =	vst v5  }
0x351: {  	v5 =	vadd.s32 v57, v58;
	[tilespmem:$0x32E0] =	vst v6;
	v6 =	vadd.f32 v7, v59  }
0x352: {  	[tilespmem:$0x3170] =	vst v5  }
0x353: {  	[tilespmem:$0x32F0] =	vst v6  }
0x354: {  	[tilespmem:s16], [sflag:$0x1] =	stream.linear.gather [spmem:s18], $0x180, $0x38;
	[tilespmem:$0x3900] =	vst v63  }
0x355: {  	_ =	swait.ge [sflag:s28], $0x180  }
0x356: {  	[sflag:s28] =	ssyncset.done $0x0  }
0x357: {  	[sflag:s28] =	ssyncadd.s32 $0xFFFFFE80  }
0x358: {  	[tilespmem:s0], [sflag:$0x1] =	stream.linear.gather [spmem:s19], $0x180, $0x38;
	[tilespmem:$0x3900] =	vst v63  }
0x359: {  	_ =	swait.ge [sflag:s28], $0x180  }
0x35a: {  	[sflag:s28] =	ssyncset.done $0x0  }
0x35b: {  	[sflag:s28] =	ssyncadd.s32 $0xFFFFFE80  }
0x35c: {  	v5 =	vld [tilespmem:$0x3000]  }
0x35d: {  	v6 =	vld [tilespmem:$0x3300]  }
0x35e: {  	v7 =	vld [tilespmem:$0x3180]  }
0x35f: {  	v8 =	vld [tilespmem:$0x3480]  }
0x360: {  	v9 =	vld [tilespmem:$0x3010]  }
0x361: {  	v10 =	vld [tilespmem:$0x3310]  }
0x362: {  	v11 =	vld [tilespmem:$0x3190]  }
0x363: {  	v12 =	vld [tilespmem:$0x3490]  }
0x364: {  	v13 =	vld [tilespmem:$0x3020]  }
0x365: {  	v14 =	vld [tilespmem:$0x3320]  }
0x366: {  	v15 =	vld [tilespmem:$0x31A0]  }
0x367: {  	v16 =	vld [tilespmem:$0x34A0]  }
0x368: {  	v17 =	vld [tilespmem:$0x3030]  }
0x369: {  	v18 =	vld [tilespmem:$0x3330]  }
0x36a: {  	v19 =	vld [tilespmem:$0x31B0]  }
0x36b: {  	v20 =	vld [tilespmem:$0x34B0]  }
0x36c: {  	v21 =	vld [tilespmem:$0x3040]  }
0x36d: {  	v22 =	vld [tilespmem:$0x3340]  }
0x36e: {  	v23 =	vld [tilespmem:$0x31C0]  }
0x36f: {  	v24 =	vld [tilespmem:$0x34C0]  }
0x370: {  	v25 =	vld [tilespmem:$0x3050]  }
0x371: {  	v26 =	vld [tilespmem:$0x3350]  }
0x372: {  	v27 =	vld [tilespmem:$0x31D0]  }
0x373: {  	v28 =	vld [tilespmem:$0x34D0]  }
0x374: {  	v29 =	vld [tilespmem:$0x3060]  }
0x375: {  	v30 =	vld [tilespmem:$0x3360]  }
0x376: {  	v31 =	vld [tilespmem:$0x31E0]  }
0x377: {  	v32 =	vld [tilespmem:$0x34E0]  }
0x378: {  	v33 =	vld [tilespmem:$0x3070]  }
0x379: {  	v34 =	vld [tilespmem:$0x3370]  }
0x37a: {  	v35 =	vld [tilespmem:$0x31F0]  }
0x37b: {  	v36 =	vld [tilespmem:$0x34F0]  }
0x37c: {  	v37 =	vld [tilespmem:$0x3080]  }
0x37d: {  	v38 =	vld [tilespmem:$0x3380]  }
0x37e: {  	v39 =	vld [tilespmem:$0x3200]  }
0x37f: {  	v40 =	vld [tilespmem:$0x3500]  }
0x380: {  	v41 =	vld [tilespmem:$0x3090]  }
0x381: {  	v42 =	vld [tilespmem:$0x3390]  }
0x382: {  	v43 =	vld [tilespmem:$0x3210]  }
0x383: {  	v44 =	vld [tilespmem:$0x3510]  }
0x384: {  	v45 =	vld [tilespmem:$0x30A0]  }
0x385: {  	v46 =	vld [tilespmem:$0x33A0]  }
0x386: {  	v47 =	vld [tilespmem:$0x3220]  }
0x387: {  	v60 =	vld [tilespmem:$0x3520]  }
0x388: {  	v49 =	vld [tilespmem:$0x30B0]  }
0x389: {  	v61 =	vld [tilespmem:$0x33B0]  }
0x38a: {  	v62 =	vld [tilespmem:$0x3230]  }
0x38b: {  	v63 =	vld [tilespmem:$0x3530]  }
0x38c: {  	v53 =	vld [tilespmem:$0x30C0]  }
0x38d: {  	v54 =	vld [tilespmem:$0x33C0]  }
0x38e: {  	v55 =	vld [tilespmem:$0x3240]  }
0x38f: {  	v56 =	vld [tilespmem:$0x3540]  }
0x390: {  	v57 =	vld [tilespmem:$0x30D0]  }
0x391: {  	v58 =	vld [tilespmem:$0x33D0]  }
0x392: {  	v59 =	vld [tilespmem:$0x32A0];
	v5 =	vadd.s32 v5, v6  }
0x393: {  	v50 =	vld [tilespmem:$0x3460];
	v14 =	vadd.s32 v13, v14;
	[tilespmem:$0x3000] =	vst v5  }
0x394: {  	v6 =	vadd.f32 v8, v7;
	v7 =	vld [tilespmem:$0x3250];
	v18 =	vadd.s32 v17, v18;
	[tilespmem:$0x3020] =	vst v14  }
0x395: {  	v12 =	vadd.f32 v12, v11;
	v11 =	vld [tilespmem:$0x3260];
	v22 =	vadd.s32 v21, v22;
	[tilespmem:$0x3030] =	vst v18  }
0x396: {  	v8 =	vld [tilespmem:$0x3560];
	v26 =	vadd.s32 v25, v26;
	[tilespmem:$0x3040] =	vst v22  }
0x397: {  	v13 =	vld [tilespmem:$0x30F0];
	v30 =	vadd.s32 v29, v30;
	[tilespmem:$0x3050] =	vst v26  }
0x398: {  	v16 =	vadd.f32 v16, v15;
	v15 =	vld [tilespmem:$0x3270];
	v34 =	vadd.s32 v33, v34;
	[tilespmem:$0x3060] =	vst v30  }
0x399: {  	v17 =	vld [tilespmem:$0x3100];
	v38 =	vadd.s32 v37, v38;
	[tilespmem:$0x3070] =	vst v34  }
0x39a: {  	v20 =	vadd.f32 v20, v19;
	v19 =	vld [tilespmem:$0x3280];
	v42 =	vadd.s32 v41, v42;
	[tilespmem:$0x3080] =	vst v38  }
0x39b: {  	v21 =	vld [tilespmem:$0x3110];
	v46 =	vadd.s32 v45, v46;
	[tilespmem:$0x3090] =	vst v42  }
0x39c: {  	v24 =	vadd.f32 v24, v23;
	v23 =	vld [tilespmem:$0x3290];
	v61 =	vadd.s32 v49, v61;
	[tilespmem:$0x30A0] =	vst v46  }
0x39d: {  	v25 =	vld [tilespmem:$0x3120];
	[tilespmem:$0x30B0] =	vst v61  }
0x39e: {  	v48 =	vadd.f32 v60, v47;
	v60 =	vld [tilespmem:$0x35A0];
	[tilespmem:$0x3180] =	vst v6  }
0x39f: {  	v62 =	vadd.f32 v63, v62;
	v63 =	vld [tilespmem:$0x3130];
	[tilespmem:$0x3190] =	vst v12  }
0x3a0: {  	v33 =	vld [tilespmem:$0x3430];
	[tilespmem:$0x31A0] =	vst v16  }
0x3a1: {  	v28 =	vadd.f32 v28, v27;
	v37 =	vld [tilespmem:$0x35B0];
	[tilespmem:$0x31B0] =	vst v20  }
0x3a2: {  	v32 =	vadd.f32 v32, v31;
	v40 =	vadd.f32 v40, v39;
	v39 =	vld [tilespmem:$0x3440];
	[tilespmem:$0x31C0] =	vst v24  }
0x3a3: {  	v36 =	vadd.f32 v36, v35;
	v45 =	vld [tilespmem:$0x32D0];
	[tilespmem:$0x31D0] =	vst v28  }
0x3a4: {  	v49 =	vld [tilespmem:$0x3160];
	[tilespmem:$0x31E0] =	vst v32  }
0x3a5: {  	v44 =	vadd.f32 v44, v43;
	v5 =	vld [tilespmem:$0x3550];
	[tilespmem:$0x31F0] =	vst v36  }
0x3a6: {  	v14 =	vld [tilespmem:$0x3400];
	[tilespmem:$0x3200] =	vst v40  }
0x3a7: {  	v18 =	vld [tilespmem:$0x3410];
	[tilespmem:$0x3210] =	vst v44  }
0x3a8: {  	v22 =	vld [tilespmem:$0x3420];
	[tilespmem:$0x3220] =	vst v48  }
0x3a9: {  	v35 =	vadd.f32 v56, v55;
	v34 =	vadd.s32 v53, v54;
	v42 =	vld [tilespmem:$0x3150];
	[tilespmem:$0x3230] =	vst v62  }
0x3aa: {  	v46 =	vld [tilespmem:$0x35D0];
	[tilespmem:$0x30C0] =	vst v34  }
0x3ab: {  	v38 =	vadd.s32 v57, v58;
	v53 =	vld [tilespmem:$0x32E0];
	[tilespmem:$0x3240] =	vst v35  }
0x3ac: {  	v6 =	vadd.s32 v9, v10;
	v9 =	vld [tilespmem:$0x30E0];
	[tilespmem:$0x30D0] =	vst v38  }
0x3ad: {  	v12 =	vld [tilespmem:$0x3570];
	[tilespmem:$0x3010] =	vst v6;
	v55 =	vadd.s32 v63, v33  }
0x3ae: {  	v6 =	vld [tilespmem:$0x33E0];
	v43 =	vadd.s32 v17, v14;
	[tilespmem:$0x3130] =	vst v55  }
0x3af: {  	v10 =	vld [tilespmem:$0x33F0];
	v47 =	vadd.s32 v21, v18;
	[tilespmem:$0x3100] =	vst v43  }
0x3b0: {  	v16 =	vld [tilespmem:$0x3580];
	v52 =	vadd.f32 v60, v59;
	v51 =	vadd.s32 v25, v22;
	[tilespmem:$0x3110] =	vst v47  }
0x3b1: {  	v20 =	vld [tilespmem:$0x3590];
	v5 =	vadd.f32 v5, v7;
	[tilespmem:$0x3120] =	vst v51  }
0x3b2: {  	v36 =	vld [tilespmem:$0x32B0];
	[tilespmem:$0x32A0] =	vst v52  }
0x3b3: {  	v40 =	vld [tilespmem:$0x32C0];
	v41 =	vadd.f32 v12, v15;
	[tilespmem:$0x3250] =	vst v5;
	v5 =	vadd.s32 v9, v6  }
0x3b4: {  	v7 =	vld [tilespmem:$0x3140];
	v6 =	vadd.f32 v8, v11;
	[tilespmem:$0x30E0] =	vst v5  }
0x3b5: {  	v5 =	vld [tilespmem:$0x35C0];
	[tilespmem:$0x3270] =	vst v41  }
0x3b6: {  	v54 =	vld [tilespmem:$0x35E0];
	v44 =	vadd.f32 v16, v19;
	[tilespmem:$0x3260] =	vst v6;
	v6 =	vadd.s32 v13, v10  }
0x3b7: {  	v48 =	vadd.f32 v20, v23;
	[tilespmem:$0x30F0] =	vst v6;
	v6 =	vld [tilespmem:$0x3450]  }
0x3b8: {  	v57 =	vld [tilespmem:$0x3170];
	v56 =	vadd.f32 v37, v36;
	[tilespmem:$0x3280] =	vst v44  }
0x3b9: {  	v58 =	vld [tilespmem:$0x3470];
	[tilespmem:$0x3290] =	vst v48  }
0x3ba: {  	v59 =	vld [tilespmem:$0x32F0];
	[tilespmem:$0x32B0] =	vst v56;
	v7 =	vadd.s32 v7, v39;
	v5 =	vadd.f32 v5, v40  }
0x3bb: {  	[tilespmem:$0x3140] =	vst v7;
	v7 =	vld [tilespmem:$0x35F0]  }
0x3bc: {  	[tilespmem:$0x32C0] =	vst v5;
	v5 =	vadd.s32 v42, v6;
	v6 =	vadd.f32 v46, v45  }
0x3bd: {  	[tilespmem:$0x3150] =	vst v5  }
0x3be: {  	v5 =	vadd.s32 v49, v50;
	[tilespmem:$0x32D0] =	vst v6;
	v6 =	vadd.f32 v54, v53  }
0x3bf: {  	[tilespmem:$0x3160] =	vst v5  }
0x3c0: {  	v5 =	vadd.s32 v57, v58;
	[tilespmem:$0x32E0] =	vst v6;
	v6 =	vadd.f32 v7, v59  }
0x3c1: {  	[tilespmem:$0x3170] =	vst v5  }
0x3c2: {  	[tilespmem:$0x32F0] =	vst v6  }
0x3c3: {  	[tilespmem:s16], [sflag:$0x1] =	stream.linear.gather [spmem:s20], $0x180, $0x38;
	[tilespmem:$0x3900] =	vst v63  }
0x3c4: {  	_ =	swait.ge [sflag:s28], $0x180  }
0x3c5: {  	[sflag:s28] =	ssyncset.done $0x0  }
0x3c6: {  	[sflag:s28] =	ssyncadd.s32 $0xFFFFFE80  }
0x3c7: {  	[tilespmem:s0], [sflag:$0x1] =	stream.linear.gather [spmem:s21], $0x180, $0x38;
	[tilespmem:$0x3900] =	vst v63  }
0x3c8: {  	_ =	swait.ge [sflag:s28], $0x180  }
0x3c9: {  	[sflag:s28] =	ssyncset.done $0x0  }
0x3ca: {  	[sflag:s28] =	ssyncadd.s32 $0xFFFFFE80  }
0x3cb: {  	v5 =	vld [tilespmem:$0x3000]  }
0x3cc: {  	v6 =	vld [tilespmem:$0x3300]  }
0x3cd: {  	v7 =	vld [tilespmem:$0x3180]  }
0x3ce: {  	v8 =	vld [tilespmem:$0x3480]  }
0x3cf: {  	v9 =	vld [tilespmem:$0x3010]  }
0x3d0: {  	v10 =	vld [tilespmem:$0x3310]  }
0x3d1: {  	v11 =	vld [tilespmem:$0x3190]  }
0x3d2: {  	v12 =	vld [tilespmem:$0x3490]  }
0x3d3: {  	v13 =	vld [tilespmem:$0x3020]  }
0x3d4: {  	v14 =	vld [tilespmem:$0x3320]  }
0x3d5: {  	v15 =	vld [tilespmem:$0x31A0]  }
0x3d6: {  	v16 =	vld [tilespmem:$0x34A0]  }
0x3d7: {  	v17 =	vld [tilespmem:$0x3030]  }
0x3d8: {  	v18 =	vld [tilespmem:$0x3330]  }
0x3d9: {  	v19 =	vld [tilespmem:$0x31B0]  }
0x3da: {  	v20 =	vld [tilespmem:$0x34B0]  }
0x3db: {  	v21 =	vld [tilespmem:$0x3040]  }
0x3dc: {  	v22 =	vld [tilespmem:$0x3340]  }
0x3dd: {  	v23 =	vld [tilespmem:$0x31C0]  }
0x3de: {  	v24 =	vld [tilespmem:$0x34C0]  }
0x3df: {  	v25 =	vld [tilespmem:$0x3050]  }
0x3e0: {  	v26 =	vld [tilespmem:$0x3350]  }
0x3e1: {  	v27 =	vld [tilespmem:$0x31D0]  }
0x3e2: {  	v28 =	vld [tilespmem:$0x34D0]  }
0x3e3: {  	v29 =	vld [tilespmem:$0x3060]  }
0x3e4: {  	v30 =	vld [tilespmem:$0x3360]  }
0x3e5: {  	v31 =	vld [tilespmem:$0x31E0]  }
0x3e6: {  	v32 =	vld [tilespmem:$0x34E0]  }
0x3e7: {  	v33 =	vld [tilespmem:$0x3070]  }
0x3e8: {  	v34 =	vld [tilespmem:$0x3370]  }
0x3e9: {  	v35 =	vld [tilespmem:$0x31F0]  }
0x3ea: {  	v36 =	vld [tilespmem:$0x34F0]  }
0x3eb: {  	v37 =	vld [tilespmem:$0x3080]  }
0x3ec: {  	v38 =	vld [tilespmem:$0x3380]  }
0x3ed: {  	v39 =	vld [tilespmem:$0x3200]  }
0x3ee: {  	v40 =	vld [tilespmem:$0x3500]  }
0x3ef: {  	v41 =	vld [tilespmem:$0x3090]  }
0x3f0: {  	v42 =	vld [tilespmem:$0x3390]  }
0x3f1: {  	v43 =	vld [tilespmem:$0x3210]  }
0x3f2: {  	v60 =	vld [tilespmem:$0x3510]  }
0x3f3: {  	v45 =	vld [tilespmem:$0x30A0]  }
0x3f4: {  	v61 =	vld [tilespmem:$0x33A0]  }
0x3f5: {  	v62 =	vld [tilespmem:$0x3220]  }
0x3f6: {  	v63 =	vld [tilespmem:$0x3520]  }
0x3f7: {  	v49 =	vld [tilespmem:$0x30B0]  }
0x3f8: {  	v50 =	vld [tilespmem:$0x33B0]  }
0x3f9: {  	v51 =	vld [tilespmem:$0x3230]  }
0x3fa: {  	v52 =	vld [tilespmem:$0x3530]  }
0x3fb: {  	v53 =	vld [tilespmem:$0x30C0]  }
0x3fc: {  	v54 =	vld [tilespmem:$0x33C0]  }
0x3fd: {  	v55 =	vld [tilespmem:$0x3240]  }
0x3fe: {  	v56 =	vld [tilespmem:$0x3540]  }
0x3ff: {  	v57 =	vld [tilespmem:$0x30D0]  }
0x400: {  	v58 =	vld [tilespmem:$0x33D0]  }
0x401: {  	v59 =	vld [tilespmem:$0x3120];
	v5 =	vadd.s32 v5, v6  }
0x402: {  	v46 =	vld [tilespmem:$0x3150];
	v14 =	vadd.s32 v13, v14;
	[tilespmem:$0x3000] =	vst v5  }
0x403: {  	v6 =	vadd.f32 v8, v7;
	v7 =	vld [tilespmem:$0x3250];
	v18 =	vadd.s32 v17, v18;
	[tilespmem:$0x3020] =	vst v14  }
0x404: {  	v12 =	vadd.f32 v12, v11;
	v11 =	vld [tilespmem:$0x3260];
	v22 =	vadd.s32 v21, v22;
	[tilespmem:$0x3030] =	vst v18  }
0x405: {  	v8 =	vld [tilespmem:$0x3560];
	v26 =	vadd.s32 v25, v26;
	[tilespmem:$0x3040] =	vst v22  }
0x406: {  	v13 =	vld [tilespmem:$0x30F0];
	v30 =	vadd.s32 v29, v30;
	[tilespmem:$0x3050] =	vst v26  }
0x407: {  	v16 =	vadd.f32 v16, v15;
	v15 =	vld [tilespmem:$0x3270];
	v34 =	vadd.s32 v33, v34;
	[tilespmem:$0x3060] =	vst v30  }
0x408: {  	v17 =	vld [tilespmem:$0x3100];
	v38 =	vadd.s32 v37, v38;
	[tilespmem:$0x3070] =	vst v34  }
0x409: {  	v20 =	vadd.f32 v20, v19;
	v19 =	vld [tilespmem:$0x3280];
	v42 =	vadd.s32 v41, v42;
	[tilespmem:$0x3080] =	vst v38  }
0x40a: {  	v21 =	vld [tilespmem:$0x3110];
	v61 =	vadd.s32 v45, v61;
	[tilespmem:$0x3090] =	vst v42  }
0x40b: {  	v24 =	vadd.f32 v24, v23;
	v23 =	vld [tilespmem:$0x3290];
	[tilespmem:$0x30A0] =	vst v61  }
0x40c: {  	v44 =	vadd.f32 v60, v43;
	v60 =	vld [tilespmem:$0x3420];
	[tilespmem:$0x3180] =	vst v6  }
0x40d: {  	v62 =	vadd.f32 v63, v62;
	v63 =	vld [tilespmem:$0x32A0];
	[tilespmem:$0x3190] =	vst v12  }
0x40e: {  	v33 =	vld [tilespmem:$0x35A0];
	[tilespmem:$0x31A0] =	vst v16  }
0x40f: {  	v28 =	vadd.f32 v28, v27;
	v37 =	vld [tilespmem:$0x3430];
	[tilespmem:$0x31B0] =	vst v20  }
0x410: {  	v32 =	vadd.f32 v32, v31;
	v41 =	vld [tilespmem:$0x35B0];
	[tilespmem:$0x31C0] =	vst v24  }
0x411: {  	v36 =	vadd.f32 v36, v35;
	v43 =	vld [tilespmem:$0x3440];
	[tilespmem:$0x31D0] =	vst v28  }
0x412: {  	v40 =	vadd.f32 v40, v39;
	v5 =	vld [tilespmem:$0x3550];
	[tilespmem:$0x31E0] =	vst v32  }
0x413: {  	v14 =	vld [tilespmem:$0x3400];
	[tilespmem:$0x31F0] =	vst v36  }
0x414: {  	v18 =	vld [tilespmem:$0x3410];
	[tilespmem:$0x3200] =	vst v40  }
0x415: {  	v34 =	vadd.s32 v49, v50;
	v49 =	vld [tilespmem:$0x32D0];
	[tilespmem:$0x3210] =	vst v44  }
0x416: {  	v35 =	vadd.f32 v52, v51;
	v50 =	vld [tilespmem:$0x35D0];
	[tilespmem:$0x3220] =	vst v62  }
0x417: {  	v38 =	vadd.s32 v53, v54;
	v53 =	vld [tilespmem:$0x3160];
	[tilespmem:$0x30B0] =	vst v34  }
0x418: {  	v39 =	vadd.f32 v56, v55;
	v54 =	vld [tilespmem:$0x3460];
	[tilespmem:$0x3230] =	vst v35  }
0x419: {  	v42 =	vadd.s32 v57, v58;
	v57 =	vld [tilespmem:$0x32E0];
	[tilespmem:$0x30C0] =	vst v38  }
0x41a: {  	v6 =	vadd.s32 v9, v10;
	v9 =	vld [tilespmem:$0x30E0];
	[tilespmem:$0x3240] =	vst v39  }
0x41b: {  	v12 =	vld [tilespmem:$0x3570];
	[tilespmem:$0x30D0] =	vst v42  }
0x41c: {  	v36 =	vld [tilespmem:$0x3130];
	[tilespmem:$0x3010] =	vst v6;
	v55 =	vadd.s32 v59, v60  }
0x41d: {  	v6 =	vld [tilespmem:$0x33E0];
	v47 =	vadd.s32 v17, v14;
	[tilespmem:$0x3120] =	vst v55  }
0x41e: {  	v10 =	vld [tilespmem:$0x33F0];
	v56 =	vadd.f32 v33, v63;
	v51 =	vadd.s32 v21, v18;
	[tilespmem:$0x3100] =	vst v47  }
0x41f: {  	v16 =	vld [tilespmem:$0x3580];
	v5 =	vadd.f32 v5, v7;
	[tilespmem:$0x3110] =	vst v51  }
0x420: {  	v20 =	vld [tilespmem:$0x3590];
	[tilespmem:$0x32A0] =	vst v56  }
0x421: {  	v40 =	vld [tilespmem:$0x32B0];
	v59 =	vadd.s32 v36, v37;
	[tilespmem:$0x3250] =	vst v5  }
0x422: {  	v44 =	vld [tilespmem:$0x32C0];
	v45 =	vadd.f32 v12, v15;
	v5 =	vadd.s32 v9, v6;
	[tilespmem:$0x3130] =	vst v59  }
0x423: {  	v7 =	vld [tilespmem:$0x3140];
	v6 =	vadd.f32 v8, v11;
	[tilespmem:$0x30E0] =	vst v5  }
0x424: {  	v5 =	vld [tilespmem:$0x35C0];
	[tilespmem:$0x3270] =	vst v45  }
0x425: {  	v58 =	vld [tilespmem:$0x35E0];
	v48 =	vadd.f32 v16, v19;
	[tilespmem:$0x3260] =	vst v6;
	v6 =	vadd.s32 v13, v10  }
0x426: {  	v52 =	vadd.f32 v20, v23;
	[tilespmem:$0x30F0] =	vst v6;
	v6 =	vld [tilespmem:$0x3450]  }
0x427: {  	v61 =	vld [tilespmem:$0x3170];
	v60 =	vadd.f32 v41, v40;
	[tilespmem:$0x3280] =	vst v48  }
0x428: {  	v62 =	vld [tilespmem:$0x3470];
	[tilespmem:$0x3290] =	vst v52  }
0x429: {  	v63 =	vld [tilespmem:$0x32F0];
	[tilespmem:$0x32B0] =	vst v60;
	v7 =	vadd.s32 v7, v43;
	v5 =	vadd.f32 v5, v44  }
0x42a: {  	[tilespmem:$0x3140] =	vst v7;
	v7 =	vld [tilespmem:$0x35F0]  }
0x42b: {  	[tilespmem:$0x32C0] =	vst v5;
	v5 =	vadd.s32 v46, v6;
	v6 =	vadd.f32 v50, v49  }
0x42c: {  	[tilespmem:$0x3150] =	vst v5  }
0x42d: {  	v5 =	vadd.s32 v53, v54;
	[tilespmem:$0x32D0] =	vst v6;
	v6 =	vadd.f32 v58, v57  }
0x42e: {  	[tilespmem:$0x3160] =	vst v5  }
0x42f: {  	v5 =	vadd.s32 v61, v62;
	[tilespmem:$0x32E0] =	vst v6;
	v6 =	vadd.f32 v7, v63  }
0x430: {  	[tilespmem:$0x3170] =	vst v5  }
0x431: {  	[tilespmem:$0x32F0] =	vst v6  }
0x432: {  	[hbm4b:s24+s1] =	stream.linear.scatter [tilespmem:s30], [sflag:$0x1], $0xC0, $0x38;
	[tilespmem:$0x3900] =	vst v63  }
0x433: {  	_ =	swait.ge [sflag:s28], $0xC0  }
0x434: {  	[sflag:s28] =	ssyncset.done $0x0  }
.Ltmp4:
0x435: {  	[sflag:s28] =	ssyncadd.s32 $0xFFFFFF40;
	(pc) =	sbr.rel .LBB2_5-.Ltmp4, $4  }
0x436: {  	[hbm4b:s25+s1] =	stream.linear.scatter [tilespmem:s31], [sflag:$0x1], $0xC0, $0x38;
	[tilespmem:$0x3900] =	vst v63  }
0x437: {  	_ =	swait.ge [sflag:s28], $0xC0  }
0x438: {  	[sflag:s28] =	ssyncset.done $0x0  }
0x439: {  	[sflag:s28] =	ssyncadd.s32 $0xFFFFFF40  }
.LBB2_6:
0x43a: {  	_ =	sfence.sel $0x180000  }
0x43b: {  	[bflag:$0x0] =	sbarrier.arrive $0xFFFF  }
0x43c: {  	_ =	strace $0x90000047  }
0x43d: {  	s0 =	stileid.u32;
	[bflag:$0x2] =	sbarrier.arrive $0xFFFF  }
0x43e: {  	p0 =	sne.s32 s0, $0x0;
	s0 =	rddreg [dreg:$0x4]  }
0x43f: {  	s0 =	sadd.s32 @!p0 $0x100000, s0  }
0x440: {  	[sflag:s0] =	ssyncadd.tile.s32 @!p0 $0x1;
	_ =	shalt  }
.Lfunc_end2:
_tile_overlayer_lowered:
.L_overlay_start_2:
0x441: {  	(tag) =	ssettag $0x2  }
0x442: {  	s0 =	rddreg [dreg:$0x0];
	s2 =	stileid.u32  }
0x443: {  	s1 =	rddreg [dreg:$0x1];
	p0 =	sne.s32 s2, $0x0  }
0x444: {  	s3 =	rddreg [dreg:$0x2];
	[bflag:$0x3] =	sbarrier.arrive $0xFFFF;
	s2 =	simm.s32 @!p0 $0x1C01  }
0x445: {  	[timem:s3], [sflag:s2] =	dma.local @!p0 [hbm:s0], s1  }
0x446: {  	s0 =	simm.s32 @!p0 $0x1  }
0x447: {  	_ =	swait.ge @!p0 [sflag:s0], s1  }
0x448: {  	s1 =	ssub.s32 @!p0 $0x0, s1;
	[sflag:s0] =	ssyncset.done @!p0 $0x0  }
0x449: {  	[sflag:s0] =	ssyncadd.s32 @!p0 s1  }
0x44a: {  	[bflag:$0x3] =	sbarrier.arrive $0xFFFF  }
0x44b: {  	_ =	shalt  }

</sc_bundles>
